<compile_context>
chip_gen: v7x
topology: tpu7x:2x2x1
jax: 0.10.2.dev20260603
libtpu: 0.0.44.dev20260713+nightly
codegen_flags: <defaults>
</compile_context>

<pallas_src>
import functools

import jax
import jax.numpy as jnp
from jax import lax
from jax.experimental import pallas as pl
from jax.experimental.pallas import tpu as pltpu
from jax.experimental.pallas import tpu_sc as plsc

N = 10000
E = 320000
NC = 2
NS = 16
NW = NC * NS
B = 80
NB = 125
D = 5
NPAD = 10240
RPT = NPAD // NS
F1 = 48
F2 = 32

_vector_mesh = plsc.VectorSubcoreMesh(core_axis_name="c", subcore_axis_name="s")


def _make_agg(F):

  def body(y_hbm, src_hbm, dst_hbm, out_hbm, sidx, didx, b0, b1, b2, b3, b4,
           zbuf, ysp, acc, g0, g1, g2, g3, g4, s0, s1, s2, s3, s4):
    c = lax.axis_index("c")
    s = lax.axis_index("s")
    wid = c * NS + s
    bufs = [b0, b1, b2, b3, b4]
    gsems = [g0, g1, g2, g3, g4]
    ssems = [s0, s1, s2, s3, s4]
    zero16 = jnp.zeros((16,), jnp.float32)

    @pl.loop(0, 128)
    def _zero(i):
      for j in range(F // 16):
        zbuf[i, pl.ds(j * 16, 16)] = zero16

    for k in range(RPT // 128):
      pltpu.sync_copy(zbuf, acc.at[pl.ds(s * RPT + k * 128, 128)])

    ycp = pltpu.async_copy(y_hbm.at[pl.ds(s * (N // NS), N // NS)],
                           ysp.at[pl.ds(s * (N // NS), N // NS)], g0)
    pltpu.sync_copy(src_hbm.at[wid], sidx)
    pltpu.sync_copy(dst_hbm.at[wid], didx)
    ycp.wait()
    plsc.subcore_barrier()

    def gather(j, t):
      return pltpu.make_async_copy(ysp.at[sidx.at[j]], bufs[t], gsems[t])

    def scatter(j, t):
      return pltpu.async_copy(bufs[t], acc.at[didx.at[j]], ssems[t], add=True)

    def drain_scatter(t):
      pltpu.make_async_copy(bufs[t], acc.at[didx.at[0]], ssems[t]).wait()

    pltpu.async_copy(ysp.at[sidx.at[0]], bufs[0], gsems[0])

    @pl.loop(0, NB // D)
    def _grp(k):
      j0 = k * D
      for t in range(D):
        tn = (t + 1) % D
        j = j0 + t
        jn = j + 1

        @pl.when(jn < NB)
        def _pref():
          @pl.when(jn >= D)
          def _drain():
            drain_scatter(tn)
          pltpu.async_copy(ysp.at[sidx.at[jn]], bufs[tn], gsems[tn])

        gather(j, t).wait()
        scatter(j, t)

    for t in range(D):
      drain_scatter(t)

    plsc.subcore_barrier()
    for k in range(RPT // 128):
      sl = pl.ds(s * RPT + k * 128, 128)
      pltpu.sync_copy(acc.at[sl], out_hbm.at[c, sl])

  return pl.kernel(
      body,
      out_type=jax.ShapeDtypeStruct((NC, NPAD, F), jnp.float32),
      mesh=_vector_mesh,
      compiler_params=pltpu.CompilerParams(use_tc_tiling_on_sc=False),
      scratch_types=(
          [pltpu.VMEM((NB, B), jnp.int32),
           pltpu.VMEM((NB, B), jnp.int32)] +
          [pltpu.VMEM((B, F), jnp.float32)] * D +
          [pltpu.VMEM((128, F), jnp.float32),
           pltpu.VMEM_SHARED((N, F), jnp.float32),
           pltpu.VMEM_SHARED((NPAD, F), jnp.float32)] +
          [pltpu.SemaphoreType.DMA] * (2 * D)
      ),
  )


def _make_deg():

  def body(dst_hbm, out_hbm, didx, ones, zbuf, acc, ssem):
    c = lax.axis_index("c")
    s = lax.axis_index("s")
    wid = c * NS + s
    zero16 = jnp.zeros((16,), jnp.float32)
    one16 = jnp.ones((16,), jnp.float32)

    @pl.loop(0, 128)
    def _fill(i):
      zbuf[i] = zero16

    @pl.loop(0, B)
    def _fill1(i):
      ones[i] = one16

    for k in range(RPT // 128):
      pltpu.sync_copy(zbuf, acc.at[pl.ds(s * RPT + k * 128, 128)])

    pltpu.sync_copy(dst_hbm.at[wid], didx)
    plsc.subcore_barrier()

    def drain():
      pltpu.make_async_copy(ones, acc.at[didx.at[0]], ssem).wait()

    @pl.loop(0, NB)
    def _edge(j):
      pltpu.async_copy(ones, acc.at[didx.at[j]], ssem, add=True)

      @pl.when(j >= 16)
      def _lag():
        drain()

    @pl.loop(0, 16)
    def _tail(j):
      drain()

    plsc.subcore_barrier()
    for k in range(RPT // 128):
      sl = pl.ds(s * RPT + k * 128, 128)
      pltpu.sync_copy(acc.at[sl], out_hbm.at[c, sl])

  return pl.kernel(
      body,
      out_type=jax.ShapeDtypeStruct((NC, NPAD, 16), jnp.float32),
      mesh=_vector_mesh,
      compiler_params=pltpu.CompilerParams(use_tc_tiling_on_sc=False),
      scratch_types=[
          pltpu.VMEM((NB, B), jnp.int32),
          pltpu.VMEM((B, 16), jnp.float32),
          pltpu.VMEM((128, 16), jnp.float32),
          pltpu.VMEM_SHARED((NPAD, 16), jnp.float32),
          pltpu.SemaphoreType.DMA,
      ],
  )


_agg48 = _make_agg(F1)
_agg32 = _make_agg(F2)
_deg = _make_deg()


BR = 2000


def _row_spec(f):
  return pl.BlockSpec((BR, f), lambda i: (i, 0))


def _agg_spec(f):
  return pl.BlockSpec((2, BR, f), lambda i: (0, i, 0))


def _full_spec(shape):
  return pl.BlockSpec(shape, lambda i: tuple(0 for _ in shape))


def _k1a_body(x_ref, w_ref, xw_ref):
  xw_ref[...] = jnp.dot(x_ref[...], w_ref[...],
                        preferred_element_type=jnp.float32)


def _k1a(x, w1p):
  return pl.pallas_call(
      _k1a_body,
      grid=(N // BR,),
      in_specs=[_row_spec(128), _full_spec((128, F1))],
      out_specs=_row_spec(F1),
      out_shape=jax.ShapeDtypeStruct((N, F1), jnp.float32),
  )(x, w1p)


def _k1b_body(xw_ref, dp_ref, y_ref):
  deg = dp_ref[0, :, 0:1] + dp_ref[1, :, 0:1] + 1.0
  dinv = lax.rsqrt(deg)
  col = lax.broadcasted_iota(jnp.int32, (BR, F1), 1)
  y_ref[...] = jnp.where(col == F1 - 1, dinv, xw_ref[...] * dinv)


def _k1b(xw, degp):
  return pl.pallas_call(
      _k1b_body,
      grid=(N // BR,),
      in_specs=[_row_spec(F1), _agg_spec(16)],
      out_specs=_row_spec(F1),
      out_shape=jax.ShapeDtypeStruct((N, F1), jnp.float32),
  )(xw, degp)


def _k3_body(a_ref, y_ref, b_ref, w_ref, o_ref):
  y = y_ref[...]
  dinv = y[:, F1 - 1:F1]
  asum = a_ref[0] + a_ref[1]
  h = jnp.maximum(dinv * (asum + y) + b_ref[...], 0.0)
  o_ref[...] = jnp.dot(h, w_ref[...], preferred_element_type=jnp.float32) * dinv


def _k3(a, y, b, w):
  fout = w.shape[1]
  return pl.pallas_call(
      _k3_body,
      grid=(N // BR,),
      in_specs=[_agg_spec(F1), _row_spec(F1), _full_spec((1, F1)),
                _full_spec((F1, fout))],
      out_specs=_row_spec(fout),
      out_shape=jax.ShapeDtypeStruct((N, fout), jnp.float32),
  )(a, y, b, w)


def _k5_body(a_ref, y_ref, d_ref, b_ref, o_ref):
  dinv = d_ref[:, F1 - 1:F1]
  asum = a_ref[0] + a_ref[1]
  h = jnp.maximum(dinv * (asum + y_ref[...]) + b_ref[...], 0.0)
  o_ref[...] = h * dinv


def _k5(a, y, y1, b):
  f = y.shape[1]
  return pl.pallas_call(
      _k5_body,
      grid=(N // BR,),
      in_specs=[_agg_spec(f), _row_spec(f), _row_spec(F1),
                _full_spec((1, f))],
      out_specs=_row_spec(f),
      out_shape=jax.ShapeDtypeStruct((N, f), jnp.float32),
  )(a, y, y1, b)


def _k7_body(a_ref, y_ref, d_ref, wmu_ref, bmu_ref, wlv_ref,
             blv_ref, mu_ref, lv_ref):
  dinv = d_ref[:, F1 - 1:F1]
  asum = a_ref[0] + a_ref[1]
  g = dinv * (asum + y_ref[...])
  mu_ref[...] = jnp.dot(g, wmu_ref[...],
                        preferred_element_type=jnp.float32) + bmu_ref[...]
  lv_ref[...] = jnp.dot(g, wlv_ref[...],
                        preferred_element_type=jnp.float32) + blv_ref[...]


def _k7(a, y, y1, wmu, bmu, wlv, blv):
  f = y.shape[1]
  fout = wmu.shape[1]
  return pl.pallas_call(
      _k7_body,
      grid=(N // BR,),
      in_specs=[_agg_spec(f), _row_spec(f), _row_spec(F1),
                _full_spec((f, fout)), _full_spec((1, fout)),
                _full_spec((f, fout)), _full_spec((1, fout))],
      out_specs=[_row_spec(fout), _row_spec(fout)],
      out_shape=[
          jax.ShapeDtypeStruct((N, fout), jnp.float32),
          jax.ShapeDtypeStruct((N, fout), jnp.float32),
      ],
  )(a, y, y1, wmu, bmu, wlv, blv)


def kernel(x, edge_index, W1, b1, W2, b2, Wmu, bmu, Wlv, blv):
  srcp = edge_index[0].astype(jnp.int32).reshape(NW, NB, B)
  dstp = edge_index[1].astype(jnp.int32).reshape(NW, NB, B)

  degp = _deg(dstp)

  f32 = jnp.float32
  w1p = jnp.pad(W1.astype(f32), ((0, 0), (0, F1 - W1.shape[1])))
  b1p = jnp.pad(b1.astype(f32), (0, F1 - b1.shape[0])).reshape(1, F1)
  w2p = jnp.pad(W2.astype(f32), ((0, F1 - W2.shape[0]), (0, 0)))

  xw1 = _k1a(x, w1p)
  y1 = _k1b(xw1, degp)
  a1 = _agg48(y1, srcp, dstp)
  y2 = _k3(a1, y1, b1p, w2p)
  a2 = _agg32(y2, srcp, dstp)
  y3 = _k5(a2, y2, y1, b2.reshape(1, F2))
  a3 = _agg32(y3, srcp, dstp)
  mu, lv = _k7(a3, y3, y1,
               Wmu, bmu.reshape(1, -1), Wlv, blv.reshape(1, -1))
  return (mu, lv)

# --- scband reference (transcript-rebuilt; emitter-appended) ---
"""Pipeline reference for scband-breast-clinical-rfs-69475390980567 (READ-ONLY COPY).

The authoritative reference and input builder live on the scoring server;
editing this copy changes nothing except your own understanding.
"""

import jax, jax.numpy as jnp
import numpy as np

N_NODES = 10000


def gcn_conv(x, src, dst, W, b, n_nodes):
    # PyG GCNConv (eval): x = x @ W, add self-loops, symmetric normalization, scatter-add, + bias
    xw = x @ W
    loop = jnp.arange(n_nodes, dtype=src.dtype)
    src_full = jnp.concatenate([src, loop])
    dst_full = jnp.concatenate([dst, loop])
    ew = jnp.ones(src_full.shape[0], dtype=x.dtype)
    deg = jax.ops.segment_sum(ew, dst_full, num_segments=n_nodes)
    dinv = jnp.where(deg > 0, deg ** -0.5, 0.0)
    norm = dinv[src_full] * dinv[dst_full]
    msg = xw[src_full] * norm[:, None]
    out = jax.ops.segment_sum(msg, dst_full, num_segments=n_nodes)
    return out + b


def setup_inputs(seed: int = 0) -> dict:
    key = jax.random.key(seed)
    ks = jax.random.split(key, 12)
    x = jax.random.normal(ks[0], (N_NODES, 128), dtype=jnp.float32)
    edge_index = jax.random.randint(ks[1], (2, 320000), 0, N_NODES, dtype=jnp.int64)
    def glorot(k, fan_in, fan_out):
        s = (6.0 / (fan_in + fan_out)) ** 0.5
        return jax.random.uniform(k, (fan_in, fan_out), dtype=jnp.float32, minval=-s, maxval=s)
    params = {
        'W1': glorot(ks[2], 128, 33), 'b1': jnp.zeros((33,), jnp.float32),
        'W2': glorot(ks[3], 33, 32), 'b2': jnp.zeros((32,), jnp.float32),
        'Wmu': glorot(ks[4], 32, 18), 'bmu': jnp.zeros((18,), jnp.float32),
        'Wlv': glorot(ks[5], 32, 18), 'blv': jnp.zeros((18,), jnp.float32),
    }
    return {'x': x, 'edge_index': edge_index, **params}


def reference(x, edge_index, W1, b1, W2, b2, Wmu, bmu, Wlv, blv):
    src, dst = edge_index[0], edge_index[1]
    h = gcn_conv(x, src, dst, W1, b1, N_NODES)
    h = jax.nn.relu(h)
    # dropout1 (p=0.0) and dropout2 (p=0.8) are identity in eval mode
    h = gcn_conv(h, src, dst, W2, b2, N_NODES)
    h = jax.nn.relu(h)
    mu = gcn_conv(h, src, dst, Wmu, bmu, N_NODES)
    logvar = gcn_conv(h, src, dst, Wlv, blv, N_NODES)
    return (mu, logvar)

if __name__ == "__main__":
    import jax
    _d = setup_inputs()
    print(jax.jit(kernel)(*tuple(_d.values())))

</pallas_src>

<mosaic_0001>
#map = affine_map<(d0, d1) -> (0, 0)>
#map1 = affine_map<(d0, d1) -> (0, 0, 0)>
module attributes {stable_mosaic.version = 14 : i64} {
  func.func @body(%arg0: i32, %arg1: i32, %arg2: memref<10000x48xf32, #tpu.memory_space<hbm>>, %arg3: memref<32x125x80xi32, #tpu.memory_space<hbm>>, %arg4: memref<32x125x80xi32, #tpu.memory_space<hbm>>, %arg5: memref<2x10240x48xf32, #tpu.memory_space<hbm>>, %arg6: memref<125x80xi32, #tpu.memory_space<vmem>>, %arg7: memref<125x80xi32, #tpu.memory_space<vmem>>, %arg8: memref<80x48xf32, #tpu.memory_space<vmem>>, %arg9: memref<80x48xf32, #tpu.memory_space<vmem>>, %arg10: memref<80x48xf32, #tpu.memory_space<vmem>>, %arg11: memref<80x48xf32, #tpu.memory_space<vmem>>, %arg12: memref<80x48xf32, #tpu.memory_space<vmem>>, %arg13: memref<128x48xf32, #tpu.memory_space<vmem>>, %arg14: memref<10000x48xf32, #tpu.memory_space<vmem_shared>>, %arg15: memref<10240x48xf32, #tpu.memory_space<vmem_shared>>, %arg16: memref<!tpu.dma_semaphore, #tpu.memory_space<semaphore_mem>>, %arg17: memref<!tpu.dma_semaphore, #tpu.memory_space<semaphore_mem>>, %arg18: memref<!tpu.dma_semaphore, #tpu.memory_space<semaphore_mem>>, %arg19: memref<!tpu.dma_semaphore, #tpu.memory_space<semaphore_mem>>, %arg20: memref<!tpu.dma_semaphore, #tpu.memory_space<semaphore_mem>>, %arg21: memref<!tpu.dma_semaphore, #tpu.memory_space<semaphore_mem>>, %arg22: memref<!tpu.dma_semaphore, #tpu.memory_space<semaphore_mem>>, %arg23: memref<!tpu.dma_semaphore, #tpu.memory_space<semaphore_mem>>, %arg24: memref<!tpu.dma_semaphore, #tpu.memory_space<semaphore_mem>>, %arg25: memref<!tpu.dma_semaphore, #tpu.memory_space<semaphore_mem>>) attributes {dimension_semantics = [#tpu.dimension_semantics<core_parallel>, #tpu.dimension_semantics<subcore_parallel>], iteration_bounds = array<i64: 2, 16>, scalar_prefetch = 0 : i64, scratch_operands = 20 : i64, tpu.core_type = #tpu.core_type<sc_vector_subcore>, window_params = [{transform_indices = #map}, {transform_indices = #map1}, {transform_indices = #map1}, {transform_indices = #map1}]} {
    %mul3A = arith.constant 16 : i32
    %mul3A_0 = arith.muli %arg0, %mul3A : i32
    %add3A = arith.addi %mul3A_0, %arg1 : i32
    %broadcast_in_dim3A = arith.constant 0.000000e+00 : f32
    %broadcast_in_dim3A_1 = vector.broadcast %broadcast_in_dim3A : f32 to vector<16xf32>
    %scan3A = arith.constant 0 : i32
    %scan3A_2 = arith.constant 128 : i32
    %scan3A_3 = arith.addi %scan3A, %scan3A_2 : i32
    %scan3A_4 = arith.constant 1 : i32
    scf.for %scan3A_104 = %scan3A to %scan3A_3 step %scan3A_4  : i32 {
      %mul3A_105 = arith.constant 1 : i32
      %mul3A_106 = arith.muli %scan3A_104, %mul3A_105 : i32
      %add3A_107 = arith.constant 0 : i32
      %add3A_108 = arith.addi %add3A_107, %mul3A_106 : i32
      %swap3A = arith.index_cast %add3A_108 : i32 to index
      %swap3A_109 = arith.constant 0 : index
      %swap3A_110 = tpu.vector_load %arg13[%swap3A, %swap3A_109] {strides = array<i32>} : memref<128x48xf32, #tpu.memory_space<vmem>>, vector<1x16xf32>,
      %swap3A_111 = vector.shape_cast %swap3A_110 : vector<1x16xf32> to vector<16xf32>
      %swap3A_112 = vector.shape_cast %broadcast_in_dim3A_1 : vector<16xf32> to vector<1x16xf32>
      tpu.vector_store %arg13[%swap3A, %swap3A_109], %swap3A_112 {strides = array<i32>} : memref<128x48xf32, #tpu.memory_space<vmem>>, vector<1x16xf32>,
      %swap3A_113 = arith.index_cast %add3A_108 : i32 to index
      %swap3A_114 = arith.constant 16 : index
      %swap3A_115 = tpu.vector_load %arg13[%swap3A_113, %swap3A_114] {strides = array<i32>} : memref<128x48xf32, #tpu.memory_space<vmem>>, vector<1x16xf32>,
      %swap3A_116 = vector.shape_cast %swap3A_115 : vector<1x16xf32> to vector<16xf32>
      %swap3A_117 = vector.shape_cast %broadcast_in_dim3A_1 : vector<16xf32> to vector<1x16xf32>
      tpu.vector_store %arg13[%swap3A_113, %swap3A_114], %swap3A_117 {strides = array<i32>} : memref<128x48xf32, #tpu.memory_space<vmem>>, vector<1x16xf32>,
      %swap3A_118 = arith.index_cast %add3A_108 : i32 to index
      %swap3A_119 = arith.constant 32 : index
      %swap3A_120 = tpu.vector_load %arg13[%swap3A_118, %swap3A_119] {strides = array<i32>} : memref<128x48xf32, #tpu.memory_space<vmem>>, vector<1x16xf32>,
      %swap3A_121 = vector.shape_cast %swap3A_120 : vector<1x16xf32> to vector<16xf32>
      %swap3A_122 = vector.shape_cast %broadcast_in_dim3A_1 : vector<16xf32> to vector<1x16xf32>
      tpu.vector_store %arg13[%swap3A_118, %swap3A_119], %swap3A_122 {strides = array<i32>} : memref<128x48xf32, #tpu.memory_space<vmem>>, vector<1x16xf32>,
    }
    %scan3A_5 = arith.constant 128 : i32
    %mul3A_6 = arith.constant 640 : i32
    %mul3A_7 = arith.muli %arg1, %mul3A_6 : i32
    %add3A_8 = arith.constant 0 : i32
    %add3A_9 = arith.addi %mul3A_7, %add3A_8 : i32
    "tpu.region"() ({
      %run_scoped3A = tpu.sem_alloc : memref<!tpu.dma_semaphore, #tpu.memory_space<semaphore_mem>>
      %dma_start3A_104 = arith.constant 0 : i32
      %dma_start3A_105 = tpu.memref_slice %arg15[%add3A_9, %dma_start3A_104] : memref<10240x48xf32, #tpu.memory_space<vmem_shared>> -> memref<128x48xf32, #tpu.memory_space<vmem_shared>>
      %dma_start3A_106 = arith.constant 0 : i32
      %dma_start3A_107 = tpu.memref_slice %arg15[%add3A_9, %dma_start3A_106] : memref<10240x48xf32, #tpu.memory_space<vmem_shared>> -> memref<128x48xf32, #tpu.memory_space<vmem_shared>>
      tpu.enqueue_dma source(%arg13 : memref<128x48xf32, #tpu.memory_space<vmem>>) target(%dma_start3A_107 : memref<128x48xf32, #tpu.memory_space<vmem_shared>>) target_semaphore(%run_scoped3A : memref<!tpu.dma_semaphore, #tpu.memory_space<semaphore_mem>>)
      %dma_wait3A_108 = arith.constant 0 : i32
      %dma_wait3A_109 = tpu.memref_slice %arg15[%add3A_9, %dma_wait3A_108] : memref<10240x48xf32, #tpu.memory_space<vmem_shared>> -> memref<128x48xf32, #tpu.memory_space<vmem_shared>>
      %dma_wait3A_110 = arith.constant 0 : i32
      %dma_wait3A_111 = tpu.memref_slice %arg15[%add3A_9, %dma_wait3A_110] : memref<10240x48xf32, #tpu.memory_space<vmem_shared>> -> memref<128x48xf32, #tpu.memory_space<vmem_shared>>
      tpu.wait_dma2 semaphore(%run_scoped3A : memref<!tpu.dma_semaphore, #tpu.memory_space<semaphore_mem>>) src(%arg13 : memref<128x48xf32, #tpu.memory_space<vmem>>) dst(%dma_wait3A_111 : memref<128x48xf32, #tpu.memory_space<vmem_shared>>)
      tpu.yield
    }) : () -> ()
    %mul3A_10 = arith.constant 640 : i32
    %mul3A_11 = arith.muli %arg1, %mul3A_10 : i32
    %add3A_12 = arith.constant 128 : i32
    %add3A_13 = arith.addi %mul3A_11, %add3A_12 : i32
    "tpu.region"() ({
      %run_scoped3A = tpu.sem_alloc : memref<!tpu.dma_semaphore, #tpu.memory_space<semaphore_mem>>
      %dma_start3A_104 = arith.constant 0 : i32
      %dma_start3A_105 = tpu.memref_slice %arg15[%add3A_13, %dma_start3A_104] : memref<10240x48xf32, #tpu.memory_space<vmem_shared>> -> memref<128x48xf32, #tpu.memory_space<vmem_shared>>
      %dma_start3A_106 = arith.constant 0 : i32
      %dma_start3A_107 = tpu.memref_slice %arg15[%add3A_13, %dma_start3A_106] : memref<10240x48xf32, #tpu.memory_space<vmem_shared>> -> memref<128x48xf32, #tpu.memory_space<vmem_shared>>
      tpu.enqueue_dma source(%arg13 : memref<128x48xf32, #tpu.memory_space<vmem>>) target(%dma_start3A_107 : memref<128x48xf32, #tpu.memory_space<vmem_shared>>) target_semaphore(%run_scoped3A : memref<!tpu.dma_semaphore, #tpu.memory_space<semaphore_mem>>)
      %dma_wait3A_108 = arith.constant 0 : i32
      %dma_wait3A_109 = tpu.memref_slice %arg15[%add3A_13, %dma_wait3A_108] : memref<10240x48xf32, #tpu.memory_space<vmem_shared>> -> memref<128x48xf32, #tpu.memory_space<vmem_shared>>
      %dma_wait3A_110 = arith.constant 0 : i32
      %dma_wait3A_111 = tpu.memref_slice %arg15[%add3A_13, %dma_wait3A_110] : memref<10240x48xf32, #tpu.memory_space<vmem_shared>> -> memref<128x48xf32, #tpu.memory_space<vmem_shared>>
      tpu.wait_dma2 semaphore(%run_scoped3A : memref<!tpu.dma_semaphore, #tpu.memory_space<semaphore_mem>>) src(%arg13 : memref<128x48xf32, #tpu.memory_space<vmem>>) dst(%dma_wait3A_111 : memref<128x48xf32, #tpu.memory_space<vmem_shared>>)
      tpu.yield
    }) : () -> ()
    %mul3A_14 = arith.constant 640 : i32
    %mul3A_15 = arith.muli %arg1, %mul3A_14 : i32
    %add3A_16 = arith.constant 256 : i32
    %add3A_17 = arith.addi %mul3A_15, %add3A_16 : i32
    "tpu.region"() ({
      %run_scoped3A = tpu.sem_alloc : memref<!tpu.dma_semaphore, #tpu.memory_space<semaphore_mem>>
      %dma_start3A_104 = arith.constant 0 : i32
      %dma_start3A_105 = tpu.memref_slice %arg15[%add3A_17, %dma_start3A_104] : memref<10240x48xf32, #tpu.memory_space<vmem_shared>> -> memref<128x48xf32, #tpu.memory_space<vmem_shared>>
      %dma_start3A_106 = arith.constant 0 : i32
      %dma_start3A_107 = tpu.memref_slice %arg15[%add3A_17, %dma_start3A_106] : memref<10240x48xf32, #tpu.memory_space<vmem_shared>> -> memref<128x48xf32, #tpu.memory_space<vmem_shared>>
      tpu.enqueue_dma source(%arg13 : memref<128x48xf32, #tpu.memory_space<vmem>>) target(%dma_start3A_107 : memref<128x48xf32, #tpu.memory_space<vmem_shared>>) target_semaphore(%run_scoped3A : memref<!tpu.dma_semaphore, #tpu.memory_space<semaphore_mem>>)
      %dma_wait3A_108 = arith.constant 0 : i32
      %dma_wait3A_109 = tpu.memref_slice %arg15[%add3A_17, %dma_wait3A_108] : memref<10240x48xf32, #tpu.memory_space<vmem_shared>> -> memref<128x48xf32, #tpu.memory_space<vmem_shared>>
      %dma_wait3A_110 = arith.constant 0 : i32
      %dma_wait3A_111 = tpu.memref_slice %arg15[%add3A_17, %dma_wait3A_110] : memref<10240x48xf32, #tpu.memory_space<vmem_shared>> -> memref<128x48xf32, #tpu.memory_space<vmem_shared>>
      tpu.wait_dma2 semaphore(%run_scoped3A : memref<!tpu.dma_semaphore, #tpu.memory_space<semaphore_mem>>) src(%arg13 : memref<128x48xf32, #tpu.memory_space<vmem>>) dst(%dma_wait3A_111 : memref<128x48xf32, #tpu.memory_space<vmem_shared>>)
      tpu.yield
    }) : () -> ()
    %mul3A_18 = arith.constant 640 : i32
    %mul3A_19 = arith.muli %arg1, %mul3A_18 : i32
    %add3A_20 = arith.constant 384 : i32
    %add3A_21 = arith.addi %mul3A_19, %add3A_20 : i32
    "tpu.region"() ({
      %run_scoped3A = tpu.sem_alloc : memref<!tpu.dma_semaphore, #tpu.memory_space<semaphore_mem>>
      %dma_start3A_104 = arith.constant 0 : i32
      %dma_start3A_105 = tpu.memref_slice %arg15[%add3A_21, %dma_start3A_104] : memref<10240x48xf32, #tpu.memory_space<vmem_shared>> -> memref<128x48xf32, #tpu.memory_space<vmem_shared>>
      %dma_start3A_106 = arith.constant 0 : i32
      %dma_start3A_107 = tpu.memref_slice %arg15[%add3A_21, %dma_start3A_106] : memref<10240x48xf32, #tpu.memory_space<vmem_shared>> -> memref<128x48xf32, #tpu.memory_space<vmem_shared>>
      tpu.enqueue_dma source(%arg13 : memref<128x48xf32, #tpu.memory_space<vmem>>) target(%dma_start3A_107 : memref<128x48xf32, #tpu.memory_space<vmem_shared>>) target_semaphore(%run_scoped3A : memref<!tpu.dma_semaphore, #tpu.memory_space<semaphore_mem>>)
      %dma_wait3A_108 = arith.constant 0 : i32
      %dma_wait3A_109 = tpu.memref_slice %arg15[%add3A_21, %dma_wait3A_108] : memref<10240x48xf32, #tpu.memory_space<vmem_shared>> -> memref<128x48xf32, #tpu.memory_space<vmem_shared>>
      %dma_wait3A_110 = arith.constant 0 : i32
      %dma_wait3A_111 = tpu.memref_slice %arg15[%add3A_21, %dma_wait3A_110] : memref<10240x48xf32, #tpu.memory_space<vmem_shared>> -> memref<128x48xf32, #tpu.memory_space<vmem_shared>>
      tpu.wait_dma2 semaphore(%run_scoped3A : memref<!tpu.dma_semaphore, #tpu.memory_space<semaphore_mem>>) src(%arg13 : memref<128x48xf32, #tpu.memory_space<vmem>>) dst(%dma_wait3A_111 : memref<128x48xf32, #tpu.memory_space<vmem_shared>>)
      tpu.yield
    }) : () -> ()
    %mul3A_22 = arith.constant 640 : i32
    %mul3A_23 = arith.muli %arg1, %mul3A_22 : i32
    %add3A_24 = arith.constant 512 : i32
    %add3A_25 = arith.addi %mul3A_23, %add3A_24 : i32
    "tpu.region"() ({
      %run_scoped3A = tpu.sem_alloc : memref<!tpu.dma_semaphore, #tpu.memory_space<semaphore_mem>>
      %dma_start3A_104 = arith.constant 0 : i32
      %dma_start3A_105 = tpu.memref_slice %arg15[%add3A_25, %dma_start3A_104] : memref<10240x48xf32, #tpu.memory_space<vmem_shared>> -> memref<128x48xf32, #tpu.memory_space<vmem_shared>>
      %dma_start3A_106 = arith.constant 0 : i32
      %dma_start3A_107 = tpu.memref_slice %arg15[%add3A_25, %dma_start3A_106] : memref<10240x48xf32, #tpu.memory_space<vmem_shared>> -> memref<128x48xf32, #tpu.memory_space<vmem_shared>>
      tpu.enqueue_dma source(%arg13 : memref<128x48xf32, #tpu.memory_space<vmem>>) target(%dma_start3A_107 : memref<128x48xf32, #tpu.memory_space<vmem_shared>>) target_semaphore(%run_scoped3A : memref<!tpu.dma_semaphore, #tpu.memory_space<semaphore_mem>>)
      %dma_wait3A_108 = arith.constant 0 : i32
      %dma_wait3A_109 = tpu.memref_slice %arg15[%add3A_25, %dma_wait3A_108] : memref<10240x48xf32, #tpu.memory_space<vmem_shared>> -> memref<128x48xf32, #tpu.memory_space<vmem_shared>>
      %dma_wait3A_110 = arith.constant 0 : i32
      %dma_wait3A_111 = tpu.memref_slice %arg15[%add3A_25, %dma_wait3A_110] : memref<10240x48xf32, #tpu.memory_space<vmem_shared>> -> memref<128x48xf32, #tpu.memory_space<vmem_shared>>
      tpu.wait_dma2 semaphore(%run_scoped3A : memref<!tpu.dma_semaphore, #tpu.memory_space<semaphore_mem>>) src(%arg13 : memref<128x48xf32, #tpu.memory_space<vmem>>) dst(%dma_wait3A_111 : memref<128x48xf32, #tpu.memory_space<vmem_shared>>)
      tpu.yield
    }) : () -> ()
    %mul3A_26 = arith.constant 625 : i32
    %mul3A_27 = arith.muli %arg1, %mul3A_26 : i32
    %mul3A_28 = arith.constant 625 : i32
    %mul3A_29 = arith.muli %arg1, %mul3A_28 : i32
    %dma_start3A = arith.constant 0 : i32
    %dma_start3A_30 = tpu.memref_slice %arg14[%mul3A_29, %dma_start3A] : memref<10000x48xf32, #tpu.memory_space<vmem_shared>> -> memref<625x48xf32, #tpu.memory_space<vmem_shared>>
    %dma_start3A_31 = arith.constant 0 : i32
    %dma_start3A_32 = tpu.memref_slice %arg2[%mul3A_27, %dma_start3A_31] : memref<10000x48xf32, #tpu.memory_space<hbm>> -> memref<625x48xf32, #tpu.memory_space<hbm>>
    tpu.enqueue_dma source(%dma_start3A_32 : memref<625x48xf32, #tpu.memory_space<hbm>>) target(%dma_start3A_30 : memref<625x48xf32, #tpu.memory_space<vmem_shared>>) target_semaphore(%arg16 : memref<!tpu.dma_semaphore, #tpu.memory_space<semaphore_mem>>)
    "tpu.region"() ({
      %run_scoped3A = tpu.sem_alloc : memref<!tpu.dma_semaphore, #tpu.memory_space<semaphore_mem>>
      %dma_start3A_104 = arith.constant 0 : i32
      %dma_start3A_105 = arith.constant 0 : i32
      %dma_start3A_106 = tpu.memref_slice %arg3[%add3A, %dma_start3A_104, %dma_start3A_105] : memref<32x125x80xi32, #tpu.memory_space<hbm>> -> memref<1x125x80xi32, #tpu.memory_space<hbm>>
      %dma_start3A_107 = tpu.memref_squeeze %dma_start3A_106 : memref<1x125x80xi32, #tpu.memory_space<hbm>> -> memref<125x80xi32, #tpu.memory_space<hbm>>
      %dma_start3A_108 = arith.constant 0 : i32
      %dma_start3A_109 = arith.constant 0 : i32
      %dma_start3A_110 = tpu.memref_slice %arg3[%add3A, %dma_start3A_108, %dma_start3A_109] : memref<32x125x80xi32, #tpu.memory_space<hbm>> -> memref<1x125x80xi32, #tpu.memory_space<hbm>>
      %dma_start3A_111 = tpu.memref_squeeze %dma_start3A_110 : memref<1x125x80xi32, #tpu.memory_space<hbm>> -> memref<125x80xi32, #tpu.memory_space<hbm>>
      tpu.enqueue_dma source(%dma_start3A_111 : memref<125x80xi32, #tpu.memory_space<hbm>>) target(%arg6 : memref<125x80xi32, #tpu.memory_space<vmem>>) target_semaphore(%run_scoped3A : memref<!tpu.dma_semaphore, #tpu.memory_space<semaphore_mem>>)
      %dma_wait3A_112 = arith.constant 0 : i32
      %dma_wait3A_113 = arith.constant 0 : i32
      %dma_wait3A_114 = tpu.memref_slice %arg3[%add3A, %dma_wait3A_112, %dma_wait3A_113] : memref<32x125x80xi32, #tpu.memory_space<hbm>> -> memref<1x125x80xi32, #tpu.memory_space<hbm>>
      %dma_wait3A_115 = tpu.memref_squeeze %dma_wait3A_114 : memref<1x125x80xi32, #tpu.memory_space<hbm>> -> memref<125x80xi32, #tpu.memory_space<hbm>>
      %dma_wait3A_116 = arith.constant 0 : i32
      %dma_wait3A_117 = arith.constant 0 : i32
      %dma_wait3A_118 = tpu.memref_slice %arg3[%add3A, %dma_wait3A_116, %dma_wait3A_117] : memref<32x125x80xi32, #tpu.memory_space<hbm>> -> memref<1x125x80xi32, #tpu.memory_space<hbm>>
      %dma_wait3A_119 = tpu.memref_squeeze %dma_wait3A_118 : memref<1x125x80xi32, #tpu.memory_space<hbm>> -> memref<125x80xi32, #tpu.memory_space<hbm>>
      tpu.wait_dma2 semaphore(%run_scoped3A : memref<!tpu.dma_semaphore, #tpu.memory_space<semaphore_mem>>) src(%dma_wait3A_119 : memref<125x80xi32, #tpu.memory_space<hbm>>) dst(%arg6 : memref<125x80xi32, #tpu.memory_space<vmem>>)
      tpu.yield
    }) : () -> ()
    "tpu.region"() ({
      %run_scoped3A = tpu.sem_alloc : memref<!tpu.dma_semaphore, #tpu.memory_space<semaphore_mem>>
      %dma_start3A_104 = arith.constant 0 : i32
      %dma_start3A_105 = arith.constant 0 : i32
      %dma_start3A_106 = tpu.memref_slice %arg4[%add3A, %dma_start3A_104, %dma_start3A_105] : memref<32x125x80xi32, #tpu.memory_space<hbm>> -> memref<1x125x80xi32, #tpu.memory_space<hbm>>
      %dma_start3A_107 = tpu.memref_squeeze %dma_start3A_106 : memref<1x125x80xi32, #tpu.memory_space<hbm>> -> memref<125x80xi32, #tpu.memory_space<hbm>>
      %dma_start3A_108 = arith.constant 0 : i32
      %dma_start3A_109 = arith.constant 0 : i32
      %dma_start3A_110 = tpu.memref_slice %arg4[%add3A, %dma_start3A_108, %dma_start3A_109] : memref<32x125x80xi32, #tpu.memory_space<hbm>> -> memref<1x125x80xi32, #tpu.memory_space<hbm>>
      %dma_start3A_111 = tpu.memref_squeeze %dma_start3A_110 : memref<1x125x80xi32, #tpu.memory_space<hbm>> -> memref<125x80xi32, #tpu.memory_space<hbm>>
      tpu.enqueue_dma source(%dma_start3A_111 : memref<125x80xi32, #tpu.memory_space<hbm>>) target(%arg7 : memref<125x80xi32, #tpu.memory_space<vmem>>) target_semaphore(%run_scoped3A : memref<!tpu.dma_semaphore, #tpu.memory_space<semaphore_mem>>)
      %dma_wait3A_112 = arith.constant 0 : i32
      %dma_wait3A_113 = arith.constant 0 : i32
      %dma_wait3A_114 = tpu.memref_slice %arg4[%add3A, %dma_wait3A_112, %dma_wait3A_113] : memref<32x125x80xi32, #tpu.memory_space<hbm>> -> memref<1x125x80xi32, #tpu.memory_space<hbm>>
      %dma_wait3A_115 = tpu.memref_squeeze %dma_wait3A_114 : memref<1x125x80xi32, #tpu.memory_space<hbm>> -> memref<125x80xi32, #tpu.memory_space<hbm>>
      %dma_wait3A_116 = arith.constant 0 : i32
      %dma_wait3A_117 = arith.constant 0 : i32
      %dma_wait3A_118 = tpu.memref_slice %arg4[%add3A, %dma_wait3A_116, %dma_wait3A_117] : memref<32x125x80xi32, #tpu.memory_space<hbm>> -> memref<1x125x80xi32, #tpu.memory_space<hbm>>
      %dma_wait3A_119 = tpu.memref_squeeze %dma_wait3A_118 : memref<1x125x80xi32, #tpu.memory_space<hbm>> -> memref<125x80xi32, #tpu.memory_space<hbm>>
      tpu.wait_dma2 semaphore(%run_scoped3A : memref<!tpu.dma_semaphore, #tpu.memory_space<semaphore_mem>>) src(%dma_wait3A_119 : memref<125x80xi32, #tpu.memory_space<hbm>>) dst(%arg7 : memref<125x80xi32, #tpu.memory_space<vmem>>)
      tpu.yield
    }) : () -> ()
    %dma_wait3A = arith.constant 0 : i32
    %dma_wait3A_33 = tpu.memref_slice %arg14[%mul3A_29, %dma_wait3A] : memref<10000x48xf32, #tpu.memory_space<vmem_shared>> -> memref<625x48xf32, #tpu.memory_space<vmem_shared>>
    %dma_wait3A_34 = arith.constant 0 : i32
    %dma_wait3A_35 = tpu.memref_slice %arg2[%mul3A_27, %dma_wait3A_34] : memref<10000x48xf32, #tpu.memory_space<hbm>> -> memref<625x48xf32, #tpu.memory_space<hbm>>
    tpu.wait_dma2 semaphore(%arg16 : memref<!tpu.dma_semaphore, #tpu.memory_space<semaphore_mem>>) src(%dma_wait3A_35 : memref<625x48xf32, #tpu.memory_space<hbm>>) dst(%dma_wait3A_33 : memref<625x48xf32, #tpu.memory_space<vmem_shared>>)
    %barrier3A = arith.constant 0 : index
    tpu.barrier barrier_id(%barrier3A)
    %dma_start3A_36 = arith.constant 0 : i32
    %dma_start3A_37 = arith.constant 0 : i32
    %dma_start3A_38 = tpu.memref_slice %arg6[%dma_start3A_36, %dma_start3A_37] : memref<125x80xi32, #tpu.memory_space<vmem>> -> memref<1x80xi32, #tpu.memory_space<vmem>>
    %dma_start3A_39 = tpu.memref_squeeze %dma_start3A_38 : memref<1x80xi32, #tpu.memory_space<vmem>> -> memref<80xi32, #tpu.memory_space<vmem>>
    %dma_start3A_40 = arith.constant 0 : i32
    %dma_start3A_41 = arith.constant 0 : i32
    %dma_start3A_42 = tpu.memref_slice %arg14[%dma_start3A_40, %dma_start3A_41] : memref<10000x48xf32, #tpu.memory_space<vmem_shared>> -> memref<10000x48xf32, #tpu.memory_space<vmem_shared>>
    tpu.enqueue_indirect_dma source(%dma_start3A_42 : memref<10000x48xf32, #tpu.memory_space<vmem_shared>>) target(%arg8 : memref<80x48xf32, #tpu.memory_space<vmem>>) offsets(%dma_start3A_39 : memref<80xi32, #tpu.memory_space<vmem>>) semaphore(%arg16 : memref<!tpu.dma_semaphore, #tpu.memory_space<semaphore_mem>>)
    %scan3A_43 = arith.constant 0 : i32
    %scan3A_44 = arith.constant 25 : i32
    %scan3A_45 = arith.addi %scan3A_43, %scan3A_44 : i32
    %scan3A_46 = arith.constant 1 : i32
    scf.for %scan3A_104 = %scan3A_43 to %scan3A_45 step %scan3A_46  : i32 {
      %mul3A_105 = arith.constant 1 : i32
      %mul3A_106 = arith.muli %scan3A_104, %mul3A_105 : i32
      %add3A_107 = arith.constant 0 : i32
      %add3A_108 = arith.addi %add3A_107, %mul3A_106 : i32
      %mul3A_109 = arith.constant 5 : i32
      %mul3A_110 = arith.muli %add3A_108, %mul3A_109 : i32
      %add3A_111 = arith.constant 0 : i32
      %add3A_112 = arith.addi %mul3A_110, %add3A_111 : i32
      %add3A_113 = arith.constant 1 : i32
      %add3A_114 = arith.addi %add3A_112, %add3A_113 : i32
      %lt3A = arith.constant 125 : i32
      %lt3A_115 = arith.cmpi slt, %add3A_114, %lt3A : i32
      %convert_element_type3A = arith.extui %lt3A_115 : i1 to i32
      %cond3A = arith.constant 0 : i32
      %cond3A_116 = arith.cmpi ne, %convert_element_type3A, %cond3A : i32
      scf.if %cond3A_116 {
        %ge3A = arith.constant 5 : i32
        %ge3A_213 = arith.cmpi sge, %add3A_114, %ge3A : i32
        %convert_element_type3A_214 = arith.extui %ge3A_213 : i1 to i32
        %cond3A_215 = arith.constant 0 : i32
        %cond3A_216 = arith.cmpi ne, %convert_element_type3A_214, %cond3A_215 : i32
        scf.if %cond3A_216 {
          %dma_wait3A_223 = arith.constant 0 : i32
          %dma_wait3A_224 = arith.constant 0 : i32
          %dma_wait3A_225 = tpu.memref_slice %arg7[%dma_wait3A_223, %dma_wait3A_224] : memref<125x80xi32, #tpu.memory_space<vmem>> -> memref<1x80xi32, #tpu.memory_space<vmem>>
          %dma_wait3A_226 = tpu.memref_squeeze %dma_wait3A_225 : memref<1x80xi32, #tpu.memory_space<vmem>> -> memref<80xi32, #tpu.memory_space<vmem>>
          %dma_wait3A_227 = arith.constant 0 : i32
          %dma_wait3A_228 = arith.constant 0 : i32
          %dma_wait3A_229 = tpu.memref_slice %arg15[%dma_wait3A_227, %dma_wait3A_228] : memref<10240x48xf32, #tpu.memory_space<vmem_shared>> -> memref<10240x48xf32, #tpu.memory_space<vmem_shared>>
          tpu.wait_indirect_dma semaphore(%arg22 : memref<!tpu.dma_semaphore, #tpu.memory_space<semaphore_mem>>) src(%arg9 : memref<80x48xf32, #tpu.memory_space<vmem>>) dst(%dma_wait3A_229 : memref<10240x48xf32, #tpu.memory_space<vmem_shared>>)
        } else {
        }
        %dma_start3A_217 = arith.constant 0 : i32
        %dma_start3A_218 = tpu.memref_slice %arg6[%add3A_114, %dma_start3A_217] : memref<125x80xi32, #tpu.memory_space<vmem>> -> memref<1x80xi32, #tpu.memory_space<vmem>>
        %dma_start3A_219 = tpu.memref_squeeze %dma_start3A_218 : memref<1x80xi32, #tpu.memory_space<vmem>> -> memref<80xi32, #tpu.memory_space<vmem>>
        %dma_start3A_220 = arith.constant 0 : i32
        %dma_start3A_221 = arith.constant 0 : i32
        %dma_start3A_222 = tpu.memref_slice %arg14[%dma_start3A_220, %dma_start3A_221] : memref<10000x48xf32, #tpu.memory_space<vmem_shared>> -> memref<10000x48xf32, #tpu.memory_space<vmem_shared>>
        tpu.enqueue_indirect_dma source(%dma_start3A_222 : memref<10000x48xf32, #tpu.memory_space<vmem_shared>>) target(%arg9 : memref<80x48xf32, #tpu.memory_space<vmem>>) offsets(%dma_start3A_219 : memref<80xi32, #tpu.memory_space<vmem>>) semaphore(%arg17 : memref<!tpu.dma_semaphore, #tpu.memory_space<semaphore_mem>>)
      } else {
      }
      %dma_wait3A_117 = arith.constant 0 : i32
      %dma_wait3A_118 = tpu.memref_slice %arg6[%add3A_112, %dma_wait3A_117] : memref<125x80xi32, #tpu.memory_space<vmem>> -> memref<1x80xi32, #tpu.memory_space<vmem>>
      %dma_wait3A_119 = tpu.memref_squeeze %dma_wait3A_118 : memref<1x80xi32, #tpu.memory_space<vmem>> -> memref<80xi32, #tpu.memory_space<vmem>>
      %dma_wait3A_120 = arith.constant 0 : i32
      %dma_wait3A_121 = arith.constant 0 : i32
      %dma_wait3A_122 = tpu.memref_slice %arg14[%dma_wait3A_120, %dma_wait3A_121] : memref<10000x48xf32, #tpu.memory_space<vmem_shared>> -> memref<10000x48xf32, #tpu.memory_space<vmem_shared>>
      tpu.wait_indirect_dma semaphore(%arg16 : memref<!tpu.dma_semaphore, #tpu.memory_space<semaphore_mem>>) src(%dma_wait3A_122 : memref<10000x48xf32, #tpu.memory_space<vmem_shared>>) dst(%arg8 : memref<80x48xf32, #tpu.memory_space<vmem>>)
      %dma_start3A_123 = arith.constant 0 : i32
      %dma_start3A_124 = tpu.memref_slice %arg7[%add3A_112, %dma_start3A_123] : memref<125x80xi32, #tpu.memory_space<vmem>> -> memref<1x80xi32, #tpu.memory_space<vmem>>
      %dma_start3A_125 = tpu.memref_squeeze %dma_start3A_124 : memref<1x80xi32, #tpu.memory_space<vmem>> -> memref<80xi32, #tpu.memory_space<vmem>>
      %dma_start3A_126 = arith.constant 0 : i32
      %dma_start3A_127 = arith.constant 0 : i32
      %dma_start3A_128 = tpu.memref_slice %arg15[%dma_start3A_126, %dma_start3A_127] : memref<10240x48xf32, #tpu.memory_space<vmem_shared>> -> memref<10240x48xf32, #tpu.memory_space<vmem_shared>>
      tpu.enqueue_indirect_dma source(%arg8 : memref<80x48xf32, #tpu.memory_space<vmem>>) target(%dma_start3A_128 : memref<10240x48xf32, #tpu.memory_space<vmem_shared>>) offsets(%dma_start3A_125 : memref<80xi32, #tpu.memory_space<vmem>>) semaphore(%arg21 : memref<!tpu.dma_semaphore, #tpu.memory_space<semaphore_mem>>) {add = true}
      %add3A_129 = arith.constant 1 : i32
      %add3A_130 = arith.addi %mul3A_110, %add3A_129 : i32
      %add3A_131 = arith.constant 1 : i32
      %add3A_132 = arith.addi %add3A_130, %add3A_131 : i32
      %lt3A_133 = arith.constant 125 : i32
      %lt3A_134 = arith.cmpi slt, %add3A_132, %lt3A_133 : i32
      %convert_element_type3A_135 = arith.extui %lt3A_134 : i1 to i32
      %cond3A_136 = arith.constant 0 : i32
      %cond3A_137 = arith.cmpi ne, %convert_element_type3A_135, %cond3A_136 : i32
      scf.if %cond3A_137 {
        %ge3A = arith.constant 5 : i32
        %ge3A_213 = arith.cmpi sge, %add3A_132, %ge3A : i32
        %convert_element_type3A_214 = arith.extui %ge3A_213 : i1 to i32
        %cond3A_215 = arith.constant 0 : i32
        %cond3A_216 = arith.cmpi ne, %convert_element_type3A_214, %cond3A_215 : i32
        scf.if %cond3A_216 {
          %dma_wait3A_223 = arith.constant 0 : i32
          %dma_wait3A_224 = arith.constant 0 : i32
          %dma_wait3A_225 = tpu.memref_slice %arg7[%dma_wait3A_223, %dma_wait3A_224] : memref<125x80xi32, #tpu.memory_space<vmem>> -> memref<1x80xi32, #tpu.memory_space<vmem>>
          %dma_wait3A_226 = tpu.memref_squeeze %dma_wait3A_225 : memref<1x80xi32, #tpu.memory_space<vmem>> -> memref<80xi32, #tpu.memory_space<vmem>>
          %dma_wait3A_227 = arith.constant 0 : i32
          %dma_wait3A_228 = arith.constant 0 : i32
          %dma_wait3A_229 = tpu.memref_slice %arg15[%dma_wait3A_227, %dma_wait3A_228] : memref<10240x48xf32, #tpu.memory_space<vmem_shared>> -> memref<10240x48xf32, #tpu.memory_space<vmem_shared>>
          tpu.wait_indirect_dma semaphore(%arg23 : memref<!tpu.dma_semaphore, #tpu.memory_space<semaphore_mem>>) src(%arg10 : memref<80x48xf32, #tpu.memory_space<vmem>>) dst(%dma_wait3A_229 : memref<10240x48xf32, #tpu.memory_space<vmem_shared>>)
        } else {
        }
        %dma_start3A_217 = arith.constant 0 : i32
        %dma_start3A_218 = tpu.memref_slice %arg6[%add3A_132, %dma_start3A_217] : memref<125x80xi32, #tpu.memory_space<vmem>> -> memref<1x80xi32, #tpu.memory_space<vmem>>
        %dma_start3A_219 = tpu.memref_squeeze %dma_start3A_218 : memref<1x80xi32, #tpu.memory_space<vmem>> -> memref<80xi32, #tpu.memory_space<vmem>>
        %dma_start3A_220 = arith.constant 0 : i32
        %dma_start3A_221 = arith.constant 0 : i32
        %dma_start3A_222 = tpu.memref_slice %arg14[%dma_start3A_220, %dma_start3A_221] : memref<10000x48xf32, #tpu.memory_space<vmem_shared>> -> memref<10000x48xf32, #tpu.memory_space<vmem_shared>>
        tpu.enqueue_indirect_dma source(%dma_start3A_222 : memref<10000x48xf32, #tpu.memory_space<vmem_shared>>) target(%arg10 : memref<80x48xf32, #tpu.memory_space<vmem>>) offsets(%dma_start3A_219 : memref<80xi32, #tpu.memory_space<vmem>>) semaphore(%arg18 : memref<!tpu.dma_semaphore, #tpu.memory_space<semaphore_mem>>)
      } else {
      }
      %dma_wait3A_138 = arith.constant 0 : i32
      %dma_wait3A_139 = tpu.memref_slice %arg6[%add3A_130, %dma_wait3A_138] : memref<125x80xi32, #tpu.memory_space<vmem>> -> memref<1x80xi32, #tpu.memory_space<vmem>>
      %dma_wait3A_140 = tpu.memref_squeeze %dma_wait3A_139 : memref<1x80xi32, #tpu.memory_space<vmem>> -> memref<80xi32, #tpu.memory_space<vmem>>
      %dma_wait3A_141 = arith.constant 0 : i32
      %dma_wait3A_142 = arith.constant 0 : i32
      %dma_wait3A_143 = tpu.memref_slice %arg14[%dma_wait3A_141, %dma_wait3A_142] : memref<10000x48xf32, #tpu.memory_space<vmem_shared>> -> memref<10000x48xf32, #tpu.memory_space<vmem_shared>>
      tpu.wait_indirect_dma semaphore(%arg17 : memref<!tpu.dma_semaphore, #tpu.memory_space<semaphore_mem>>) src(%dma_wait3A_143 : memref<10000x48xf32, #tpu.memory_space<vmem_shared>>) dst(%arg9 : memref<80x48xf32, #tpu.memory_space<vmem>>)
      %dma_start3A_144 = arith.constant 0 : i32
      %dma_start3A_145 = tpu.memref_slice %arg7[%add3A_130, %dma_start3A_144] : memref<125x80xi32, #tpu.memory_space<vmem>> -> memref<1x80xi32, #tpu.memory_space<vmem>>
      %dma_start3A_146 = tpu.memref_squeeze %dma_start3A_145 : memref<1x80xi32, #tpu.memory_space<vmem>> -> memref<80xi32, #tpu.memory_space<vmem>>
      %dma_start3A_147 = arith.constant 0 : i32
      %dma_start3A_148 = arith.constant 0 : i32
      %dma_start3A_149 = tpu.memref_slice %arg15[%dma_start3A_147, %dma_start3A_148] : memref<10240x48xf32, #tpu.memory_space<vmem_shared>> -> memref<10240x48xf32, #tpu.memory_space<vmem_shared>>
      tpu.enqueue_indirect_dma source(%arg9 : memref<80x48xf32, #tpu.memory_space<vmem>>) target(%dma_start3A_149 : memref<10240x48xf32, #tpu.memory_space<vmem_shared>>) offsets(%dma_start3A_146 : memref<80xi32, #tpu.memory_space<vmem>>) semaphore(%arg22 : memref<!tpu.dma_semaphore, #tpu.memory_space<semaphore_mem>>) {add = true}
      %add3A_150 = arith.constant 2 : i32
      %add3A_151 = arith.addi %mul3A_110, %add3A_150 : i32
      %add3A_152 = arith.constant 1 : i32
      %add3A_153 = arith.addi %add3A_151, %add3A_152 : i32
      %lt3A_154 = arith.constant 125 : i32
      %lt3A_155 = arith.cmpi slt, %add3A_153, %lt3A_154 : i32
      %convert_element_type3A_156 = arith.extui %lt3A_155 : i1 to i32
      %cond3A_157 = arith.constant 0 : i32
      %cond3A_158 = arith.cmpi ne, %convert_element_type3A_156, %cond3A_157 : i32
      scf.if %cond3A_158 {
        %ge3A = arith.constant 5 : i32
        %ge3A_213 = arith.cmpi sge, %add3A_153, %ge3A : i32
        %convert_element_type3A_214 = arith.extui %ge3A_213 : i1 to i32
        %cond3A_215 = arith.constant 0 : i32
        %cond3A_216 = arith.cmpi ne, %convert_element_type3A_214, %cond3A_215 : i32
        scf.if %cond3A_216 {
          %dma_wait3A_223 = arith.constant 0 : i32
          %dma_wait3A_224 = arith.constant 0 : i32
          %dma_wait3A_225 = tpu.memref_slice %arg7[%dma_wait3A_223, %dma_wait3A_224] : memref<125x80xi32, #tpu.memory_space<vmem>> -> memref<1x80xi32, #tpu.memory_space<vmem>>
          %dma_wait3A_226 = tpu.memref_squeeze %dma_wait3A_225 : memref<1x80xi32, #tpu.memory_space<vmem>> -> memref<80xi32, #tpu.memory_space<vmem>>
          %dma_wait3A_227 = arith.constant 0 : i32
          %dma_wait3A_228 = arith.constant 0 : i32
          %dma_wait3A_229 = tpu.memref_slice %arg15[%dma_wait3A_227, %dma_wait3A_228] : memref<10240x48xf32, #tpu.memory_space<vmem_shared>> -> memref<10240x48xf32, #tpu.memory_space<vmem_shared>>
          tpu.wait_indirect_dma semaphore(%arg24 : memref<!tpu.dma_semaphore, #tpu.memory_space<semaphore_mem>>) src(%arg11 : memref<80x48xf32, #tpu.memory_space<vmem>>) dst(%dma_wait3A_229 : memref<10240x48xf32, #tpu.memory_space<vmem_shared>>)
        } else {
        }
        %dma_start3A_217 = arith.constant 0 : i32
        %dma_start3A_218 = tpu.memref_slice %arg6[%add3A_153, %dma_start3A_217] : memref<125x80xi32, #tpu.memory_space<vmem>> -> memref<1x80xi32, #tpu.memory_space<vmem>>
        %dma_start3A_219 = tpu.memref_squeeze %dma_start3A_218 : memref<1x80xi32, #tpu.memory_space<vmem>> -> memref<80xi32, #tpu.memory_space<vmem>>
        %dma_start3A_220 = arith.constant 0 : i32
        %dma_start3A_221 = arith.constant 0 : i32
        %dma_start3A_222 = tpu.memref_slice %arg14[%dma_start3A_220, %dma_start3A_221] : memref<10000x48xf32, #tpu.memory_space<vmem_shared>> -> memref<10000x48xf32, #tpu.memory_space<vmem_shared>>
        tpu.enqueue_indirect_dma source(%dma_start3A_222 : memref<10000x48xf32, #tpu.memory_space<vmem_shared>>) target(%arg11 : memref<80x48xf32, #tpu.memory_space<vmem>>) offsets(%dma_start3A_219 : memref<80xi32, #tpu.memory_space<vmem>>) semaphore(%arg19 : memref<!tpu.dma_semaphore, #tpu.memory_space<semaphore_mem>>)
      } else {
      }
      %dma_wait3A_159 = arith.constant 0 : i32
      %dma_wait3A_160 = tpu.memref_slice %arg6[%add3A_151, %dma_wait3A_159] : memref<125x80xi32, #tpu.memory_space<vmem>> -> memref<1x80xi32, #tpu.memory_space<vmem>>
      %dma_wait3A_161 = tpu.memref_squeeze %dma_wait3A_160 : memref<1x80xi32, #tpu.memory_space<vmem>> -> memref<80xi32, #tpu.memory_space<vmem>>
      %dma_wait3A_162 = arith.constant 0 : i32
      %dma_wait3A_163 = arith.constant 0 : i32
      %dma_wait3A_164 = tpu.memref_slice %arg14[%dma_wait3A_162, %dma_wait3A_163] : memref<10000x48xf32, #tpu.memory_space<vmem_shared>> -> memref<10000x48xf32, #tpu.memory_space<vmem_shared>>
      tpu.wait_indirect_dma semaphore(%arg18 : memref<!tpu.dma_semaphore, #tpu.memory_space<semaphore_mem>>) src(%dma_wait3A_164 : memref<10000x48xf32, #tpu.memory_space<vmem_shared>>) dst(%arg10 : memref<80x48xf32, #tpu.memory_space<vmem>>)
      %dma_start3A_165 = arith.constant 0 : i32
      %dma_start3A_166 = tpu.memref_slice %arg7[%add3A_151, %dma_start3A_165] : memref<125x80xi32, #tpu.memory_space<vmem>> -> memref<1x80xi32, #tpu.memory_space<vmem>>
      %dma_start3A_167 = tpu.memref_squeeze %dma_start3A_166 : memref<1x80xi32, #tpu.memory_space<vmem>> -> memref<80xi32, #tpu.memory_space<vmem>>
      %dma_start3A_168 = arith.constant 0 : i32
      %dma_start3A_169 = arith.constant 0 : i32
      %dma_start3A_170 = tpu.memref_slice %arg15[%dma_start3A_168, %dma_start3A_169] : memref<10240x48xf32, #tpu.memory_space<vmem_shared>> -> memref<10240x48xf32, #tpu.memory_space<vmem_shared>>
      tpu.enqueue_indirect_dma source(%arg10 : memref<80x48xf32, #tpu.memory_space<vmem>>) target(%dma_start3A_170 : memref<10240x48xf32, #tpu.memory_space<vmem_shared>>) offsets(%dma_start3A_167 : memref<80xi32, #tpu.memory_space<vmem>>) semaphore(%arg23 : memref<!tpu.dma_semaphore, #tpu.memory_space<semaphore_mem>>) {add = true}
      %add3A_171 = arith.constant 3 : i32
      %add3A_172 = arith.addi %mul3A_110, %add3A_171 : i32
      %add3A_173 = arith.constant 1 : i32
      %add3A_174 = arith.addi %add3A_172, %add3A_173 : i32
      %lt3A_175 = arith.constant 125 : i32
      %lt3A_176 = arith.cmpi slt, %add3A_174, %lt3A_175 : i32
      %convert_element_type3A_177 = arith.extui %lt3A_176 : i1 to i32
      %cond3A_178 = arith.constant 0 : i32
      %cond3A_179 = arith.cmpi ne, %convert_element_type3A_177, %cond3A_178 : i32
      scf.if %cond3A_179 {
        %ge3A = arith.constant 5 : i32
        %ge3A_213 = arith.cmpi sge, %add3A_174, %ge3A : i32
        %convert_element_type3A_214 = arith.extui %ge3A_213 : i1 to i32
        %cond3A_215 = arith.constant 0 : i32
        %cond3A_216 = arith.cmpi ne, %convert_element_type3A_214, %cond3A_215 : i32
        scf.if %cond3A_216 {
          %dma_wait3A_223 = arith.constant 0 : i32
          %dma_wait3A_224 = arith.constant 0 : i32
          %dma_wait3A_225 = tpu.memref_slice %arg7[%dma_wait3A_223, %dma_wait3A_224] : memref<125x80xi32, #tpu.memory_space<vmem>> -> memref<1x80xi32, #tpu.memory_space<vmem>>
          %dma_wait3A_226 = tpu.memref_squeeze %dma_wait3A_225 : memref<1x80xi32, #tpu.memory_space<vmem>> -> memref<80xi32, #tpu.memory_space<vmem>>
          %dma_wait3A_227 = arith.constant 0 : i32
          %dma_wait3A_228 = arith.constant 0 : i32
          %dma_wait3A_229 = tpu.memref_slice %arg15[%dma_wait3A_227, %dma_wait3A_228] : memref<10240x48xf32, #tpu.memory_space<vmem_shared>> -> memref<10240x48xf32, #tpu.memory_space<vmem_shared>>
          tpu.wait_indirect_dma semaphore(%arg25 : memref<!tpu.dma_semaphore, #tpu.memory_space<semaphore_mem>>) src(%arg12 : memref<80x48xf32, #tpu.memory_space<vmem>>) dst(%dma_wait3A_229 : memref<10240x48xf32, #tpu.memory_space<vmem_shared>>)
        } else {
        }
        %dma_start3A_217 = arith.constant 0 : i32
        %dma_start3A_218 = tpu.memref_slice %arg6[%add3A_174, %dma_start3A_217] : memref<125x80xi32, #tpu.memory_space<vmem>> -> memref<1x80xi32, #tpu.memory_space<vmem>>
        %dma_start3A_219 = tpu.memref_squeeze %dma_start3A_218 : memref<1x80xi32, #tpu.memory_space<vmem>> -> memref<80xi32, #tpu.memory_space<vmem>>
        %dma_start3A_220 = arith.constant 0 : i32
        %dma_start3A_221 = arith.constant 0 : i32
        %dma_start3A_222 = tpu.memref_slice %arg14[%dma_start3A_220, %dma_start3A_221] : memref<10000x48xf32, #tpu.memory_space<vmem_shared>> -> memref<10000x48xf32, #tpu.memory_space<vmem_shared>>
        tpu.enqueue_indirect_dma source(%dma_start3A_222 : memref<10000x48xf32, #tpu.memory_space<vmem_shared>>) target(%arg12 : memref<80x48xf32, #tpu.memory_space<vmem>>) offsets(%dma_start3A_219 : memref<80xi32, #tpu.memory_space<vmem>>) semaphore(%arg20 : memref<!tpu.dma_semaphore, #tpu.memory_space<semaphore_mem>>)
      } else {
      }
      %dma_wait3A_180 = arith.constant 0 : i32
      %dma_wait3A_181 = tpu.memref_slice %arg6[%add3A_172, %dma_wait3A_180] : memref<125x80xi32, #tpu.memory_space<vmem>> -> memref<1x80xi32, #tpu.memory_space<vmem>>
      %dma_wait3A_182 = tpu.memref_squeeze %dma_wait3A_181 : memref<1x80xi32, #tpu.memory_space<vmem>> -> memref<80xi32, #tpu.memory_space<vmem>>
      %dma_wait3A_183 = arith.constant 0 : i32
      %dma_wait3A_184 = arith.constant 0 : i32
      %dma_wait3A_185 = tpu.memref_slice %arg14[%dma_wait3A_183, %dma_wait3A_184] : memref<10000x48xf32, #tpu.memory_space<vmem_shared>> -> memref<10000x48xf32, #tpu.memory_space<vmem_shared>>
      tpu.wait_indirect_dma semaphore(%arg19 : memref<!tpu.dma_semaphore, #tpu.memory_space<semaphore_mem>>) src(%dma_wait3A_185 : memref<10000x48xf32, #tpu.memory_space<vmem_shared>>) dst(%arg11 : memref<80x48xf32, #tpu.memory_space<vmem>>)
      %dma_start3A_186 = arith.constant 0 : i32
      %dma_start3A_187 = tpu.memref_slice %arg7[%add3A_172, %dma_start3A_186] : memref<125x80xi32, #tpu.memory_space<vmem>> -> memref<1x80xi32, #tpu.memory_space<vmem>>
      %dma_start3A_188 = tpu.memref_squeeze %dma_start3A_187 : memref<1x80xi32, #tpu.memory_space<vmem>> -> memref<80xi32, #tpu.memory_space<vmem>>
      %dma_start3A_189 = arith.constant 0 : i32
      %dma_start3A_190 = arith.constant 0 : i32
      %dma_start3A_191 = tpu.memref_slice %arg15[%dma_start3A_189, %dma_start3A_190] : memref<10240x48xf32, #tpu.memory_space<vmem_shared>> -> memref<10240x48xf32, #tpu.memory_space<vmem_shared>>
      tpu.enqueue_indirect_dma source(%arg11 : memref<80x48xf32, #tpu.memory_space<vmem>>) target(%dma_start3A_191 : memref<10240x48xf32, #tpu.memory_space<vmem_shared>>) offsets(%dma_start3A_188 : memref<80xi32, #tpu.memory_space<vmem>>) semaphore(%arg24 : memref<!tpu.dma_semaphore, #tpu.memory_space<semaphore_mem>>) {add = true}
      %add3A_192 = arith.constant 4 : i32
      %add3A_193 = arith.addi %mul3A_110, %add3A_192 : i32
      %add3A_194 = arith.constant 1 : i32
      %add3A_195 = arith.addi %add3A_193, %add3A_194 : i32
      %lt3A_196 = arith.constant 125 : i32
      %lt3A_197 = arith.cmpi slt, %add3A_195, %lt3A_196 : i32
      %convert_element_type3A_198 = arith.extui %lt3A_197 : i1 to i32
      %cond3A_199 = arith.constant 0 : i32
      %cond3A_200 = arith.cmpi ne, %convert_element_type3A_198, %cond3A_199 : i32
      scf.if %cond3A_200 {
        %ge3A = arith.constant 5 : i32
        %ge3A_213 = arith.cmpi sge, %add3A_195, %ge3A : i32
        %convert_element_type3A_214 = arith.extui %ge3A_213 : i1 to i32
        %cond3A_215 = arith.constant 0 : i32
        %cond3A_216 = arith.cmpi ne, %convert_element_type3A_214, %cond3A_215 : i32
        scf.if %cond3A_216 {
          %dma_wait3A_223 = arith.constant 0 : i32
          %dma_wait3A_224 = arith.constant 0 : i32
          %dma_wait3A_225 = tpu.memref_slice %arg7[%dma_wait3A_223, %dma_wait3A_224] : memref<125x80xi32, #tpu.memory_space<vmem>> -> memref<1x80xi32, #tpu.memory_space<vmem>>
          %dma_wait3A_226 = tpu.memref_squeeze %dma_wait3A_225 : memref<1x80xi32, #tpu.memory_space<vmem>> -> memref<80xi32, #tpu.memory_space<vmem>>
          %dma_wait3A_227 = arith.constant 0 : i32
          %dma_wait3A_228 = arith.constant 0 : i32
          %dma_wait3A_229 = tpu.memref_slice %arg15[%dma_wait3A_227, %dma_wait3A_228] : memref<10240x48xf32, #tpu.memory_space<vmem_shared>> -> memref<10240x48xf32, #tpu.memory_space<vmem_shared>>
          tpu.wait_indirect_dma semaphore(%arg21 : memref<!tpu.dma_semaphore, #tpu.memory_space<semaphore_mem>>) src(%arg8 : memref<80x48xf32, #tpu.memory_space<vmem>>) dst(%dma_wait3A_229 : memref<10240x48xf32, #tpu.memory_space<vmem_shared>>)
        } else {
        }
        %dma_start3A_217 = arith.constant 0 : i32
        %dma_start3A_218 = tpu.memref_slice %arg6[%add3A_195, %dma_start3A_217] : memref<125x80xi32, #tpu.memory_space<vmem>> -> memref<1x80xi32, #tpu.memory_space<vmem>>
        %dma_start3A_219 = tpu.memref_squeeze %dma_start3A_218 : memref<1x80xi32, #tpu.memory_space<vmem>> -> memref<80xi32, #tpu.memory_space<vmem>>
        %dma_start3A_220 = arith.constant 0 : i32
        %dma_start3A_221 = arith.constant 0 : i32
        %dma_start3A_222 = tpu.memref_slice %arg14[%dma_start3A_220, %dma_start3A_221] : memref<10000x48xf32, #tpu.memory_space<vmem_shared>> -> memref<10000x48xf32, #tpu.memory_space<vmem_shared>>
        tpu.enqueue_indirect_dma source(%dma_start3A_222 : memref<10000x48xf32, #tpu.memory_space<vmem_shared>>) target(%arg8 : memref<80x48xf32, #tpu.memory_space<vmem>>) offsets(%dma_start3A_219 : memref<80xi32, #tpu.memory_space<vmem>>) semaphore(%arg16 : memref<!tpu.dma_semaphore, #tpu.memory_space<semaphore_mem>>)
      } else {
      }
      %dma_wait3A_201 = arith.constant 0 : i32
      %dma_wait3A_202 = tpu.memref_slice %arg6[%add3A_193, %dma_wait3A_201] : memref<125x80xi32, #tpu.memory_space<vmem>> -> memref<1x80xi32, #tpu.memory_space<vmem>>
      %dma_wait3A_203 = tpu.memref_squeeze %dma_wait3A_202 : memref<1x80xi32, #tpu.memory_space<vmem>> -> memref<80xi32, #tpu.memory_space<vmem>>
      %dma_wait3A_204 = arith.constant 0 : i32
      %dma_wait3A_205 = arith.constant 0 : i32
      %dma_wait3A_206 = tpu.memref_slice %arg14[%dma_wait3A_204, %dma_wait3A_205] : memref<10000x48xf32, #tpu.memory_space<vmem_shared>> -> memref<10000x48xf32, #tpu.memory_space<vmem_shared>>
      tpu.wait_indirect_dma semaphore(%arg20 : memref<!tpu.dma_semaphore, #tpu.memory_space<semaphore_mem>>) src(%dma_wait3A_206 : memref<10000x48xf32, #tpu.memory_space<vmem_shared>>) dst(%arg12 : memref<80x48xf32, #tpu.memory_space<vmem>>)
      %dma_start3A_207 = arith.constant 0 : i32
      %dma_start3A_208 = tpu.memref_slice %arg7[%add3A_193, %dma_start3A_207] : memref<125x80xi32, #tpu.memory_space<vmem>> -> memref<1x80xi32, #tpu.memory_space<vmem>>
      %dma_start3A_209 = tpu.memref_squeeze %dma_start3A_208 : memref<1x80xi32, #tpu.memory_space<vmem>> -> memref<80xi32, #tpu.memory_space<vmem>>
      %dma_start3A_210 = arith.constant 0 : i32
      %dma_start3A_211 = arith.constant 0 : i32
      %dma_start3A_212 = tpu.memref_slice %arg15[%dma_start3A_210, %dma_start3A_211] : memref<10240x48xf32, #tpu.memory_space<vmem_shared>> -> memref<10240x48xf32, #tpu.memory_space<vmem_shared>>
      tpu.enqueue_indirect_dma source(%arg12 : memref<80x48xf32, #tpu.memory_space<vmem>>) target(%dma_start3A_212 : memref<10240x48xf32, #tpu.memory_space<vmem_shared>>) offsets(%dma_start3A_209 : memref<80xi32, #tpu.memory_space<vmem>>) semaphore(%arg25 : memref<!tpu.dma_semaphore, #tpu.memory_space<semaphore_mem>>) {add = true}
    }
    %scan3A_47 = arith.constant 25 : i32
    %dma_wait3A_48 = arith.constant 0 : i32
    %dma_wait3A_49 = arith.constant 0 : i32
    %dma_wait3A_50 = tpu.memref_slice %arg7[%dma_wait3A_48, %dma_wait3A_49] : memref<125x80xi32, #tpu.memory_space<vmem>> -> memref<1x80xi32, #tpu.memory_space<vmem>>
    %dma_wait3A_51 = tpu.memref_squeeze %dma_wait3A_50 : memref<1x80xi32, #tpu.memory_space<vmem>> -> memref<80xi32, #tpu.memory_space<vmem>>
    %dma_wait3A_52 = arith.constant 0 : i32
    %dma_wait3A_53 = arith.constant 0 : i32
    %dma_wait3A_54 = tpu.memref_slice %arg15[%dma_wait3A_52, %dma_wait3A_53] : memref<10240x48xf32, #tpu.memory_space<vmem_shared>> -> memref<10240x48xf32, #tpu.memory_space<vmem_shared>>
    tpu.wait_indirect_dma semaphore(%arg21 : memref<!tpu.dma_semaphore, #tpu.memory_space<semaphore_mem>>) src(%arg8 : memref<80x48xf32, #tpu.memory_space<vmem>>) dst(%dma_wait3A_54 : memref<10240x48xf32, #tpu.memory_space<vmem_shared>>)
    %dma_wait3A_55 = arith.constant 0 : i32
    %dma_wait3A_56 = arith.constant 0 : i32
    %dma_wait3A_57 = tpu.memref_slice %arg7[%dma_wait3A_55, %dma_wait3A_56] : memref<125x80xi32, #tpu.memory_space<vmem>> -> memref<1x80xi32, #tpu.memory_space<vmem>>
    %dma_wait3A_58 = tpu.memref_squeeze %dma_wait3A_57 : memref<1x80xi32, #tpu.memory_space<vmem>> -> memref<80xi32, #tpu.memory_space<vmem>>
    %dma_wait3A_59 = arith.constant 0 : i32
    %dma_wait3A_60 = arith.constant 0 : i32
    %dma_wait3A_61 = tpu.memref_slice %arg15[%dma_wait3A_59, %dma_wait3A_60] : memref<10240x48xf32, #tpu.memory_space<vmem_shared>> -> memref<10240x48xf32, #tpu.memory_space<vmem_shared>>
    tpu.wait_indirect_dma semaphore(%arg22 : memref<!tpu.dma_semaphore, #tpu.memory_space<semaphore_mem>>) src(%arg9 : memref<80x48xf32, #tpu.memory_space<vmem>>) dst(%dma_wait3A_61 : memref<10240x48xf32, #tpu.memory_space<vmem_shared>>)
    %dma_wait3A_62 = arith.constant 0 : i32
    %dma_wait3A_63 = arith.constant 0 : i32
    %dma_wait3A_64 = tpu.memref_slice %arg7[%dma_wait3A_62, %dma_wait3A_63] : memref<125x80xi32, #tpu.memory_space<vmem>> -> memref<1x80xi32, #tpu.memory_space<vmem>>
    %dma_wait3A_65 = tpu.memref_squeeze %dma_wait3A_64 : memref<1x80xi32, #tpu.memory_space<vmem>> -> memref<80xi32, #tpu.memory_space<vmem>>
    %dma_wait3A_66 = arith.constant 0 : i32
    %dma_wait3A_67 = arith.constant 0 : i32
    %dma_wait3A_68 = tpu.memref_slice %arg15[%dma_wait3A_66, %dma_wait3A_67] : memref<10240x48xf32, #tpu.memory_space<vmem_shared>> -> memref<10240x48xf32, #tpu.memory_space<vmem_shared>>
    tpu.wait_indirect_dma semaphore(%arg23 : memref<!tpu.dma_semaphore, #tpu.memory_space<semaphore_mem>>) src(%arg10 : memref<80x48xf32, #tpu.memory_space<vmem>>) dst(%dma_wait3A_68 : memref<10240x48xf32, #tpu.memory_space<vmem_shared>>)
    %dma_wait3A_69 = arith.constant 0 : i32
    %dma_wait3A_70 = arith.constant 0 : i32
    %dma_wait3A_71 = tpu.memref_slice %arg7[%dma_wait3A_69, %dma_wait3A_70] : memref<125x80xi32, #tpu.memory_space<vmem>> -> memref<1x80xi32, #tpu.memory_space<vmem>>
    %dma_wait3A_72 = tpu.memref_squeeze %dma_wait3A_71 : memref<1x80xi32, #tpu.memory_space<vmem>> -> memref<80xi32, #tpu.memory_space<vmem>>
    %dma_wait3A_73 = arith.constant 0 : i32
    %dma_wait3A_74 = arith.constant 0 : i32
    %dma_wait3A_75 = tpu.memref_slice %arg15[%dma_wait3A_73, %dma_wait3A_74] : memref<10240x48xf32, #tpu.memory_space<vmem_shared>> -> memref<10240x48xf32, #tpu.memory_space<vmem_shared>>
    tpu.wait_indirect_dma semaphore(%arg24 : memref<!tpu.dma_semaphore, #tpu.memory_space<semaphore_mem>>) src(%arg11 : memref<80x48xf32, #tpu.memory_space<vmem>>) dst(%dma_wait3A_75 : memref<10240x48xf32, #tpu.memory_space<vmem_shared>>)
    %dma_wait3A_76 = arith.constant 0 : i32
    %dma_wait3A_77 = arith.constant 0 : i32
    %dma_wait3A_78 = tpu.memref_slice %arg7[%dma_wait3A_76, %dma_wait3A_77] : memref<125x80xi32, #tpu.memory_space<vmem>> -> memref<1x80xi32, #tpu.memory_space<vmem>>
    %dma_wait3A_79 = tpu.memref_squeeze %dma_wait3A_78 : memref<1x80xi32, #tpu.memory_space<vmem>> -> memref<80xi32, #tpu.memory_space<vmem>>
    %dma_wait3A_80 = arith.constant 0 : i32
    %dma_wait3A_81 = arith.constant 0 : i32
    %dma_wait3A_82 = tpu.memref_slice %arg15[%dma_wait3A_80, %dma_wait3A_81] : memref<10240x48xf32, #tpu.memory_space<vmem_shared>> -> memref<10240x48xf32, #tpu.memory_space<vmem_shared>>
    tpu.wait_indirect_dma semaphore(%arg25 : memref<!tpu.dma_semaphore, #tpu.memory_space<semaphore_mem>>) src(%arg12 : memref<80x48xf32, #tpu.memory_space<vmem>>) dst(%dma_wait3A_82 : memref<10240x48xf32, #tpu.memory_space<vmem_shared>>)
    %barrier3A_83 = arith.constant 0 : index
    tpu.barrier barrier_id(%barrier3A_83)
    %mul3A_84 = arith.constant 640 : i32
    %mul3A_85 = arith.muli %arg1, %mul3A_84 : i32
    %add3A_86 = arith.constant 0 : i32
    %add3A_87 = arith.addi %mul3A_85, %add3A_86 : i32
    "tpu.region"() ({
      %run_scoped3A = tpu.sem_alloc : memref<!tpu.dma_semaphore, #tpu.memory_space<semaphore_mem>>
      %dma_start3A_104 = arith.constant 0 : i32
      %dma_start3A_105 = tpu.memref_slice %arg5[%arg0, %add3A_87, %dma_start3A_104] : memref<2x10240x48xf32, #tpu.memory_space<hbm>> -> memref<1x128x48xf32, #tpu.memory_space<hbm>>
      %dma_start3A_106 = tpu.memref_squeeze %dma_start3A_105 : memref<1x128x48xf32, #tpu.memory_space<hbm>> -> memref<128x48xf32, #tpu.memory_space<hbm>>
      %dma_start3A_107 = arith.constant 0 : i32
      %dma_start3A_108 = tpu.memref_slice %arg15[%add3A_87, %dma_start3A_107] : memref<10240x48xf32, #tpu.memory_space<vmem_shared>> -> memref<128x48xf32, #tpu.memory_space<vmem_shared>>
      tpu.enqueue_dma source(%dma_start3A_108 : memref<128x48xf32, #tpu.memory_space<vmem_shared>>) target(%dma_start3A_106 : memref<128x48xf32, #tpu.memory_space<hbm>>) target_semaphore(%run_scoped3A : memref<!tpu.dma_semaphore, #tpu.memory_space<semaphore_mem>>)
      %dma_wait3A_109 = arith.constant 0 : i32
      %dma_wait3A_110 = tpu.memref_slice %arg5[%arg0, %add3A_87, %dma_wait3A_109] : memref<2x10240x48xf32, #tpu.memory_space<hbm>> -> memref<1x128x48xf32, #tpu.memory_space<hbm>>
      %dma_wait3A_111 = tpu.memref_squeeze %dma_wait3A_110 : memref<1x128x48xf32, #tpu.memory_space<hbm>> -> memref<128x48xf32, #tpu.memory_space<hbm>>
      %dma_wait3A_112 = arith.constant 0 : i32
      %dma_wait3A_113 = tpu.memref_slice %arg15[%add3A_87, %dma_wait3A_112] : memref<10240x48xf32, #tpu.memory_space<vmem_shared>> -> memref<128x48xf32, #tpu.memory_space<vmem_shared>>
      tpu.wait_dma2 semaphore(%run_scoped3A : memref<!tpu.dma_semaphore, #tpu.memory_space<semaphore_mem>>) src(%dma_wait3A_113 : memref<128x48xf32, #tpu.memory_space<vmem_shared>>) dst(%dma_wait3A_111 : memref<128x48xf32, #tpu.memory_space<hbm>>)
      tpu.yield
    }) : () -> ()
    %mul3A_88 = arith.constant 640 : i32
    %mul3A_89 = arith.muli %arg1, %mul3A_88 : i32
    %add3A_90 = arith.constant 128 : i32
    %add3A_91 = arith.addi %mul3A_89, %add3A_90 : i32
    "tpu.region"() ({
      %run_scoped3A = tpu.sem_alloc : memref<!tpu.dma_semaphore, #tpu.memory_space<semaphore_mem>>
      %dma_start3A_104 = arith.constant 0 : i32
      %dma_start3A_105 = tpu.memref_slice %arg5[%arg0, %add3A_91, %dma_start3A_104] : memref<2x10240x48xf32, #tpu.memory_space<hbm>> -> memref<1x128x48xf32, #tpu.memory_space<hbm>>
      %dma_start3A_106 = tpu.memref_squeeze %dma_start3A_105 : memref<1x128x48xf32, #tpu.memory_space<hbm>> -> memref<128x48xf32, #tpu.memory_space<hbm>>
      %dma_start3A_107 = arith.constant 0 : i32
      %dma_start3A_108 = tpu.memref_slice %arg15[%add3A_91, %dma_start3A_107] : memref<10240x48xf32, #tpu.memory_space<vmem_shared>> -> memref<128x48xf32, #tpu.memory_space<vmem_shared>>
      tpu.enqueue_dma source(%dma_start3A_108 : memref<128x48xf32, #tpu.memory_space<vmem_shared>>) target(%dma_start3A_106 : memref<128x48xf32, #tpu.memory_space<hbm>>) target_semaphore(%run_scoped3A : memref<!tpu.dma_semaphore, #tpu.memory_space<semaphore_mem>>)
      %dma_wait3A_109 = arith.constant 0 : i32
      %dma_wait3A_110 = tpu.memref_slice %arg5[%arg0, %add3A_91, %dma_wait3A_109] : memref<2x10240x48xf32, #tpu.memory_space<hbm>> -> memref<1x128x48xf32, #tpu.memory_space<hbm>>
      %dma_wait3A_111 = tpu.memref_squeeze %dma_wait3A_110 : memref<1x128x48xf32, #tpu.memory_space<hbm>> -> memref<128x48xf32, #tpu.memory_space<hbm>>
      %dma_wait3A_112 = arith.constant 0 : i32
      %dma_wait3A_113 = tpu.memref_slice %arg15[%add3A_91, %dma_wait3A_112] : memref<10240x48xf32, #tpu.memory_space<vmem_shared>> -> memref<128x48xf32, #tpu.memory_space<vmem_shared>>
      tpu.wait_dma2 semaphore(%run_scoped3A : memref<!tpu.dma_semaphore, #tpu.memory_space<semaphore_mem>>) src(%dma_wait3A_113 : memref<128x48xf32, #tpu.memory_space<vmem_shared>>) dst(%dma_wait3A_111 : memref<128x48xf32, #tpu.memory_space<hbm>>)
      tpu.yield
    }) : () -> ()
    %mul3A_92 = arith.constant 640 : i32
    %mul3A_93 = arith.muli %arg1, %mul3A_92 : i32
    %add3A_94 = arith.constant 256 : i32
    %add3A_95 = arith.addi %mul3A_93, %add3A_94 : i32
    "tpu.region"() ({
      %run_scoped3A = tpu.sem_alloc : memref<!tpu.dma_semaphore, #tpu.memory_space<semaphore_mem>>
      %dma_start3A_104 = arith.constant 0 : i32
      %dma_start3A_105 = tpu.memref_slice %arg5[%arg0, %add3A_95, %dma_start3A_104] : memref<2x10240x48xf32, #tpu.memory_space<hbm>> -> memref<1x128x48xf32, #tpu.memory_space<hbm>>
      %dma_start3A_106 = tpu.memref_squeeze %dma_start3A_105 : memref<1x128x48xf32, #tpu.memory_space<hbm>> -> memref<128x48xf32, #tpu.memory_space<hbm>>
      %dma_start3A_107 = arith.constant 0 : i32
      %dma_start3A_108 = tpu.memref_slice %arg15[%add3A_95, %dma_start3A_107] : memref<10240x48xf32, #tpu.memory_space<vmem_shared>> -> memref<128x48xf32, #tpu.memory_space<vmem_shared>>
      tpu.enqueue_dma source(%dma_start3A_108 : memref<128x48xf32, #tpu.memory_space<vmem_shared>>) target(%dma_start3A_106 : memref<128x48xf32, #tpu.memory_space<hbm>>) target_semaphore(%run_scoped3A : memref<!tpu.dma_semaphore, #tpu.memory_space<semaphore_mem>>)
      %dma_wait3A_109 = arith.constant 0 : i32
      %dma_wait3A_110 = tpu.memref_slice %arg5[%arg0, %add3A_95, %dma_wait3A_109] : memref<2x10240x48xf32, #tpu.memory_space<hbm>> -> memref<1x128x48xf32, #tpu.memory_space<hbm>>
      %dma_wait3A_111 = tpu.memref_squeeze %dma_wait3A_110 : memref<1x128x48xf32, #tpu.memory_space<hbm>> -> memref<128x48xf32, #tpu.memory_space<hbm>>
      %dma_wait3A_112 = arith.constant 0 : i32
      %dma_wait3A_113 = tpu.memref_slice %arg15[%add3A_95, %dma_wait3A_112] : memref<10240x48xf32, #tpu.memory_space<vmem_shared>> -> memref<128x48xf32, #tpu.memory_space<vmem_shared>>
      tpu.wait_dma2 semaphore(%run_scoped3A : memref<!tpu.dma_semaphore, #tpu.memory_space<semaphore_mem>>) src(%dma_wait3A_113 : memref<128x48xf32, #tpu.memory_space<vmem_shared>>) dst(%dma_wait3A_111 : memref<128x48xf32, #tpu.memory_space<hbm>>)
      tpu.yield
    }) : () -> ()
    %mul3A_96 = arith.constant 640 : i32
    %mul3A_97 = arith.muli %arg1, %mul3A_96 : i32
    %add3A_98 = arith.constant 384 : i32
    %add3A_99 = arith.addi %mul3A_97, %add3A_98 : i32
    "tpu.region"() ({
      %run_scoped3A = tpu.sem_alloc : memref<!tpu.dma_semaphore, #tpu.memory_space<semaphore_mem>>
      %dma_start3A_104 = arith.constant 0 : i32
      %dma_start3A_105 = tpu.memref_slice %arg5[%arg0, %add3A_99, %dma_start3A_104] : memref<2x10240x48xf32, #tpu.memory_space<hbm>> -> memref<1x128x48xf32, #tpu.memory_space<hbm>>
      %dma_start3A_106 = tpu.memref_squeeze %dma_start3A_105 : memref<1x128x48xf32, #tpu.memory_space<hbm>> -> memref<128x48xf32, #tpu.memory_space<hbm>>
      %dma_start3A_107 = arith.constant 0 : i32
      %dma_start3A_108 = tpu.memref_slice %arg15[%add3A_99, %dma_start3A_107] : memref<10240x48xf32, #tpu.memory_space<vmem_shared>> -> memref<128x48xf32, #tpu.memory_space<vmem_shared>>
      tpu.enqueue_dma source(%dma_start3A_108 : memref<128x48xf32, #tpu.memory_space<vmem_shared>>) target(%dma_start3A_106 : memref<128x48xf32, #tpu.memory_space<hbm>>) target_semaphore(%run_scoped3A : memref<!tpu.dma_semaphore, #tpu.memory_space<semaphore_mem>>)
      %dma_wait3A_109 = arith.constant 0 : i32
      %dma_wait3A_110 = tpu.memref_slice %arg5[%arg0, %add3A_99, %dma_wait3A_109] : memref<2x10240x48xf32, #tpu.memory_space<hbm>> -> memref<1x128x48xf32, #tpu.memory_space<hbm>>
      %dma_wait3A_111 = tpu.memref_squeeze %dma_wait3A_110 : memref<1x128x48xf32, #tpu.memory_space<hbm>> -> memref<128x48xf32, #tpu.memory_space<hbm>>
      %dma_wait3A_112 = arith.constant 0 : i32
      %dma_wait3A_113 = tpu.memref_slice %arg15[%add3A_99, %dma_wait3A_112] : memref<10240x48xf32, #tpu.memory_space<vmem_shared>> -> memref<128x48xf32, #tpu.memory_space<vmem_shared>>
      tpu.wait_dma2 semaphore(%run_scoped3A : memref<!tpu.dma_semaphore, #tpu.memory_space<semaphore_mem>>) src(%dma_wait3A_113 : memref<128x48xf32, #tpu.memory_space<vmem_shared>>) dst(%dma_wait3A_111 : memref<128x48xf32, #tpu.memory_space<hbm>>)
      tpu.yield
    }) : () -> ()
    %mul3A_100 = arith.constant 640 : i32
    %mul3A_101 = arith.muli %arg1, %mul3A_100 : i32
    %add3A_102 = arith.constant 512 : i32
    %add3A_103 = arith.addi %mul3A_101, %add3A_102 : i32
    "tpu.region"() ({
      %run_scoped3A = tpu.sem_alloc : memref<!tpu.dma_semaphore, #tpu.memory_space<semaphore_mem>>
      %dma_start3A_104 = arith.constant 0 : i32
      %dma_start3A_105 = tpu.memref_slice %arg5[%arg0, %add3A_103, %dma_start3A_104] : memref<2x10240x48xf32, #tpu.memory_space<hbm>> -> memref<1x128x48xf32, #tpu.memory_space<hbm>>
      %dma_start3A_106 = tpu.memref_squeeze %dma_start3A_105 : memref<1x128x48xf32, #tpu.memory_space<hbm>> -> memref<128x48xf32, #tpu.memory_space<hbm>>
      %dma_start3A_107 = arith.constant 0 : i32
      %dma_start3A_108 = tpu.memref_slice %arg15[%add3A_103, %dma_start3A_107] : memref<10240x48xf32, #tpu.memory_space<vmem_shared>> -> memref<128x48xf32, #tpu.memory_space<vmem_shared>>
      tpu.enqueue_dma source(%dma_start3A_108 : memref<128x48xf32, #tpu.memory_space<vmem_shared>>) target(%dma_start3A_106 : memref<128x48xf32, #tpu.memory_space<hbm>>) target_semaphore(%run_scoped3A : memref<!tpu.dma_semaphore, #tpu.memory_space<semaphore_mem>>)
      %dma_wait3A_109 = arith.constant 0 : i32
      %dma_wait3A_110 = tpu.memref_slice %arg5[%arg0, %add3A_103, %dma_wait3A_109] : memref<2x10240x48xf32, #tpu.memory_space<hbm>> -> memref<1x128x48xf32, #tpu.memory_space<hbm>>
      %dma_wait3A_111 = tpu.memref_squeeze %dma_wait3A_110 : memref<1x128x48xf32, #tpu.memory_space<hbm>> -> memref<128x48xf32, #tpu.memory_space<hbm>>
      %dma_wait3A_112 = arith.constant 0 : i32
      %dma_wait3A_113 = tpu.memref_slice %arg15[%add3A_103, %dma_wait3A_112] : memref<10240x48xf32, #tpu.memory_space<vmem_shared>> -> memref<128x48xf32, #tpu.memory_space<vmem_shared>>
      tpu.wait_dma2 semaphore(%run_scoped3A : memref<!tpu.dma_semaphore, #tpu.memory_space<semaphore_mem>>) src(%dma_wait3A_113 : memref<128x48xf32, #tpu.memory_space<vmem_shared>>) dst(%dma_wait3A_111 : memref<128x48xf32, #tpu.memory_space<hbm>>)
      tpu.yield
    }) : () -> ()
    return
  }
}

#map = affine_map<(d0, d1) -> (0, 0)>
#map1 = affine_map<(d0, d1) -> (0, 0, 0)>
module attributes {stable_mosaic.version = 14 : i64} {
  func.func @body(%arg0: i32, %arg1: i32, %arg2: memref<10000x32xf32, #tpu.memory_space<hbm>>, %arg3: memref<32x125x80xi32, #tpu.memory_space<hbm>>, %arg4: memref<32x125x80xi32, #tpu.memory_space<hbm>>, %arg5: memref<2x10240x32xf32, #tpu.memory_space<hbm>>, %arg6: memref<125x80xi32, #tpu.memory_space<vmem>>, %arg7: memref<125x80xi32, #tpu.memory_space<vmem>>, %arg8: memref<80x32xf32, #tpu.memory_space<vmem>>, %arg9: memref<80x32xf32, #tpu.memory_space<vmem>>, %arg10: memref<80x32xf32, #tpu.memory_space<vmem>>, %arg11: memref<80x32xf32, #tpu.memory_space<vmem>>, %arg12: memref<80x32xf32, #tpu.memory_space<vmem>>, %arg13: memref<128x32xf32, #tpu.memory_space<vmem>>, %arg14: memref<10000x32xf32, #tpu.memory_space<vmem_shared>>, %arg15: memref<10240x32xf32, #tpu.memory_space<vmem_shared>>, %arg16: memref<!tpu.dma_semaphore, #tpu.memory_space<semaphore_mem>>, %arg17: memref<!tpu.dma_semaphore, #tpu.memory_space<semaphore_mem>>, %arg18: memref<!tpu.dma_semaphore, #tpu.memory_space<semaphore_mem>>, %arg19: memref<!tpu.dma_semaphore, #tpu.memory_space<semaphore_mem>>, %arg20: memref<!tpu.dma_semaphore, #tpu.memory_space<semaphore_mem>>, %arg21: memref<!tpu.dma_semaphore, #tpu.memory_space<semaphore_mem>>, %arg22: memref<!tpu.dma_semaphore, #tpu.memory_space<semaphore_mem>>, %arg23: memref<!tpu.dma_semaphore, #tpu.memory_space<semaphore_mem>>, %arg24: memref<!tpu.dma_semaphore, #tpu.memory_space<semaphore_mem>>, %arg25: memref<!tpu.dma_semaphore, #tpu.memory_space<semaphore_mem>>) attributes {dimension_semantics = [#tpu.dimension_semantics<core_parallel>, #tpu.dimension_semantics<subcore_parallel>], iteration_bounds = array<i64: 2, 16>, scalar_prefetch = 0 : i64, scratch_operands = 20 : i64, tpu.core_type = #tpu.core_type<sc_vector_subcore>, window_params = [{transform_indices = #map}, {transform_indices = #map1}, {transform_indices = #map1}, {transform_indices = #map1}]} {
    %mul3A = arith.constant 16 : i32
    %mul3A_0 = arith.muli %arg0, %mul3A : i32
    %add3A = arith.addi %mul3A_0, %arg1 : i32
    %broadcast_in_dim3A = arith.constant 0.000000e+00 : f32
    %broadcast_in_dim3A_1 = vector.broadcast %broadcast_in_dim3A : f32 to vector<16xf32>
    %scan3A = arith.constant 0 : i32
    %scan3A_2 = arith.constant 128 : i32
    %scan3A_3 = arith.addi %scan3A, %scan3A_2 : i32
    %scan3A_4 = arith.constant 1 : i32
    scf.for %scan3A_104 = %scan3A to %scan3A_3 step %scan3A_4  : i32 {
      %mul3A_105 = arith.constant 1 : i32
      %mul3A_106 = arith.muli %scan3A_104, %mul3A_105 : i32
      %add3A_107 = arith.constant 0 : i32
      %add3A_108 = arith.addi %add3A_107, %mul3A_106 : i32
      %swap3A = arith.index_cast %add3A_108 : i32 to index
      %swap3A_109 = arith.constant 0 : index
      %swap3A_110 = tpu.vector_load %arg13[%swap3A, %swap3A_109] {strides = array<i32>} : memref<128x32xf32, #tpu.memory_space<vmem>>, vector<1x16xf32>,
      %swap3A_111 = vector.shape_cast %swap3A_110 : vector<1x16xf32> to vector<16xf32>
      %swap3A_112 = vector.shape_cast %broadcast_in_dim3A_1 : vector<16xf32> to vector<1x16xf32>
      tpu.vector_store %arg13[%swap3A, %swap3A_109], %swap3A_112 {strides = array<i32>} : memref<128x32xf32, #tpu.memory_space<vmem>>, vector<1x16xf32>,
      %swap3A_113 = arith.index_cast %add3A_108 : i32 to index
      %swap3A_114 = arith.constant 16 : index
      %swap3A_115 = tpu.vector_load %arg13[%swap3A_113, %swap3A_114] {strides = array<i32>} : memref<128x32xf32, #tpu.memory_space<vmem>>, vector<1x16xf32>,
      %swap3A_116 = vector.shape_cast %swap3A_115 : vector<1x16xf32> to vector<16xf32>
      %swap3A_117 = vector.shape_cast %broadcast_in_dim3A_1 : vector<16xf32> to vector<1x16xf32>
      tpu.vector_store %arg13[%swap3A_113, %swap3A_114], %swap3A_117 {strides = array<i32>} : memref<128x32xf32, #tpu.memory_space<vmem>>, vector<1x16xf32>,
    }
    %scan3A_5 = arith.constant 128 : i32
    %mul3A_6 = arith.constant 640 : i32
    %mul3A_7 = arith.muli %arg1, %mul3A_6 : i32
    %add3A_8 = arith.constant 0 : i32
    %add3A_9 = arith.addi %mul3A_7, %add3A_8 : i32
    "tpu.region"() ({
      %run_scoped3A = tpu.sem_alloc : memref<!tpu.dma_semaphore, #tpu.memory_space<semaphore_mem>>
      %dma_start3A_104 = arith.constant 0 : i32
      %dma_start3A_105 = tpu.memref_slice %arg15[%add3A_9, %dma_start3A_104] : memref<10240x32xf32, #tpu.memory_space<vmem_shared>> -> memref<128x32xf32, #tpu.memory_space<vmem_shared>>
      %dma_start3A_106 = arith.constant 0 : i32
      %dma_start3A_107 = tpu.memref_slice %arg15[%add3A_9, %dma_start3A_106] : memref<10240x32xf32, #tpu.memory_space<vmem_shared>> -> memref<128x32xf32, #tpu.memory_space<vmem_shared>>
      tpu.enqueue_dma source(%arg13 : memref<128x32xf32, #tpu.memory_space<vmem>>) target(%dma_start3A_107 : memref<128x32xf32, #tpu.memory_space<vmem_shared>>) target_semaphore(%run_scoped3A : memref<!tpu.dma_semaphore, #tpu.memory_space<semaphore_mem>>)
      %dma_wait3A_108 = arith.constant 0 : i32
      %dma_wait3A_109 = tpu.memref_slice %arg15[%add3A_9, %dma_wait3A_108] : memref<10240x32xf32, #tpu.memory_space<vmem_shared>> -> memref<128x32xf32, #tpu.memory_space<vmem_shared>>
      %dma_wait3A_110 = arith.constant 0 : i32
      %dma_wait3A_111 = tpu.memref_slice %arg15[%add3A_9, %dma_wait3A_110] : memref<10240x32xf32, #tpu.memory_space<vmem_shared>> -> memref<128x32xf32, #tpu.memory_space<vmem_shared>>
      tpu.wait_dma2 semaphore(%run_scoped3A : memref<!tpu.dma_semaphore, #tpu.memory_space<semaphore_mem>>) src(%arg13 : memref<128x32xf32, #tpu.memory_space<vmem>>) dst(%dma_wait3A_111 : memref<128x32xf32, #tpu.memory_space<vmem_shared>>)
      tpu.yield
    }) : () -> ()
    %mul3A_10 = arith.constant 640 : i32
    %mul3A_11 = arith.muli %arg1, %mul3A_10 : i32
    %add3A_12 = arith.constant 128 : i32
    %add3A_13 = arith.addi %mul3A_11, %add3A_12 : i32
    "tpu.region"() ({
      %run_scoped3A = tpu.sem_alloc : memref<!tpu.dma_semaphore, #tpu.memory_space<semaphore_mem>>
      %dma_start3A_104 = arith.constant 0 : i32
      %dma_start3A_105 = tpu.memref_slice %arg15[%add3A_13, %dma_start3A_104] : memref<10240x32xf32, #tpu.memory_space<vmem_shared>> -> memref<128x32xf32, #tpu.memory_space<vmem_shared>>
      %dma_start3A_106 = arith.constant 0 : i32
      %dma_start3A_107 = tpu.memref_slice %arg15[%add3A_13, %dma_start3A_106] : memref<10240x32xf32, #tpu.memory_space<vmem_shared>> -> memref<128x32xf32, #tpu.memory_space<vmem_shared>>
      tpu.enqueue_dma source(%arg13 : memref<128x32xf32, #tpu.memory_space<vmem>>) target(%dma_start3A_107 : memref<128x32xf32, #tpu.memory_space<vmem_shared>>) target_semaphore(%run_scoped3A : memref<!tpu.dma_semaphore, #tpu.memory_space<semaphore_mem>>)
      %dma_wait3A_108 = arith.constant 0 : i32
      %dma_wait3A_109 = tpu.memref_slice %arg15[%add3A_13, %dma_wait3A_108] : memref<10240x32xf32, #tpu.memory_space<vmem_shared>> -> memref<128x32xf32, #tpu.memory_space<vmem_shared>>
      %dma_wait3A_110 = arith.constant 0 : i32
      %dma_wait3A_111 = tpu.memref_slice %arg15[%add3A_13, %dma_wait3A_110] : memref<10240x32xf32, #tpu.memory_space<vmem_shared>> -> memref<128x32xf32, #tpu.memory_space<vmem_shared>>
      tpu.wait_dma2 semaphore(%run_scoped3A : memref<!tpu.dma_semaphore, #tpu.memory_space<semaphore_mem>>) src(%arg13 : memref<128x32xf32, #tpu.memory_space<vmem>>) dst(%dma_wait3A_111 : memref<128x32xf32, #tpu.memory_space<vmem_shared>>)
      tpu.yield
    }) : () -> ()
    %mul3A_14 = arith.constant 640 : i32
    %mul3A_15 = arith.muli %arg1, %mul3A_14 : i32
    %add3A_16 = arith.constant 256 : i32
    %add3A_17 = arith.addi %mul3A_15, %add3A_16 : i32
    "tpu.region"() ({
      %run_scoped3A = tpu.sem_alloc : memref<!tpu.dma_semaphore, #tpu.memory_space<semaphore_mem>>
      %dma_start3A_104 = arith.constant 0 : i32
      %dma_start3A_105 = tpu.memref_slice %arg15[%add3A_17, %dma_start3A_104] : memref<10240x32xf32, #tpu.memory_space<vmem_shared>> -> memref<128x32xf32, #tpu.memory_space<vmem_shared>>
      %dma_start3A_106 = arith.constant 0 : i32
      %dma_start3A_107 = tpu.memref_slice %arg15[%add3A_17, %dma_start3A_106] : memref<10240x32xf32, #tpu.memory_space<vmem_shared>> -> memref<128x32xf32, #tpu.memory_space<vmem_shared>>
      tpu.enqueue_dma source(%arg13 : memref<128x32xf32, #tpu.memory_space<vmem>>) target(%dma_start3A_107 : memref<128x32xf32, #tpu.memory_space<vmem_shared>>) target_semaphore(%run_scoped3A : memref<!tpu.dma_semaphore, #tpu.memory_space<semaphore_mem>>)
      %dma_wait3A_108 = arith.constant 0 : i32
      %dma_wait3A_109 = tpu.memref_slice %arg15[%add3A_17, %dma_wait3A_108] : memref<10240x32xf32, #tpu.memory_space<vmem_shared>> -> memref<128x32xf32, #tpu.memory_space<vmem_shared>>
      %dma_wait3A_110 = arith.constant 0 : i32
      %dma_wait3A_111 = tpu.memref_slice %arg15[%add3A_17, %dma_wait3A_110] : memref<10240x32xf32, #tpu.memory_space<vmem_shared>> -> memref<128x32xf32, #tpu.memory_space<vmem_shared>>
      tpu.wait_dma2 semaphore(%run_scoped3A : memref<!tpu.dma_semaphore, #tpu.memory_space<semaphore_mem>>) src(%arg13 : memref<128x32xf32, #tpu.memory_space<vmem>>) dst(%dma_wait3A_111 : memref<128x32xf32, #tpu.memory_space<vmem_shared>>)
      tpu.yield
    }) : () -> ()
    %mul3A_18 = arith.constant 640 : i32
    %mul3A_19 = arith.muli %arg1, %mul3A_18 : i32
    %add3A_20 = arith.constant 384 : i32
    %add3A_21 = arith.addi %mul3A_19, %add3A_20 : i32
    "tpu.region"() ({
      %run_scoped3A = tpu.sem_alloc : memref<!tpu.dma_semaphore, #tpu.memory_space<semaphore_mem>>
      %dma_start3A_104 = arith.constant 0 : i32
      %dma_start3A_105 = tpu.memref_slice %arg15[%add3A_21, %dma_start3A_104] : memref<10240x32xf32, #tpu.memory_space<vmem_shared>> -> memref<128x32xf32, #tpu.memory_space<vmem_shared>>
      %dma_start3A_106 = arith.constant 0 : i32
      %dma_start3A_107 = tpu.memref_slice %arg15[%add3A_21, %dma_start3A_106] : memref<10240x32xf32, #tpu.memory_space<vmem_shared>> -> memref<128x32xf32, #tpu.memory_space<vmem_shared>>
      tpu.enqueue_dma source(%arg13 : memref<128x32xf32, #tpu.memory_space<vmem>>) target(%dma_start3A_107 : memref<128x32xf32, #tpu.memory_space<vmem_shared>>) target_semaphore(%run_scoped3A : memref<!tpu.dma_semaphore, #tpu.memory_space<semaphore_mem>>)
      %dma_wait3A_108 = arith.constant 0 : i32
      %dma_wait3A_109 = tpu.memref_slice %arg15[%add3A_21, %dma_wait3A_108] : memref<10240x32xf32, #tpu.memory_space<vmem_shared>> -> memref<128x32xf32, #tpu.memory_space<vmem_shared>>
      %dma_wait3A_110 = arith.constant 0 : i32
      %dma_wait3A_111 = tpu.memref_slice %arg15[%add3A_21, %dma_wait3A_110] : memref<10240x32xf32, #tpu.memory_space<vmem_shared>> -> memref<128x32xf32, #tpu.memory_space<vmem_shared>>
      tpu.wait_dma2 semaphore(%run_scoped3A : memref<!tpu.dma_semaphore, #tpu.memory_space<semaphore_mem>>) src(%arg13 : memref<128x32xf32, #tpu.memory_space<vmem>>) dst(%dma_wait3A_111 : memref<128x32xf32, #tpu.memory_space<vmem_shared>>)
      tpu.yield
    }) : () -> ()
    %mul3A_22 = arith.constant 640 : i32
    %mul3A_23 = arith.muli %arg1, %mul3A_22 : i32
    %add3A_24 = arith.constant 512 : i32
    %add3A_25 = arith.addi %mul3A_23, %add3A_24 : i32
    "tpu.region"() ({
      %run_scoped3A = tpu.sem_alloc : memref<!tpu.dma_semaphore, #tpu.memory_space<semaphore_mem>>
      %dma_start3A_104 = arith.constant 0 : i32
      %dma_start3A_105 = tpu.memref_slice %arg15[%add3A_25, %dma_start3A_104] : memref<10240x32xf32, #tpu.memory_space<vmem_shared>> -> memref<128x32xf32, #tpu.memory_space<vmem_shared>>
      %dma_start3A_106 = arith.constant 0 : i32
      %dma_start3A_107 = tpu.memref_slice %arg15[%add3A_25, %dma_start3A_106] : memref<10240x32xf32, #tpu.memory_space<vmem_shared>> -> memref<128x32xf32, #tpu.memory_space<vmem_shared>>
      tpu.enqueue_dma source(%arg13 : memref<128x32xf32, #tpu.memory_space<vmem>>) target(%dma_start3A_107 : memref<128x32xf32, #tpu.memory_space<vmem_shared>>) target_semaphore(%run_scoped3A : memref<!tpu.dma_semaphore, #tpu.memory_space<semaphore_mem>>)
      %dma_wait3A_108 = arith.constant 0 : i32
      %dma_wait3A_109 = tpu.memref_slice %arg15[%add3A_25, %dma_wait3A_108] : memref<10240x32xf32, #tpu.memory_space<vmem_shared>> -> memref<128x32xf32, #tpu.memory_space<vmem_shared>>
      %dma_wait3A_110 = arith.constant 0 : i32
      %dma_wait3A_111 = tpu.memref_slice %arg15[%add3A_25, %dma_wait3A_110] : memref<10240x32xf32, #tpu.memory_space<vmem_shared>> -> memref<128x32xf32, #tpu.memory_space<vmem_shared>>
      tpu.wait_dma2 semaphore(%run_scoped3A : memref<!tpu.dma_semaphore, #tpu.memory_space<semaphore_mem>>) src(%arg13 : memref<128x32xf32, #tpu.memory_space<vmem>>) dst(%dma_wait3A_111 : memref<128x32xf32, #tpu.memory_space<vmem_shared>>)
      tpu.yield
    }) : () -> ()
    %mul3A_26 = arith.constant 625 : i32
    %mul3A_27 = arith.muli %arg1, %mul3A_26 : i32
    %mul3A_28 = arith.constant 625 : i32
    %mul3A_29 = arith.muli %arg1, %mul3A_28 : i32
    %dma_start3A = arith.constant 0 : i32
    %dma_start3A_30 = tpu.memref_slice %arg14[%mul3A_29, %dma_start3A] : memref<10000x32xf32, #tpu.memory_space<vmem_shared>> -> memref<625x32xf32, #tpu.memory_space<vmem_shared>>
    %dma_start3A_31 = arith.constant 0 : i32
    %dma_start3A_32 = tpu.memref_slice %arg2[%mul3A_27, %dma_start3A_31] : memref<10000x32xf32, #tpu.memory_space<hbm>> -> memref<625x32xf32, #tpu.memory_space<hbm>>
    tpu.enqueue_dma source(%dma_start3A_32 : memref<625x32xf32, #tpu.memory_space<hbm>>) target(%dma_start3A_30 : memref<625x32xf32, #tpu.memory_space<vmem_shared>>) target_semaphore(%arg16 : memref<!tpu.dma_semaphore, #tpu.memory_space<semaphore_mem>>)
    "tpu.region"() ({
      %run_scoped3A = tpu.sem_alloc : memref<!tpu.dma_semaphore, #tpu.memory_space<semaphore_mem>>
      %dma_start3A_104 = arith.constant 0 : i32
      %dma_start3A_105 = arith.constant 0 : i32
      %dma_start3A_106 = tpu.memref_slice %arg3[%add3A, %dma_start3A_104, %dma_start3A_105] : memref<32x125x80xi32, #tpu.memory_space<hbm>> -> memref<1x125x80xi32, #tpu.memory_space<hbm>>
      %dma_start3A_107 = tpu.memref_squeeze %dma_start3A_106 : memref<1x125x80xi32, #tpu.memory_space<hbm>> -> memref<125x80xi32, #tpu.memory_space<hbm>>
      %dma_start3A_108 = arith.constant 0 : i32
      %dma_start3A_109 = arith.constant 0 : i32
      %dma_start3A_110 = tpu.memref_slice %arg3[%add3A, %dma_start3A_108, %dma_start3A_109] : memref<32x125x80xi32, #tpu.memory_space<hbm>> -> memref<1x125x80xi32, #tpu.memory_space<hbm>>
      %dma_start3A_111 = tpu.memref_squeeze %dma_start3A_110 : memref<1x125x80xi32, #tpu.memory_space<hbm>> -> memref<125x80xi32, #tpu.memory_space<hbm>>
      tpu.enqueue_dma source(%dma_start3A_111 : memref<125x80xi32, #tpu.memory_space<hbm>>) target(%arg6 : memref<125x80xi32, #tpu.memory_space<vmem>>) target_semaphore(%run_scoped3A : memref<!tpu.dma_semaphore, #tpu.memory_space<semaphore_mem>>)
      %dma_wait3A_112 = arith.constant 0 : i32
      %dma_wait3A_113 = arith.constant 0 : i32
      %dma_wait3A_114 = tpu.memref_slice %arg3[%add3A, %dma_wait3A_112, %dma_wait3A_113] : memref<32x125x80xi32, #tpu.memory_space<hbm>> -> memref<1x125x80xi32, #tpu.memory_space<hbm>>
      %dma_wait3A_115 = tpu.memref_squeeze %dma_wait3A_114 : memref<1x125x80xi32, #tpu.memory_space<hbm>> -> memref<125x80xi32, #tpu.memory_space<hbm>>
      %dma_wait3A_116 = arith.constant 0 : i32
      %dma_wait3A_117 = arith.constant 0 : i32
      %dma_wait3A_118 = tpu.memref_slice %arg3[%add3A, %dma_wait3A_116, %dma_wait3A_117] : memref<32x125x80xi32, #tpu.memory_space<hbm>> -> memref<1x125x80xi32, #tpu.memory_space<hbm>>
      %dma_wait3A_119 = tpu.memref_squeeze %dma_wait3A_118 : memref<1x125x80xi32, #tpu.memory_space<hbm>> -> memref<125x80xi32, #tpu.memory_space<hbm>>
      tpu.wait_dma2 semaphore(%run_scoped3A : memref<!tpu.dma_semaphore, #tpu.memory_space<semaphore_mem>>) src(%dma_wait3A_119 : memref<125x80xi32, #tpu.memory_space<hbm>>) dst(%arg6 : memref<125x80xi32, #tpu.memory_space<vmem>>)
      tpu.yield
    }) : () -> ()
    "tpu.region"() ({
      %run_scoped3A = tpu.sem_alloc : memref<!tpu.dma_semaphore, #tpu.memory_space<semaphore_mem>>
      %dma_start3A_104 = arith.constant 0 : i32
      %dma_start3A_105 = arith.constant 0 : i32
      %dma_start3A_106 = tpu.memref_slice %arg4[%add3A, %dma_start3A_104, %dma_start3A_105] : memref<32x125x80xi32, #tpu.memory_space<hbm>> -> memref<1x125x80xi32, #tpu.memory_space<hbm>>
      %dma_start3A_107 = tpu.memref_squeeze %dma_start3A_106 : memref<1x125x80xi32, #tpu.memory_space<hbm>> -> memref<125x80xi32, #tpu.memory_space<hbm>>
      %dma_start3A_108 = arith.constant 0 : i32
      %dma_start3A_109 = arith.constant 0 : i32
      %dma_start3A_110 = tpu.memref_slice %arg4[%add3A, %dma_start3A_108, %dma_start3A_109] : memref<32x125x80xi32, #tpu.memory_space<hbm>> -> memref<1x125x80xi32, #tpu.memory_space<hbm>>
      %dma_start3A_111 = tpu.memref_squeeze %dma_start3A_110 : memref<1x125x80xi32, #tpu.memory_space<hbm>> -> memref<125x80xi32, #tpu.memory_space<hbm>>
      tpu.enqueue_dma source(%dma_start3A_111 : memref<125x80xi32, #tpu.memory_space<hbm>>) target(%arg7 : memref<125x80xi32, #tpu.memory_space<vmem>>) target_semaphore(%run_scoped3A : memref<!tpu.dma_semaphore, #tpu.memory_space<semaphore_mem>>)
      %dma_wait3A_112 = arith.constant 0 : i32
      %dma_wait3A_113 = arith.constant 0 : i32
      %dma_wait3A_114 = tpu.memref_slice %arg4[%add3A, %dma_wait3A_112, %dma_wait3A_113] : memref<32x125x80xi32, #tpu.memory_space<hbm>> -> memref<1x125x80xi32, #tpu.memory_space<hbm>>
      %dma_wait3A_115 = tpu.memref_squeeze %dma_wait3A_114 : memref<1x125x80xi32, #tpu.memory_space<hbm>> -> memref<125x80xi32, #tpu.memory_space<hbm>>
      %dma_wait3A_116 = arith.constant 0 : i32
      %dma_wait3A_117 = arith.constant 0 : i32
      %dma_wait3A_118 = tpu.memref_slice %arg4[%add3A, %dma_wait3A_116, %dma_wait3A_117] : memref<32x125x80xi32, #tpu.memory_space<hbm>> -> memref<1x125x80xi32, #tpu.memory_space<hbm>>
      %dma_wait3A_119 = tpu.memref_squeeze %dma_wait3A_118 : memref<1x125x80xi32, #tpu.memory_space<hbm>> -> memref<125x80xi32, #tpu.memory_space<hbm>>
      tpu.wait_dma2 semaphore(%run_scoped3A : memref<!tpu.dma_semaphore, #tpu.memory_space<semaphore_mem>>) src(%dma_wait3A_119 : memref<125x80xi32, #tpu.memory_space<hbm>>) dst(%arg7 : memref<125x80xi32, #tpu.memory_space<vmem>>)
      tpu.yield
    }) : () -> ()
    %dma_wait3A = arith.constant 0 : i32
    %dma_wait3A_33 = tpu.memref_slice %arg14[%mul3A_29, %dma_wait3A] : memref<10000x32xf32, #tpu.memory_space<vmem_shared>> -> memref<625x32xf32, #tpu.memory_space<vmem_shared>>
    %dma_wait3A_34 = arith.constant 0 : i32
    %dma_wait3A_35 = tpu.memref_slice %arg2[%mul3A_27, %dma_wait3A_34] : memref<10000x32xf32, #tpu.memory_space<hbm>> -> memref<625x32xf32, #tpu.memory_space<hbm>>
    tpu.wait_dma2 semaphore(%arg16 : memref<!tpu.dma_semaphore, #tpu.memory_space<semaphore_mem>>) src(%dma_wait3A_35 : memref<625x32xf32, #tpu.memory_space<hbm>>) dst(%dma_wait3A_33 : memref<625x32xf32, #tpu.memory_space<vmem_shared>>)
    %barrier3A = arith.constant 0 : index
    tpu.barrier barrier_id(%barrier3A)
    %dma_start3A_36 = arith.constant 0 : i32
    %dma_start3A_37 = arith.constant 0 : i32
    %dma_start3A_38 = tpu.memref_slice %arg6[%dma_start3A_36, %dma_start3A_37] : memref<125x80xi32, #tpu.memory_space<vmem>> -> memref<1x80xi32, #tpu.memory_space<vmem>>
    %dma_start3A_39 = tpu.memref_squeeze %dma_start3A_38 : memref<1x80xi32, #tpu.memory_space<vmem>> -> memref<80xi32, #tpu.memory_space<vmem>>
    %dma_start3A_40 = arith.constant 0 : i32
    %dma_start3A_41 = arith.constant 0 : i32
    %dma_start3A_42 = tpu.memref_slice %arg14[%dma_start3A_40, %dma_start3A_41] : memref<10000x32xf32, #tpu.memory_space<vmem_shared>> -> memref<10000x32xf32, #tpu.memory_space<vmem_shared>>
    tpu.enqueue_indirect_dma source(%dma_start3A_42 : memref<10000x32xf32, #tpu.memory_space<vmem_shared>>) target(%arg8 : memref<80x32xf32, #tpu.memory_space<vmem>>) offsets(%dma_start3A_39 : memref<80xi32, #tpu.memory_space<vmem>>) semaphore(%arg16 : memref<!tpu.dma_semaphore, #tpu.memory_space<semaphore_mem>>)
    %scan3A_43 = arith.constant 0 : i32
    %scan3A_44 = arith.constant 25 : i32
    %scan3A_45 = arith.addi %scan3A_43, %scan3A_44 : i32
    %scan3A_46 = arith.constant 1 : i32
    scf.for %scan3A_104 = %scan3A_43 to %scan3A_45 step %scan3A_46  : i32 {
      %mul3A_105 = arith.constant 1 : i32
      %mul3A_106 = arith.muli %scan3A_104, %mul3A_105 : i32
      %add3A_107 = arith.constant 0 : i32
      %add3A_108 = arith.addi %add3A_107, %mul3A_106 : i32
      %mul3A_109 = arith.constant 5 : i32
      %mul3A_110 = arith.muli %add3A_108, %mul3A_109 : i32
      %add3A_111 = arith.constant 0 : i32
      %add3A_112 = arith.addi %mul3A_110, %add3A_111 : i32
      %add3A_113 = arith.constant 1 : i32
      %add3A_114 = arith.addi %add3A_112, %add3A_113 : i32
      %lt3A = arith.constant 125 : i32
      %lt3A_115 = arith.cmpi slt, %add3A_114, %lt3A : i32
      %convert_element_type3A = arith.extui %lt3A_115 : i1 to i32
      %cond3A = arith.constant 0 : i32
      %cond3A_116 = arith.cmpi ne, %convert_element_type3A, %cond3A : i32
      scf.if %cond3A_116 {
        %ge3A = arith.constant 5 : i32
        %ge3A_213 = arith.cmpi sge, %add3A_114, %ge3A : i32
        %convert_element_type3A_214 = arith.extui %ge3A_213 : i1 to i32
        %cond3A_215 = arith.constant 0 : i32
        %cond3A_216 = arith.cmpi ne, %convert_element_type3A_214, %cond3A_215 : i32
        scf.if %cond3A_216 {
          %dma_wait3A_223 = arith.constant 0 : i32
          %dma_wait3A_224 = arith.constant 0 : i32
          %dma_wait3A_225 = tpu.memref_slice %arg7[%dma_wait3A_223, %dma_wait3A_224] : memref<125x80xi32, #tpu.memory_space<vmem>> -> memref<1x80xi32, #tpu.memory_space<vmem>>
          %dma_wait3A_226 = tpu.memref_squeeze %dma_wait3A_225 : memref<1x80xi32, #tpu.memory_space<vmem>> -> memref<80xi32, #tpu.memory_space<vmem>>
          %dma_wait3A_227 = arith.constant 0 : i32
          %dma_wait3A_228 = arith.constant 0 : i32
          %dma_wait3A_229 = tpu.memref_slice %arg15[%dma_wait3A_227, %dma_wait3A_228] : memref<10240x32xf32, #tpu.memory_space<vmem_shared>> -> memref<10240x32xf32, #tpu.memory_space<vmem_shared>>
          tpu.wait_indirect_dma semaphore(%arg22 : memref<!tpu.dma_semaphore, #tpu.memory_space<semaphore_mem>>) src(%arg9 : memref<80x32xf32, #tpu.memory_space<vmem>>) dst(%dma_wait3A_229 : memref<10240x32xf32, #tpu.memory_space<vmem_shared>>)
        } else {
        }
        %dma_start3A_217 = arith.constant 0 : i32
        %dma_start3A_218 = tpu.memref_slice %arg6[%add3A_114, %dma_start3A_217] : memref<125x80xi32, #tpu.memory_space<vmem>> -> memref<1x80xi32, #tpu.memory_space<vmem>>
        %dma_start3A_219 = tpu.memref_squeeze %dma_start3A_218 : memref<1x80xi32, #tpu.memory_space<vmem>> -> memref<80xi32, #tpu.memory_space<vmem>>
        %dma_start3A_220 = arith.constant 0 : i32
        %dma_start3A_221 = arith.constant 0 : i32
        %dma_start3A_222 = tpu.memref_slice %arg14[%dma_start3A_220, %dma_start3A_221] : memref<10000x32xf32, #tpu.memory_space<vmem_shared>> -> memref<10000x32xf32, #tpu.memory_space<vmem_shared>>
        tpu.enqueue_indirect_dma source(%dma_start3A_222 : memref<10000x32xf32, #tpu.memory_space<vmem_shared>>) target(%arg9 : memref<80x32xf32, #tpu.memory_space<vmem>>) offsets(%dma_start3A_219 : memref<80xi32, #tpu.memory_space<vmem>>) semaphore(%arg17 : memref<!tpu.dma_semaphore, #tpu.memory_space<semaphore_mem>>)
      } else {
      }
      %dma_wait3A_117 = arith.constant 0 : i32
      %dma_wait3A_118 = tpu.memref_slice %arg6[%add3A_112, %dma_wait3A_117] : memref<125x80xi32, #tpu.memory_space<vmem>> -> memref<1x80xi32, #tpu.memory_space<vmem>>
      %dma_wait3A_119 = tpu.memref_squeeze %dma_wait3A_118 : memref<1x80xi32, #tpu.memory_space<vmem>> -> memref<80xi32, #tpu.memory_space<vmem>>
      %dma_wait3A_120 = arith.constant 0 : i32
      %dma_wait3A_121 = arith.constant 0 : i32
      %dma_wait3A_122 = tpu.memref_slice %arg14[%dma_wait3A_120, %dma_wait3A_121] : memref<10000x32xf32, #tpu.memory_space<vmem_shared>> -> memref<10000x32xf32, #tpu.memory_space<vmem_shared>>
      tpu.wait_indirect_dma semaphore(%arg16 : memref<!tpu.dma_semaphore, #tpu.memory_space<semaphore_mem>>) src(%dma_wait3A_122 : memref<10000x32xf32, #tpu.memory_space<vmem_shared>>) dst(%arg8 : memref<80x32xf32, #tpu.memory_space<vmem>>)
      %dma_start3A_123 = arith.constant 0 : i32
      %dma_start3A_124 = tpu.memref_slice %arg7[%add3A_112, %dma_start3A_123] : memref<125x80xi32, #tpu.memory_space<vmem>> -> memref<1x80xi32, #tpu.memory_space<vmem>>
      %dma_start3A_125 = tpu.memref_squeeze %dma_start3A_124 : memref<1x80xi32, #tpu.memory_space<vmem>> -> memref<80xi32, #tpu.memory_space<vmem>>
      %dma_start3A_126 = arith.constant 0 : i32
      %dma_start3A_127 = arith.constant 0 : i32
      %dma_start3A_128 = tpu.memref_slice %arg15[%dma_start3A_126, %dma_start3A_127] : memref<10240x32xf32, #tpu.memory_space<vmem_shared>> -> memref<10240x32xf32, #tpu.memory_space<vmem_shared>>
      tpu.enqueue_indirect_dma source(%arg8 : memref<80x32xf32, #tpu.memory_space<vmem>>) target(%dma_start3A_128 : memref<10240x32xf32, #tpu.memory_space<vmem_shared>>) offsets(%dma_start3A_125 : memref<80xi32, #tpu.memory_space<vmem>>) semaphore(%arg21 : memref<!tpu.dma_semaphore, #tpu.memory_space<semaphore_mem>>) {add = true}
      %add3A_129 = arith.constant 1 : i32
      %add3A_130 = arith.addi %mul3A_110, %add3A_129 : i32
      %add3A_131 = arith.constant 1 : i32
      %add3A_132 = arith.addi %add3A_130, %add3A_131 : i32
      %lt3A_133 = arith.constant 125 : i32
      %lt3A_134 = arith.cmpi slt, %add3A_132, %lt3A_133 : i32
      %convert_element_type3A_135 = arith.extui %lt3A_134 : i1 to i32
      %cond3A_136 = arith.constant 0 : i32
      %cond3A_137 = arith.cmpi ne, %convert_element_type3A_135, %cond3A_136 : i32
      scf.if %cond3A_137 {
        %ge3A = arith.constant 5 : i32
        %ge3A_213 = arith.cmpi sge, %add3A_132, %ge3A : i32
        %convert_element_type3A_214 = arith.extui %ge3A_213 : i1 to i32
        %cond3A_215 = arith.constant 0 : i32
        %cond3A_216 = arith.cmpi ne, %convert_element_type3A_214, %cond3A_215 : i32
        scf.if %cond3A_216 {
          %dma_wait3A_223 = arith.constant 0 : i32
          %dma_wait3A_224 = arith.constant 0 : i32
          %dma_wait3A_225 = tpu.memref_slice %arg7[%dma_wait3A_223, %dma_wait3A_224] : memref<125x80xi32, #tpu.memory_space<vmem>> -> memref<1x80xi32, #tpu.memory_space<vmem>>
          %dma_wait3A_226 = tpu.memref_squeeze %dma_wait3A_225 : memref<1x80xi32, #tpu.memory_space<vmem>> -> memref<80xi32, #tpu.memory_space<vmem>>
          %dma_wait3A_227 = arith.constant 0 : i32
          %dma_wait3A_228 = arith.constant 0 : i32
          %dma_wait3A_229 = tpu.memref_slice %arg15[%dma_wait3A_227, %dma_wait3A_228] : memref<10240x32xf32, #tpu.memory_space<vmem_shared>> -> memref<10240x32xf32, #tpu.memory_space<vmem_shared>>
          tpu.wait_indirect_dma semaphore(%arg23 : memref<!tpu.dma_semaphore, #tpu.memory_space<semaphore_mem>>) src(%arg10 : memref<80x32xf32, #tpu.memory_space<vmem>>) dst(%dma_wait3A_229 : memref<10240x32xf32, #tpu.memory_space<vmem_shared>>)
        } else {
        }
        %dma_start3A_217 = arith.constant 0 : i32
        %dma_start3A_218 = tpu.memref_slice %arg6[%add3A_132, %dma_start3A_217] : memref<125x80xi32, #tpu.memory_space<vmem>> -> memref<1x80xi32, #tpu.memory_space<vmem>>
        %dma_start3A_219 = tpu.memref_squeeze %dma_start3A_218 : memref<1x80xi32, #tpu.memory_space<vmem>> -> memref<80xi32, #tpu.memory_space<vmem>>
        %dma_start3A_220 = arith.constant 0 : i32
        %dma_start3A_221 = arith.constant 0 : i32
        %dma_start3A_222 = tpu.memref_slice %arg14[%dma_start3A_220, %dma_start3A_221] : memref<10000x32xf32, #tpu.memory_space<vmem_shared>> -> memref<10000x32xf32, #tpu.memory_space<vmem_shared>>
        tpu.enqueue_indirect_dma source(%dma_start3A_222 : memref<10000x32xf32, #tpu.memory_space<vmem_shared>>) target(%arg10 : memref<80x32xf32, #tpu.memory_space<vmem>>) offsets(%dma_start3A_219 : memref<80xi32, #tpu.memory_space<vmem>>) semaphore(%arg18 : memref<!tpu.dma_semaphore, #tpu.memory_space<semaphore_mem>>)
      } else {
      }
      %dma_wait3A_138 = arith.constant 0 : i32
      %dma_wait3A_139 = tpu.memref_slice %arg6[%add3A_130, %dma_wait3A_138] : memref<125x80xi32, #tpu.memory_space<vmem>> -> memref<1x80xi32, #tpu.memory_space<vmem>>
      %dma_wait3A_140 = tpu.memref_squeeze %dma_wait3A_139 : memref<1x80xi32, #tpu.memory_space<vmem>> -> memref<80xi32, #tpu.memory_space<vmem>>
      %dma_wait3A_141 = arith.constant 0 : i32
      %dma_wait3A_142 = arith.constant 0 : i32
      %dma_wait3A_143 = tpu.memref_slice %arg14[%dma_wait3A_141, %dma_wait3A_142] : memref<10000x32xf32, #tpu.memory_space<vmem_shared>> -> memref<10000x32xf32, #tpu.memory_space<vmem_shared>>
      tpu.wait_indirect_dma semaphore(%arg17 : memref<!tpu.dma_semaphore, #tpu.memory_space<semaphore_mem>>) src(%dma_wait3A_143 : memref<10000x32xf32, #tpu.memory_space<vmem_shared>>) dst(%arg9 : memref<80x32xf32, #tpu.memory_space<vmem>>)
      %dma_start3A_144 = arith.constant 0 : i32
      %dma_start3A_145 = tpu.memref_slice %arg7[%add3A_130, %dma_start3A_144] : memref<125x80xi32, #tpu.memory_space<vmem>> -> memref<1x80xi32, #tpu.memory_space<vmem>>
      %dma_start3A_146 = tpu.memref_squeeze %dma_start3A_145 : memref<1x80xi32, #tpu.memory_space<vmem>> -> memref<80xi32, #tpu.memory_space<vmem>>
      %dma_start3A_147 = arith.constant 0 : i32
      %dma_start3A_148 = arith.constant 0 : i32
      %dma_start3A_149 = tpu.memref_slice %arg15[%dma_start3A_147, %dma_start3A_148] : memref<10240x32xf32, #tpu.memory_space<vmem_shared>> -> memref<10240x32xf32, #tpu.memory_space<vmem_shared>>
      tpu.enqueue_indirect_dma source(%arg9 : memref<80x32xf32, #tpu.memory_space<vmem>>) target(%dma_start3A_149 : memref<10240x32xf32, #tpu.memory_space<vmem_shared>>) offsets(%dma_start3A_146 : memref<80xi32, #tpu.memory_space<vmem>>) semaphore(%arg22 : memref<!tpu.dma_semaphore, #tpu.memory_space<semaphore_mem>>) {add = true}
      %add3A_150 = arith.constant 2 : i32
      %add3A_151 = arith.addi %mul3A_110, %add3A_150 : i32
      %add3A_152 = arith.constant 1 : i32
      %add3A_153 = arith.addi %add3A_151, %add3A_152 : i32
      %lt3A_154 = arith.constant 125 : i32
      %lt3A_155 = arith.cmpi slt, %add3A_153, %lt3A_154 : i32
      %convert_element_type3A_156 = arith.extui %lt3A_155 : i1 to i32
      %cond3A_157 = arith.constant 0 : i32
      %cond3A_158 = arith.cmpi ne, %convert_element_type3A_156, %cond3A_157 : i32
      scf.if %cond3A_158 {
        %ge3A = arith.constant 5 : i32
        %ge3A_213 = arith.cmpi sge, %add3A_153, %ge3A : i32
        %convert_element_type3A_214 = arith.extui %ge3A_213 : i1 to i32
        %cond3A_215 = arith.constant 0 : i32
        %cond3A_216 = arith.cmpi ne, %convert_element_type3A_214, %cond3A_215 : i32
        scf.if %cond3A_216 {
          %dma_wait3A_223 = arith.constant 0 : i32
          %dma_wait3A_224 = arith.constant 0 : i32
          %dma_wait3A_225 = tpu.memref_slice %arg7[%dma_wait3A_223, %dma_wait3A_224] : memref<125x80xi32, #tpu.memory_space<vmem>> -> memref<1x80xi32, #tpu.memory_space<vmem>>
          %dma_wait3A_226 = tpu.memref_squeeze %dma_wait3A_225 : memref<1x80xi32, #tpu.memory_space<vmem>> -> memref<80xi32, #tpu.memory_space<vmem>>
          %dma_wait3A_227 = arith.constant 0 : i32
          %dma_wait3A_228 = arith.constant 0 : i32
          %dma_wait3A_229 = tpu.memref_slice %arg15[%dma_wait3A_227, %dma_wait3A_228] : memref<10240x32xf32, #tpu.memory_space<vmem_shared>> -> memref<10240x32xf32, #tpu.memory_space<vmem_shared>>
          tpu.wait_indirect_dma semaphore(%arg24 : memref<!tpu.dma_semaphore, #tpu.memory_space<semaphore_mem>>) src(%arg11 : memref<80x32xf32, #tpu.memory_space<vmem>>) dst(%dma_wait3A_229 : memref<10240x32xf32, #tpu.memory_space<vmem_shared>>)
        } else {
        }
        %dma_start3A_217 = arith.constant 0 : i32
        %dma_start3A_218 = tpu.memref_slice %arg6[%add3A_153, %dma_start3A_217] : memref<125x80xi32, #tpu.memory_space<vmem>> -> memref<1x80xi32, #tpu.memory_space<vmem>>
        %dma_start3A_219 = tpu.memref_squeeze %dma_start3A_218 : memref<1x80xi32, #tpu.memory_space<vmem>> -> memref<80xi32, #tpu.memory_space<vmem>>
        %dma_start3A_220 = arith.constant 0 : i32
        %dma_start3A_221 = arith.constant 0 : i32
        %dma_start3A_222 = tpu.memref_slice %arg14[%dma_start3A_220, %dma_start3A_221] : memref<10000x32xf32, #tpu.memory_space<vmem_shared>> -> memref<10000x32xf32, #tpu.memory_space<vmem_shared>>
        tpu.enqueue_indirect_dma source(%dma_start3A_222 : memref<10000x32xf32, #tpu.memory_space<vmem_shared>>) target(%arg11 : memref<80x32xf32, #tpu.memory_space<vmem>>) offsets(%dma_start3A_219 : memref<80xi32, #tpu.memory_space<vmem>>) semaphore(%arg19 : memref<!tpu.dma_semaphore, #tpu.memory_space<semaphore_mem>>)
      } else {
      }
      %dma_wait3A_159 = arith.constant 0 : i32
      %dma_wait3A_160 = tpu.memref_slice %arg6[%add3A_151, %dma_wait3A_159] : memref<125x80xi32, #tpu.memory_space<vmem>> -> memref<1x80xi32, #tpu.memory_space<vmem>>
      %dma_wait3A_161 = tpu.memref_squeeze %dma_wait3A_160 : memref<1x80xi32, #tpu.memory_space<vmem>> -> memref<80xi32, #tpu.memory_space<vmem>>
      %dma_wait3A_162 = arith.constant 0 : i32
      %dma_wait3A_163 = arith.constant 0 : i32
      %dma_wait3A_164 = tpu.memref_slice %arg14[%dma_wait3A_162, %dma_wait3A_163] : memref<10000x32xf32, #tpu.memory_space<vmem_shared>> -> memref<10000x32xf32, #tpu.memory_space<vmem_shared>>
      tpu.wait_indirect_dma semaphore(%arg18 : memref<!tpu.dma_semaphore, #tpu.memory_space<semaphore_mem>>) src(%dma_wait3A_164 : memref<10000x32xf32, #tpu.memory_space<vmem_shared>>) dst(%arg10 : memref<80x32xf32, #tpu.memory_space<vmem>>)
      %dma_start3A_165 = arith.constant 0 : i32
      %dma_start3A_166 = tpu.memref_slice %arg7[%add3A_151, %dma_start3A_165] : memref<125x80xi32, #tpu.memory_space<vmem>> -> memref<1x80xi32, #tpu.memory_space<vmem>>
      %dma_start3A_167 = tpu.memref_squeeze %dma_start3A_166 : memref<1x80xi32, #tpu.memory_space<vmem>> -> memref<80xi32, #tpu.memory_space<vmem>>
      %dma_start3A_168 = arith.constant 0 : i32
      %dma_start3A_169 = arith.constant 0 : i32
      %dma_start3A_170 = tpu.memref_slice %arg15[%dma_start3A_168, %dma_start3A_169] : memref<10240x32xf32, #tpu.memory_space<vmem_shared>> -> memref<10240x32xf32, #tpu.memory_space<vmem_shared>>
      tpu.enqueue_indirect_dma source(%arg10 : memref<80x32xf32, #tpu.memory_space<vmem>>) target(%dma_start3A_170 : memref<10240x32xf32, #tpu.memory_space<vmem_shared>>) offsets(%dma_start3A_167 : memref<80xi32, #tpu.memory_space<vmem>>) semaphore(%arg23 : memref<!tpu.dma_semaphore, #tpu.memory_space<semaphore_mem>>) {add = true}
      %add3A_171 = arith.constant 3 : i32
      %add3A_172 = arith.addi %mul3A_110, %add3A_171 : i32
      %add3A_173 = arith.constant 1 : i32
      %add3A_174 = arith.addi %add3A_172, %add3A_173 : i32
      %lt3A_175 = arith.constant 125 : i32
      %lt3A_176 = arith.cmpi slt, %add3A_174, %lt3A_175 : i32
      %convert_element_type3A_177 = arith.extui %lt3A_176 : i1 to i32
      %cond3A_178 = arith.constant 0 : i32
      %cond3A_179 = arith.cmpi ne, %convert_element_type3A_177, %cond3A_178 : i32
      scf.if %cond3A_179 {
        %ge3A = arith.constant 5 : i32
        %ge3A_213 = arith.cmpi sge, %add3A_174, %ge3A : i32
        %convert_element_type3A_214 = arith.extui %ge3A_213 : i1 to i32
        %cond3A_215 = arith.constant 0 : i32
        %cond3A_216 = arith.cmpi ne, %convert_element_type3A_214, %cond3A_215 : i32
        scf.if %cond3A_216 {
          %dma_wait3A_223 = arith.constant 0 : i32
          %dma_wait3A_224 = arith.constant 0 : i32
          %dma_wait3A_225 = tpu.memref_slice %arg7[%dma_wait3A_223, %dma_wait3A_224] : memref<125x80xi32, #tpu.memory_space<vmem>> -> memref<1x80xi32, #tpu.memory_space<vmem>>
          %dma_wait3A_226 = tpu.memref_squeeze %dma_wait3A_225 : memref<1x80xi32, #tpu.memory_space<vmem>> -> memref<80xi32, #tpu.memory_space<vmem>>
          %dma_wait3A_227 = arith.constant 0 : i32
          %dma_wait3A_228 = arith.constant 0 : i32
          %dma_wait3A_229 = tpu.memref_slice %arg15[%dma_wait3A_227, %dma_wait3A_228] : memref<10240x32xf32, #tpu.memory_space<vmem_shared>> -> memref<10240x32xf32, #tpu.memory_space<vmem_shared>>
          tpu.wait_indirect_dma semaphore(%arg25 : memref<!tpu.dma_semaphore, #tpu.memory_space<semaphore_mem>>) src(%arg12 : memref<80x32xf32, #tpu.memory_space<vmem>>) dst(%dma_wait3A_229 : memref<10240x32xf32, #tpu.memory_space<vmem_shared>>)
        } else {
        }
        %dma_start3A_217 = arith.constant 0 : i32
        %dma_start3A_218 = tpu.memref_slice %arg6[%add3A_174, %dma_start3A_217] : memref<125x80xi32, #tpu.memory_space<vmem>> -> memref<1x80xi32, #tpu.memory_space<vmem>>
        %dma_start3A_219 = tpu.memref_squeeze %dma_start3A_218 : memref<1x80xi32, #tpu.memory_space<vmem>> -> memref<80xi32, #tpu.memory_space<vmem>>
        %dma_start3A_220 = arith.constant 0 : i32
        %dma_start3A_221 = arith.constant 0 : i32
        %dma_start3A_222 = tpu.memref_slice %arg14[%dma_start3A_220, %dma_start3A_221] : memref<10000x32xf32, #tpu.memory_space<vmem_shared>> -> memref<10000x32xf32, #tpu.memory_space<vmem_shared>>
        tpu.enqueue_indirect_dma source(%dma_start3A_222 : memref<10000x32xf32, #tpu.memory_space<vmem_shared>>) target(%arg12 : memref<80x32xf32, #tpu.memory_space<vmem>>) offsets(%dma_start3A_219 : memref<80xi32, #tpu.memory_space<vmem>>) semaphore(%arg20 : memref<!tpu.dma_semaphore, #tpu.memory_space<semaphore_mem>>)
      } else {
      }
      %dma_wait3A_180 = arith.constant 0 : i32
      %dma_wait3A_181 = tpu.memref_slice %arg6[%add3A_172, %dma_wait3A_180] : memref<125x80xi32, #tpu.memory_space<vmem>> -> memref<1x80xi32, #tpu.memory_space<vmem>>
      %dma_wait3A_182 = tpu.memref_squeeze %dma_wait3A_181 : memref<1x80xi32, #tpu.memory_space<vmem>> -> memref<80xi32, #tpu.memory_space<vmem>>
      %dma_wait3A_183 = arith.constant 0 : i32
      %dma_wait3A_184 = arith.constant 0 : i32
      %dma_wait3A_185 = tpu.memref_slice %arg14[%dma_wait3A_183, %dma_wait3A_184] : memref<10000x32xf32, #tpu.memory_space<vmem_shared>> -> memref<10000x32xf32, #tpu.memory_space<vmem_shared>>
      tpu.wait_indirect_dma semaphore(%arg19 : memref<!tpu.dma_semaphore, #tpu.memory_space<semaphore_mem>>) src(%dma_wait3A_185 : memref<10000x32xf32, #tpu.memory_space<vmem_shared>>) dst(%arg11 : memref<80x32xf32, #tpu.memory_space<vmem>>)
      %dma_start3A_186 = arith.constant 0 : i32
      %dma_start3A_187 = tpu.memref_slice %arg7[%add3A_172, %dma_start3A_186] : memref<125x80xi32, #tpu.memory_space<vmem>> -> memref<1x80xi32, #tpu.memory_space<vmem>>
      %dma_start3A_188 = tpu.memref_squeeze %dma_start3A_187 : memref<1x80xi32, #tpu.memory_space<vmem>> -> memref<80xi32, #tpu.memory_space<vmem>>
      %dma_start3A_189 = arith.constant 0 : i32
      %dma_start3A_190 = arith.constant 0 : i32
      %dma_start3A_191 = tpu.memref_slice %arg15[%dma_start3A_189, %dma_start3A_190] : memref<10240x32xf32, #tpu.memory_space<vmem_shared>> -> memref<10240x32xf32, #tpu.memory_space<vmem_shared>>
      tpu.enqueue_indirect_dma source(%arg11 : memref<80x32xf32, #tpu.memory_space<vmem>>) target(%dma_start3A_191 : memref<10240x32xf32, #tpu.memory_space<vmem_shared>>) offsets(%dma_start3A_188 : memref<80xi32, #tpu.memory_space<vmem>>) semaphore(%arg24 : memref<!tpu.dma_semaphore, #tpu.memory_space<semaphore_mem>>) {add = true}
      %add3A_192 = arith.constant 4 : i32
      %add3A_193 = arith.addi %mul3A_110, %add3A_192 : i32
      %add3A_194 = arith.constant 1 : i32
      %add3A_195 = arith.addi %add3A_193, %add3A_194 : i32
      %lt3A_196 = arith.constant 125 : i32
      %lt3A_197 = arith.cmpi slt, %add3A_195, %lt3A_196 : i32
      %convert_element_type3A_198 = arith.extui %lt3A_197 : i1 to i32
      %cond3A_199 = arith.constant 0 : i32
      %cond3A_200 = arith.cmpi ne, %convert_element_type3A_198, %cond3A_199 : i32
      scf.if %cond3A_200 {
        %ge3A = arith.constant 5 : i32
        %ge3A_213 = arith.cmpi sge, %add3A_195, %ge3A : i32
        %convert_element_type3A_214 = arith.extui %ge3A_213 : i1 to i32
        %cond3A_215 = arith.constant 0 : i32
        %cond3A_216 = arith.cmpi ne, %convert_element_type3A_214, %cond3A_215 : i32
        scf.if %cond3A_216 {
          %dma_wait3A_223 = arith.constant 0 : i32
          %dma_wait3A_224 = arith.constant 0 : i32
          %dma_wait3A_225 = tpu.memref_slice %arg7[%dma_wait3A_223, %dma_wait3A_224] : memref<125x80xi32, #tpu.memory_space<vmem>> -> memref<1x80xi32, #tpu.memory_space<vmem>>
          %dma_wait3A_226 = tpu.memref_squeeze %dma_wait3A_225 : memref<1x80xi32, #tpu.memory_space<vmem>> -> memref<80xi32, #tpu.memory_space<vmem>>
          %dma_wait3A_227 = arith.constant 0 : i32
          %dma_wait3A_228 = arith.constant 0 : i32
          %dma_wait3A_229 = tpu.memref_slice %arg15[%dma_wait3A_227, %dma_wait3A_228] : memref<10240x32xf32, #tpu.memory_space<vmem_shared>> -> memref<10240x32xf32, #tpu.memory_space<vmem_shared>>
          tpu.wait_indirect_dma semaphore(%arg21 : memref<!tpu.dma_semaphore, #tpu.memory_space<semaphore_mem>>) src(%arg8 : memref<80x32xf32, #tpu.memory_space<vmem>>) dst(%dma_wait3A_229 : memref<10240x32xf32, #tpu.memory_space<vmem_shared>>)
        } else {
        }
        %dma_start3A_217 = arith.constant 0 : i32
        %dma_start3A_218 = tpu.memref_slice %arg6[%add3A_195, %dma_start3A_217] : memref<125x80xi32, #tpu.memory_space<vmem>> -> memref<1x80xi32, #tpu.memory_space<vmem>>
        %dma_start3A_219 = tpu.memref_squeeze %dma_start3A_218 : memref<1x80xi32, #tpu.memory_space<vmem>> -> memref<80xi32, #tpu.memory_space<vmem>>
        %dma_start3A_220 = arith.constant 0 : i32
        %dma_start3A_221 = arith.constant 0 : i32
        %dma_start3A_222 = tpu.memref_slice %arg14[%dma_start3A_220, %dma_start3A_221] : memref<10000x32xf32, #tpu.memory_space<vmem_shared>> -> memref<10000x32xf32, #tpu.memory_space<vmem_shared>>
        tpu.enqueue_indirect_dma source(%dma_start3A_222 : memref<10000x32xf32, #tpu.memory_space<vmem_shared>>) target(%arg8 : memref<80x32xf32, #tpu.memory_space<vmem>>) offsets(%dma_start3A_219 : memref<80xi32, #tpu.memory_space<vmem>>) semaphore(%arg16 : memref<!tpu.dma_semaphore, #tpu.memory_space<semaphore_mem>>)
      } else {
      }
      %dma_wait3A_201 = arith.constant 0 : i32
      %dma_wait3A_202 = tpu.memref_slice %arg6[%add3A_193, %dma_wait3A_201] : memref<125x80xi32, #tpu.memory_space<vmem>> -> memref<1x80xi32, #tpu.memory_space<vmem>>
      %dma_wait3A_203 = tpu.memref_squeeze %dma_wait3A_202 : memref<1x80xi32, #tpu.memory_space<vmem>> -> memref<80xi32, #tpu.memory_space<vmem>>
      %dma_wait3A_204 = arith.constant 0 : i32
      %dma_wait3A_205 = arith.constant 0 : i32
      %dma_wait3A_206 = tpu.memref_slice %arg14[%dma_wait3A_204, %dma_wait3A_205] : memref<10000x32xf32, #tpu.memory_space<vmem_shared>> -> memref<10000x32xf32, #tpu.memory_space<vmem_shared>>
      tpu.wait_indirect_dma semaphore(%arg20 : memref<!tpu.dma_semaphore, #tpu.memory_space<semaphore_mem>>) src(%dma_wait3A_206 : memref<10000x32xf32, #tpu.memory_space<vmem_shared>>) dst(%arg12 : memref<80x32xf32, #tpu.memory_space<vmem>>)
      %dma_start3A_207 = arith.constant 0 : i32
      %dma_start3A_208 = tpu.memref_slice %arg7[%add3A_193, %dma_start3A_207] : memref<125x80xi32, #tpu.memory_space<vmem>> -> memref<1x80xi32, #tpu.memory_space<vmem>>
      %dma_start3A_209 = tpu.memref_squeeze %dma_start3A_208 : memref<1x80xi32, #tpu.memory_space<vmem>> -> memref<80xi32, #tpu.memory_space<vmem>>
      %dma_start3A_210 = arith.constant 0 : i32
      %dma_start3A_211 = arith.constant 0 : i32
      %dma_start3A_212 = tpu.memref_slice %arg15[%dma_start3A_210, %dma_start3A_211] : memref<10240x32xf32, #tpu.memory_space<vmem_shared>> -> memref<10240x32xf32, #tpu.memory_space<vmem_shared>>
      tpu.enqueue_indirect_dma source(%arg12 : memref<80x32xf32, #tpu.memory_space<vmem>>) target(%dma_start3A_212 : memref<10240x32xf32, #tpu.memory_space<vmem_shared>>) offsets(%dma_start3A_209 : memref<80xi32, #tpu.memory_space<vmem>>) semaphore(%arg25 : memref<!tpu.dma_semaphore, #tpu.memory_space<semaphore_mem>>) {add = true}
    }
    %scan3A_47 = arith.constant 25 : i32
    %dma_wait3A_48 = arith.constant 0 : i32
    %dma_wait3A_49 = arith.constant 0 : i32
    %dma_wait3A_50 = tpu.memref_slice %arg7[%dma_wait3A_48, %dma_wait3A_49] : memref<125x80xi32, #tpu.memory_space<vmem>> -> memref<1x80xi32, #tpu.memory_space<vmem>>
    %dma_wait3A_51 = tpu.memref_squeeze %dma_wait3A_50 : memref<1x80xi32, #tpu.memory_space<vmem>> -> memref<80xi32, #tpu.memory_space<vmem>>
    %dma_wait3A_52 = arith.constant 0 : i32
    %dma_wait3A_53 = arith.constant 0 : i32
    %dma_wait3A_54 = tpu.memref_slice %arg15[%dma_wait3A_52, %dma_wait3A_53] : memref<10240x32xf32, #tpu.memory_space<vmem_shared>> -> memref<10240x32xf32, #tpu.memory_space<vmem_shared>>
    tpu.wait_indirect_dma semaphore(%arg21 : memref<!tpu.dma_semaphore, #tpu.memory_space<semaphore_mem>>) src(%arg8 : memref<80x32xf32, #tpu.memory_space<vmem>>) dst(%dma_wait3A_54 : memref<10240x32xf32, #tpu.memory_space<vmem_shared>>)
    %dma_wait3A_55 = arith.constant 0 : i32
    %dma_wait3A_56 = arith.constant 0 : i32
    %dma_wait3A_57 = tpu.memref_slice %arg7[%dma_wait3A_55, %dma_wait3A_56] : memref<125x80xi32, #tpu.memory_space<vmem>> -> memref<1x80xi32, #tpu.memory_space<vmem>>
    %dma_wait3A_58 = tpu.memref_squeeze %dma_wait3A_57 : memref<1x80xi32, #tpu.memory_space<vmem>> -> memref<80xi32, #tpu.memory_space<vmem>>
    %dma_wait3A_59 = arith.constant 0 : i32
    %dma_wait3A_60 = arith.constant 0 : i32
    %dma_wait3A_61 = tpu.memref_slice %arg15[%dma_wait3A_59, %dma_wait3A_60] : memref<10240x32xf32, #tpu.memory_space<vmem_shared>> -> memref<10240x32xf32, #tpu.memory_space<vmem_shared>>
    tpu.wait_indirect_dma semaphore(%arg22 : memref<!tpu.dma_semaphore, #tpu.memory_space<semaphore_mem>>) src(%arg9 : memref<80x32xf32, #tpu.memory_space<vmem>>) dst(%dma_wait3A_61 : memref<10240x32xf32, #tpu.memory_space<vmem_shared>>)
    %dma_wait3A_62 = arith.constant 0 : i32
    %dma_wait3A_63 = arith.constant 0 : i32
    %dma_wait3A_64 = tpu.memref_slice %arg7[%dma_wait3A_62, %dma_wait3A_63] : memref<125x80xi32, #tpu.memory_space<vmem>> -> memref<1x80xi32, #tpu.memory_space<vmem>>
    %dma_wait3A_65 = tpu.memref_squeeze %dma_wait3A_64 : memref<1x80xi32, #tpu.memory_space<vmem>> -> memref<80xi32, #tpu.memory_space<vmem>>
    %dma_wait3A_66 = arith.constant 0 : i32
    %dma_wait3A_67 = arith.constant 0 : i32
    %dma_wait3A_68 = tpu.memref_slice %arg15[%dma_wait3A_66, %dma_wait3A_67] : memref<10240x32xf32, #tpu.memory_space<vmem_shared>> -> memref<10240x32xf32, #tpu.memory_space<vmem_shared>>
    tpu.wait_indirect_dma semaphore(%arg23 : memref<!tpu.dma_semaphore, #tpu.memory_space<semaphore_mem>>) src(%arg10 : memref<80x32xf32, #tpu.memory_space<vmem>>) dst(%dma_wait3A_68 : memref<10240x32xf32, #tpu.memory_space<vmem_shared>>)
    %dma_wait3A_69 = arith.constant 0 : i32
    %dma_wait3A_70 = arith.constant 0 : i32
    %dma_wait3A_71 = tpu.memref_slice %arg7[%dma_wait3A_69, %dma_wait3A_70] : memref<125x80xi32, #tpu.memory_space<vmem>> -> memref<1x80xi32, #tpu.memory_space<vmem>>
    %dma_wait3A_72 = tpu.memref_squeeze %dma_wait3A_71 : memref<1x80xi32, #tpu.memory_space<vmem>> -> memref<80xi32, #tpu.memory_space<vmem>>
    %dma_wait3A_73 = arith.constant 0 : i32
    %dma_wait3A_74 = arith.constant 0 : i32
    %dma_wait3A_75 = tpu.memref_slice %arg15[%dma_wait3A_73, %dma_wait3A_74] : memref<10240x32xf32, #tpu.memory_space<vmem_shared>> -> memref<10240x32xf32, #tpu.memory_space<vmem_shared>>
    tpu.wait_indirect_dma semaphore(%arg24 : memref<!tpu.dma_semaphore, #tpu.memory_space<semaphore_mem>>) src(%arg11 : memref<80x32xf32, #tpu.memory_space<vmem>>) dst(%dma_wait3A_75 : memref<10240x32xf32, #tpu.memory_space<vmem_shared>>)
    %dma_wait3A_76 = arith.constant 0 : i32
    %dma_wait3A_77 = arith.constant 0 : i32
    %dma_wait3A_78 = tpu.memref_slice %arg7[%dma_wait3A_76, %dma_wait3A_77] : memref<125x80xi32, #tpu.memory_space<vmem>> -> memref<1x80xi32, #tpu.memory_space<vmem>>
    %dma_wait3A_79 = tpu.memref_squeeze %dma_wait3A_78 : memref<1x80xi32, #tpu.memory_space<vmem>> -> memref<80xi32, #tpu.memory_space<vmem>>
    %dma_wait3A_80 = arith.constant 0 : i32
    %dma_wait3A_81 = arith.constant 0 : i32
    %dma_wait3A_82 = tpu.memref_slice %arg15[%dma_wait3A_80, %dma_wait3A_81] : memref<10240x32xf32, #tpu.memory_space<vmem_shared>> -> memref<10240x32xf32, #tpu.memory_space<vmem_shared>>
    tpu.wait_indirect_dma semaphore(%arg25 : memref<!tpu.dma_semaphore, #tpu.memory_space<semaphore_mem>>) src(%arg12 : memref<80x32xf32, #tpu.memory_space<vmem>>) dst(%dma_wait3A_82 : memref<10240x32xf32, #tpu.memory_space<vmem_shared>>)
    %barrier3A_83 = arith.constant 0 : index
    tpu.barrier barrier_id(%barrier3A_83)
    %mul3A_84 = arith.constant 640 : i32
    %mul3A_85 = arith.muli %arg1, %mul3A_84 : i32
    %add3A_86 = arith.constant 0 : i32
    %add3A_87 = arith.addi %mul3A_85, %add3A_86 : i32
    "tpu.region"() ({
      %run_scoped3A = tpu.sem_alloc : memref<!tpu.dma_semaphore, #tpu.memory_space<semaphore_mem>>
      %dma_start3A_104 = arith.constant 0 : i32
      %dma_start3A_105 = tpu.memref_slice %arg5[%arg0, %add3A_87, %dma_start3A_104] : memref<2x10240x32xf32, #tpu.memory_space<hbm>> -> memref<1x128x32xf32, #tpu.memory_space<hbm>>
      %dma_start3A_106 = tpu.memref_squeeze %dma_start3A_105 : memref<1x128x32xf32, #tpu.memory_space<hbm>> -> memref<128x32xf32, #tpu.memory_space<hbm>>
      %dma_start3A_107 = arith.constant 0 : i32
      %dma_start3A_108 = tpu.memref_slice %arg15[%add3A_87, %dma_start3A_107] : memref<10240x32xf32, #tpu.memory_space<vmem_shared>> -> memref<128x32xf32, #tpu.memory_space<vmem_shared>>
      tpu.enqueue_dma source(%dma_start3A_108 : memref<128x32xf32, #tpu.memory_space<vmem_shared>>) target(%dma_start3A_106 : memref<128x32xf32, #tpu.memory_space<hbm>>) target_semaphore(%run_scoped3A : memref<!tpu.dma_semaphore, #tpu.memory_space<semaphore_mem>>)
      %dma_wait3A_109 = arith.constant 0 : i32
      %dma_wait3A_110 = tpu.memref_slice %arg5[%arg0, %add3A_87, %dma_wait3A_109] : memref<2x10240x32xf32, #tpu.memory_space<hbm>> -> memref<1x128x32xf32, #tpu.memory_space<hbm>>
      %dma_wait3A_111 = tpu.memref_squeeze %dma_wait3A_110 : memref<1x128x32xf32, #tpu.memory_space<hbm>> -> memref<128x32xf32, #tpu.memory_space<hbm>>
      %dma_wait3A_112 = arith.constant 0 : i32
      %dma_wait3A_113 = tpu.memref_slice %arg15[%add3A_87, %dma_wait3A_112] : memref<10240x32xf32, #tpu.memory_space<vmem_shared>> -> memref<128x32xf32, #tpu.memory_space<vmem_shared>>
      tpu.wait_dma2 semaphore(%run_scoped3A : memref<!tpu.dma_semaphore, #tpu.memory_space<semaphore_mem>>) src(%dma_wait3A_113 : memref<128x32xf32, #tpu.memory_space<vmem_shared>>) dst(%dma_wait3A_111 : memref<128x32xf32, #tpu.memory_space<hbm>>)
      tpu.yield
    }) : () -> ()
    %mul3A_88 = arith.constant 640 : i32
    %mul3A_89 = arith.muli %arg1, %mul3A_88 : i32
    %add3A_90 = arith.constant 128 : i32
    %add3A_91 = arith.addi %mul3A_89, %add3A_90 : i32
    "tpu.region"() ({
      %run_scoped3A = tpu.sem_alloc : memref<!tpu.dma_semaphore, #tpu.memory_space<semaphore_mem>>
      %dma_start3A_104 = arith.constant 0 : i32
      %dma_start3A_105 = tpu.memref_slice %arg5[%arg0, %add3A_91, %dma_start3A_104] : memref<2x10240x32xf32, #tpu.memory_space<hbm>> -> memref<1x128x32xf32, #tpu.memory_space<hbm>>
      %dma_start3A_106 = tpu.memref_squeeze %dma_start3A_105 : memref<1x128x32xf32, #tpu.memory_space<hbm>> -> memref<128x32xf32, #tpu.memory_space<hbm>>
      %dma_start3A_107 = arith.constant 0 : i32
      %dma_start3A_108 = tpu.memref_slice %arg15[%add3A_91, %dma_start3A_107] : memref<10240x32xf32, #tpu.memory_space<vmem_shared>> -> memref<128x32xf32, #tpu.memory_space<vmem_shared>>
      tpu.enqueue_dma source(%dma_start3A_108 : memref<128x32xf32, #tpu.memory_space<vmem_shared>>) target(%dma_start3A_106 : memref<128x32xf32, #tpu.memory_space<hbm>>) target_semaphore(%run_scoped3A : memref<!tpu.dma_semaphore, #tpu.memory_space<semaphore_mem>>)
      %dma_wait3A_109 = arith.constant 0 : i32
      %dma_wait3A_110 = tpu.memref_slice %arg5[%arg0, %add3A_91, %dma_wait3A_109] : memref<2x10240x32xf32, #tpu.memory_space<hbm>> -> memref<1x128x32xf32, #tpu.memory_space<hbm>>
      %dma_wait3A_111 = tpu.memref_squeeze %dma_wait3A_110 : memref<1x128x32xf32, #tpu.memory_space<hbm>> -> memref<128x32xf32, #tpu.memory_space<hbm>>
      %dma_wait3A_112 = arith.constant 0 : i32
      %dma_wait3A_113 = tpu.memref_slice %arg15[%add3A_91, %dma_wait3A_112] : memref<10240x32xf32, #tpu.memory_space<vmem_shared>> -> memref<128x32xf32, #tpu.memory_space<vmem_shared>>
      tpu.wait_dma2 semaphore(%run_scoped3A : memref<!tpu.dma_semaphore, #tpu.memory_space<semaphore_mem>>) src(%dma_wait3A_113 : memref<128x32xf32, #tpu.memory_space<vmem_shared>>) dst(%dma_wait3A_111 : memref<128x32xf32, #tpu.memory_space<hbm>>)
      tpu.yield
    }) : () -> ()
    %mul3A_92 = arith.constant 640 : i32
    %mul3A_93 = arith.muli %arg1, %mul3A_92 : i32
    %add3A_94 = arith.constant 256 : i32
    %add3A_95 = arith.addi %mul3A_93, %add3A_94 : i32
    "tpu.region"() ({
      %run_scoped3A = tpu.sem_alloc : memref<!tpu.dma_semaphore, #tpu.memory_space<semaphore_mem>>
      %dma_start3A_104 = arith.constant 0 : i32
      %dma_start3A_105 = tpu.memref_slice %arg5[%arg0, %add3A_95, %dma_start3A_104] : memref<2x10240x32xf32, #tpu.memory_space<hbm>> -> memref<1x128x32xf32, #tpu.memory_space<hbm>>
      %dma_start3A_106 = tpu.memref_squeeze %dma_start3A_105 : memref<1x128x32xf32, #tpu.memory_space<hbm>> -> memref<128x32xf32, #tpu.memory_space<hbm>>
      %dma_start3A_107 = arith.constant 0 : i32
      %dma_start3A_108 = tpu.memref_slice %arg15[%add3A_95, %dma_start3A_107] : memref<10240x32xf32, #tpu.memory_space<vmem_shared>> -> memref<128x32xf32, #tpu.memory_space<vmem_shared>>
      tpu.enqueue_dma source(%dma_start3A_108 : memref<128x32xf32, #tpu.memory_space<vmem_shared>>) target(%dma_start3A_106 : memref<128x32xf32, #tpu.memory_space<hbm>>) target_semaphore(%run_scoped3A : memref<!tpu.dma_semaphore, #tpu.memory_space<semaphore_mem>>)
      %dma_wait3A_109 = arith.constant 0 : i32
      %dma_wait3A_110 = tpu.memref_slice %arg5[%arg0, %add3A_95, %dma_wait3A_109] : memref<2x10240x32xf32, #tpu.memory_space<hbm>> -> memref<1x128x32xf32, #tpu.memory_space<hbm>>
      %dma_wait3A_111 = tpu.memref_squeeze %dma_wait3A_110 : memref<1x128x32xf32, #tpu.memory_space<hbm>> -> memref<128x32xf32, #tpu.memory_space<hbm>>
      %dma_wait3A_112 = arith.constant 0 : i32
      %dma_wait3A_113 = tpu.memref_slice %arg15[%add3A_95, %dma_wait3A_112] : memref<10240x32xf32, #tpu.memory_space<vmem_shared>> -> memref<128x32xf32, #tpu.memory_space<vmem_shared>>
      tpu.wait_dma2 semaphore(%run_scoped3A : memref<!tpu.dma_semaphore, #tpu.memory_space<semaphore_mem>>) src(%dma_wait3A_113 : memref<128x32xf32, #tpu.memory_space<vmem_shared>>) dst(%dma_wait3A_111 : memref<128x32xf32, #tpu.memory_space<hbm>>)
      tpu.yield
    }) : () -> ()
    %mul3A_96 = arith.constant 640 : i32
    %mul3A_97 = arith.muli %arg1, %mul3A_96 : i32
    %add3A_98 = arith.constant 384 : i32
    %add3A_99 = arith.addi %mul3A_97, %add3A_98 : i32
    "tpu.region"() ({
      %run_scoped3A = tpu.sem_alloc : memref<!tpu.dma_semaphore, #tpu.memory_space<semaphore_mem>>
      %dma_start3A_104 = arith.constant 0 : i32
      %dma_start3A_105 = tpu.memref_slice %arg5[%arg0, %add3A_99, %dma_start3A_104] : memref<2x10240x32xf32, #tpu.memory_space<hbm>> -> memref<1x128x32xf32, #tpu.memory_space<hbm>>
      %dma_start3A_106 = tpu.memref_squeeze %dma_start3A_105 : memref<1x128x32xf32, #tpu.memory_space<hbm>> -> memref<128x32xf32, #tpu.memory_space<hbm>>
      %dma_start3A_107 = arith.constant 0 : i32
      %dma_start3A_108 = tpu.memref_slice %arg15[%add3A_99, %dma_start3A_107] : memref<10240x32xf32, #tpu.memory_space<vmem_shared>> -> memref<128x32xf32, #tpu.memory_space<vmem_shared>>
      tpu.enqueue_dma source(%dma_start3A_108 : memref<128x32xf32, #tpu.memory_space<vmem_shared>>) target(%dma_start3A_106 : memref<128x32xf32, #tpu.memory_space<hbm>>) target_semaphore(%run_scoped3A : memref<!tpu.dma_semaphore, #tpu.memory_space<semaphore_mem>>)
      %dma_wait3A_109 = arith.constant 0 : i32
      %dma_wait3A_110 = tpu.memref_slice %arg5[%arg0, %add3A_99, %dma_wait3A_109] : memref<2x10240x32xf32, #tpu.memory_space<hbm>> -> memref<1x128x32xf32, #tpu.memory_space<hbm>>
      %dma_wait3A_111 = tpu.memref_squeeze %dma_wait3A_110 : memref<1x128x32xf32, #tpu.memory_space<hbm>> -> memref<128x32xf32, #tpu.memory_space<hbm>>
      %dma_wait3A_112 = arith.constant 0 : i32
      %dma_wait3A_113 = tpu.memref_slice %arg15[%add3A_99, %dma_wait3A_112] : memref<10240x32xf32, #tpu.memory_space<vmem_shared>> -> memref<128x32xf32, #tpu.memory_space<vmem_shared>>
      tpu.wait_dma2 semaphore(%run_scoped3A : memref<!tpu.dma_semaphore, #tpu.memory_space<semaphore_mem>>) src(%dma_wait3A_113 : memref<128x32xf32, #tpu.memory_space<vmem_shared>>) dst(%dma_wait3A_111 : memref<128x32xf32, #tpu.memory_space<hbm>>)
      tpu.yield
    }) : () -> ()
    %mul3A_100 = arith.constant 640 : i32
    %mul3A_101 = arith.muli %arg1, %mul3A_100 : i32
    %add3A_102 = arith.constant 512 : i32
    %add3A_103 = arith.addi %mul3A_101, %add3A_102 : i32
    "tpu.region"() ({
      %run_scoped3A = tpu.sem_alloc : memref<!tpu.dma_semaphore, #tpu.memory_space<semaphore_mem>>
      %dma_start3A_104 = arith.constant 0 : i32
      %dma_start3A_105 = tpu.memref_slice %arg5[%arg0, %add3A_103, %dma_start3A_104] : memref<2x10240x32xf32, #tpu.memory_space<hbm>> -> memref<1x128x32xf32, #tpu.memory_space<hbm>>
      %dma_start3A_106 = tpu.memref_squeeze %dma_start3A_105 : memref<1x128x32xf32, #tpu.memory_space<hbm>> -> memref<128x32xf32, #tpu.memory_space<hbm>>
      %dma_start3A_107 = arith.constant 0 : i32
      %dma_start3A_108 = tpu.memref_slice %arg15[%add3A_103, %dma_start3A_107] : memref<10240x32xf32, #tpu.memory_space<vmem_shared>> -> memref<128x32xf32, #tpu.memory_space<vmem_shared>>
      tpu.enqueue_dma source(%dma_start3A_108 : memref<128x32xf32, #tpu.memory_space<vmem_shared>>) target(%dma_start3A_106 : memref<128x32xf32, #tpu.memory_space<hbm>>) target_semaphore(%run_scoped3A : memref<!tpu.dma_semaphore, #tpu.memory_space<semaphore_mem>>)
      %dma_wait3A_109 = arith.constant 0 : i32
      %dma_wait3A_110 = tpu.memref_slice %arg5[%arg0, %add3A_103, %dma_wait3A_109] : memref<2x10240x32xf32, #tpu.memory_space<hbm>> -> memref<1x128x32xf32, #tpu.memory_space<hbm>>
      %dma_wait3A_111 = tpu.memref_squeeze %dma_wait3A_110 : memref<1x128x32xf32, #tpu.memory_space<hbm>> -> memref<128x32xf32, #tpu.memory_space<hbm>>
      %dma_wait3A_112 = arith.constant 0 : i32
      %dma_wait3A_113 = tpu.memref_slice %arg15[%add3A_103, %dma_wait3A_112] : memref<10240x32xf32, #tpu.memory_space<vmem_shared>> -> memref<128x32xf32, #tpu.memory_space<vmem_shared>>
      tpu.wait_dma2 semaphore(%run_scoped3A : memref<!tpu.dma_semaphore, #tpu.memory_space<semaphore_mem>>) src(%dma_wait3A_113 : memref<128x32xf32, #tpu.memory_space<vmem_shared>>) dst(%dma_wait3A_111 : memref<128x32xf32, #tpu.memory_space<hbm>>)
      tpu.yield
    }) : () -> ()
    return
  }
}

#map = affine_map<(d0, d1) -> (0, 0, 0)>
module attributes {stable_mosaic.version = 14 : i64} {
  func.func @body(%arg0: i32, %arg1: i32, %arg2: memref<32x125x80xi32, #tpu.memory_space<hbm>>, %arg3: memref<2x10240x16xf32, #tpu.memory_space<hbm>>, %arg4: memref<125x80xi32, #tpu.memory_space<vmem>>, %arg5: memref<80x16xf32, #tpu.memory_space<vmem>>, %arg6: memref<128x16xf32, #tpu.memory_space<vmem>>, %arg7: memref<10240x16xf32, #tpu.memory_space<vmem_shared>>, %arg8: memref<!tpu.dma_semaphore, #tpu.memory_space<semaphore_mem>>) attributes {dimension_semantics = [#tpu.dimension_semantics<core_parallel>, #tpu.dimension_semantics<subcore_parallel>], iteration_bounds = array<i64: 2, 16>, scalar_prefetch = 0 : i64, scratch_operands = 5 : i64, tpu.core_type = #tpu.core_type<sc_vector_subcore>, window_params = [{transform_indices = #map}, {transform_indices = #map}]} {
    %mul3A = arith.constant 16 : i32
    %mul3A_0 = arith.muli %arg0, %mul3A : i32
    %add3A = arith.addi %mul3A_0, %arg1 : i32
    %broadcast_in_dim3A = arith.constant 0.000000e+00 : f32
    %broadcast_in_dim3A_1 = vector.broadcast %broadcast_in_dim3A : f32 to vector<16xf32>
    %broadcast_in_dim3A_2 = arith.constant 1.000000e+00 : f32
    %broadcast_in_dim3A_3 = vector.broadcast %broadcast_in_dim3A_2 : f32 to vector<16xf32>
    %scan3A = arith.constant 0 : i32
    %scan3A_4 = arith.constant 128 : i32
    %scan3A_5 = arith.addi %scan3A, %scan3A_4 : i32
    %scan3A_6 = arith.constant 1 : i32
    scf.for %scan3A_64 = %scan3A to %scan3A_5 step %scan3A_6  : i32 {
      %mul3A_65 = arith.constant 1 : i32
      %mul3A_66 = arith.muli %scan3A_64, %mul3A_65 : i32
      %add3A_67 = arith.constant 0 : i32
      %add3A_68 = arith.addi %add3A_67, %mul3A_66 : i32
      %swap3A = arith.index_cast %add3A_68 : i32 to index
      %swap3A_69 = arith.constant 0 : index
      %swap3A_70 = tpu.vector_load %arg6[%swap3A, %swap3A_69] {strides = array<i32>} : memref<128x16xf32, #tpu.memory_space<vmem>>, vector<1x16xf32>,
      %swap3A_71 = vector.shape_cast %swap3A_70 : vector<1x16xf32> to vector<16xf32>
      %swap3A_72 = vector.shape_cast %broadcast_in_dim3A_1 : vector<16xf32> to vector<1x16xf32>
      tpu.vector_store %arg6[%swap3A, %swap3A_69], %swap3A_72 {strides = array<i32>} : memref<128x16xf32, #tpu.memory_space<vmem>>, vector<1x16xf32>,
    }
    %scan3A_7 = arith.constant 128 : i32
    %scan3A_8 = arith.constant 0 : i32
    %scan3A_9 = arith.constant 80 : i32
    %scan3A_10 = arith.addi %scan3A_8, %scan3A_9 : i32
    %scan3A_11 = arith.constant 1 : i32
    scf.for %scan3A_64 = %scan3A_8 to %scan3A_10 step %scan3A_11  : i32 {
      %mul3A_65 = arith.constant 1 : i32
      %mul3A_66 = arith.muli %scan3A_64, %mul3A_65 : i32
      %add3A_67 = arith.constant 0 : i32
      %add3A_68 = arith.addi %add3A_67, %mul3A_66 : i32
      %swap3A = arith.index_cast %add3A_68 : i32 to index
      %swap3A_69 = arith.constant 0 : index
      %swap3A_70 = tpu.vector_load %arg5[%swap3A, %swap3A_69] {strides = array<i32>} : memref<80x16xf32, #tpu.memory_space<vmem>>, vector<1x16xf32>,
      %swap3A_71 = vector.shape_cast %swap3A_70 : vector<1x16xf32> to vector<16xf32>
      %swap3A_72 = vector.shape_cast %broadcast_in_dim3A_3 : vector<16xf32> to vector<1x16xf32>
      tpu.vector_store %arg5[%swap3A, %swap3A_69], %swap3A_72 {strides = array<i32>} : memref<80x16xf32, #tpu.memory_space<vmem>>, vector<1x16xf32>,
    }
    %scan3A_12 = arith.constant 80 : i32
    %mul3A_13 = arith.constant 640 : i32
    %mul3A_14 = arith.muli %arg1, %mul3A_13 : i32
    %add3A_15 = arith.constant 0 : i32
    %add3A_16 = arith.addi %mul3A_14, %add3A_15 : i32
    "tpu.region"() ({
      %run_scoped3A = tpu.sem_alloc : memref<!tpu.dma_semaphore, #tpu.memory_space<semaphore_mem>>
      %dma_start3A = arith.constant 0 : i32
      %dma_start3A_64 = tpu.memref_slice %arg7[%add3A_16, %dma_start3A] : memref<10240x16xf32, #tpu.memory_space<vmem_shared>> -> memref<128x16xf32, #tpu.memory_space<vmem_shared>>
      %dma_start3A_65 = arith.constant 0 : i32
      %dma_start3A_66 = tpu.memref_slice %arg7[%add3A_16, %dma_start3A_65] : memref<10240x16xf32, #tpu.memory_space<vmem_shared>> -> memref<128x16xf32, #tpu.memory_space<vmem_shared>>
      tpu.enqueue_dma source(%arg6 : memref<128x16xf32, #tpu.memory_space<vmem>>) target(%dma_start3A_66 : memref<128x16xf32, #tpu.memory_space<vmem_shared>>) target_semaphore(%run_scoped3A : memref<!tpu.dma_semaphore, #tpu.memory_space<semaphore_mem>>)
      %dma_wait3A = arith.constant 0 : i32
      %dma_wait3A_67 = tpu.memref_slice %arg7[%add3A_16, %dma_wait3A] : memref<10240x16xf32, #tpu.memory_space<vmem_shared>> -> memref<128x16xf32, #tpu.memory_space<vmem_shared>>
      %dma_wait3A_68 = arith.constant 0 : i32
      %dma_wait3A_69 = tpu.memref_slice %arg7[%add3A_16, %dma_wait3A_68] : memref<10240x16xf32, #tpu.memory_space<vmem_shared>> -> memref<128x16xf32, #tpu.memory_space<vmem_shared>>
      tpu.wait_dma2 semaphore(%run_scoped3A : memref<!tpu.dma_semaphore, #tpu.memory_space<semaphore_mem>>) src(%arg6 : memref<128x16xf32, #tpu.memory_space<vmem>>) dst(%dma_wait3A_69 : memref<128x16xf32, #tpu.memory_space<vmem_shared>>)
      tpu.yield
    }) : () -> ()
    %mul3A_17 = arith.constant 640 : i32
    %mul3A_18 = arith.muli %arg1, %mul3A_17 : i32
    %add3A_19 = arith.constant 128 : i32
    %add3A_20 = arith.addi %mul3A_18, %add3A_19 : i32
    "tpu.region"() ({
      %run_scoped3A = tpu.sem_alloc : memref<!tpu.dma_semaphore, #tpu.memory_space<semaphore_mem>>
      %dma_start3A = arith.constant 0 : i32
      %dma_start3A_64 = tpu.memref_slice %arg7[%add3A_20, %dma_start3A] : memref<10240x16xf32, #tpu.memory_space<vmem_shared>> -> memref<128x16xf32, #tpu.memory_space<vmem_shared>>
      %dma_start3A_65 = arith.constant 0 : i32
      %dma_start3A_66 = tpu.memref_slice %arg7[%add3A_20, %dma_start3A_65] : memref<10240x16xf32, #tpu.memory_space<vmem_shared>> -> memref<128x16xf32, #tpu.memory_space<vmem_shared>>
      tpu.enqueue_dma source(%arg6 : memref<128x16xf32, #tpu.memory_space<vmem>>) target(%dma_start3A_66 : memref<128x16xf32, #tpu.memory_space<vmem_shared>>) target_semaphore(%run_scoped3A : memref<!tpu.dma_semaphore, #tpu.memory_space<semaphore_mem>>)
      %dma_wait3A = arith.constant 0 : i32
      %dma_wait3A_67 = tpu.memref_slice %arg7[%add3A_20, %dma_wait3A] : memref<10240x16xf32, #tpu.memory_space<vmem_shared>> -> memref<128x16xf32, #tpu.memory_space<vmem_shared>>
      %dma_wait3A_68 = arith.constant 0 : i32
      %dma_wait3A_69 = tpu.memref_slice %arg7[%add3A_20, %dma_wait3A_68] : memref<10240x16xf32, #tpu.memory_space<vmem_shared>> -> memref<128x16xf32, #tpu.memory_space<vmem_shared>>
      tpu.wait_dma2 semaphore(%run_scoped3A : memref<!tpu.dma_semaphore, #tpu.memory_space<semaphore_mem>>) src(%arg6 : memref<128x16xf32, #tpu.memory_space<vmem>>) dst(%dma_wait3A_69 : memref<128x16xf32, #tpu.memory_space<vmem_shared>>)
      tpu.yield
    }) : () -> ()
    %mul3A_21 = arith.constant 640 : i32
    %mul3A_22 = arith.muli %arg1, %mul3A_21 : i32
    %add3A_23 = arith.constant 256 : i32
    %add3A_24 = arith.addi %mul3A_22, %add3A_23 : i32
    "tpu.region"() ({
      %run_scoped3A = tpu.sem_alloc : memref<!tpu.dma_semaphore, #tpu.memory_space<semaphore_mem>>
      %dma_start3A = arith.constant 0 : i32
      %dma_start3A_64 = tpu.memref_slice %arg7[%add3A_24, %dma_start3A] : memref<10240x16xf32, #tpu.memory_space<vmem_shared>> -> memref<128x16xf32, #tpu.memory_space<vmem_shared>>
      %dma_start3A_65 = arith.constant 0 : i32
      %dma_start3A_66 = tpu.memref_slice %arg7[%add3A_24, %dma_start3A_65] : memref<10240x16xf32, #tpu.memory_space<vmem_shared>> -> memref<128x16xf32, #tpu.memory_space<vmem_shared>>
      tpu.enqueue_dma source(%arg6 : memref<128x16xf32, #tpu.memory_space<vmem>>) target(%dma_start3A_66 : memref<128x16xf32, #tpu.memory_space<vmem_shared>>) target_semaphore(%run_scoped3A : memref<!tpu.dma_semaphore, #tpu.memory_space<semaphore_mem>>)
      %dma_wait3A = arith.constant 0 : i32
      %dma_wait3A_67 = tpu.memref_slice %arg7[%add3A_24, %dma_wait3A] : memref<10240x16xf32, #tpu.memory_space<vmem_shared>> -> memref<128x16xf32, #tpu.memory_space<vmem_shared>>
      %dma_wait3A_68 = arith.constant 0 : i32
      %dma_wait3A_69 = tpu.memref_slice %arg7[%add3A_24, %dma_wait3A_68] : memref<10240x16xf32, #tpu.memory_space<vmem_shared>> -> memref<128x16xf32, #tpu.memory_space<vmem_shared>>
      tpu.wait_dma2 semaphore(%run_scoped3A : memref<!tpu.dma_semaphore, #tpu.memory_space<semaphore_mem>>) src(%arg6 : memref<128x16xf32, #tpu.memory_space<vmem>>) dst(%dma_wait3A_69 : memref<128x16xf32, #tpu.memory_space<vmem_shared>>)
      tpu.yield
    }) : () -> ()
    %mul3A_25 = arith.constant 640 : i32
    %mul3A_26 = arith.muli %arg1, %mul3A_25 : i32
    %add3A_27 = arith.constant 384 : i32
    %add3A_28 = arith.addi %mul3A_26, %add3A_27 : i32
    "tpu.region"() ({
      %run_scoped3A = tpu.sem_alloc : memref<!tpu.dma_semaphore, #tpu.memory_space<semaphore_mem>>
      %dma_start3A = arith.constant 0 : i32
      %dma_start3A_64 = tpu.memref_slice %arg7[%add3A_28, %dma_start3A] : memref<10240x16xf32, #tpu.memory_space<vmem_shared>> -> memref<128x16xf32, #tpu.memory_space<vmem_shared>>
      %dma_start3A_65 = arith.constant 0 : i32
      %dma_start3A_66 = tpu.memref_slice %arg7[%add3A_28, %dma_start3A_65] : memref<10240x16xf32, #tpu.memory_space<vmem_shared>> -> memref<128x16xf32, #tpu.memory_space<vmem_shared>>
      tpu.enqueue_dma source(%arg6 : memref<128x16xf32, #tpu.memory_space<vmem>>) target(%dma_start3A_66 : memref<128x16xf32, #tpu.memory_space<vmem_shared>>) target_semaphore(%run_scoped3A : memref<!tpu.dma_semaphore, #tpu.memory_space<semaphore_mem>>)
      %dma_wait3A = arith.constant 0 : i32
      %dma_wait3A_67 = tpu.memref_slice %arg7[%add3A_28, %dma_wait3A] : memref<10240x16xf32, #tpu.memory_space<vmem_shared>> -> memref<128x16xf32, #tpu.memory_space<vmem_shared>>
      %dma_wait3A_68 = arith.constant 0 : i32
      %dma_wait3A_69 = tpu.memref_slice %arg7[%add3A_28, %dma_wait3A_68] : memref<10240x16xf32, #tpu.memory_space<vmem_shared>> -> memref<128x16xf32, #tpu.memory_space<vmem_shared>>
      tpu.wait_dma2 semaphore(%run_scoped3A : memref<!tpu.dma_semaphore, #tpu.memory_space<semaphore_mem>>) src(%arg6 : memref<128x16xf32, #tpu.memory_space<vmem>>) dst(%dma_wait3A_69 : memref<128x16xf32, #tpu.memory_space<vmem_shared>>)
      tpu.yield
    }) : () -> ()
    %mul3A_29 = arith.constant 640 : i32
    %mul3A_30 = arith.muli %arg1, %mul3A_29 : i32
    %add3A_31 = arith.constant 512 : i32
    %add3A_32 = arith.addi %mul3A_30, %add3A_31 : i32
    "tpu.region"() ({
      %run_scoped3A = tpu.sem_alloc : memref<!tpu.dma_semaphore, #tpu.memory_space<semaphore_mem>>
      %dma_start3A = arith.constant 0 : i32
      %dma_start3A_64 = tpu.memref_slice %arg7[%add3A_32, %dma_start3A] : memref<10240x16xf32, #tpu.memory_space<vmem_shared>> -> memref<128x16xf32, #tpu.memory_space<vmem_shared>>
      %dma_start3A_65 = arith.constant 0 : i32
      %dma_start3A_66 = tpu.memref_slice %arg7[%add3A_32, %dma_start3A_65] : memref<10240x16xf32, #tpu.memory_space<vmem_shared>> -> memref<128x16xf32, #tpu.memory_space<vmem_shared>>
      tpu.enqueue_dma source(%arg6 : memref<128x16xf32, #tpu.memory_space<vmem>>) target(%dma_start3A_66 : memref<128x16xf32, #tpu.memory_space<vmem_shared>>) target_semaphore(%run_scoped3A : memref<!tpu.dma_semaphore, #tpu.memory_space<semaphore_mem>>)
      %dma_wait3A = arith.constant 0 : i32
      %dma_wait3A_67 = tpu.memref_slice %arg7[%add3A_32, %dma_wait3A] : memref<10240x16xf32, #tpu.memory_space<vmem_shared>> -> memref<128x16xf32, #tpu.memory_space<vmem_shared>>
      %dma_wait3A_68 = arith.constant 0 : i32
      %dma_wait3A_69 = tpu.memref_slice %arg7[%add3A_32, %dma_wait3A_68] : memref<10240x16xf32, #tpu.memory_space<vmem_shared>> -> memref<128x16xf32, #tpu.memory_space<vmem_shared>>
      tpu.wait_dma2 semaphore(%run_scoped3A : memref<!tpu.dma_semaphore, #tpu.memory_space<semaphore_mem>>) src(%arg6 : memref<128x16xf32, #tpu.memory_space<vmem>>) dst(%dma_wait3A_69 : memref<128x16xf32, #tpu.memory_space<vmem_shared>>)
      tpu.yield
    }) : () -> ()
    "tpu.region"() ({
      %run_scoped3A = tpu.sem_alloc : memref<!tpu.dma_semaphore, #tpu.memory_space<semaphore_mem>>
      %dma_start3A = arith.constant 0 : i32
      %dma_start3A_64 = arith.constant 0 : i32
      %dma_start3A_65 = tpu.memref_slice %arg2[%add3A, %dma_start3A, %dma_start3A_64] : memref<32x125x80xi32, #tpu.memory_space<hbm>> -> memref<1x125x80xi32, #tpu.memory_space<hbm>>
      %dma_start3A_66 = tpu.memref_squeeze %dma_start3A_65 : memref<1x125x80xi32, #tpu.memory_space<hbm>> -> memref<125x80xi32, #tpu.memory_space<hbm>>
      %dma_start3A_67 = arith.constant 0 : i32
      %dma_start3A_68 = arith.constant 0 : i32
      %dma_start3A_69 = tpu.memref_slice %arg2[%add3A, %dma_start3A_67, %dma_start3A_68] : memref<32x125x80xi32, #tpu.memory_space<hbm>> -> memref<1x125x80xi32, #tpu.memory_space<hbm>>
      %dma_start3A_70 = tpu.memref_squeeze %dma_start3A_69 : memref<1x125x80xi32, #tpu.memory_space<hbm>> -> memref<125x80xi32, #tpu.memory_space<hbm>>
      tpu.enqueue_dma source(%dma_start3A_70 : memref<125x80xi32, #tpu.memory_space<hbm>>) target(%arg4 : memref<125x80xi32, #tpu.memory_space<vmem>>) target_semaphore(%run_scoped3A : memref<!tpu.dma_semaphore, #tpu.memory_space<semaphore_mem>>)
      %dma_wait3A = arith.constant 0 : i32
      %dma_wait3A_71 = arith.constant 0 : i32
      %dma_wait3A_72 = tpu.memref_slice %arg2[%add3A, %dma_wait3A, %dma_wait3A_71] : memref<32x125x80xi32, #tpu.memory_space<hbm>> -> memref<1x125x80xi32, #tpu.memory_space<hbm>>
      %dma_wait3A_73 = tpu.memref_squeeze %dma_wait3A_72 : memref<1x125x80xi32, #tpu.memory_space<hbm>> -> memref<125x80xi32, #tpu.memory_space<hbm>>
      %dma_wait3A_74 = arith.constant 0 : i32
      %dma_wait3A_75 = arith.constant 0 : i32
      %dma_wait3A_76 = tpu.memref_slice %arg2[%add3A, %dma_wait3A_74, %dma_wait3A_75] : memref<32x125x80xi32, #tpu.memory_space<hbm>> -> memref<1x125x80xi32, #tpu.memory_space<hbm>>
      %dma_wait3A_77 = tpu.memref_squeeze %dma_wait3A_76 : memref<1x125x80xi32, #tpu.memory_space<hbm>> -> memref<125x80xi32, #tpu.memory_space<hbm>>
      tpu.wait_dma2 semaphore(%run_scoped3A : memref<!tpu.dma_semaphore, #tpu.memory_space<semaphore_mem>>) src(%dma_wait3A_77 : memref<125x80xi32, #tpu.memory_space<hbm>>) dst(%arg4 : memref<125x80xi32, #tpu.memory_space<vmem>>)
      tpu.yield
    }) : () -> ()
    %barrier3A = arith.constant 0 : index
    tpu.barrier barrier_id(%barrier3A)
    %scan3A_33 = arith.constant 0 : i32
    %scan3A_34 = arith.constant 125 : i32
    %scan3A_35 = arith.addi %scan3A_33, %scan3A_34 : i32
    %scan3A_36 = arith.constant 1 : i32
    scf.for %scan3A_64 = %scan3A_33 to %scan3A_35 step %scan3A_36  : i32 {
      %mul3A_65 = arith.constant 1 : i32
      %mul3A_66 = arith.muli %scan3A_64, %mul3A_65 : i32
      %add3A_67 = arith.constant 0 : i32
      %add3A_68 = arith.addi %add3A_67, %mul3A_66 : i32
      %dma_start3A = arith.constant 0 : i32
      %dma_start3A_69 = tpu.memref_slice %arg4[%add3A_68, %dma_start3A] : memref<125x80xi32, #tpu.memory_space<vmem>> -> memref<1x80xi32, #tpu.memory_space<vmem>>
      %dma_start3A_70 = tpu.memref_squeeze %dma_start3A_69 : memref<1x80xi32, #tpu.memory_space<vmem>> -> memref<80xi32, #tpu.memory_space<vmem>>
      %dma_start3A_71 = arith.constant 0 : i32
      %dma_start3A_72 = arith.constant 0 : i32
      %dma_start3A_73 = tpu.memref_slice %arg7[%dma_start3A_71, %dma_start3A_72] : memref<10240x16xf32, #tpu.memory_space<vmem_shared>> -> memref<10240x16xf32, #tpu.memory_space<vmem_shared>>
      tpu.enqueue_indirect_dma source(%arg5 : memref<80x16xf32, #tpu.memory_space<vmem>>) target(%dma_start3A_73 : memref<10240x16xf32, #tpu.memory_space<vmem_shared>>) offsets(%dma_start3A_70 : memref<80xi32, #tpu.memory_space<vmem>>) semaphore(%arg8 : memref<!tpu.dma_semaphore, #tpu.memory_space<semaphore_mem>>) {add = true}
      %ge3A = arith.constant 16 : i32
      %ge3A_74 = arith.cmpi sge, %add3A_68, %ge3A : i32
      %convert_element_type3A = arith.extui %ge3A_74 : i1 to i32
      %cond3A = arith.constant 0 : i32
      %cond3A_75 = arith.cmpi ne, %convert_element_type3A, %cond3A : i32
      scf.if %cond3A_75 {
        %dma_wait3A = arith.constant 0 : i32
        %dma_wait3A_76 = arith.constant 0 : i32
        %dma_wait3A_77 = tpu.memref_slice %arg4[%dma_wait3A, %dma_wait3A_76] : memref<125x80xi32, #tpu.memory_space<vmem>> -> memref<1x80xi32, #tpu.memory_space<vmem>>
        %dma_wait3A_78 = tpu.memref_squeeze %dma_wait3A_77 : memref<1x80xi32, #tpu.memory_space<vmem>> -> memref<80xi32, #tpu.memory_space<vmem>>
        %dma_wait3A_79 = arith.constant 0 : i32
        %dma_wait3A_80 = arith.constant 0 : i32
        %dma_wait3A_81 = tpu.memref_slice %arg7[%dma_wait3A_79, %dma_wait3A_80] : memref<10240x16xf32, #tpu.memory_space<vmem_shared>> -> memref<10240x16xf32, #tpu.memory_space<vmem_shared>>
        tpu.wait_indirect_dma semaphore(%arg8 : memref<!tpu.dma_semaphore, #tpu.memory_space<semaphore_mem>>) src(%arg5 : memref<80x16xf32, #tpu.memory_space<vmem>>) dst(%dma_wait3A_81 : memref<10240x16xf32, #tpu.memory_space<vmem_shared>>)
      } else {
      }
    }
    %scan3A_37 = arith.constant 125 : i32
    %scan3A_38 = arith.constant 0 : i32
    %scan3A_39 = arith.constant 16 : i32
    %scan3A_40 = arith.addi %scan3A_38, %scan3A_39 : i32
    %scan3A_41 = arith.constant 1 : i32
    scf.for %scan3A_64 = %scan3A_38 to %scan3A_40 step %scan3A_41  : i32 {
      %mul3A_65 = arith.constant 1 : i32
      %mul3A_66 = arith.muli %scan3A_64, %mul3A_65 : i32
      %add3A_67 = arith.constant 0 : i32
      %add3A_68 = arith.addi %add3A_67, %mul3A_66 : i32
      %dma_wait3A = arith.constant 0 : i32
      %dma_wait3A_69 = arith.constant 0 : i32
      %dma_wait3A_70 = tpu.memref_slice %arg4[%dma_wait3A, %dma_wait3A_69] : memref<125x80xi32, #tpu.memory_space<vmem>> -> memref<1x80xi32, #tpu.memory_space<vmem>>
      %dma_wait3A_71 = tpu.memref_squeeze %dma_wait3A_70 : memref<1x80xi32, #tpu.memory_space<vmem>> -> memref<80xi32, #tpu.memory_space<vmem>>
      %dma_wait3A_72 = arith.constant 0 : i32
      %dma_wait3A_73 = arith.constant 0 : i32
      %dma_wait3A_74 = tpu.memref_slice %arg7[%dma_wait3A_72, %dma_wait3A_73] : memref<10240x16xf32, #tpu.memory_space<vmem_shared>> -> memref<10240x16xf32, #tpu.memory_space<vmem_shared>>
      tpu.wait_indirect_dma semaphore(%arg8 : memref<!tpu.dma_semaphore, #tpu.memory_space<semaphore_mem>>) src(%arg5 : memref<80x16xf32, #tpu.memory_space<vmem>>) dst(%dma_wait3A_74 : memref<10240x16xf32, #tpu.memory_space<vmem_shared>>)
    }
    %scan3A_42 = arith.constant 16 : i32
    %barrier3A_43 = arith.constant 0 : index
    tpu.barrier barrier_id(%barrier3A_43)
    %mul3A_44 = arith.constant 640 : i32
    %mul3A_45 = arith.muli %arg1, %mul3A_44 : i32
    %add3A_46 = arith.constant 0 : i32
    %add3A_47 = arith.addi %mul3A_45, %add3A_46 : i32
    "tpu.region"() ({
      %run_scoped3A = tpu.sem_alloc : memref<!tpu.dma_semaphore, #tpu.memory_space<semaphore_mem>>
      %dma_start3A = arith.constant 0 : i32
      %dma_start3A_64 = tpu.memref_slice %arg3[%arg0, %add3A_47, %dma_start3A] : memref<2x10240x16xf32, #tpu.memory_space<hbm>> -> memref<1x128x16xf32, #tpu.memory_space<hbm>>
      %dma_start3A_65 = tpu.memref_squeeze %dma_start3A_64 : memref<1x128x16xf32, #tpu.memory_space<hbm>> -> memref<128x16xf32, #tpu.memory_space<hbm>>
      %dma_start3A_66 = arith.constant 0 : i32
      %dma_start3A_67 = tpu.memref_slice %arg7[%add3A_47, %dma_start3A_66] : memref<10240x16xf32, #tpu.memory_space<vmem_shared>> -> memref<128x16xf32, #tpu.memory_space<vmem_shared>>
      tpu.enqueue_dma source(%dma_start3A_67 : memref<128x16xf32, #tpu.memory_space<vmem_shared>>) target(%dma_start3A_65 : memref<128x16xf32, #tpu.memory_space<hbm>>) target_semaphore(%run_scoped3A : memref<!tpu.dma_semaphore, #tpu.memory_space<semaphore_mem>>)
      %dma_wait3A = arith.constant 0 : i32
      %dma_wait3A_68 = tpu.memref_slice %arg3[%arg0, %add3A_47, %dma_wait3A] : memref<2x10240x16xf32, #tpu.memory_space<hbm>> -> memref<1x128x16xf32, #tpu.memory_space<hbm>>
      %dma_wait3A_69 = tpu.memref_squeeze %dma_wait3A_68 : memref<1x128x16xf32, #tpu.memory_space<hbm>> -> memref<128x16xf32, #tpu.memory_space<hbm>>
      %dma_wait3A_70 = arith.constant 0 : i32
      %dma_wait3A_71 = tpu.memref_slice %arg7[%add3A_47, %dma_wait3A_70] : memref<10240x16xf32, #tpu.memory_space<vmem_shared>> -> memref<128x16xf32, #tpu.memory_space<vmem_shared>>
      tpu.wait_dma2 semaphore(%run_scoped3A : memref<!tpu.dma_semaphore, #tpu.memory_space<semaphore_mem>>) src(%dma_wait3A_71 : memref<128x16xf32, #tpu.memory_space<vmem_shared>>) dst(%dma_wait3A_69 : memref<128x16xf32, #tpu.memory_space<hbm>>)
      tpu.yield
    }) : () -> ()
    %mul3A_48 = arith.constant 640 : i32
    %mul3A_49 = arith.muli %arg1, %mul3A_48 : i32
    %add3A_50 = arith.constant 128 : i32
    %add3A_51 = arith.addi %mul3A_49, %add3A_50 : i32
    "tpu.region"() ({
      %run_scoped3A = tpu.sem_alloc : memref<!tpu.dma_semaphore, #tpu.memory_space<semaphore_mem>>
      %dma_start3A = arith.constant 0 : i32
      %dma_start3A_64 = tpu.memref_slice %arg3[%arg0, %add3A_51, %dma_start3A] : memref<2x10240x16xf32, #tpu.memory_space<hbm>> -> memref<1x128x16xf32, #tpu.memory_space<hbm>>
      %dma_start3A_65 = tpu.memref_squeeze %dma_start3A_64 : memref<1x128x16xf32, #tpu.memory_space<hbm>> -> memref<128x16xf32, #tpu.memory_space<hbm>>
      %dma_start3A_66 = arith.constant 0 : i32
      %dma_start3A_67 = tpu.memref_slice %arg7[%add3A_51, %dma_start3A_66] : memref<10240x16xf32, #tpu.memory_space<vmem_shared>> -> memref<128x16xf32, #tpu.memory_space<vmem_shared>>
      tpu.enqueue_dma source(%dma_start3A_67 : memref<128x16xf32, #tpu.memory_space<vmem_shared>>) target(%dma_start3A_65 : memref<128x16xf32, #tpu.memory_space<hbm>>) target_semaphore(%run_scoped3A : memref<!tpu.dma_semaphore, #tpu.memory_space<semaphore_mem>>)
      %dma_wait3A = arith.constant 0 : i32
      %dma_wait3A_68 = tpu.memref_slice %arg3[%arg0, %add3A_51, %dma_wait3A] : memref<2x10240x16xf32, #tpu.memory_space<hbm>> -> memref<1x128x16xf32, #tpu.memory_space<hbm>>
      %dma_wait3A_69 = tpu.memref_squeeze %dma_wait3A_68 : memref<1x128x16xf32, #tpu.memory_space<hbm>> -> memref<128x16xf32, #tpu.memory_space<hbm>>
      %dma_wait3A_70 = arith.constant 0 : i32
      %dma_wait3A_71 = tpu.memref_slice %arg7[%add3A_51, %dma_wait3A_70] : memref<10240x16xf32, #tpu.memory_space<vmem_shared>> -> memref<128x16xf32, #tpu.memory_space<vmem_shared>>
      tpu.wait_dma2 semaphore(%run_scoped3A : memref<!tpu.dma_semaphore, #tpu.memory_space<semaphore_mem>>) src(%dma_wait3A_71 : memref<128x16xf32, #tpu.memory_space<vmem_shared>>) dst(%dma_wait3A_69 : memref<128x16xf32, #tpu.memory_space<hbm>>)
      tpu.yield
    }) : () -> ()
    %mul3A_52 = arith.constant 640 : i32
    %mul3A_53 = arith.muli %arg1, %mul3A_52 : i32
    %add3A_54 = arith.constant 256 : i32
    %add3A_55 = arith.addi %mul3A_53, %add3A_54 : i32
    "tpu.region"() ({
      %run_scoped3A = tpu.sem_alloc : memref<!tpu.dma_semaphore, #tpu.memory_space<semaphore_mem>>
      %dma_start3A = arith.constant 0 : i32
      %dma_start3A_64 = tpu.memref_slice %arg3[%arg0, %add3A_55, %dma_start3A] : memref<2x10240x16xf32, #tpu.memory_space<hbm>> -> memref<1x128x16xf32, #tpu.memory_space<hbm>>
      %dma_start3A_65 = tpu.memref_squeeze %dma_start3A_64 : memref<1x128x16xf32, #tpu.memory_space<hbm>> -> memref<128x16xf32, #tpu.memory_space<hbm>>
      %dma_start3A_66 = arith.constant 0 : i32
      %dma_start3A_67 = tpu.memref_slice %arg7[%add3A_55, %dma_start3A_66] : memref<10240x16xf32, #tpu.memory_space<vmem_shared>> -> memref<128x16xf32, #tpu.memory_space<vmem_shared>>
      tpu.enqueue_dma source(%dma_start3A_67 : memref<128x16xf32, #tpu.memory_space<vmem_shared>>) target(%dma_start3A_65 : memref<128x16xf32, #tpu.memory_space<hbm>>) target_semaphore(%run_scoped3A : memref<!tpu.dma_semaphore, #tpu.memory_space<semaphore_mem>>)
      %dma_wait3A = arith.constant 0 : i32
      %dma_wait3A_68 = tpu.memref_slice %arg3[%arg0, %add3A_55, %dma_wait3A] : memref<2x10240x16xf32, #tpu.memory_space<hbm>> -> memref<1x128x16xf32, #tpu.memory_space<hbm>>
      %dma_wait3A_69 = tpu.memref_squeeze %dma_wait3A_68 : memref<1x128x16xf32, #tpu.memory_space<hbm>> -> memref<128x16xf32, #tpu.memory_space<hbm>>
      %dma_wait3A_70 = arith.constant 0 : i32
      %dma_wait3A_71 = tpu.memref_slice %arg7[%add3A_55, %dma_wait3A_70] : memref<10240x16xf32, #tpu.memory_space<vmem_shared>> -> memref<128x16xf32, #tpu.memory_space<vmem_shared>>
      tpu.wait_dma2 semaphore(%run_scoped3A : memref<!tpu.dma_semaphore, #tpu.memory_space<semaphore_mem>>) src(%dma_wait3A_71 : memref<128x16xf32, #tpu.memory_space<vmem_shared>>) dst(%dma_wait3A_69 : memref<128x16xf32, #tpu.memory_space<hbm>>)
      tpu.yield
    }) : () -> ()
    %mul3A_56 = arith.constant 640 : i32
    %mul3A_57 = arith.muli %arg1, %mul3A_56 : i32
    %add3A_58 = arith.constant 384 : i32
    %add3A_59 = arith.addi %mul3A_57, %add3A_58 : i32
    "tpu.region"() ({
      %run_scoped3A = tpu.sem_alloc : memref<!tpu.dma_semaphore, #tpu.memory_space<semaphore_mem>>
      %dma_start3A = arith.constant 0 : i32
      %dma_start3A_64 = tpu.memref_slice %arg3[%arg0, %add3A_59, %dma_start3A] : memref<2x10240x16xf32, #tpu.memory_space<hbm>> -> memref<1x128x16xf32, #tpu.memory_space<hbm>>
      %dma_start3A_65 = tpu.memref_squeeze %dma_start3A_64 : memref<1x128x16xf32, #tpu.memory_space<hbm>> -> memref<128x16xf32, #tpu.memory_space<hbm>>
      %dma_start3A_66 = arith.constant 0 : i32
      %dma_start3A_67 = tpu.memref_slice %arg7[%add3A_59, %dma_start3A_66] : memref<10240x16xf32, #tpu.memory_space<vmem_shared>> -> memref<128x16xf32, #tpu.memory_space<vmem_shared>>
      tpu.enqueue_dma source(%dma_start3A_67 : memref<128x16xf32, #tpu.memory_space<vmem_shared>>) target(%dma_start3A_65 : memref<128x16xf32, #tpu.memory_space<hbm>>) target_semaphore(%run_scoped3A : memref<!tpu.dma_semaphore, #tpu.memory_space<semaphore_mem>>)
      %dma_wait3A = arith.constant 0 : i32
      %dma_wait3A_68 = tpu.memref_slice %arg3[%arg0, %add3A_59, %dma_wait3A] : memref<2x10240x16xf32, #tpu.memory_space<hbm>> -> memref<1x128x16xf32, #tpu.memory_space<hbm>>
      %dma_wait3A_69 = tpu.memref_squeeze %dma_wait3A_68 : memref<1x128x16xf32, #tpu.memory_space<hbm>> -> memref<128x16xf32, #tpu.memory_space<hbm>>
      %dma_wait3A_70 = arith.constant 0 : i32
      %dma_wait3A_71 = tpu.memref_slice %arg7[%add3A_59, %dma_wait3A_70] : memref<10240x16xf32, #tpu.memory_space<vmem_shared>> -> memref<128x16xf32, #tpu.memory_space<vmem_shared>>
      tpu.wait_dma2 semaphore(%run_scoped3A : memref<!tpu.dma_semaphore, #tpu.memory_space<semaphore_mem>>) src(%dma_wait3A_71 : memref<128x16xf32, #tpu.memory_space<vmem_shared>>) dst(%dma_wait3A_69 : memref<128x16xf32, #tpu.memory_space<hbm>>)
      tpu.yield
    }) : () -> ()
    %mul3A_60 = arith.constant 640 : i32
    %mul3A_61 = arith.muli %arg1, %mul3A_60 : i32
    %add3A_62 = arith.constant 512 : i32
    %add3A_63 = arith.addi %mul3A_61, %add3A_62 : i32
    "tpu.region"() ({
      %run_scoped3A = tpu.sem_alloc : memref<!tpu.dma_semaphore, #tpu.memory_space<semaphore_mem>>
      %dma_start3A = arith.constant 0 : i32
      %dma_start3A_64 = tpu.memref_slice %arg3[%arg0, %add3A_63, %dma_start3A] : memref<2x10240x16xf32, #tpu.memory_space<hbm>> -> memref<1x128x16xf32, #tpu.memory_space<hbm>>
      %dma_start3A_65 = tpu.memref_squeeze %dma_start3A_64 : memref<1x128x16xf32, #tpu.memory_space<hbm>> -> memref<128x16xf32, #tpu.memory_space<hbm>>
      %dma_start3A_66 = arith.constant 0 : i32
      %dma_start3A_67 = tpu.memref_slice %arg7[%add3A_63, %dma_start3A_66] : memref<10240x16xf32, #tpu.memory_space<vmem_shared>> -> memref<128x16xf32, #tpu.memory_space<vmem_shared>>
      tpu.enqueue_dma source(%dma_start3A_67 : memref<128x16xf32, #tpu.memory_space<vmem_shared>>) target(%dma_start3A_65 : memref<128x16xf32, #tpu.memory_space<hbm>>) target_semaphore(%run_scoped3A : memref<!tpu.dma_semaphore, #tpu.memory_space<semaphore_mem>>)
      %dma_wait3A = arith.constant 0 : i32
      %dma_wait3A_68 = tpu.memref_slice %arg3[%arg0, %add3A_63, %dma_wait3A] : memref<2x10240x16xf32, #tpu.memory_space<hbm>> -> memref<1x128x16xf32, #tpu.memory_space<hbm>>
      %dma_wait3A_69 = tpu.memref_squeeze %dma_wait3A_68 : memref<1x128x16xf32, #tpu.memory_space<hbm>> -> memref<128x16xf32, #tpu.memory_space<hbm>>
      %dma_wait3A_70 = arith.constant 0 : i32
      %dma_wait3A_71 = tpu.memref_slice %arg7[%add3A_63, %dma_wait3A_70] : memref<10240x16xf32, #tpu.memory_space<vmem_shared>> -> memref<128x16xf32, #tpu.memory_space<vmem_shared>>
      tpu.wait_dma2 semaphore(%run_scoped3A : memref<!tpu.dma_semaphore, #tpu.memory_space<semaphore_mem>>) src(%dma_wait3A_71 : memref<128x16xf32, #tpu.memory_space<vmem_shared>>) dst(%dma_wait3A_69 : memref<128x16xf32, #tpu.memory_space<hbm>>)
      tpu.yield
    }) : () -> ()
    return
  }
}

#map = affine_map<(d0, d1) -> (0, 0)>
#map1 = affine_map<(d0, d1) -> (0, 0, 0)>
module attributes {stable_mosaic.version = 14 : i64} {
  func.func @body(%arg0: i32, %arg1: i32, %arg2: memref<10000x32xf32, #tpu.memory_space<hbm>>, %arg3: memref<32x125x80xi32, #tpu.memory_space<hbm>>, %arg4: memref<32x125x80xi32, #tpu.memory_space<hbm>>, %arg5: memref<2x10240x32xf32, #tpu.memory_space<hbm>>, %arg6: memref<125x80xi32, #tpu.memory_space<vmem>>, %arg7: memref<125x80xi32, #tpu.memory_space<vmem>>, %arg8: memref<80x32xf32, #tpu.memory_space<vmem>>, %arg9: memref<80x32xf32, #tpu.memory_space<vmem>>, %arg10: memref<80x32xf32, #tpu.memory_space<vmem>>, %arg11: memref<80x32xf32, #tpu.memory_space<vmem>>, %arg12: memref<80x32xf32, #tpu.memory_space<vmem>>, %arg13: memref<128x32xf32, #tpu.memory_space<vmem>>, %arg14: memref<10000x32xf32, #tpu.memory_space<vmem_shared>>, %arg15: memref<10240x32xf32, #tpu.memory_space<vmem_shared>>, %arg16: memref<!tpu.dma_semaphore, #tpu.memory_space<semaphore_mem>>, %arg17: memref<!tpu.dma_semaphore, #tpu.memory_space<semaphore_mem>>, %arg18: memref<!tpu.dma_semaphore, #tpu.memory_space<semaphore_mem>>, %arg19: memref<!tpu.dma_semaphore, #tpu.memory_space<semaphore_mem>>, %arg20: memref<!tpu.dma_semaphore, #tpu.memory_space<semaphore_mem>>, %arg21: memref<!tpu.dma_semaphore, #tpu.memory_space<semaphore_mem>>, %arg22: memref<!tpu.dma_semaphore, #tpu.memory_space<semaphore_mem>>, %arg23: memref<!tpu.dma_semaphore, #tpu.memory_space<semaphore_mem>>, %arg24: memref<!tpu.dma_semaphore, #tpu.memory_space<semaphore_mem>>, %arg25: memref<!tpu.dma_semaphore, #tpu.memory_space<semaphore_mem>>) attributes {dimension_semantics = [#tpu.dimension_semantics<core_parallel>, #tpu.dimension_semantics<subcore_parallel>], iteration_bounds = array<i64: 2, 16>, scalar_prefetch = 0 : i64, scratch_operands = 20 : i64, tpu.core_type = #tpu.core_type<sc_vector_subcore>, window_params = [{transform_indices = #map}, {transform_indices = #map1}, {transform_indices = #map1}, {transform_indices = #map1}]} {
    %mul3A = arith.constant 16 : i32
    %mul3A_0 = arith.muli %arg0, %mul3A : i32
    %add3A = arith.addi %mul3A_0, %arg1 : i32
    %broadcast_in_dim3A = arith.constant 0.000000e+00 : f32
    %broadcast_in_dim3A_1 = vector.broadcast %broadcast_in_dim3A : f32 to vector<16xf32>
    %scan3A = arith.constant 0 : i32
    %scan3A_2 = arith.constant 128 : i32
    %scan3A_3 = arith.addi %scan3A, %scan3A_2 : i32
    %scan3A_4 = arith.constant 1 : i32
    scf.for %scan3A_104 = %scan3A to %scan3A_3 step %scan3A_4  : i32 {
      %mul3A_105 = arith.constant 1 : i32
      %mul3A_106 = arith.muli %scan3A_104, %mul3A_105 : i32
      %add3A_107 = arith.constant 0 : i32
      %add3A_108 = arith.addi %add3A_107, %mul3A_106 : i32
      %swap3A = arith.index_cast %add3A_108 : i32 to index
      %swap3A_109 = arith.constant 0 : index
      %swap3A_110 = tpu.vector_load %arg13[%swap3A, %swap3A_109] {strides = array<i32>} : memref<128x32xf32, #tpu.memory_space<vmem>>, vector<1x16xf32>,
      %swap3A_111 = vector.shape_cast %swap3A_110 : vector<1x16xf32> to vector<16xf32>
      %swap3A_112 = vector.shape_cast %broadcast_in_dim3A_1 : vector<16xf32> to vector<1x16xf32>
      tpu.vector_store %arg13[%swap3A, %swap3A_109], %swap3A_112 {strides = array<i32>} : memref<128x32xf32, #tpu.memory_space<vmem>>, vector<1x16xf32>,
      %swap3A_113 = arith.index_cast %add3A_108 : i32 to index
      %swap3A_114 = arith.constant 16 : index
      %swap3A_115 = tpu.vector_load %arg13[%swap3A_113, %swap3A_114] {strides = array<i32>} : memref<128x32xf32, #tpu.memory_space<vmem>>, vector<1x16xf32>,
      %swap3A_116 = vector.shape_cast %swap3A_115 : vector<1x16xf32> to vector<16xf32>
      %swap3A_117 = vector.shape_cast %broadcast_in_dim3A_1 : vector<16xf32> to vector<1x16xf32>
      tpu.vector_store %arg13[%swap3A_113, %swap3A_114], %swap3A_117 {strides = array<i32>} : memref<128x32xf32, #tpu.memory_space<vmem>>, vector<1x16xf32>,
    }
    %scan3A_5 = arith.constant 128 : i32
    %mul3A_6 = arith.constant 640 : i32
    %mul3A_7 = arith.muli %arg1, %mul3A_6 : i32
    %add3A_8 = arith.constant 0 : i32
    %add3A_9 = arith.addi %mul3A_7, %add3A_8 : i32
    "tpu.region"() ({
      %run_scoped3A = tpu.sem_alloc : memref<!tpu.dma_semaphore, #tpu.memory_space<semaphore_mem>>
      %dma_start3A_104 = arith.constant 0 : i32
      %dma_start3A_105 = tpu.memref_slice %arg15[%add3A_9, %dma_start3A_104] : memref<10240x32xf32, #tpu.memory_space<vmem_shared>> -> memref<128x32xf32, #tpu.memory_space<vmem_shared>>
      %dma_start3A_106 = arith.constant 0 : i32
      %dma_start3A_107 = tpu.memref_slice %arg15[%add3A_9, %dma_start3A_106] : memref<10240x32xf32, #tpu.memory_space<vmem_shared>> -> memref<128x32xf32, #tpu.memory_space<vmem_shared>>
      tpu.enqueue_dma source(%arg13 : memref<128x32xf32, #tpu.memory_space<vmem>>) target(%dma_start3A_107 : memref<128x32xf32, #tpu.memory_space<vmem_shared>>) target_semaphore(%run_scoped3A : memref<!tpu.dma_semaphore, #tpu.memory_space<semaphore_mem>>)
      %dma_wait3A_108 = arith.constant 0 : i32
      %dma_wait3A_109 = tpu.memref_slice %arg15[%add3A_9, %dma_wait3A_108] : memref<10240x32xf32, #tpu.memory_space<vmem_shared>> -> memref<128x32xf32, #tpu.memory_space<vmem_shared>>
      %dma_wait3A_110 = arith.constant 0 : i32
      %dma_wait3A_111 = tpu.memref_slice %arg15[%add3A_9, %dma_wait3A_110] : memref<10240x32xf32, #tpu.memory_space<vmem_shared>> -> memref<128x32xf32, #tpu.memory_space<vmem_shared>>
      tpu.wait_dma2 semaphore(%run_scoped3A : memref<!tpu.dma_semaphore, #tpu.memory_space<semaphore_mem>>) src(%arg13 : memref<128x32xf32, #tpu.memory_space<vmem>>) dst(%dma_wait3A_111 : memref<128x32xf32, #tpu.memory_space<vmem_shared>>)
      tpu.yield
    }) : () -> ()
    %mul3A_10 = arith.constant 640 : i32
    %mul3A_11 = arith.muli %arg1, %mul3A_10 : i32
    %add3A_12 = arith.constant 128 : i32
    %add3A_13 = arith.addi %mul3A_11, %add3A_12 : i32
    "tpu.region"() ({
      %run_scoped3A = tpu.sem_alloc : memref<!tpu.dma_semaphore, #tpu.memory_space<semaphore_mem>>
      %dma_start3A_104 = arith.constant 0 : i32
      %dma_start3A_105 = tpu.memref_slice %arg15[%add3A_13, %dma_start3A_104] : memref<10240x32xf32, #tpu.memory_space<vmem_shared>> -> memref<128x32xf32, #tpu.memory_space<vmem_shared>>
      %dma_start3A_106 = arith.constant 0 : i32
      %dma_start3A_107 = tpu.memref_slice %arg15[%add3A_13, %dma_start3A_106] : memref<10240x32xf32, #tpu.memory_space<vmem_shared>> -> memref<128x32xf32, #tpu.memory_space<vmem_shared>>
      tpu.enqueue_dma source(%arg13 : memref<128x32xf32, #tpu.memory_space<vmem>>) target(%dma_start3A_107 : memref<128x32xf32, #tpu.memory_space<vmem_shared>>) target_semaphore(%run_scoped3A : memref<!tpu.dma_semaphore, #tpu.memory_space<semaphore_mem>>)
      %dma_wait3A_108 = arith.constant 0 : i32
      %dma_wait3A_109 = tpu.memref_slice %arg15[%add3A_13, %dma_wait3A_108] : memref<10240x32xf32, #tpu.memory_space<vmem_shared>> -> memref<128x32xf32, #tpu.memory_space<vmem_shared>>
      %dma_wait3A_110 = arith.constant 0 : i32
      %dma_wait3A_111 = tpu.memref_slice %arg15[%add3A_13, %dma_wait3A_110] : memref<10240x32xf32, #tpu.memory_space<vmem_shared>> -> memref<128x32xf32, #tpu.memory_space<vmem_shared>>
      tpu.wait_dma2 semaphore(%run_scoped3A : memref<!tpu.dma_semaphore, #tpu.memory_space<semaphore_mem>>) src(%arg13 : memref<128x32xf32, #tpu.memory_space<vmem>>) dst(%dma_wait3A_111 : memref<128x32xf32, #tpu.memory_space<vmem_shared>>)
      tpu.yield
    }) : () -> ()
    %mul3A_14 = arith.constant 640 : i32
    %mul3A_15 = arith.muli %arg1, %mul3A_14 : i32
    %add3A_16 = arith.constant 256 : i32
    %add3A_17 = arith.addi %mul3A_15, %add3A_16 : i32
    "tpu.region"() ({
      %run_scoped3A = tpu.sem_alloc : memref<!tpu.dma_semaphore, #tpu.memory_space<semaphore_mem>>
      %dma_start3A_104 = arith.constant 0 : i32
      %dma_start3A_105 = tpu.memref_slice %arg15[%add3A_17, %dma_start3A_104] : memref<10240x32xf32, #tpu.memory_space<vmem_shared>> -> memref<128x32xf32, #tpu.memory_space<vmem_shared>>
      %dma_start3A_106 = arith.constant 0 : i32
      %dma_start3A_107 = tpu.memref_slice %arg15[%add3A_17, %dma_start3A_106] : memref<10240x32xf32, #tpu.memory_space<vmem_shared>> -> memref<128x32xf32, #tpu.memory_space<vmem_shared>>
      tpu.enqueue_dma source(%arg13 : memref<128x32xf32, #tpu.memory_space<vmem>>) target(%dma_start3A_107 : memref<128x32xf32, #tpu.memory_space<vmem_shared>>) target_semaphore(%run_scoped3A : memref<!tpu.dma_semaphore, #tpu.memory_space<semaphore_mem>>)
      %dma_wait3A_108 = arith.constant 0 : i32
      %dma_wait3A_109 = tpu.memref_slice %arg15[%add3A_17, %dma_wait3A_108] : memref<10240x32xf32, #tpu.memory_space<vmem_shared>> -> memref<128x32xf32, #tpu.memory_space<vmem_shared>>
      %dma_wait3A_110 = arith.constant 0 : i32
      %dma_wait3A_111 = tpu.memref_slice %arg15[%add3A_17, %dma_wait3A_110] : memref<10240x32xf32, #tpu.memory_space<vmem_shared>> -> memref<128x32xf32, #tpu.memory_space<vmem_shared>>
      tpu.wait_dma2 semaphore(%run_scoped3A : memref<!tpu.dma_semaphore, #tpu.memory_space<semaphore_mem>>) src(%arg13 : memref<128x32xf32, #tpu.memory_space<vmem>>) dst(%dma_wait3A_111 : memref<128x32xf32, #tpu.memory_space<vmem_shared>>)
      tpu.yield
    }) : () -> ()
    %mul3A_18 = arith.constant 640 : i32
    %mul3A_19 = arith.muli %arg1, %mul3A_18 : i32
    %add3A_20 = arith.constant 384 : i32
    %add3A_21 = arith.addi %mul3A_19, %add3A_20 : i32
    "tpu.region"() ({
      %run_scoped3A = tpu.sem_alloc : memref<!tpu.dma_semaphore, #tpu.memory_space<semaphore_mem>>
      %dma_start3A_104 = arith.constant 0 : i32
      %dma_start3A_105 = tpu.memref_slice %arg15[%add3A_21, %dma_start3A_104] : memref<10240x32xf32, #tpu.memory_space<vmem_shared>> -> memref<128x32xf32, #tpu.memory_space<vmem_shared>>
      %dma_start3A_106 = arith.constant 0 : i32
      %dma_start3A_107 = tpu.memref_slice %arg15[%add3A_21, %dma_start3A_106] : memref<10240x32xf32, #tpu.memory_space<vmem_shared>> -> memref<128x32xf32, #tpu.memory_space<vmem_shared>>
      tpu.enqueue_dma source(%arg13 : memref<128x32xf32, #tpu.memory_space<vmem>>) target(%dma_start3A_107 : memref<128x32xf32, #tpu.memory_space<vmem_shared>>) target_semaphore(%run_scoped3A : memref<!tpu.dma_semaphore, #tpu.memory_space<semaphore_mem>>)
      %dma_wait3A_108 = arith.constant 0 : i32
      %dma_wait3A_109 = tpu.memref_slice %arg15[%add3A_21, %dma_wait3A_108] : memref<10240x32xf32, #tpu.memory_space<vmem_shared>> -> memref<128x32xf32, #tpu.memory_space<vmem_shared>>
      %dma_wait3A_110 = arith.constant 0 : i32
      %dma_wait3A_111 = tpu.memref_slice %arg15[%add3A_21, %dma_wait3A_110] : memref<10240x32xf32, #tpu.memory_space<vmem_shared>> -> memref<128x32xf32, #tpu.memory_space<vmem_shared>>
      tpu.wait_dma2 semaphore(%run_scoped3A : memref<!tpu.dma_semaphore, #tpu.memory_space<semaphore_mem>>) src(%arg13 : memref<128x32xf32, #tpu.memory_space<vmem>>) dst(%dma_wait3A_111 : memref<128x32xf32, #tpu.memory_space<vmem_shared>>)
      tpu.yield
    }) : () -> ()
    %mul3A_22 = arith.constant 640 : i32
    %mul3A_23 = arith.muli %arg1, %mul3A_22 : i32
    %add3A_24 = arith.constant 512 : i32
    %add3A_25 = arith.addi %mul3A_23, %add3A_24 : i32
    "tpu.region"() ({
      %run_scoped3A = tpu.sem_alloc : memref<!tpu.dma_semaphore, #tpu.memory_space<semaphore_mem>>
      %dma_start3A_104 = arith.constant 0 : i32
      %dma_start3A_105 = tpu.memref_slice %arg15[%add3A_25, %dma_start3A_104] : memref<10240x32xf32, #tpu.memory_space<vmem_shared>> -> memref<128x32xf32, #tpu.memory_space<vmem_shared>>
      %dma_start3A_106 = arith.constant 0 : i32
      %dma_start3A_107 = tpu.memref_slice %arg15[%add3A_25, %dma_start3A_106] : memref<10240x32xf32, #tpu.memory_space<vmem_shared>> -> memref<128x32xf32, #tpu.memory_space<vmem_shared>>
      tpu.enqueue_dma source(%arg13 : memref<128x32xf32, #tpu.memory_space<vmem>>) target(%dma_start3A_107 : memref<128x32xf32, #tpu.memory_space<vmem_shared>>) target_semaphore(%run_scoped3A : memref<!tpu.dma_semaphore, #tpu.memory_space<semaphore_mem>>)
      %dma_wait3A_108 = arith.constant 0 : i32
      %dma_wait3A_109 = tpu.memref_slice %arg15[%add3A_25, %dma_wait3A_108] : memref<10240x32xf32, #tpu.memory_space<vmem_shared>> -> memref<128x32xf32, #tpu.memory_space<vmem_shared>>
      %dma_wait3A_110 = arith.constant 0 : i32
      %dma_wait3A_111 = tpu.memref_slice %arg15[%add3A_25, %dma_wait3A_110] : memref<10240x32xf32, #tpu.memory_space<vmem_shared>> -> memref<128x32xf32, #tpu.memory_space<vmem_shared>>
      tpu.wait_dma2 semaphore(%run_scoped3A : memref<!tpu.dma_semaphore, #tpu.memory_space<semaphore_mem>>) src(%arg13 : memref<128x32xf32, #tpu.memory_space<vmem>>) dst(%dma_wait3A_111 : memref<128x32xf32, #tpu.memory_space<vmem_shared>>)
      tpu.yield
    }) : () -> ()
    %mul3A_26 = arith.constant 625 : i32
    %mul3A_27 = arith.muli %arg1, %mul3A_26 : i32
    %mul3A_28 = arith.constant 625 : i32
    %mul3A_29 = arith.muli %arg1, %mul3A_28 : i32
    %dma_start3A = arith.constant 0 : i32
    %dma_start3A_30 = tpu.memref_slice %arg14[%mul3A_29, %dma_start3A] : memref<10000x32xf32, #tpu.memory_space<vmem_shared>> -> memref<625x32xf32, #tpu.memory_space<vmem_shared>>
    %dma_start3A_31 = arith.constant 0 : i32
    %dma_start3A_32 = tpu.memref_slice %arg2[%mul3A_27, %dma_start3A_31] : memref<10000x32xf32, #tpu.memory_space<hbm>> -> memref<625x32xf32, #tpu.memory_space<hbm>>
    tpu.enqueue_dma source(%dma_start3A_32 : memref<625x32xf32, #tpu.memory_space<hbm>>) target(%dma_start3A_30 : memref<625x32xf32, #tpu.memory_space<vmem_shared>>) target_semaphore(%arg16 : memref<!tpu.dma_semaphore, #tpu.memory_space<semaphore_mem>>)
    "tpu.region"() ({
      %run_scoped3A = tpu.sem_alloc : memref<!tpu.dma_semaphore, #tpu.memory_space<semaphore_mem>>
      %dma_start3A_104 = arith.constant 0 : i32
      %dma_start3A_105 = arith.constant 0 : i32
      %dma_start3A_106 = tpu.memref_slice %arg3[%add3A, %dma_start3A_104, %dma_start3A_105] : memref<32x125x80xi32, #tpu.memory_space<hbm>> -> memref<1x125x80xi32, #tpu.memory_space<hbm>>
      %dma_start3A_107 = tpu.memref_squeeze %dma_start3A_106 : memref<1x125x80xi32, #tpu.memory_space<hbm>> -> memref<125x80xi32, #tpu.memory_space<hbm>>
      %dma_start3A_108 = arith.constant 0 : i32
      %dma_start3A_109 = arith.constant 0 : i32
      %dma_start3A_110 = tpu.memref_slice %arg3[%add3A, %dma_start3A_108, %dma_start3A_109] : memref<32x125x80xi32, #tpu.memory_space<hbm>> -> memref<1x125x80xi32, #tpu.memory_space<hbm>>
      %dma_start3A_111 = tpu.memref_squeeze %dma_start3A_110 : memref<1x125x80xi32, #tpu.memory_space<hbm>> -> memref<125x80xi32, #tpu.memory_space<hbm>>
      tpu.enqueue_dma source(%dma_start3A_111 : memref<125x80xi32, #tpu.memory_space<hbm>>) target(%arg6 : memref<125x80xi32, #tpu.memory_space<vmem>>) target_semaphore(%run_scoped3A : memref<!tpu.dma_semaphore, #tpu.memory_space<semaphore_mem>>)
      %dma_wait3A_112 = arith.constant 0 : i32
      %dma_wait3A_113 = arith.constant 0 : i32
      %dma_wait3A_114 = tpu.memref_slice %arg3[%add3A, %dma_wait3A_112, %dma_wait3A_113] : memref<32x125x80xi32, #tpu.memory_space<hbm>> -> memref<1x125x80xi32, #tpu.memory_space<hbm>>
      %dma_wait3A_115 = tpu.memref_squeeze %dma_wait3A_114 : memref<1x125x80xi32, #tpu.memory_space<hbm>> -> memref<125x80xi32, #tpu.memory_space<hbm>>
      %dma_wait3A_116 = arith.constant 0 : i32
      %dma_wait3A_117 = arith.constant 0 : i32
      %dma_wait3A_118 = tpu.memref_slice %arg3[%add3A, %dma_wait3A_116, %dma_wait3A_117] : memref<32x125x80xi32, #tpu.memory_space<hbm>> -> memref<1x125x80xi32, #tpu.memory_space<hbm>>
      %dma_wait3A_119 = tpu.memref_squeeze %dma_wait3A_118 : memref<1x125x80xi32, #tpu.memory_space<hbm>> -> memref<125x80xi32, #tpu.memory_space<hbm>>
      tpu.wait_dma2 semaphore(%run_scoped3A : memref<!tpu.dma_semaphore, #tpu.memory_space<semaphore_mem>>) src(%dma_wait3A_119 : memref<125x80xi32, #tpu.memory_space<hbm>>) dst(%arg6 : memref<125x80xi32, #tpu.memory_space<vmem>>)
      tpu.yield
    }) : () -> ()
    "tpu.region"() ({
      %run_scoped3A = tpu.sem_alloc : memref<!tpu.dma_semaphore, #tpu.memory_space<semaphore_mem>>
      %dma_start3A_104 = arith.constant 0 : i32
      %dma_start3A_105 = arith.constant 0 : i32
      %dma_start3A_106 = tpu.memref_slice %arg4[%add3A, %dma_start3A_104, %dma_start3A_105] : memref<32x125x80xi32, #tpu.memory_space<hbm>> -> memref<1x125x80xi32, #tpu.memory_space<hbm>>
      %dma_start3A_107 = tpu.memref_squeeze %dma_start3A_106 : memref<1x125x80xi32, #tpu.memory_space<hbm>> -> memref<125x80xi32, #tpu.memory_space<hbm>>
      %dma_start3A_108 = arith.constant 0 : i32
      %dma_start3A_109 = arith.constant 0 : i32
      %dma_start3A_110 = tpu.memref_slice %arg4[%add3A, %dma_start3A_108, %dma_start3A_109] : memref<32x125x80xi32, #tpu.memory_space<hbm>> -> memref<1x125x80xi32, #tpu.memory_space<hbm>>
      %dma_start3A_111 = tpu.memref_squeeze %dma_start3A_110 : memref<1x125x80xi32, #tpu.memory_space<hbm>> -> memref<125x80xi32, #tpu.memory_space<hbm>>
      tpu.enqueue_dma source(%dma_start3A_111 : memref<125x80xi32, #tpu.memory_space<hbm>>) target(%arg7 : memref<125x80xi32, #tpu.memory_space<vmem>>) target_semaphore(%run_scoped3A : memref<!tpu.dma_semaphore, #tpu.memory_space<semaphore_mem>>)
      %dma_wait3A_112 = arith.constant 0 : i32
      %dma_wait3A_113 = arith.constant 0 : i32
      %dma_wait3A_114 = tpu.memref_slice %arg4[%add3A, %dma_wait3A_112, %dma_wait3A_113] : memref<32x125x80xi32, #tpu.memory_space<hbm>> -> memref<1x125x80xi32, #tpu.memory_space<hbm>>
      %dma_wait3A_115 = tpu.memref_squeeze %dma_wait3A_114 : memref<1x125x80xi32, #tpu.memory_space<hbm>> -> memref<125x80xi32, #tpu.memory_space<hbm>>
      %dma_wait3A_116 = arith.constant 0 : i32
      %dma_wait3A_117 = arith.constant 0 : i32
      %dma_wait3A_118 = tpu.memref_slice %arg4[%add3A, %dma_wait3A_116, %dma_wait3A_117] : memref<32x125x80xi32, #tpu.memory_space<hbm>> -> memref<1x125x80xi32, #tpu.memory_space<hbm>>
      %dma_wait3A_119 = tpu.memref_squeeze %dma_wait3A_118 : memref<1x125x80xi32, #tpu.memory_space<hbm>> -> memref<125x80xi32, #tpu.memory_space<hbm>>
      tpu.wait_dma2 semaphore(%run_scoped3A : memref<!tpu.dma_semaphore, #tpu.memory_space<semaphore_mem>>) src(%dma_wait3A_119 : memref<125x80xi32, #tpu.memory_space<hbm>>) dst(%arg7 : memref<125x80xi32, #tpu.memory_space<vmem>>)
      tpu.yield
    }) : () -> ()
    %dma_wait3A = arith.constant 0 : i32
    %dma_wait3A_33 = tpu.memref_slice %arg14[%mul3A_29, %dma_wait3A] : memref<10000x32xf32, #tpu.memory_space<vmem_shared>> -> memref<625x32xf32, #tpu.memory_space<vmem_shared>>
    %dma_wait3A_34 = arith.constant 0 : i32
    %dma_wait3A_35 = tpu.memref_slice %arg2[%mul3A_27, %dma_wait3A_34] : memref<10000x32xf32, #tpu.memory_space<hbm>> -> memref<625x32xf32, #tpu.memory_space<hbm>>
    tpu.wait_dma2 semaphore(%arg16 : memref<!tpu.dma_semaphore, #tpu.memory_space<semaphore_mem>>) src(%dma_wait3A_35 : memref<625x32xf32, #tpu.memory_space<hbm>>) dst(%dma_wait3A_33 : memref<625x32xf32, #tpu.memory_space<vmem_shared>>)
    %barrier3A = arith.constant 0 : index
    tpu.barrier barrier_id(%barrier3A)
    %dma_start3A_36 = arith.constant 0 : i32
    %dma_start3A_37 = arith.constant 0 : i32
    %dma_start3A_38 = tpu.memref_slice %arg6[%dma_start3A_36, %dma_start3A_37] : memref<125x80xi32, #tpu.memory_space<vmem>> -> memref<1x80xi32, #tpu.memory_space<vmem>>
    %dma_start3A_39 = tpu.memref_squeeze %dma_start3A_38 : memref<1x80xi32, #tpu.memory_space<vmem>> -> memref<80xi32, #tpu.memory_space<vmem>>
    %dma_start3A_40 = arith.constant 0 : i32
    %dma_start3A_41 = arith.constant 0 : i32
    %dma_start3A_42 = tpu.memref_slice %arg14[%dma_start3A_40, %dma_start3A_41] : memref<10000x32xf32, #tpu.memory_space<vmem_shared>> -> memref<10000x32xf32, #tpu.memory_space<vmem_shared>>
    tpu.enqueue_indirect_dma source(%dma_start3A_42 : memref<10000x32xf32, #tpu.memory_space<vmem_shared>>) target(%arg8 : memref<80x32xf32, #tpu.memory_space<vmem>>) offsets(%dma_start3A_39 : memref<80xi32, #tpu.memory_space<vmem>>) semaphore(%arg16 : memref<!tpu.dma_semaphore, #tpu.memory_space<semaphore_mem>>)
    %scan3A_43 = arith.constant 0 : i32
    %scan3A_44 = arith.constant 25 : i32
    %scan3A_45 = arith.addi %scan3A_43, %scan3A_44 : i32
    %scan3A_46 = arith.constant 1 : i32
    scf.for %scan3A_104 = %scan3A_43 to %scan3A_45 step %scan3A_46  : i32 {
      %mul3A_105 = arith.constant 1 : i32
      %mul3A_106 = arith.muli %scan3A_104, %mul3A_105 : i32
      %add3A_107 = arith.constant 0 : i32
      %add3A_108 = arith.addi %add3A_107, %mul3A_106 : i32
      %mul3A_109 = arith.constant 5 : i32
      %mul3A_110 = arith.muli %add3A_108, %mul3A_109 : i32
      %add3A_111 = arith.constant 0 : i32
      %add3A_112 = arith.addi %mul3A_110, %add3A_111 : i32
      %add3A_113 = arith.constant 1 : i32
      %add3A_114 = arith.addi %add3A_112, %add3A_113 : i32
      %lt3A = arith.constant 125 : i32
      %lt3A_115 = arith.cmpi slt, %add3A_114, %lt3A : i32
      %convert_element_type3A = arith.extui %lt3A_115 : i1 to i32
      %cond3A = arith.constant 0 : i32
      %cond3A_116 = arith.cmpi ne, %convert_element_type3A, %cond3A : i32
      scf.if %cond3A_116 {
        %ge3A = arith.constant 5 : i32
        %ge3A_213 = arith.cmpi sge, %add3A_114, %ge3A : i32
        %convert_element_type3A_214 = arith.extui %ge3A_213 : i1 to i32
        %cond3A_215 = arith.constant 0 : i32
        %cond3A_216 = arith.cmpi ne, %convert_element_type3A_214, %cond3A_215 : i32
        scf.if %cond3A_216 {
          %dma_wait3A_223 = arith.constant 0 : i32
          %dma_wait3A_224 = arith.constant 0 : i32
          %dma_wait3A_225 = tpu.memref_slice %arg7[%dma_wait3A_223, %dma_wait3A_224] : memref<125x80xi32, #tpu.memory_space<vmem>> -> memref<1x80xi32, #tpu.memory_space<vmem>>
          %dma_wait3A_226 = tpu.memref_squeeze %dma_wait3A_225 : memref<1x80xi32, #tpu.memory_space<vmem>> -> memref<80xi32, #tpu.memory_space<vmem>>
          %dma_wait3A_227 = arith.constant 0 : i32
          %dma_wait3A_228 = arith.constant 0 : i32
          %dma_wait3A_229 = tpu.memref_slice %arg15[%dma_wait3A_227, %dma_wait3A_228] : memref<10240x32xf32, #tpu.memory_space<vmem_shared>> -> memref<10240x32xf32, #tpu.memory_space<vmem_shared>>
          tpu.wait_indirect_dma semaphore(%arg22 : memref<!tpu.dma_semaphore, #tpu.memory_space<semaphore_mem>>) src(%arg9 : memref<80x32xf32, #tpu.memory_space<vmem>>) dst(%dma_wait3A_229 : memref<10240x32xf32, #tpu.memory_space<vmem_shared>>)
        } else {
        }
        %dma_start3A_217 = arith.constant 0 : i32
        %dma_start3A_218 = tpu.memref_slice %arg6[%add3A_114, %dma_start3A_217] : memref<125x80xi32, #tpu.memory_space<vmem>> -> memref<1x80xi32, #tpu.memory_space<vmem>>
        %dma_start3A_219 = tpu.memref_squeeze %dma_start3A_218 : memref<1x80xi32, #tpu.memory_space<vmem>> -> memref<80xi32, #tpu.memory_space<vmem>>
        %dma_start3A_220 = arith.constant 0 : i32
        %dma_start3A_221 = arith.constant 0 : i32
        %dma_start3A_222 = tpu.memref_slice %arg14[%dma_start3A_220, %dma_start3A_221] : memref<10000x32xf32, #tpu.memory_space<vmem_shared>> -> memref<10000x32xf32, #tpu.memory_space<vmem_shared>>
        tpu.enqueue_indirect_dma source(%dma_start3A_222 : memref<10000x32xf32, #tpu.memory_space<vmem_shared>>) target(%arg9 : memref<80x32xf32, #tpu.memory_space<vmem>>) offsets(%dma_start3A_219 : memref<80xi32, #tpu.memory_space<vmem>>) semaphore(%arg17 : memref<!tpu.dma_semaphore, #tpu.memory_space<semaphore_mem>>)
      } else {
      }
      %dma_wait3A_117 = arith.constant 0 : i32
      %dma_wait3A_118 = tpu.memref_slice %arg6[%add3A_112, %dma_wait3A_117] : memref<125x80xi32, #tpu.memory_space<vmem>> -> memref<1x80xi32, #tpu.memory_space<vmem>>
      %dma_wait3A_119 = tpu.memref_squeeze %dma_wait3A_118 : memref<1x80xi32, #tpu.memory_space<vmem>> -> memref<80xi32, #tpu.memory_space<vmem>>
      %dma_wait3A_120 = arith.constant 0 : i32
      %dma_wait3A_121 = arith.constant 0 : i32
      %dma_wait3A_122 = tpu.memref_slice %arg14[%dma_wait3A_120, %dma_wait3A_121] : memref<10000x32xf32, #tpu.memory_space<vmem_shared>> -> memref<10000x32xf32, #tpu.memory_space<vmem_shared>>
      tpu.wait_indirect_dma semaphore(%arg16 : memref<!tpu.dma_semaphore, #tpu.memory_space<semaphore_mem>>) src(%dma_wait3A_122 : memref<10000x32xf32, #tpu.memory_space<vmem_shared>>) dst(%arg8 : memref<80x32xf32, #tpu.memory_space<vmem>>)
      %dma_start3A_123 = arith.constant 0 : i32
      %dma_start3A_124 = tpu.memref_slice %arg7[%add3A_112, %dma_start3A_123] : memref<125x80xi32, #tpu.memory_space<vmem>> -> memref<1x80xi32, #tpu.memory_space<vmem>>
      %dma_start3A_125 = tpu.memref_squeeze %dma_start3A_124 : memref<1x80xi32, #tpu.memory_space<vmem>> -> memref<80xi32, #tpu.memory_space<vmem>>
      %dma_start3A_126 = arith.constant 0 : i32
      %dma_start3A_127 = arith.constant 0 : i32
      %dma_start3A_128 = tpu.memref_slice %arg15[%dma_start3A_126, %dma_start3A_127] : memref<10240x32xf32, #tpu.memory_space<vmem_shared>> -> memref<10240x32xf32, #tpu.memory_space<vmem_shared>>
      tpu.enqueue_indirect_dma source(%arg8 : memref<80x32xf32, #tpu.memory_space<vmem>>) target(%dma_start3A_128 : memref<10240x32xf32, #tpu.memory_space<vmem_shared>>) offsets(%dma_start3A_125 : memref<80xi32, #tpu.memory_space<vmem>>) semaphore(%arg21 : memref<!tpu.dma_semaphore, #tpu.memory_space<semaphore_mem>>) {add = true}
      %add3A_129 = arith.constant 1 : i32
      %add3A_130 = arith.addi %mul3A_110, %add3A_129 : i32
      %add3A_131 = arith.constant 1 : i32
      %add3A_132 = arith.addi %add3A_130, %add3A_131 : i32
      %lt3A_133 = arith.constant 125 : i32
      %lt3A_134 = arith.cmpi slt, %add3A_132, %lt3A_133 : i32
      %convert_element_type3A_135 = arith.extui %lt3A_134 : i1 to i32
      %cond3A_136 = arith.constant 0 : i32
      %cond3A_137 = arith.cmpi ne, %convert_element_type3A_135, %cond3A_136 : i32
      scf.if %cond3A_137 {
        %ge3A = arith.constant 5 : i32
        %ge3A_213 = arith.cmpi sge, %add3A_132, %ge3A : i32
        %convert_element_type3A_214 = arith.extui %ge3A_213 : i1 to i32
        %cond3A_215 = arith.constant 0 : i32
        %cond3A_216 = arith.cmpi ne, %convert_element_type3A_214, %cond3A_215 : i32
        scf.if %cond3A_216 {
          %dma_wait3A_223 = arith.constant 0 : i32
          %dma_wait3A_224 = arith.constant 0 : i32
          %dma_wait3A_225 = tpu.memref_slice %arg7[%dma_wait3A_223, %dma_wait3A_224] : memref<125x80xi32, #tpu.memory_space<vmem>> -> memref<1x80xi32, #tpu.memory_space<vmem>>
          %dma_wait3A_226 = tpu.memref_squeeze %dma_wait3A_225 : memref<1x80xi32, #tpu.memory_space<vmem>> -> memref<80xi32, #tpu.memory_space<vmem>>
          %dma_wait3A_227 = arith.constant 0 : i32
          %dma_wait3A_228 = arith.constant 0 : i32
          %dma_wait3A_229 = tpu.memref_slice %arg15[%dma_wait3A_227, %dma_wait3A_228] : memref<10240x32xf32, #tpu.memory_space<vmem_shared>> -> memref<10240x32xf32, #tpu.memory_space<vmem_shared>>
          tpu.wait_indirect_dma semaphore(%arg23 : memref<!tpu.dma_semaphore, #tpu.memory_space<semaphore_mem>>) src(%arg10 : memref<80x32xf32, #tpu.memory_space<vmem>>) dst(%dma_wait3A_229 : memref<10240x32xf32, #tpu.memory_space<vmem_shared>>)
        } else {
        }
        %dma_start3A_217 = arith.constant 0 : i32
        %dma_start3A_218 = tpu.memref_slice %arg6[%add3A_132, %dma_start3A_217] : memref<125x80xi32, #tpu.memory_space<vmem>> -> memref<1x80xi32, #tpu.memory_space<vmem>>
        %dma_start3A_219 = tpu.memref_squeeze %dma_start3A_218 : memref<1x80xi32, #tpu.memory_space<vmem>> -> memref<80xi32, #tpu.memory_space<vmem>>
        %dma_start3A_220 = arith.constant 0 : i32
        %dma_start3A_221 = arith.constant 0 : i32
        %dma_start3A_222 = tpu.memref_slice %arg14[%dma_start3A_220, %dma_start3A_221] : memref<10000x32xf32, #tpu.memory_space<vmem_shared>> -> memref<10000x32xf32, #tpu.memory_space<vmem_shared>>
        tpu.enqueue_indirect_dma source(%dma_start3A_222 : memref<10000x32xf32, #tpu.memory_space<vmem_shared>>) target(%arg10 : memref<80x32xf32, #tpu.memory_space<vmem>>) offsets(%dma_start3A_219 : memref<80xi32, #tpu.memory_space<vmem>>) semaphore(%arg18 : memref<!tpu.dma_semaphore, #tpu.memory_space<semaphore_mem>>)
      } else {
      }
      %dma_wait3A_138 = arith.constant 0 : i32
      %dma_wait3A_139 = tpu.memref_slice %arg6[%add3A_130, %dma_wait3A_138] : memref<125x80xi32, #tpu.memory_space<vmem>> -> memref<1x80xi32, #tpu.memory_space<vmem>>
      %dma_wait3A_140 = tpu.memref_squeeze %dma_wait3A_139 : memref<1x80xi32, #tpu.memory_space<vmem>> -> memref<80xi32, #tpu.memory_space<vmem>>
      %dma_wait3A_141 = arith.constant 0 : i32
      %dma_wait3A_142 = arith.constant 0 : i32
      %dma_wait3A_143 = tpu.memref_slice %arg14[%dma_wait3A_141, %dma_wait3A_142] : memref<10000x32xf32, #tpu.memory_space<vmem_shared>> -> memref<10000x32xf32, #tpu.memory_space<vmem_shared>>
      tpu.wait_indirect_dma semaphore(%arg17 : memref<!tpu.dma_semaphore, #tpu.memory_space<semaphore_mem>>) src(%dma_wait3A_143 : memref<10000x32xf32, #tpu.memory_space<vmem_shared>>) dst(%arg9 : memref<80x32xf32, #tpu.memory_space<vmem>>)
      %dma_start3A_144 = arith.constant 0 : i32
      %dma_start3A_145 = tpu.memref_slice %arg7[%add3A_130, %dma_start3A_144] : memref<125x80xi32, #tpu.memory_space<vmem>> -> memref<1x80xi32, #tpu.memory_space<vmem>>
      %dma_start3A_146 = tpu.memref_squeeze %dma_start3A_145 : memref<1x80xi32, #tpu.memory_space<vmem>> -> memref<80xi32, #tpu.memory_space<vmem>>
      %dma_start3A_147 = arith.constant 0 : i32
      %dma_start3A_148 = arith.constant 0 : i32
      %dma_start3A_149 = tpu.memref_slice %arg15[%dma_start3A_147, %dma_start3A_148] : memref<10240x32xf32, #tpu.memory_space<vmem_shared>> -> memref<10240x32xf32, #tpu.memory_space<vmem_shared>>
      tpu.enqueue_indirect_dma source(%arg9 : memref<80x32xf32, #tpu.memory_space<vmem>>) target(%dma_start3A_149 : memref<10240x32xf32, #tpu.memory_space<vmem_shared>>) offsets(%dma_start3A_146 : memref<80xi32, #tpu.memory_space<vmem>>) semaphore(%arg22 : memref<!tpu.dma_semaphore, #tpu.memory_space<semaphore_mem>>) {add = true}
      %add3A_150 = arith.constant 2 : i32
      %add3A_151 = arith.addi %mul3A_110, %add3A_150 : i32
      %add3A_152 = arith.constant 1 : i32
      %add3A_153 = arith.addi %add3A_151, %add3A_152 : i32
      %lt3A_154 = arith.constant 125 : i32
      %lt3A_155 = arith.cmpi slt, %add3A_153, %lt3A_154 : i32
      %convert_element_type3A_156 = arith.extui %lt3A_155 : i1 to i32
      %cond3A_157 = arith.constant 0 : i32
      %cond3A_158 = arith.cmpi ne, %convert_element_type3A_156, %cond3A_157 : i32
      scf.if %cond3A_158 {
        %ge3A = arith.constant 5 : i32
        %ge3A_213 = arith.cmpi sge, %add3A_153, %ge3A : i32
        %convert_element_type3A_214 = arith.extui %ge3A_213 : i1 to i32
        %cond3A_215 = arith.constant 0 : i32
        %cond3A_216 = arith.cmpi ne, %convert_element_type3A_214, %cond3A_215 : i32
        scf.if %cond3A_216 {
          %dma_wait3A_223 = arith.constant 0 : i32
          %dma_wait3A_224 = arith.constant 0 : i32
          %dma_wait3A_225 = tpu.memref_slice %arg7[%dma_wait3A_223, %dma_wait3A_224] : memref<125x80xi32, #tpu.memory_space<vmem>> -> memref<1x80xi32, #tpu.memory_space<vmem>>
          %dma_wait3A_226 = tpu.memref_squeeze %dma_wait3A_225 : memref<1x80xi32, #tpu.memory_space<vmem>> -> memref<80xi32, #tpu.memory_space<vmem>>
          %dma_wait3A_227 = arith.constant 0 : i32
          %dma_wait3A_228 = arith.constant 0 : i32
          %dma_wait3A_229 = tpu.memref_slice %arg15[%dma_wait3A_227, %dma_wait3A_228] : memref<10240x32xf32, #tpu.memory_space<vmem_shared>> -> memref<10240x32xf32, #tpu.memory_space<vmem_shared>>
          tpu.wait_indirect_dma semaphore(%arg24 : memref<!tpu.dma_semaphore, #tpu.memory_space<semaphore_mem>>) src(%arg11 : memref<80x32xf32, #tpu.memory_space<vmem>>) dst(%dma_wait3A_229 : memref<10240x32xf32, #tpu.memory_space<vmem_shared>>)
        } else {
        }
        %dma_start3A_217 = arith.constant 0 : i32
        %dma_start3A_218 = tpu.memref_slice %arg6[%add3A_153, %dma_start3A_217] : memref<125x80xi32, #tpu.memory_space<vmem>> -> memref<1x80xi32, #tpu.memory_space<vmem>>
        %dma_start3A_219 = tpu.memref_squeeze %dma_start3A_218 : memref<1x80xi32, #tpu.memory_space<vmem>> -> memref<80xi32, #tpu.memory_space<vmem>>
        %dma_start3A_220 = arith.constant 0 : i32
        %dma_start3A_221 = arith.constant 0 : i32
        %dma_start3A_222 = tpu.memref_slice %arg14[%dma_start3A_220, %dma_start3A_221] : memref<10000x32xf32, #tpu.memory_space<vmem_shared>> -> memref<10000x32xf32, #tpu.memory_space<vmem_shared>>
        tpu.enqueue_indirect_dma source(%dma_start3A_222 : memref<10000x32xf32, #tpu.memory_space<vmem_shared>>) target(%arg11 : memref<80x32xf32, #tpu.memory_space<vmem>>) offsets(%dma_start3A_219 : memref<80xi32, #tpu.memory_space<vmem>>) semaphore(%arg19 : memref<!tpu.dma_semaphore, #tpu.memory_space<semaphore_mem>>)
      } else {
      }
      %dma_wait3A_159 = arith.constant 0 : i32
      %dma_wait3A_160 = tpu.memref_slice %arg6[%add3A_151, %dma_wait3A_159] : memref<125x80xi32, #tpu.memory_space<vmem>> -> memref<1x80xi32, #tpu.memory_space<vmem>>
      %dma_wait3A_161 = tpu.memref_squeeze %dma_wait3A_160 : memref<1x80xi32, #tpu.memory_space<vmem>> -> memref<80xi32, #tpu.memory_space<vmem>>
      %dma_wait3A_162 = arith.constant 0 : i32
      %dma_wait3A_163 = arith.constant 0 : i32
      %dma_wait3A_164 = tpu.memref_slice %arg14[%dma_wait3A_162, %dma_wait3A_163] : memref<10000x32xf32, #tpu.memory_space<vmem_shared>> -> memref<10000x32xf32, #tpu.memory_space<vmem_shared>>
      tpu.wait_indirect_dma semaphore(%arg18 : memref<!tpu.dma_semaphore, #tpu.memory_space<semaphore_mem>>) src(%dma_wait3A_164 : memref<10000x32xf32, #tpu.memory_space<vmem_shared>>) dst(%arg10 : memref<80x32xf32, #tpu.memory_space<vmem>>)
      %dma_start3A_165 = arith.constant 0 : i32
      %dma_start3A_166 = tpu.memref_slice %arg7[%add3A_151, %dma_start3A_165] : memref<125x80xi32, #tpu.memory_space<vmem>> -> memref<1x80xi32, #tpu.memory_space<vmem>>
      %dma_start3A_167 = tpu.memref_squeeze %dma_start3A_166 : memref<1x80xi32, #tpu.memory_space<vmem>> -> memref<80xi32, #tpu.memory_space<vmem>>
      %dma_start3A_168 = arith.constant 0 : i32
      %dma_start3A_169 = arith.constant 0 : i32
      %dma_start3A_170 = tpu.memref_slice %arg15[%dma_start3A_168, %dma_start3A_169] : memref<10240x32xf32, #tpu.memory_space<vmem_shared>> -> memref<10240x32xf32, #tpu.memory_space<vmem_shared>>
      tpu.enqueue_indirect_dma source(%arg10 : memref<80x32xf32, #tpu.memory_space<vmem>>) target(%dma_start3A_170 : memref<10240x32xf32, #tpu.memory_space<vmem_shared>>) offsets(%dma_start3A_167 : memref<80xi32, #tpu.memory_space<vmem>>) semaphore(%arg23 : memref<!tpu.dma_semaphore, #tpu.memory_space<semaphore_mem>>) {add = true}
      %add3A_171 = arith.constant 3 : i32
      %add3A_172 = arith.addi %mul3A_110, %add3A_171 : i32
      %add3A_173 = arith.constant 1 : i32
      %add3A_174 = arith.addi %add3A_172, %add3A_173 : i32
      %lt3A_175 = arith.constant 125 : i32
      %lt3A_176 = arith.cmpi slt, %add3A_174, %lt3A_175 : i32
      %convert_element_type3A_177 = arith.extui %lt3A_176 : i1 to i32
      %cond3A_178 = arith.constant 0 : i32
      %cond3A_179 = arith.cmpi ne, %convert_element_type3A_177, %cond3A_178 : i32
      scf.if %cond3A_179 {
        %ge3A = arith.constant 5 : i32
        %ge3A_213 = arith.cmpi sge, %add3A_174, %ge3A : i32
        %convert_element_type3A_214 = arith.extui %ge3A_213 : i1 to i32
        %cond3A_215 = arith.constant 0 : i32
        %cond3A_216 = arith.cmpi ne, %convert_element_type3A_214, %cond3A_215 : i32
        scf.if %cond3A_216 {
          %dma_wait3A_223 = arith.constant 0 : i32
          %dma_wait3A_224 = arith.constant 0 : i32
          %dma_wait3A_225 = tpu.memref_slice %arg7[%dma_wait3A_223, %dma_wait3A_224] : memref<125x80xi32, #tpu.memory_space<vmem>> -> memref<1x80xi32, #tpu.memory_space<vmem>>
          %dma_wait3A_226 = tpu.memref_squeeze %dma_wait3A_225 : memref<1x80xi32, #tpu.memory_space<vmem>> -> memref<80xi32, #tpu.memory_space<vmem>>
          %dma_wait3A_227 = arith.constant 0 : i32
          %dma_wait3A_228 = arith.constant 0 : i32
          %dma_wait3A_229 = tpu.memref_slice %arg15[%dma_wait3A_227, %dma_wait3A_228] : memref<10240x32xf32, #tpu.memory_space<vmem_shared>> -> memref<10240x32xf32, #tpu.memory_space<vmem_shared>>
          tpu.wait_indirect_dma semaphore(%arg25 : memref<!tpu.dma_semaphore, #tpu.memory_space<semaphore_mem>>) src(%arg12 : memref<80x32xf32, #tpu.memory_space<vmem>>) dst(%dma_wait3A_229 : memref<10240x32xf32, #tpu.memory_space<vmem_shared>>)
        } else {
        }
        %dma_start3A_217 = arith.constant 0 : i32
        %dma_start3A_218 = tpu.memref_slice %arg6[%add3A_174, %dma_start3A_217] : memref<125x80xi32, #tpu.memory_space<vmem>> -> memref<1x80xi32, #tpu.memory_space<vmem>>
        %dma_start3A_219 = tpu.memref_squeeze %dma_start3A_218 : memref<1x80xi32, #tpu.memory_space<vmem>> -> memref<80xi32, #tpu.memory_space<vmem>>
        %dma_start3A_220 = arith.constant 0 : i32
        %dma_start3A_221 = arith.constant 0 : i32
        %dma_start3A_222 = tpu.memref_slice %arg14[%dma_start3A_220, %dma_start3A_221] : memref<10000x32xf32, #tpu.memory_space<vmem_shared>> -> memref<10000x32xf32, #tpu.memory_space<vmem_shared>>
        tpu.enqueue_indirect_dma source(%dma_start3A_222 : memref<10000x32xf32, #tpu.memory_space<vmem_shared>>) target(%arg12 : memref<80x32xf32, #tpu.memory_space<vmem>>) offsets(%dma_start3A_219 : memref<80xi32, #tpu.memory_space<vmem>>) semaphore(%arg20 : memref<!tpu.dma_semaphore, #tpu.memory_space<semaphore_mem>>)
      } else {
      }
      %dma_wait3A_180 = arith.constant 0 : i32
      %dma_wait3A_181 = tpu.memref_slice %arg6[%add3A_172, %dma_wait3A_180] : memref<125x80xi32, #tpu.memory_space<vmem>> -> memref<1x80xi32, #tpu.memory_space<vmem>>
      %dma_wait3A_182 = tpu.memref_squeeze %dma_wait3A_181 : memref<1x80xi32, #tpu.memory_space<vmem>> -> memref<80xi32, #tpu.memory_space<vmem>>
      %dma_wait3A_183 = arith.constant 0 : i32
      %dma_wait3A_184 = arith.constant 0 : i32
      %dma_wait3A_185 = tpu.memref_slice %arg14[%dma_wait3A_183, %dma_wait3A_184] : memref<10000x32xf32, #tpu.memory_space<vmem_shared>> -> memref<10000x32xf32, #tpu.memory_space<vmem_shared>>
      tpu.wait_indirect_dma semaphore(%arg19 : memref<!tpu.dma_semaphore, #tpu.memory_space<semaphore_mem>>) src(%dma_wait3A_185 : memref<10000x32xf32, #tpu.memory_space<vmem_shared>>) dst(%arg11 : memref<80x32xf32, #tpu.memory_space<vmem>>)
      %dma_start3A_186 = arith.constant 0 : i32
      %dma_start3A_187 = tpu.memref_slice %arg7[%add3A_172, %dma_start3A_186] : memref<125x80xi32, #tpu.memory_space<vmem>> -> memref<1x80xi32, #tpu.memory_space<vmem>>
      %dma_start3A_188 = tpu.memref_squeeze %dma_start3A_187 : memref<1x80xi32, #tpu.memory_space<vmem>> -> memref<80xi32, #tpu.memory_space<vmem>>
      %dma_start3A_189 = arith.constant 0 : i32
      %dma_start3A_190 = arith.constant 0 : i32
      %dma_start3A_191 = tpu.memref_slice %arg15[%dma_start3A_189, %dma_start3A_190] : memref<10240x32xf32, #tpu.memory_space<vmem_shared>> -> memref<10240x32xf32, #tpu.memory_space<vmem_shared>>
      tpu.enqueue_indirect_dma source(%arg11 : memref<80x32xf32, #tpu.memory_space<vmem>>) target(%dma_start3A_191 : memref<10240x32xf32, #tpu.memory_space<vmem_shared>>) offsets(%dma_start3A_188 : memref<80xi32, #tpu.memory_space<vmem>>) semaphore(%arg24 : memref<!tpu.dma_semaphore, #tpu.memory_space<semaphore_mem>>) {add = true}
      %add3A_192 = arith.constant 4 : i32
      %add3A_193 = arith.addi %mul3A_110, %add3A_192 : i32
      %add3A_194 = arith.constant 1 : i32
      %add3A_195 = arith.addi %add3A_193, %add3A_194 : i32
      %lt3A_196 = arith.constant 125 : i32
      %lt3A_197 = arith.cmpi slt, %add3A_195, %lt3A_196 : i32
      %convert_element_type3A_198 = arith.extui %lt3A_197 : i1 to i32
      %cond3A_199 = arith.constant 0 : i32
      %cond3A_200 = arith.cmpi ne, %convert_element_type3A_198, %cond3A_199 : i32
      scf.if %cond3A_200 {
        %ge3A = arith.constant 5 : i32
        %ge3A_213 = arith.cmpi sge, %add3A_195, %ge3A : i32
        %convert_element_type3A_214 = arith.extui %ge3A_213 : i1 to i32
        %cond3A_215 = arith.constant 0 : i32
        %cond3A_216 = arith.cmpi ne, %convert_element_type3A_214, %cond3A_215 : i32
        scf.if %cond3A_216 {
          %dma_wait3A_223 = arith.constant 0 : i32
          %dma_wait3A_224 = arith.constant 0 : i32
          %dma_wait3A_225 = tpu.memref_slice %arg7[%dma_wait3A_223, %dma_wait3A_224] : memref<125x80xi32, #tpu.memory_space<vmem>> -> memref<1x80xi32, #tpu.memory_space<vmem>>
          %dma_wait3A_226 = tpu.memref_squeeze %dma_wait3A_225 : memref<1x80xi32, #tpu.memory_space<vmem>> -> memref<80xi32, #tpu.memory_space<vmem>>
          %dma_wait3A_227 = arith.constant 0 : i32
          %dma_wait3A_228 = arith.constant 0 : i32
          %dma_wait3A_229 = tpu.memref_slice %arg15[%dma_wait3A_227, %dma_wait3A_228] : memref<10240x32xf32, #tpu.memory_space<vmem_shared>> -> memref<10240x32xf32, #tpu.memory_space<vmem_shared>>
          tpu.wait_indirect_dma semaphore(%arg21 : memref<!tpu.dma_semaphore, #tpu.memory_space<semaphore_mem>>) src(%arg8 : memref<80x32xf32, #tpu.memory_space<vmem>>) dst(%dma_wait3A_229 : memref<10240x32xf32, #tpu.memory_space<vmem_shared>>)
        } else {
        }
        %dma_start3A_217 = arith.constant 0 : i32
        %dma_start3A_218 = tpu.memref_slice %arg6[%add3A_195, %dma_start3A_217] : memref<125x80xi32, #tpu.memory_space<vmem>> -> memref<1x80xi32, #tpu.memory_space<vmem>>
        %dma_start3A_219 = tpu.memref_squeeze %dma_start3A_218 : memref<1x80xi32, #tpu.memory_space<vmem>> -> memref<80xi32, #tpu.memory_space<vmem>>
        %dma_start3A_220 = arith.constant 0 : i32
        %dma_start3A_221 = arith.constant 0 : i32
        %dma_start3A_222 = tpu.memref_slice %arg14[%dma_start3A_220, %dma_start3A_221] : memref<10000x32xf32, #tpu.memory_space<vmem_shared>> -> memref<10000x32xf32, #tpu.memory_space<vmem_shared>>
        tpu.enqueue_indirect_dma source(%dma_start3A_222 : memref<10000x32xf32, #tpu.memory_space<vmem_shared>>) target(%arg8 : memref<80x32xf32, #tpu.memory_space<vmem>>) offsets(%dma_start3A_219 : memref<80xi32, #tpu.memory_space<vmem>>) semaphore(%arg16 : memref<!tpu.dma_semaphore, #tpu.memory_space<semaphore_mem>>)
      } else {
      }
      %dma_wait3A_201 = arith.constant 0 : i32
      %dma_wait3A_202 = tpu.memref_slice %arg6[%add3A_193, %dma_wait3A_201] : memref<125x80xi32, #tpu.memory_space<vmem>> -> memref<1x80xi32, #tpu.memory_space<vmem>>
      %dma_wait3A_203 = tpu.memref_squeeze %dma_wait3A_202 : memref<1x80xi32, #tpu.memory_space<vmem>> -> memref<80xi32, #tpu.memory_space<vmem>>
      %dma_wait3A_204 = arith.constant 0 : i32
      %dma_wait3A_205 = arith.constant 0 : i32
      %dma_wait3A_206 = tpu.memref_slice %arg14[%dma_wait3A_204, %dma_wait3A_205] : memref<10000x32xf32, #tpu.memory_space<vmem_shared>> -> memref<10000x32xf32, #tpu.memory_space<vmem_shared>>
      tpu.wait_indirect_dma semaphore(%arg20 : memref<!tpu.dma_semaphore, #tpu.memory_space<semaphore_mem>>) src(%dma_wait3A_206 : memref<10000x32xf32, #tpu.memory_space<vmem_shared>>) dst(%arg12 : memref<80x32xf32, #tpu.memory_space<vmem>>)
      %dma_start3A_207 = arith.constant 0 : i32
      %dma_start3A_208 = tpu.memref_slice %arg7[%add3A_193, %dma_start3A_207] : memref<125x80xi32, #tpu.memory_space<vmem>> -> memref<1x80xi32, #tpu.memory_space<vmem>>
      %dma_start3A_209 = tpu.memref_squeeze %dma_start3A_208 : memref<1x80xi32, #tpu.memory_space<vmem>> -> memref<80xi32, #tpu.memory_space<vmem>>
      %dma_start3A_210 = arith.constant 0 : i32
      %dma_start3A_211 = arith.constant 0 : i32
      %dma_start3A_212 = tpu.memref_slice %arg15[%dma_start3A_210, %dma_start3A_211] : memref<10240x32xf32, #tpu.memory_space<vmem_shared>> -> memref<10240x32xf32, #tpu.memory_space<vmem_shared>>
      tpu.enqueue_indirect_dma source(%arg12 : memref<80x32xf32, #tpu.memory_space<vmem>>) target(%dma_start3A_212 : memref<10240x32xf32, #tpu.memory_space<vmem_shared>>) offsets(%dma_start3A_209 : memref<80xi32, #tpu.memory_space<vmem>>) semaphore(%arg25 : memref<!tpu.dma_semaphore, #tpu.memory_space<semaphore_mem>>) {add = true}
    }
    %scan3A_47 = arith.constant 25 : i32
    %dma_wait3A_48 = arith.constant 0 : i32
    %dma_wait3A_49 = arith.constant 0 : i32
    %dma_wait3A_50 = tpu.memref_slice %arg7[%dma_wait3A_48, %dma_wait3A_49] : memref<125x80xi32, #tpu.memory_space<vmem>> -> memref<1x80xi32, #tpu.memory_space<vmem>>
    %dma_wait3A_51 = tpu.memref_squeeze %dma_wait3A_50 : memref<1x80xi32, #tpu.memory_space<vmem>> -> memref<80xi32, #tpu.memory_space<vmem>>
    %dma_wait3A_52 = arith.constant 0 : i32
    %dma_wait3A_53 = arith.constant 0 : i32
    %dma_wait3A_54 = tpu.memref_slice %arg15[%dma_wait3A_52, %dma_wait3A_53] : memref<10240x32xf32, #tpu.memory_space<vmem_shared>> -> memref<10240x32xf32, #tpu.memory_space<vmem_shared>>
    tpu.wait_indirect_dma semaphore(%arg21 : memref<!tpu.dma_semaphore, #tpu.memory_space<semaphore_mem>>) src(%arg8 : memref<80x32xf32, #tpu.memory_space<vmem>>) dst(%dma_wait3A_54 : memref<10240x32xf32, #tpu.memory_space<vmem_shared>>)
    %dma_wait3A_55 = arith.constant 0 : i32
    %dma_wait3A_56 = arith.constant 0 : i32
    %dma_wait3A_57 = tpu.memref_slice %arg7[%dma_wait3A_55, %dma_wait3A_56] : memref<125x80xi32, #tpu.memory_space<vmem>> -> memref<1x80xi32, #tpu.memory_space<vmem>>
    %dma_wait3A_58 = tpu.memref_squeeze %dma_wait3A_57 : memref<1x80xi32, #tpu.memory_space<vmem>> -> memref<80xi32, #tpu.memory_space<vmem>>
    %dma_wait3A_59 = arith.constant 0 : i32
    %dma_wait3A_60 = arith.constant 0 : i32
    %dma_wait3A_61 = tpu.memref_slice %arg15[%dma_wait3A_59, %dma_wait3A_60] : memref<10240x32xf32, #tpu.memory_space<vmem_shared>> -> memref<10240x32xf32, #tpu.memory_space<vmem_shared>>
    tpu.wait_indirect_dma semaphore(%arg22 : memref<!tpu.dma_semaphore, #tpu.memory_space<semaphore_mem>>) src(%arg9 : memref<80x32xf32, #tpu.memory_space<vmem>>) dst(%dma_wait3A_61 : memref<10240x32xf32, #tpu.memory_space<vmem_shared>>)
    %dma_wait3A_62 = arith.constant 0 : i32
    %dma_wait3A_63 = arith.constant 0 : i32
    %dma_wait3A_64 = tpu.memref_slice %arg7[%dma_wait3A_62, %dma_wait3A_63] : memref<125x80xi32, #tpu.memory_space<vmem>> -> memref<1x80xi32, #tpu.memory_space<vmem>>
    %dma_wait3A_65 = tpu.memref_squeeze %dma_wait3A_64 : memref<1x80xi32, #tpu.memory_space<vmem>> -> memref<80xi32, #tpu.memory_space<vmem>>
    %dma_wait3A_66 = arith.constant 0 : i32
    %dma_wait3A_67 = arith.constant 0 : i32
    %dma_wait3A_68 = tpu.memref_slice %arg15[%dma_wait3A_66, %dma_wait3A_67] : memref<10240x32xf32, #tpu.memory_space<vmem_shared>> -> memref<10240x32xf32, #tpu.memory_space<vmem_shared>>
    tpu.wait_indirect_dma semaphore(%arg23 : memref<!tpu.dma_semaphore, #tpu.memory_space<semaphore_mem>>) src(%arg10 : memref<80x32xf32, #tpu.memory_space<vmem>>) dst(%dma_wait3A_68 : memref<10240x32xf32, #tpu.memory_space<vmem_shared>>)
    %dma_wait3A_69 = arith.constant 0 : i32
    %dma_wait3A_70 = arith.constant 0 : i32
    %dma_wait3A_71 = tpu.memref_slice %arg7[%dma_wait3A_69, %dma_wait3A_70] : memref<125x80xi32, #tpu.memory_space<vmem>> -> memref<1x80xi32, #tpu.memory_space<vmem>>
    %dma_wait3A_72 = tpu.memref_squeeze %dma_wait3A_71 : memref<1x80xi32, #tpu.memory_space<vmem>> -> memref<80xi32, #tpu.memory_space<vmem>>
    %dma_wait3A_73 = arith.constant 0 : i32
    %dma_wait3A_74 = arith.constant 0 : i32
    %dma_wait3A_75 = tpu.memref_slice %arg15[%dma_wait3A_73, %dma_wait3A_74] : memref<10240x32xf32, #tpu.memory_space<vmem_shared>> -> memref<10240x32xf32, #tpu.memory_space<vmem_shared>>
    tpu.wait_indirect_dma semaphore(%arg24 : memref<!tpu.dma_semaphore, #tpu.memory_space<semaphore_mem>>) src(%arg11 : memref<80x32xf32, #tpu.memory_space<vmem>>) dst(%dma_wait3A_75 : memref<10240x32xf32, #tpu.memory_space<vmem_shared>>)
    %dma_wait3A_76 = arith.constant 0 : i32
    %dma_wait3A_77 = arith.constant 0 : i32
    %dma_wait3A_78 = tpu.memref_slice %arg7[%dma_wait3A_76, %dma_wait3A_77] : memref<125x80xi32, #tpu.memory_space<vmem>> -> memref<1x80xi32, #tpu.memory_space<vmem>>
    %dma_wait3A_79 = tpu.memref_squeeze %dma_wait3A_78 : memref<1x80xi32, #tpu.memory_space<vmem>> -> memref<80xi32, #tpu.memory_space<vmem>>
    %dma_wait3A_80 = arith.constant 0 : i32
    %dma_wait3A_81 = arith.constant 0 : i32
    %dma_wait3A_82 = tpu.memref_slice %arg15[%dma_wait3A_80, %dma_wait3A_81] : memref<10240x32xf32, #tpu.memory_space<vmem_shared>> -> memref<10240x32xf32, #tpu.memory_space<vmem_shared>>
    tpu.wait_indirect_dma semaphore(%arg25 : memref<!tpu.dma_semaphore, #tpu.memory_space<semaphore_mem>>) src(%arg12 : memref<80x32xf32, #tpu.memory_space<vmem>>) dst(%dma_wait3A_82 : memref<10240x32xf32, #tpu.memory_space<vmem_shared>>)
    %barrier3A_83 = arith.constant 0 : index
    tpu.barrier barrier_id(%barrier3A_83)
    %mul3A_84 = arith.constant 640 : i32
    %mul3A_85 = arith.muli %arg1, %mul3A_84 : i32
    %add3A_86 = arith.constant 0 : i32
    %add3A_87 = arith.addi %mul3A_85, %add3A_86 : i32
    "tpu.region"() ({
      %run_scoped3A = tpu.sem_alloc : memref<!tpu.dma_semaphore, #tpu.memory_space<semaphore_mem>>
      %dma_start3A_104 = arith.constant 0 : i32
      %dma_start3A_105 = tpu.memref_slice %arg5[%arg0, %add3A_87, %dma_start3A_104] : memref<2x10240x32xf32, #tpu.memory_space<hbm>> -> memref<1x128x32xf32, #tpu.memory_space<hbm>>
      %dma_start3A_106 = tpu.memref_squeeze %dma_start3A_105 : memref<1x128x32xf32, #tpu.memory_space<hbm>> -> memref<128x32xf32, #tpu.memory_space<hbm>>
      %dma_start3A_107 = arith.constant 0 : i32
      %dma_start3A_108 = tpu.memref_slice %arg15[%add3A_87, %dma_start3A_107] : memref<10240x32xf32, #tpu.memory_space<vmem_shared>> -> memref<128x32xf32, #tpu.memory_space<vmem_shared>>
      tpu.enqueue_dma source(%dma_start3A_108 : memref<128x32xf32, #tpu.memory_space<vmem_shared>>) target(%dma_start3A_106 : memref<128x32xf32, #tpu.memory_space<hbm>>) target_semaphore(%run_scoped3A : memref<!tpu.dma_semaphore, #tpu.memory_space<semaphore_mem>>)
      %dma_wait3A_109 = arith.constant 0 : i32
      %dma_wait3A_110 = tpu.memref_slice %arg5[%arg0, %add3A_87, %dma_wait3A_109] : memref<2x10240x32xf32, #tpu.memory_space<hbm>> -> memref<1x128x32xf32, #tpu.memory_space<hbm>>
      %dma_wait3A_111 = tpu.memref_squeeze %dma_wait3A_110 : memref<1x128x32xf32, #tpu.memory_space<hbm>> -> memref<128x32xf32, #tpu.memory_space<hbm>>
      %dma_wait3A_112 = arith.constant 0 : i32
      %dma_wait3A_113 = tpu.memref_slice %arg15[%add3A_87, %dma_wait3A_112] : memref<10240x32xf32, #tpu.memory_space<vmem_shared>> -> memref<128x32xf32, #tpu.memory_space<vmem_shared>>
      tpu.wait_dma2 semaphore(%run_scoped3A : memref<!tpu.dma_semaphore, #tpu.memory_space<semaphore_mem>>) src(%dma_wait3A_113 : memref<128x32xf32, #tpu.memory_space<vmem_shared>>) dst(%dma_wait3A_111 : memref<128x32xf32, #tpu.memory_space<hbm>>)
      tpu.yield
    }) : () -> ()
    %mul3A_88 = arith.constant 640 : i32
    %mul3A_89 = arith.muli %arg1, %mul3A_88 : i32
    %add3A_90 = arith.constant 128 : i32
    %add3A_91 = arith.addi %mul3A_89, %add3A_90 : i32
    "tpu.region"() ({
      %run_scoped3A = tpu.sem_alloc : memref<!tpu.dma_semaphore, #tpu.memory_space<semaphore_mem>>
      %dma_start3A_104 = arith.constant 0 : i32
      %dma_start3A_105 = tpu.memref_slice %arg5[%arg0, %add3A_91, %dma_start3A_104] : memref<2x10240x32xf32, #tpu.memory_space<hbm>> -> memref<1x128x32xf32, #tpu.memory_space<hbm>>
      %dma_start3A_106 = tpu.memref_squeeze %dma_start3A_105 : memref<1x128x32xf32, #tpu.memory_space<hbm>> -> memref<128x32xf32, #tpu.memory_space<hbm>>
      %dma_start3A_107 = arith.constant 0 : i32
      %dma_start3A_108 = tpu.memref_slice %arg15[%add3A_91, %dma_start3A_107] : memref<10240x32xf32, #tpu.memory_space<vmem_shared>> -> memref<128x32xf32, #tpu.memory_space<vmem_shared>>
      tpu.enqueue_dma source(%dma_start3A_108 : memref<128x32xf32, #tpu.memory_space<vmem_shared>>) target(%dma_start3A_106 : memref<128x32xf32, #tpu.memory_space<hbm>>) target_semaphore(%run_scoped3A : memref<!tpu.dma_semaphore, #tpu.memory_space<semaphore_mem>>)
      %dma_wait3A_109 = arith.constant 0 : i32
      %dma_wait3A_110 = tpu.memref_slice %arg5[%arg0, %add3A_91, %dma_wait3A_109] : memref<2x10240x32xf32, #tpu.memory_space<hbm>> -> memref<1x128x32xf32, #tpu.memory_space<hbm>>
      %dma_wait3A_111 = tpu.memref_squeeze %dma_wait3A_110 : memref<1x128x32xf32, #tpu.memory_space<hbm>> -> memref<128x32xf32, #tpu.memory_space<hbm>>
      %dma_wait3A_112 = arith.constant 0 : i32
      %dma_wait3A_113 = tpu.memref_slice %arg15[%add3A_91, %dma_wait3A_112] : memref<10240x32xf32, #tpu.memory_space<vmem_shared>> -> memref<128x32xf32, #tpu.memory_space<vmem_shared>>
      tpu.wait_dma2 semaphore(%run_scoped3A : memref<!tpu.dma_semaphore, #tpu.memory_space<semaphore_mem>>) src(%dma_wait3A_113 : memref<128x32xf32, #tpu.memory_space<vmem_shared>>) dst(%dma_wait3A_111 : memref<128x32xf32, #tpu.memory_space<hbm>>)
      tpu.yield
    }) : () -> ()
    %mul3A_92 = arith.constant 640 : i32
    %mul3A_93 = arith.muli %arg1, %mul3A_92 : i32
    %add3A_94 = arith.constant 256 : i32
    %add3A_95 = arith.addi %mul3A_93, %add3A_94 : i32
    "tpu.region"() ({
      %run_scoped3A = tpu.sem_alloc : memref<!tpu.dma_semaphore, #tpu.memory_space<semaphore_mem>>
      %dma_start3A_104 = arith.constant 0 : i32
      %dma_start3A_105 = tpu.memref_slice %arg5[%arg0, %add3A_95, %dma_start3A_104] : memref<2x10240x32xf32, #tpu.memory_space<hbm>> -> memref<1x128x32xf32, #tpu.memory_space<hbm>>
      %dma_start3A_106 = tpu.memref_squeeze %dma_start3A_105 : memref<1x128x32xf32, #tpu.memory_space<hbm>> -> memref<128x32xf32, #tpu.memory_space<hbm>>
      %dma_start3A_107 = arith.constant 0 : i32
      %dma_start3A_108 = tpu.memref_slice %arg15[%add3A_95, %dma_start3A_107] : memref<10240x32xf32, #tpu.memory_space<vmem_shared>> -> memref<128x32xf32, #tpu.memory_space<vmem_shared>>
      tpu.enqueue_dma source(%dma_start3A_108 : memref<128x32xf32, #tpu.memory_space<vmem_shared>>) target(%dma_start3A_106 : memref<128x32xf32, #tpu.memory_space<hbm>>) target_semaphore(%run_scoped3A : memref<!tpu.dma_semaphore, #tpu.memory_space<semaphore_mem>>)
      %dma_wait3A_109 = arith.constant 0 : i32
      %dma_wait3A_110 = tpu.memref_slice %arg5[%arg0, %add3A_95, %dma_wait3A_109] : memref<2x10240x32xf32, #tpu.memory_space<hbm>> -> memref<1x128x32xf32, #tpu.memory_space<hbm>>
      %dma_wait3A_111 = tpu.memref_squeeze %dma_wait3A_110 : memref<1x128x32xf32, #tpu.memory_space<hbm>> -> memref<128x32xf32, #tpu.memory_space<hbm>>
      %dma_wait3A_112 = arith.constant 0 : i32
      %dma_wait3A_113 = tpu.memref_slice %arg15[%add3A_95, %dma_wait3A_112] : memref<10240x32xf32, #tpu.memory_space<vmem_shared>> -> memref<128x32xf32, #tpu.memory_space<vmem_shared>>
      tpu.wait_dma2 semaphore(%run_scoped3A : memref<!tpu.dma_semaphore, #tpu.memory_space<semaphore_mem>>) src(%dma_wait3A_113 : memref<128x32xf32, #tpu.memory_space<vmem_shared>>) dst(%dma_wait3A_111 : memref<128x32xf32, #tpu.memory_space<hbm>>)
      tpu.yield
    }) : () -> ()
    %mul3A_96 = arith.constant 640 : i32
    %mul3A_97 = arith.muli %arg1, %mul3A_96 : i32
    %add3A_98 = arith.constant 384 : i32
    %add3A_99 = arith.addi %mul3A_97, %add3A_98 : i32
    "tpu.region"() ({
      %run_scoped3A = tpu.sem_alloc : memref<!tpu.dma_semaphore, #tpu.memory_space<semaphore_mem>>
      %dma_start3A_104 = arith.constant 0 : i32
      %dma_start3A_105 = tpu.memref_slice %arg5[%arg0, %add3A_99, %dma_start3A_104] : memref<2x10240x32xf32, #tpu.memory_space<hbm>> -> memref<1x128x32xf32, #tpu.memory_space<hbm>>
      %dma_start3A_106 = tpu.memref_squeeze %dma_start3A_105 : memref<1x128x32xf32, #tpu.memory_space<hbm>> -> memref<128x32xf32, #tpu.memory_space<hbm>>
      %dma_start3A_107 = arith.constant 0 : i32
      %dma_start3A_108 = tpu.memref_slice %arg15[%add3A_99, %dma_start3A_107] : memref<10240x32xf32, #tpu.memory_space<vmem_shared>> -> memref<128x32xf32, #tpu.memory_space<vmem_shared>>
      tpu.enqueue_dma source(%dma_start3A_108 : memref<128x32xf32, #tpu.memory_space<vmem_shared>>) target(%dma_start3A_106 : memref<128x32xf32, #tpu.memory_space<hbm>>) target_semaphore(%run_scoped3A : memref<!tpu.dma_semaphore, #tpu.memory_space<semaphore_mem>>)
      %dma_wait3A_109 = arith.constant 0 : i32
      %dma_wait3A_110 = tpu.memref_slice %arg5[%arg0, %add3A_99, %dma_wait3A_109] : memref<2x10240x32xf32, #tpu.memory_space<hbm>> -> memref<1x128x32xf32, #tpu.memory_space<hbm>>
      %dma_wait3A_111 = tpu.memref_squeeze %dma_wait3A_110 : memref<1x128x32xf32, #tpu.memory_space<hbm>> -> memref<128x32xf32, #tpu.memory_space<hbm>>
      %dma_wait3A_112 = arith.constant 0 : i32
      %dma_wait3A_113 = tpu.memref_slice %arg15[%add3A_99, %dma_wait3A_112] : memref<10240x32xf32, #tpu.memory_space<vmem_shared>> -> memref<128x32xf32, #tpu.memory_space<vmem_shared>>
      tpu.wait_dma2 semaphore(%run_scoped3A : memref<!tpu.dma_semaphore, #tpu.memory_space<semaphore_mem>>) src(%dma_wait3A_113 : memref<128x32xf32, #tpu.memory_space<vmem_shared>>) dst(%dma_wait3A_111 : memref<128x32xf32, #tpu.memory_space<hbm>>)
      tpu.yield
    }) : () -> ()
    %mul3A_100 = arith.constant 640 : i32
    %mul3A_101 = arith.muli %arg1, %mul3A_100 : i32
    %add3A_102 = arith.constant 512 : i32
    %add3A_103 = arith.addi %mul3A_101, %add3A_102 : i32
    "tpu.region"() ({
      %run_scoped3A = tpu.sem_alloc : memref<!tpu.dma_semaphore, #tpu.memory_space<semaphore_mem>>
      %dma_start3A_104 = arith.constant 0 : i32
      %dma_start3A_105 = tpu.memref_slice %arg5[%arg0, %add3A_103, %dma_start3A_104] : memref<2x10240x32xf32, #tpu.memory_space<hbm>> -> memref<1x128x32xf32, #tpu.memory_space<hbm>>
      %dma_start3A_106 = tpu.memref_squeeze %dma_start3A_105 : memref<1x128x32xf32, #tpu.memory_space<hbm>> -> memref<128x32xf32, #tpu.memory_space<hbm>>
      %dma_start3A_107 = arith.constant 0 : i32
      %dma_start3A_108 = tpu.memref_slice %arg15[%add3A_103, %dma_start3A_107] : memref<10240x32xf32, #tpu.memory_space<vmem_shared>> -> memref<128x32xf32, #tpu.memory_space<vmem_shared>>
      tpu.enqueue_dma source(%dma_start3A_108 : memref<128x32xf32, #tpu.memory_space<vmem_shared>>) target(%dma_start3A_106 : memref<128x32xf32, #tpu.memory_space<hbm>>) target_semaphore(%run_scoped3A : memref<!tpu.dma_semaphore, #tpu.memory_space<semaphore_mem>>)
      %dma_wait3A_109 = arith.constant 0 : i32
      %dma_wait3A_110 = tpu.memref_slice %arg5[%arg0, %add3A_103, %dma_wait3A_109] : memref<2x10240x32xf32, #tpu.memory_space<hbm>> -> memref<1x128x32xf32, #tpu.memory_space<hbm>>
      %dma_wait3A_111 = tpu.memref_squeeze %dma_wait3A_110 : memref<1x128x32xf32, #tpu.memory_space<hbm>> -> memref<128x32xf32, #tpu.memory_space<hbm>>
      %dma_wait3A_112 = arith.constant 0 : i32
      %dma_wait3A_113 = tpu.memref_slice %arg15[%add3A_103, %dma_wait3A_112] : memref<10240x32xf32, #tpu.memory_space<vmem_shared>> -> memref<128x32xf32, #tpu.memory_space<vmem_shared>>
      tpu.wait_dma2 semaphore(%run_scoped3A : memref<!tpu.dma_semaphore, #tpu.memory_space<semaphore_mem>>) src(%dma_wait3A_113 : memref<128x32xf32, #tpu.memory_space<vmem_shared>>) dst(%dma_wait3A_111 : memref<128x32xf32, #tpu.memory_space<hbm>>)
      tpu.yield
    }) : () -> ()
    return
  }
}

module attributes {stable_mosaic.version = 14 : i64} {
  func.func @_k1b_body(%arg0: i32, %arg1: memref<2000x48xf32, #tpu.memory_space<vmem>>, %arg2: memref<2x2000x16xf32, #tpu.memory_space<vmem>>, %arg3: memref<2000x48xf32, #tpu.memory_space<vmem>>) attributes {dimension_semantics = [#tpu.dimension_semantics<arbitrary>], iteration_bounds = array<i64: 5>, scalar_prefetch = 0 : i64, scratch_operands = 0 : i64, tpu.core_type = #tpu.core_type<tc>, window_params = [{transform_indices = @transform_0, window_bounds = array<i64: 2000, 48>}, {transform_indices = @transform_1, window_bounds = array<i64: 2, 2000, 16>}, {transform_indices = @transform_2, window_bounds = array<i64: 2000, 48>}]} {
    %get3A = arith.constant 0 : index
    %get3A_0 = arith.constant 0 : index
    %get3A_1 = arith.constant 0 : index
    %get3A_2 = vector.load %arg2[%get3A, %get3A_0, %get3A_1] : memref<2x2000x16xf32, #tpu.memory_space<vmem>>, vector<1x2000x1xf32>
    %get3A_3 = vector.shape_cast %get3A_2 : vector<1x2000x1xf32> to vector<2000x1xf32>
    %get3A_4 = arith.constant 1 : index
    %get3A_5 = arith.constant 0 : index
    %get3A_6 = arith.constant 0 : index
    %get3A_7 = vector.load %arg2[%get3A_4, %get3A_5, %get3A_6] : memref<2x2000x16xf32, #tpu.memory_space<vmem>>, vector<1x2000x1xf32>
    %get3A_8 = vector.shape_cast %get3A_7 : vector<1x2000x1xf32> to vector<2000x1xf32>
    %add3A = arith.addf %get3A_3, %get3A_8 : vector<2000x1xf32>
    %add3A_9 = arith.constant 1.000000e+00 : f32
    %add3A_10 = vector.broadcast %add3A_9 : f32 to vector<2000x1xf32>
    %add3A_11 = arith.addf %add3A, %add3A_10 : vector<2000x1xf32>
    %rsqrt3A = math.rsqrt %add3A_11 : vector<2000x1xf32>
    %iota3A = tpu.iota {dimensions = array<i32: 1>} : vector<2000x48xi32>
    %eq3A = arith.constant 47 : i32
    %eq3A_12 = vector.broadcast %eq3A : i32 to vector<2000x48xi32>
    %eq3A_13 = arith.cmpi eq, %iota3A, %eq3A_12 : vector<2000x48xi32>
    %get3A_14 = arith.constant 0 : index
    %get3A_15 = arith.constant 0 : index
    %get3A_16 = vector.load %arg1[%get3A_14, %get3A_15] : memref<2000x48xf32, #tpu.memory_space<vmem>>, vector<2000x48xf32>
    %mul3A = vector.broadcast %rsqrt3A : vector<2000x1xf32> to vector<2000x48xf32>
    %mul3A_17 = arith.mulf %get3A_16, %mul3A : vector<2000x48xf32>
    %broadcast_in_dim3A = vector.shape_cast %rsqrt3A : vector<2000x1xf32> to vector<2000x1xf32>
    %broadcast_in_dim3A_18 = vector.broadcast %broadcast_in_dim3A : vector<2000x1xf32> to vector<2000x48xf32>
    %select_n3A = arith.select %eq3A_13, %broadcast_in_dim3A_18, %mul3A_17 : vector<2000x48xi1>, vector<2000x48xf32>
    %swap3A = arith.constant 0 : index
    %swap3A_19 = arith.constant 0 : index
    %swap3A_20 = vector.load %arg3[%swap3A, %swap3A_19] : memref<2000x48xf32, #tpu.memory_space<vmem>>, vector<2000x48xf32>
    tpu.vector_store %arg3[%swap3A, %swap3A_19], %select_n3A {strides = array<i32>} : memref<2000x48xf32, #tpu.memory_space<vmem>>, vector<2000x48xf32>,
    return
  }
  func.func @transform_0(%arg0: i32) -> (i32, i32) {
    %c0_i32 = arith.constant 0 : i32
    %c0_i32_0 = arith.constant 0 : i32
    return %arg0, %c0_i32 : i32, i32
  }
  func.func @transform_1(%arg0: i32) -> (i32, i32, i32) {
    %c0_i32 = arith.constant 0 : i32
    %c0_i32_0 = arith.constant 0 : i32
    %c0_i32_1 = arith.constant 0 : i32
    return %c0_i32, %arg0, %c0_i32_0 : i32, i32, i32
  }
  func.func @transform_2(%arg0: i32) -> (i32, i32) {
    %c0_i32 = arith.constant 0 : i32
    %c0_i32_0 = arith.constant 0 : i32
    return %arg0, %c0_i32 : i32, i32
  }
}

module attributes {stable_mosaic.version = 14 : i64} {
  func.func @_k1a_body(%arg0: i32, %arg1: memref<2000x128xf32, #tpu.memory_space<vmem>>, %arg2: memref<128x48xf32, #tpu.memory_space<vmem>>, %arg3: memref<2000x48xf32, #tpu.memory_space<vmem>>) attributes {dimension_semantics = [#tpu.dimension_semantics<arbitrary>], iteration_bounds = array<i64: 5>, scalar_prefetch = 0 : i64, scratch_operands = 0 : i64, tpu.core_type = #tpu.core_type<tc>, window_params = [{transform_indices = @transform_0, window_bounds = array<i64: 2000, 128>}, {pipeline_mode = #tpu.pipeline_mode<synchronous>, transform_indices = @transform_1, window_bounds = array<i64: 128, 48>}, {transform_indices = @transform_2, window_bounds = array<i64: 2000, 48>}]} {
    %get3A = arith.constant 0 : index
    %get3A_0 = arith.constant 0 : index
    %get3A_1 = vector.load %arg1[%get3A, %get3A_0] : memref<2000x128xf32, #tpu.memory_space<vmem>>, vector<2000x128xf32>
    %get3A_2 = arith.constant 0 : index
    %get3A_3 = arith.constant 0 : index
    %get3A_4 = vector.load %arg2[%get3A_2, %get3A_3] : memref<128x48xf32, #tpu.memory_space<vmem>>, vector<128x48xf32>
    %dot_general3A = arith.constant dense<0.000000e+00> : vector<2000x48xf32>
    %dot_general3A_5 = tpu.matmul %get3A_1, %get3A_4, %dot_general3A {dimension_numbers = #tpu.dot_dimension_numbers<[1], [0], [0], [1], [0, 0, 1, 1], [], []>, transpose_lhs_hint = false} : vector<2000x128xf32>, vector<128x48xf32>, vector<2000x48xf32> -> vector<2000x48xf32>
    %swap3A = arith.constant 0 : index
    %swap3A_6 = arith.constant 0 : index
    %swap3A_7 = vector.load %arg3[%swap3A, %swap3A_6] : memref<2000x48xf32, #tpu.memory_space<vmem>>, vector<2000x48xf32>
    tpu.vector_store %arg3[%swap3A, %swap3A_6], %dot_general3A_5 {strides = array<i32>} : memref<2000x48xf32, #tpu.memory_space<vmem>>, vector<2000x48xf32>,
    return
  }
  func.func @transform_0(%arg0: i32) -> (i32, i32) {
    %c0_i32 = arith.constant 0 : i32
    %c0_i32_0 = arith.constant 0 : i32
    return %arg0, %c0_i32 : i32, i32
  }
  func.func @transform_1(%arg0: i32) -> (i32, i32) {
    %c0_i32 = arith.constant 0 : i32
    %c0_i32_0 = arith.constant 0 : i32
    %c0_i32_1 = arith.constant 0 : i32
    return %c0_i32, %c0_i32_0 : i32, i32
  }
  func.func @transform_2(%arg0: i32) -> (i32, i32) {
    %c0_i32 = arith.constant 0 : i32
    %c0_i32_0 = arith.constant 0 : i32
    return %arg0, %c0_i32 : i32, i32
  }
}

module attributes {stable_mosaic.version = 14 : i64} {
  func.func @_k3_body(%arg0: i32, %arg1: memref<2x2000x48xf32, #tpu.memory_space<vmem>>, %arg2: memref<2000x48xf32, #tpu.memory_space<vmem>>, %arg3: memref<1x48xf32, #tpu.memory_space<vmem>>, %arg4: memref<48x32xf32, #tpu.memory_space<vmem>>, %arg5: memref<2000x32xf32, #tpu.memory_space<vmem>>) attributes {dimension_semantics = [#tpu.dimension_semantics<arbitrary>], iteration_bounds = array<i64: 5>, scalar_prefetch = 0 : i64, scratch_operands = 0 : i64, tpu.core_type = #tpu.core_type<tc>, window_params = [{transform_indices = @transform_0, window_bounds = array<i64: 2, 2000, 48>}, {transform_indices = @transform_1, window_bounds = array<i64: 2000, 48>}, {pipeline_mode = #tpu.pipeline_mode<synchronous>, transform_indices = @transform_2, window_bounds = array<i64: 1, 48>}, {pipeline_mode = #tpu.pipeline_mode<synchronous>, transform_indices = @transform_3, window_bounds = array<i64: 48, 32>}, {transform_indices = @transform_4, window_bounds = array<i64: 2000, 32>}]} {
    %get3A = arith.constant 0 : index
    %get3A_0 = arith.constant 0 : index
    %get3A_1 = vector.load %arg2[%get3A, %get3A_0] : memref<2000x48xf32, #tpu.memory_space<vmem>>, vector<2000x48xf32>
    %slice3A = vector.extract_strided_slice %get3A_1 {offsets = [0, 47], sizes = [2000, 1], strides = [1, 1]} : vector<2000x48xf32> to vector<2000x1xf32>
    %get3A_2 = arith.constant 0 : index
    %get3A_3 = arith.constant 0 : index
    %get3A_4 = arith.constant 0 : index
    %get3A_5 = vector.load %arg1[%get3A_2, %get3A_3, %get3A_4] : memref<2x2000x48xf32, #tpu.memory_space<vmem>>, vector<1x2000x48xf32>
    %get3A_6 = vector.shape_cast %get3A_5 : vector<1x2000x48xf32> to vector<2000x48xf32>
    %get3A_7 = arith.constant 1 : index
    %get3A_8 = arith.constant 0 : index
    %get3A_9 = arith.constant 0 : index
    %get3A_10 = vector.load %arg1[%get3A_7, %get3A_8, %get3A_9] : memref<2x2000x48xf32, #tpu.memory_space<vmem>>, vector<1x2000x48xf32>
    %get3A_11 = vector.shape_cast %get3A_10 : vector<1x2000x48xf32> to vector<2000x48xf32>
    %add3A = arith.addf %get3A_6, %get3A_11 : vector<2000x48xf32>
    %add3A_12 = arith.addf %add3A, %get3A_1 : vector<2000x48xf32>
    %mul3A = vector.broadcast %slice3A : vector<2000x1xf32> to vector<2000x48xf32>
    %mul3A_13 = arith.mulf %mul3A, %add3A_12 : vector<2000x48xf32>
    %get3A_14 = arith.constant 0 : index
    %get3A_15 = arith.constant 0 : index
    %get3A_16 = vector.load %arg3[%get3A_14, %get3A_15] : memref<1x48xf32, #tpu.memory_space<vmem>>, vector<1x48xf32>
    %add3A_17 = vector.broadcast %get3A_16 : vector<1x48xf32> to vector<2000x48xf32>
    %add3A_18 = arith.addf %mul3A_13, %add3A_17 : vector<2000x48xf32>
    %max3A = arith.constant 0.000000e+00 : f32
    %max3A_19 = vector.broadcast %max3A : f32 to vector<2000x48xf32>
    %max3A_20 = arith.maximumf %add3A_18, %max3A_19 : vector<2000x48xf32>
    %get3A_21 = arith.constant 0 : index
    %get3A_22 = arith.constant 0 : index
    %get3A_23 = vector.load %arg4[%get3A_21, %get3A_22] : memref<48x32xf32, #tpu.memory_space<vmem>>, vector<48x32xf32>
    %dot_general3A = arith.constant dense<0.000000e+00> : vector<2000x32xf32>
    %dot_general3A_24 = tpu.matmul %max3A_20, %get3A_23, %dot_general3A {dimension_numbers = #tpu.dot_dimension_numbers<[1], [0], [0], [1], [0, 0, 1, 1], [], []>, transpose_lhs_hint = false} : vector<2000x48xf32>, vector<48x32xf32>, vector<2000x32xf32> -> vector<2000x32xf32>
    %mul3A_25 = vector.broadcast %slice3A : vector<2000x1xf32> to vector<2000x32xf32>
    %mul3A_26 = arith.mulf %dot_general3A_24, %mul3A_25 : vector<2000x32xf32>
    %swap3A = arith.constant 0 : index
    %swap3A_27 = arith.constant 0 : index
    %swap3A_28 = vector.load %arg5[%swap3A, %swap3A_27] : memref<2000x32xf32, #tpu.memory_space<vmem>>, vector<2000x32xf32>
    tpu.vector_store %arg5[%swap3A, %swap3A_27], %mul3A_26 {strides = array<i32>} : memref<2000x32xf32, #tpu.memory_space<vmem>>, vector<2000x32xf32>,
    return
  }
  func.func @transform_0(%arg0: i32) -> (i32, i32, i32) {
    %c0_i32 = arith.constant 0 : i32
    %c0_i32_0 = arith.constant 0 : i32
    %c0_i32_1 = arith.constant 0 : i32
    return %c0_i32, %arg0, %c0_i32_0 : i32, i32, i32
  }
  func.func @transform_1(%arg0: i32) -> (i32, i32) {
    %c0_i32 = arith.constant 0 : i32
    %c0_i32_0 = arith.constant 0 : i32
    return %arg0, %c0_i32 : i32, i32
  }
  func.func @transform_2(%arg0: i32) -> (i32, i32) {
    %c0_i32 = arith.constant 0 : i32
    %c0_i32_0 = arith.constant 0 : i32
    %c0_i32_1 = arith.constant 0 : i32
    return %c0_i32, %c0_i32_0 : i32, i32
  }
  func.func @transform_3(%arg0: i32) -> (i32, i32) {
    %c0_i32 = arith.constant 0 : i32
    %c0_i32_0 = arith.constant 0 : i32
    %c0_i32_1 = arith.constant 0 : i32
    return %c0_i32, %c0_i32_0 : i32, i32
  }
  func.func @transform_4(%arg0: i32) -> (i32, i32) {
    %c0_i32 = arith.constant 0 : i32
    %c0_i32_0 = arith.constant 0 : i32
    return %arg0, %c0_i32 : i32, i32
  }
}

module attributes {stable_mosaic.version = 14 : i64} {
  func.func @_k5_body(%arg0: i32, %arg1: memref<2x2000x32xf32, #tpu.memory_space<vmem>>, %arg2: memref<2000x32xf32, #tpu.memory_space<vmem>>, %arg3: memref<2000x48xf32, #tpu.memory_space<vmem>>, %arg4: memref<1x32xf32, #tpu.memory_space<vmem>>, %arg5: memref<2000x32xf32, #tpu.memory_space<vmem>>) attributes {dimension_semantics = [#tpu.dimension_semantics<arbitrary>], iteration_bounds = array<i64: 5>, scalar_prefetch = 0 : i64, scratch_operands = 0 : i64, tpu.core_type = #tpu.core_type<tc>, window_params = [{transform_indices = @transform_0, window_bounds = array<i64: 2, 2000, 32>}, {transform_indices = @transform_1, window_bounds = array<i64: 2000, 32>}, {transform_indices = @transform_2, window_bounds = array<i64: 2000, 48>}, {pipeline_mode = #tpu.pipeline_mode<synchronous>, transform_indices = @transform_3, window_bounds = array<i64: 1, 32>}, {transform_indices = @transform_4, window_bounds = array<i64: 2000, 32>}]} {
    %get3A = arith.constant 0 : index
    %get3A_0 = arith.constant 47 : index
    %get3A_1 = vector.load %arg3[%get3A, %get3A_0] : memref<2000x48xf32, #tpu.memory_space<vmem>>, vector<2000x1xf32>
    %get3A_2 = arith.constant 0 : index
    %get3A_3 = arith.constant 0 : index
    %get3A_4 = arith.constant 0 : index
    %get3A_5 = vector.load %arg1[%get3A_2, %get3A_3, %get3A_4] : memref<2x2000x32xf32, #tpu.memory_space<vmem>>, vector<1x2000x32xf32>
    %get3A_6 = vector.shape_cast %get3A_5 : vector<1x2000x32xf32> to vector<2000x32xf32>
    %get3A_7 = arith.constant 1 : index
    %get3A_8 = arith.constant 0 : index
    %get3A_9 = arith.constant 0 : index
    %get3A_10 = vector.load %arg1[%get3A_7, %get3A_8, %get3A_9] : memref<2x2000x32xf32, #tpu.memory_space<vmem>>, vector<1x2000x32xf32>
    %get3A_11 = vector.shape_cast %get3A_10 : vector<1x2000x32xf32> to vector<2000x32xf32>
    %add3A = arith.addf %get3A_6, %get3A_11 : vector<2000x32xf32>
    %get3A_12 = arith.constant 0 : index
    %get3A_13 = arith.constant 0 : index
    %get3A_14 = vector.load %arg2[%get3A_12, %get3A_13] : memref<2000x32xf32, #tpu.memory_space<vmem>>, vector<2000x32xf32>
    %add3A_15 = arith.addf %add3A, %get3A_14 : vector<2000x32xf32>
    %mul3A = vector.broadcast %get3A_1 : vector<2000x1xf32> to vector<2000x32xf32>
    %mul3A_16 = arith.mulf %mul3A, %add3A_15 : vector<2000x32xf32>
    %get3A_17 = arith.constant 0 : index
    %get3A_18 = arith.constant 0 : index
    %get3A_19 = vector.load %arg4[%get3A_17, %get3A_18] : memref<1x32xf32, #tpu.memory_space<vmem>>, vector<1x32xf32>
    %add3A_20 = vector.broadcast %get3A_19 : vector<1x32xf32> to vector<2000x32xf32>
    %add3A_21 = arith.addf %mul3A_16, %add3A_20 : vector<2000x32xf32>
    %max3A = arith.constant 0.000000e+00 : f32
    %max3A_22 = vector.broadcast %max3A : f32 to vector<2000x32xf32>
    %max3A_23 = arith.maximumf %add3A_21, %max3A_22 : vector<2000x32xf32>
    %mul3A_24 = vector.broadcast %get3A_1 : vector<2000x1xf32> to vector<2000x32xf32>
    %mul3A_25 = arith.mulf %max3A_23, %mul3A_24 : vector<2000x32xf32>
    %swap3A = arith.constant 0 : index
    %swap3A_26 = arith.constant 0 : index
    %swap3A_27 = vector.load %arg5[%swap3A, %swap3A_26] : memref<2000x32xf32, #tpu.memory_space<vmem>>, vector<2000x32xf32>
    tpu.vector_store %arg5[%swap3A, %swap3A_26], %mul3A_25 {strides = array<i32>} : memref<2000x32xf32, #tpu.memory_space<vmem>>, vector<2000x32xf32>,
    return
  }
  func.func @transform_0(%arg0: i32) -> (i32, i32, i32) {
    %c0_i32 = arith.constant 0 : i32
    %c0_i32_0 = arith.constant 0 : i32
    %c0_i32_1 = arith.constant 0 : i32
    return %c0_i32, %arg0, %c0_i32_0 : i32, i32, i32
  }
  func.func @transform_1(%arg0: i32) -> (i32, i32) {
    %c0_i32 = arith.constant 0 : i32
    %c0_i32_0 = arith.constant 0 : i32
    return %arg0, %c0_i32 : i32, i32
  }
  func.func @transform_2(%arg0: i32) -> (i32, i32) {
    %c0_i32 = arith.constant 0 : i32
    %c0_i32_0 = arith.constant 0 : i32
    return %arg0, %c0_i32 : i32, i32
  }
  func.func @transform_3(%arg0: i32) -> (i32, i32) {
    %c0_i32 = arith.constant 0 : i32
    %c0_i32_0 = arith.constant 0 : i32
    %c0_i32_1 = arith.constant 0 : i32
    return %c0_i32, %c0_i32_0 : i32, i32
  }
  func.func @transform_4(%arg0: i32) -> (i32, i32) {
    %c0_i32 = arith.constant 0 : i32
    %c0_i32_0 = arith.constant 0 : i32
    return %arg0, %c0_i32 : i32, i32
  }
}

module attributes {stable_mosaic.version = 14 : i64} {
  func.func @_k7_body(%arg0: i32, %arg1: memref<2x2000x32xf32, #tpu.memory_space<vmem>>, %arg2: memref<2000x32xf32, #tpu.memory_space<vmem>>, %arg3: memref<2000x48xf32, #tpu.memory_space<vmem>>, %arg4: memref<32x18xf32, #tpu.memory_space<vmem>>, %arg5: memref<1x18xf32, #tpu.memory_space<vmem>>, %arg6: memref<32x18xf32, #tpu.memory_space<vmem>>, %arg7: memref<1x18xf32, #tpu.memory_space<vmem>>, %arg8: memref<2000x18xf32, #tpu.memory_space<vmem>>, %arg9: memref<2000x18xf32, #tpu.memory_space<vmem>>) attributes {dimension_semantics = [#tpu.dimension_semantics<arbitrary>], iteration_bounds = array<i64: 5>, scalar_prefetch = 0 : i64, scratch_operands = 0 : i64, tpu.core_type = #tpu.core_type<tc>, window_params = [{transform_indices = @transform_0, window_bounds = array<i64: 2, 2000, 32>}, {transform_indices = @transform_1, window_bounds = array<i64: 2000, 32>}, {transform_indices = @transform_2, window_bounds = array<i64: 2000, 48>}, {pipeline_mode = #tpu.pipeline_mode<synchronous>, transform_indices = @transform_3, window_bounds = array<i64: 32, 18>}, {pipeline_mode = #tpu.pipeline_mode<synchronous>, transform_indices = @transform_4, window_bounds = array<i64: 1, 18>}, {pipeline_mode = #tpu.pipeline_mode<synchronous>, transform_indices = @transform_5, window_bounds = array<i64: 32, 18>}, {pipeline_mode = #tpu.pipeline_mode<synchronous>, transform_indices = @transform_6, window_bounds = array<i64: 1, 18>}, {transform_indices = @transform_7, window_bounds = array<i64: 2000, 18>}, {transform_indices = @transform_8, window_bounds = array<i64: 2000, 18>}]} {
    %get3A = arith.constant 0 : index
    %get3A_0 = arith.constant 47 : index
    %get3A_1 = vector.load %arg3[%get3A, %get3A_0] : memref<2000x48xf32, #tpu.memory_space<vmem>>, vector<2000x1xf32>
    %get3A_2 = arith.constant 0 : index
    %get3A_3 = arith.constant 0 : index
    %get3A_4 = arith.constant 0 : index
    %get3A_5 = vector.load %arg1[%get3A_2, %get3A_3, %get3A_4] : memref<2x2000x32xf32, #tpu.memory_space<vmem>>, vector<1x2000x32xf32>
    %get3A_6 = vector.shape_cast %get3A_5 : vector<1x2000x32xf32> to vector<2000x32xf32>
    %get3A_7 = arith.constant 1 : index
    %get3A_8 = arith.constant 0 : index
    %get3A_9 = arith.constant 0 : index
    %get3A_10 = vector.load %arg1[%get3A_7, %get3A_8, %get3A_9] : memref<2x2000x32xf32, #tpu.memory_space<vmem>>, vector<1x2000x32xf32>
    %get3A_11 = vector.shape_cast %get3A_10 : vector<1x2000x32xf32> to vector<2000x32xf32>
    %add3A = arith.addf %get3A_6, %get3A_11 : vector<2000x32xf32>
    %get3A_12 = arith.constant 0 : index
    %get3A_13 = arith.constant 0 : index
    %get3A_14 = vector.load %arg2[%get3A_12, %get3A_13] : memref<2000x32xf32, #tpu.memory_space<vmem>>, vector<2000x32xf32>
    %add3A_15 = arith.addf %add3A, %get3A_14 : vector<2000x32xf32>
    %mul3A = vector.broadcast %get3A_1 : vector<2000x1xf32> to vector<2000x32xf32>
    %mul3A_16 = arith.mulf %mul3A, %add3A_15 : vector<2000x32xf32>
    %get3A_17 = arith.constant 0 : index
    %get3A_18 = arith.constant 0 : index
    %get3A_19 = vector.load %arg4[%get3A_17, %get3A_18] : memref<32x18xf32, #tpu.memory_space<vmem>>, vector<32x18xf32>
    %dot_general3A = arith.constant dense<0.000000e+00> : vector<2000x18xf32>
    %dot_general3A_20 = tpu.matmul %mul3A_16, %get3A_19, %dot_general3A {dimension_numbers = #tpu.dot_dimension_numbers<[1], [0], [0], [1], [0, 0, 1, 1], [], []>, transpose_lhs_hint = false} : vector<2000x32xf32>, vector<32x18xf32>, vector<2000x18xf32> -> vector<2000x18xf32>
    %get3A_21 = arith.constant 0 : index
    %get3A_22 = arith.constant 0 : index
    %get3A_23 = vector.load %arg5[%get3A_21, %get3A_22] : memref<1x18xf32, #tpu.memory_space<vmem>>, vector<1x18xf32>
    %add3A_24 = vector.broadcast %get3A_23 : vector<1x18xf32> to vector<2000x18xf32>
    %add3A_25 = arith.addf %dot_general3A_20, %add3A_24 : vector<2000x18xf32>
    %swap3A = arith.constant 0 : index
    %swap3A_26 = arith.constant 0 : index
    %swap3A_27 = vector.load %arg8[%swap3A, %swap3A_26] : memref<2000x18xf32, #tpu.memory_space<vmem>>, vector<2000x18xf32>
    tpu.vector_store %arg8[%swap3A, %swap3A_26], %add3A_25 {strides = array<i32>} : memref<2000x18xf32, #tpu.memory_space<vmem>>, vector<2000x18xf32>,
    %get3A_28 = arith.constant 0 : index
    %get3A_29 = arith.constant 0 : index
    %get3A_30 = vector.load %arg6[%get3A_28, %get3A_29] : memref<32x18xf32, #tpu.memory_space<vmem>>, vector<32x18xf32>
    %dot_general3A_31 = arith.constant dense<0.000000e+00> : vector<2000x18xf32>
    %dot_general3A_32 = tpu.matmul %mul3A_16, %get3A_30, %dot_general3A_31 {dimension_numbers = #tpu.dot_dimension_numbers<[1], [0], [0], [1], [0, 0, 1, 1], [], []>, transpose_lhs_hint = false} : vector<2000x32xf32>, vector<32x18xf32>, vector<2000x18xf32> -> vector<2000x18xf32>
    %get3A_33 = arith.constant 0 : index
    %get3A_34 = arith.constant 0 : index
    %get3A_35 = vector.load %arg7[%get3A_33, %get3A_34] : memref<1x18xf32, #tpu.memory_space<vmem>>, vector<1x18xf32>
    %add3A_36 = vector.broadcast %get3A_35 : vector<1x18xf32> to vector<2000x18xf32>
    %add3A_37 = arith.addf %dot_general3A_32, %add3A_36 : vector<2000x18xf32>
    %swap3A_38 = arith.constant 0 : index
    %swap3A_39 = arith.constant 0 : index
    %swap3A_40 = vector.load %arg9[%swap3A_38, %swap3A_39] : memref<2000x18xf32, #tpu.memory_space<vmem>>, vector<2000x18xf32>
    tpu.vector_store %arg9[%swap3A_38, %swap3A_39], %add3A_37 {strides = array<i32>} : memref<2000x18xf32, #tpu.memory_space<vmem>>, vector<2000x18xf32>,
    return
  }
  func.func @transform_0(%arg0: i32) -> (i32, i32, i32) {
    %c0_i32 = arith.constant 0 : i32
    %c0_i32_0 = arith.constant 0 : i32
    %c0_i32_1 = arith.constant 0 : i32
    return %c0_i32, %arg0, %c0_i32_0 : i32, i32, i32
  }
  func.func @transform_1(%arg0: i32) -> (i32, i32) {
    %c0_i32 = arith.constant 0 : i32
    %c0_i32_0 = arith.constant 0 : i32
    return %arg0, %c0_i32 : i32, i32
  }
  func.func @transform_2(%arg0: i32) -> (i32, i32) {
    %c0_i32 = arith.constant 0 : i32
    %c0_i32_0 = arith.constant 0 : i32
    return %arg0, %c0_i32 : i32, i32
  }
  func.func @transform_3(%arg0: i32) -> (i32, i32) {
    %c0_i32 = arith.constant 0 : i32
    %c0_i32_0 = arith.constant 0 : i32
    %c0_i32_1 = arith.constant 0 : i32
    return %c0_i32, %c0_i32_0 : i32, i32
  }
  func.func @transform_4(%arg0: i32) -> (i32, i32) {
    %c0_i32 = arith.constant 0 : i32
    %c0_i32_0 = arith.constant 0 : i32
    %c0_i32_1 = arith.constant 0 : i32
    return %c0_i32, %c0_i32_0 : i32, i32
  }
  func.func @transform_5(%arg0: i32) -> (i32, i32) {
    %c0_i32 = arith.constant 0 : i32
    %c0_i32_0 = arith.constant 0 : i32
    %c0_i32_1 = arith.constant 0 : i32
    return %c0_i32, %c0_i32_0 : i32, i32
  }
  func.func @transform_6(%arg0: i32) -> (i32, i32) {
    %c0_i32 = arith.constant 0 : i32
    %c0_i32_0 = arith.constant 0 : i32
    %c0_i32_1 = arith.constant 0 : i32
    return %c0_i32, %c0_i32_0 : i32, i32
  }
  func.func @transform_7(%arg0: i32) -> (i32, i32) {
    %c0_i32 = arith.constant 0 : i32
    %c0_i32_0 = arith.constant 0 : i32
    return %arg0, %c0_i32 : i32, i32
  }
  func.func @transform_8(%arg0: i32) -> (i32, i32) {
    %c0_i32 = arith.constant 0 : i32
    %c0_i32_0 = arith.constant 0 : i32
    return %arg0, %c0_i32 : i32, i32
  }
}

</mosaic_0001>

<sc_bundles>
// kernel: kernel.11.cloned.1.call-start
scs
__scs_entry_jumppad:
0x0: {  	(pc) =	sbr.rel $0x88, $3  }
0x1: {  	(tag) =	ssettag $0x0;
	lr =	simm.s32 $0x1  }
0x2: {  	[smem:$0x3F97] =	sst lr;
	_ =	strace $0xD0000000  }
0x3: {  	_ = 	snop  }
0x4: {  	_ = 	snop  }
0x5: {  	_ = 	snop  }
0x6: {  	_ = 	snop  }
0x7: {  	_ = 	snop  }
__scs_overlays_trampoline_lowered:
0x8: {  	[smem:$0x3FA6] =	sst s0  }
0x9: {  	[smem:$0x3FA7] =	sst s1  }
0xa: {  	[smem:$0x3FA8] =	sst s2  }
0xb: {  	[smem:$0x3FA9] =	sst s3  }
0xc: {  	[smem:$0x3FAA] =	sst s4  }
0xd: {  	[smem:$0x3FAB] =	sst s5  }
0xe: {  	[smem:$0x3FAC] =	sst s6  }
0xf: {  	[smem:$0x3FAD] =	sst s7  }
0x10: {  	[smem:$0x3FAE] =	sst s8  }
0x11: {  	[smem:$0x3FAF] =	sst s9;
	s0 =	simm.s32 @!p0 $0x0  }
0x12: {  	s1 =	sld [smem:$0x3F95];
	s0 =	simm.s32 @p0 $0x1  }
0x13: {  	[smem:$0x3FB0] =	sst s0;
	s0 =	simm.s32 @!p1 $0x0  }
0x14: {  	s2 =	sld [smem:$0x3F94];
	s0 =	simm.s32 @p1 $0x1  }
0x15: {  	[smem:$0x3FB1] =	sst s0;
	s0 =	simm.s32 @!p2 $0x0  }
0x16: {  	s3 =	sld [smem:$0x3FDB];
	s0 =	simm.s32 @p2 $0x1  }
0x17: {  	s4 =	simm.s32 $0x1BF5;
	[smem:$0x3FB3] =	sst s0  }
0x18: {  	s0 =	sld [smem:$0x3F96];
	_ =	swait.ge [sflag:s4], $0x0  }
0x19: {  	s7 =	sld [smem:$0x3F97]  }
0x1a: {  	s8 =	sadd.s32 $0xFFFFE003, lr  }
0x1b: {  	s9 =	sadd.s32 $0xFFFFFEF7, lr;
	s5 =	simm.s32 $0xFFFFFFFF;
	p2 =	slt.u32 s8, $0xFFFFF086  }
0x1c: {  	p1 =	slt.u32 s9, $0xF7A;
	s5 =	simm.s32 @!p2 $0x0  }
0x1d: {  	s5 =	simm.s32 @p1 $0x1;
	p0 =	seq.s32 s7, s2  }
0x1e: {  	s7 =	smul.u32 @!p0 $0xF7A, s2;
	p2 =	seq.s32 @!p0 s5, $0x0  }
0x1f: {  	s9 =	smul.u32 $0xF7A, s1;
	s8 =	simm.s32 @!p0 $0x1BF5;
	p2 =	por !p2, p0  }
0x20: {  	[sflag:s8] =	ssyncset.s32 @!p0 $0xFFFFF086;
	s6 =	sadd.s32 @!p0 s3, s7;
	s7 =	simm.s32 @!p0 $0x108  }
0x21: {  	s3 =	sadd.s32 s3, s9;
	s6 =	sadd.s32 @!p0 $0x88, s6;
	s7 =	simm.s32 @p2 $0x1082  }
0x22: {  	[simem:s7], [sflag:s8] =	dma.local @!p0 [hbm:s6], $0xF7A  }
0x23: {  	s9 =	sor.u32 $0xD0000000, s2;
	s6 =	simm.s32 $0x108;
	_ =	swait.ge @!p0 [sflag:s8], $0x0  }
0x24: {  	s3 =	sadd.s32 $0x88, s3;
	s6 =	simm.s32 @!p1 $0x1082;
	[sflag:s4] =	ssyncset.s32 $0xFFFFF086  }
0x25: {  	[simem:s6], [sflag:s4] =	dma.local [hbm:s3], $0xF7A  }
0x26: {  	[smem:$0x3F97] =	sst s1;
	(tag) =	ssettag s2;
	_ =	strace s9  }
0x27: {  	s1 =	sld [smem:$0x3FA7]  }
0x28: {  	s2 =	sld [smem:$0x3FA8]  }
0x29: {  	s4 =	sld [smem:$0x3FAA]  }
0x2a: {  	p0 =	seq.s32 s5, $0x0;
	s5 =	sld [smem:$0x3FAB]  }
0x2b: {  	s6 =	sld [smem:$0x3FAC]  }
0x2c: {  	s7 =	sld [smem:$0x3FAD]  }
0x2d: {  	s3 =	simm.s32 $0x108;
	s8 =	sld [smem:$0x3FAE]  }
0x2e: {  	s3 =	simm.s32 @!p0 $0x1082;
	s9 =	sld [smem:$0x3FAF]  }
0x2f: {  	lr =	sadd.s32 s0, s3;
	s0 =	sld [smem:$0x3FA6]  }
0x30: {  	s3 =	sld [smem:$0x3FA9]  }
0x31: {  	[smem:$0x3FB2] =	sst s10  }
0x32: {  	s10 =	sld [smem:$0x3FB0];
	_ =	sdelay $0x3  }
0x33: {  	p0 =	seq.s32 s10, $0x1;
	s10 =	sld [smem:$0x3FB2];
	_ =	sdelay $0x3  }
0x34: {  	[smem:$0x3FB2] =	sst s10  }
0x35: {  	s10 =	sld [smem:$0x3FB1];
	_ =	sdelay $0x3  }
0x36: {  	p1 =	seq.s32 s10, $0x1;
	s10 =	sld [smem:$0x3FB2];
	_ =	sdelay $0x3  }
0x37: {  	[smem:$0x3FB2] =	sst s10  }
0x38: {  	s10 =	sld [smem:$0x3FB3]  }
0x39: {  	_ = 	snop;
	(pc) =	sbr.ind lr, $3  }
0x3a: {  	_ = 	snop  }
0x3b: {  	_ = 	snop  }
0x3c: {  	p2 =	seq.s32 s10, $0x1;
	s10 =	sld [smem:$0x3FB2]  }
0x3d: {  	_ =	shalt  }
0x3e: {  	_ =	shalt  }
0x3f: {  	_ =	shalt  }
0x40: {  	_ =	shalt  }
0x41: {  	_ =	shalt  }
0x42: {  	_ =	shalt  }
0x43: {  	_ =	shalt  }
0x44: {  	_ =	shalt  }
0x45: {  	_ =	shalt  }
0x46: {  	_ =	shalt  }
0x47: {  	_ =	shalt  }
0x48: {  	_ =	shalt  }
0x49: {  	_ =	shalt  }
0x4a: {  	_ =	shalt  }
0x4b: {  	_ =	shalt  }
0x4c: {  	_ =	shalt  }
0x4d: {  	_ =	shalt  }
0x4e: {  	_ =	shalt  }
0x4f: {  	_ =	shalt  }
0x50: {  	_ =	shalt  }
0x51: {  	_ =	shalt  }
0x52: {  	_ =	shalt  }
0x53: {  	_ =	shalt  }
0x54: {  	_ =	shalt  }
0x55: {  	_ =	shalt  }
0x56: {  	_ =	shalt  }
0x57: {  	_ =	shalt  }
0x58: {  	_ =	shalt  }
0x59: {  	_ =	shalt  }
0x5a: {  	_ =	shalt  }
0x5b: {  	_ =	shalt  }
0x5c: {  	_ =	shalt  }
0x5d: {  	_ =	shalt  }
0x5e: {  	_ =	shalt  }
0x5f: {  	_ =	shalt  }
0x60: {  	_ =	shalt  }
0x61: {  	_ =	shalt  }
0x62: {  	_ =	shalt  }
0x63: {  	_ =	shalt  }
0x64: {  	_ =	shalt  }
0x65: {  	_ =	shalt  }
0x66: {  	_ =	shalt  }
0x67: {  	_ =	shalt  }
0x68: {  	_ =	shalt  }
0x69: {  	_ =	shalt  }
0x6a: {  	_ =	shalt  }
0x6b: {  	_ =	shalt  }
0x6c: {  	_ =	shalt  }
0x6d: {  	_ =	shalt  }
0x6e: {  	_ =	shalt  }
0x6f: {  	_ =	shalt  }
0x70: {  	_ =	shalt  }
0x71: {  	_ =	shalt  }
0x72: {  	_ =	shalt  }
0x73: {  	_ =	shalt  }
0x74: {  	_ =	shalt  }
0x75: {  	_ =	shalt  }
0x76: {  	_ =	shalt  }
0x77: {  	_ =	shalt  }
0x78: {  	_ =	shalt  }
0x79: {  	_ =	shalt  }
0x7a: {  	_ =	shalt  }
0x7b: {  	_ =	shalt  }
0x7c: {  	_ =	shalt  }
0x7d: {  	_ =	shalt  }
0x7e: {  	_ =	shalt  }
0x7f: {  	_ =	shalt  }
0x80: {  	_ =	shalt  }
0x81: {  	_ =	shalt  }
0x82: {  	_ =	shalt  }
0x83: {  	_ =	shalt  }
0x84: {  	_ =	shalt  }
0x85: {  	_ =	shalt  }
0x86: {  	_ =	shalt  }
0x87: {  	_ =	shalt  }
.Lfunc_end0:
.L_simem_size_0:
called_computation_lowered:
.L_overlay_start_0:
0x88: {  	s2 =	sld [smem:$0x3FD9]  }
0x89: {  	s3 =	sld [smem:$0x3FFE];
	_ =	sdelay $0x1  }
0x8a: {  	s1 =	srdreg.scid  }
0x8b: {  	s0 =	sand.u32 $0x1, s1  }
0x8c: {  	s16 =	sshll.u32 s0, $0xA;
	s2 =	sadd.s32 s3, s2  }
0x8d: {  	s2 =	sadd.s32 s2, s16  }
0x8e: {  	[smem:$0x3FBE] =	sst s2  }
0x8f: {  	_ = 	snop  }
0x90: {  	(tm) =	ssettm $0x1  }
0x91: {  	s17 =	sld [smem:$0x3FFB];
	_ =	sdelay $0x3  }
0x92: {  	_ =	strace s17  }
0x93: {  	s2 =	sld [smem:$0x3FFC];
	_ =	sdelay $0x3  }
0x94: {  	_ =	strace s2  }
0x95: {  	s2 =	sld [smem:$0x3FFD];
	_ =	sdelay $0x3  }
0x96: {  	_ =	strace s2  }
0x97: {  	_ =	strace $0x8FFFFFFF  }
0x98: {  	s18 =	sld [smem:$0x3FDB];
	_ =	sdelay $0x1  }
0x99: {  	s19 =	simm.s32 $_scs_section_size  }
0x9a: {  	s4 =	simm.s32 $_size__tile_overlayer_lowered;
	s5 =	simm.s32 $_tile_overlayer_lowered  }
0x9b: {  	s22 =	simm.s32 $0x1BFF;
	s21 =	sshll.u32 s5, $0x1;
	s2 =	sadd.s32 s19, s18  }
0x9c: {  	s6 =	simm.s32 $0x0;
	s20 =	sshll.u32 s4, $0x1;
	s4 =	sadd.s32 s21, s2  }
0x9d: {  	[timem:s6], [sflag:s22] =	dma.local [hbm:s4], s20  }
0x9e: {  	_ =	swait.ge [sflag:s22], s20  }
0x9f: {  	s3 =	ssub.s32 $0x0, s20;
	[sflag:s22] =	ssyncset.done $0x0  }
0xa0: {  	[sflag:s22] =	ssyncadd.s32 s3;
	_ =	sdelay $0x1  }
0xa1: {  	s23 =	simm.s32 $0x1B8B  }
0xa2: {  	_ =	swait.ge [sflag:s23], $0x1  }
0xa3: {  	[sflag:s23] =	ssyncset.done $0x0  }
0xa4: {  	s25 =	simm.s32 $0x1B8E;
	s24 =	sld [smem:$0x3FFE];
	[sflag:s23] =	ssyncadd.s32 $0xFFFFFFFF  }
0xa5: {  	s26 =	simm.s32 $execute0_lowered;
	[smem:$0x3FD2] =	sst s25  }
0xa6: {  	s4 =	sshll.u32 s26, $0x1;
	_ =	strace $0x80000046;
	[dreg:$0x1] =	wrdreg $0xFFFFFFFF  }
0xa7: {  	s28 =	simm.s32 $_size_execute0_lowered;
	s2 =	sadd.s32 s2, s4;
	[dreg:$0x0] =	wrdreg $0x0  }
0xa8: {  	s4 =	sshll.u32 s28, $0x1;
	[dreg:$0x2] =	wrdreg s2  }
0xa9: {  	[dreg:$0x3] =	wrdreg s4  }
0xaa: {  	[dreg:$0x4] =	wrdreg $0xC0  }
0xab: {  	_ =	task [dreg:s6], $0x5FFFF  }
0xac: {  	[dreg:$0x1] =	wrdreg $0xFFFFFFFF  }
0xad: {  	[dreg:$0x0] =	wrdreg $0x60  }
0xae: {  	[dreg:$0x2] =	wrdreg s24  }
0xaf: {  	[dreg:$0x3] =	wrdreg $0x34100  }
0xb0: {  	[dreg:$0x4] =	wrdreg $0x9  }
0xb1: {  	_ =	task.clear_ibuf [dreg:s6], $0x5FFFF;
	_ =	strace $0x90000046  }
0xb2: {  	s29 =	simm.s32 $0x9;
	_ =	strace $0x80000048  }
0xb3: {  	_ =	swait.ge [sflag:s29], $0x1  }
0xb4: {  	[sflag:s29] =	ssyncadd.s32 $0xFFFFFFFF  }
0xb5: {  	_ =	strace $0x90000048  }
0xb6: {  	_ =	sfence  }
0xb7: {  	s30 =	sld [smem:$0x0];
	_ =	sdelay $0x2  }
0xb8: {  	s31 =	sshll.u32 s1, $0xD;
	s1 =	sshrl.u32 s1, $0x2  }
0xb9: {  	s3 =	sand.u32 $0x4000, s31;
	s1 =	sadd.s32 s1, s30  }
0xba: {  	s0 =	sor.u32 s3, s0;
	s1 =	sshll.u32 s1, $0x11  }
0xbb: {  	s0 =	sor.u32 s1, s0  }
0xbc: {  	s0 =	sadd.s32 $0x8F2B, s0  }
0xbd: {  	[sflag:s0] =	ssyncadd.remote.s32 $0x1  }
0xbe: {  	_ =	sfence.sel $0xFFFF  }
0xbf: {  	[dreg:$0x0] =	wrdreg $0xFFFFFFFF;
	(pc) =	sbr.abs _section_cstart, $3  }
0xc0: {  	[dreg:$0x1] =	wrdreg $0xFFFFFFFF  }
0xc1: {  	_ =	task.clear_ibuf [dreg:s6], $0x2FFFF;
	_ =	strace $0x9FFFFFFF  }
0xc2: {  	(tm) =	ssettm $0x7FFFFFFF  }
0xc3: {  	_ =	shalt  }
tec
execute0_lowered:
.L_overlay_start_1:
0x0: {  	(tag) =	ssettag $0x1  }
0x1: {  	s0 =	srdreg.scid;
	s4 =	rddreg [dreg:$0x0]  }
0x2: {  	s2 =	rddreg [dreg:$0x1];
	s1 =	stileid.u32;
	s3 =	simm.s32 $0x0  }
0x3: {  	s19 =	simm.s32 $0x2710;
	s5 =	sand.u32 $0x1, s0;
	s0 =	rddreg [dreg:$0x2]  }
0x4: {  	s20 =	simm.s32 $0x1;
	[smem:$0x7FF] =	sst s3;
	s8 =	smul.u32 $0x2800, s1  }
0x5: {  	s14 =	sadd.s32 $0x15E00, s4;
	s6 =	sshll.u32 s5, $0x4;
	_ =	strace $0x80000047  }
0x6: {  	s7 =	ssub.s32 $0x2, s5;
	s16 =	smul.u32 $0x28000, s5;
	s6 =	sor.u32 s1, s6  }
0x7: {  	s31 =	sshrl.u32 s7, $0x1;
	s10 =	sadd.s32 $0x800, s8;
	s12 =	sadd.s32 $0x1000, s8  }
0x8: {  	s13 =	sadd.s32 $0x1800, s8;
	s17 =	sadd.s32 $0x2000, s8;
	s6 =	smul.u32 $0x4E2, s6  }
0x9: {  	s15 =	ssub.s32 s7, s31;
	s5 =	sadd.s32 s10, s2;
	s7 =	sadd.s32 s13, s2  }
0xa: {  	s11 =	sadd.s32 s8, s16;
	s10 =	sadd.s32 s16, s10;
	s13 =	sadd.s32 s16, s13  }
0xb: {  	s11 =	sshrl.u32 s11, $0x3;
	s18 =	sshrl.u32 s10, $0x3;
	s13 =	sshrl.u32 s13, $0x3  }
0xc: {  	s15 =	smax.u32 s15, $0x1;
	s9 =	sadd.s32 s6, s4;
	s4 =	sadd.s32 s8, s2  }
0xd: {  	s6 =	sadd.s32 s12, s2;
	s8 =	sadd.s32 s17, s2;
	s10 =	sadd.s32 s14, s11  }
0xe: {  	s11 =	sadd.s32 s14, s18;
	s12 =	sadd.s32 s16, s12;
	s16 =	sadd.s32 s16, s17  }
0xf: {  	s13 =	sadd.s32 s14, s13;
	s17 =	simm.s32 $0x2;
	s18 =	simm.s32 $0x50  }
0x10: {  	s9 =	sadd.s32 $0xC000, s9;
	s12 =	sshrl.u32 s12, $0x3;
	s16 =	sshrl.u32 s16, $0x3  }
0x11: {  	v0 =	vimm.f32 $0.0e+00;
	v1 =	vimm.f32 $1.000000000e+00;
	s12 =	sadd.s32 s14, s12;
	s14 =	sadd.s32 s14, s16;
	s16 =	simm.s32 $0x2C10  }
.LBB2_1:
0x12: {  	s21 =	simm.s32 $0x0  }
.LBB2_2:
0x13: {  	p0 =	sne.s32 s21, $0x1FC0  }
.Ltmp0:
0x14: {  	_ = 	snop;
	(pc) =	sbr.rel @p0 .LBB2_2-.Ltmp0, $3  }
0x15: {  	_ =	sdelay $0x1  }
0x16: {  	s22 =	sshra.s32 s21, $0x2  }
0x17: {  	s21 =	sadd.s32 $0x40, s21;
	[tilespmem:s22+$0x2C10] =	vst v0  }
0x18: {  	s21 =	simm.s32 $0x40;
	s22 =	simm.s32 $0x0  }
.LBB2_4:
0x19: {  	p0 =	sne.s32 s21, $0x13C0;
	[tilespmem:s22+$0x2710] =	vst v1;
	s22 =	smov.u32 s21;
	s21 =	sadd.s32 $0x40, s21  }
.Ltmp1:
0x1a: {  	(pc) =	sbr.rel @p0 .LBB2_4-.Ltmp1, $2  }
0x1b: {  	_ =	sdelay $0x2  }
0x1c: {  	s22 =	sshra.s32 s22, $0x2  }
0x1d: {  	[tilespmem:s22+$0x2710] =	vst v1  }
0x1e: {  	[spmem:s4] =	stream.linear.scatter [tilespmem:s16], [sflag:$0x2], $0x800, $0x38;
	[tilespmem:$0x5C10] =	vst v63  }
0x1f: {  	_ =	swait.ge [sflag:s17], $0x800  }
0x20: {  	[sflag:s17] =	ssyncset.done $0x0  }
0x21: {  	[sflag:s17] =	ssyncadd.s32 $0xFFFFF800  }
0x22: {  	[spmem:s5] =	stream.linear.scatter [tilespmem:s16], [sflag:$0x2], $0x800, $0x38;
	[tilespmem:$0x5C10] =	vst v63  }
0x23: {  	_ =	swait.ge [sflag:s17], $0x800  }
0x24: {  	[sflag:s17] =	ssyncset.done $0x0  }
0x25: {  	[sflag:s17] =	ssyncadd.s32 $0xFFFFF800  }
0x26: {  	[spmem:s6] =	stream.linear.scatter [tilespmem:s16], [sflag:$0x2], $0x800, $0x38;
	[tilespmem:$0x5C10] =	vst v63  }
0x27: {  	_ =	swait.ge [sflag:s17], $0x800  }
0x28: {  	[sflag:s17] =	ssyncset.done $0x0  }
0x29: {  	[sflag:s17] =	ssyncadd.s32 $0xFFFFF800  }
0x2a: {  	[spmem:s7] =	stream.linear.scatter [tilespmem:s16], [sflag:$0x2], $0x800, $0x38;
	[tilespmem:$0x5C10] =	vst v63  }
0x2b: {  	_ =	swait.ge [sflag:s17], $0x800  }
0x2c: {  	[sflag:s17] =	ssyncset.done $0x0  }
0x2d: {  	[sflag:s17] =	ssyncadd.s32 $0xFFFFF800  }
0x2e: {  	[spmem:s8] =	stream.linear.scatter [tilespmem:s16], [sflag:$0x2], $0x800, $0x38;
	[tilespmem:$0x5C10] =	vst v63  }
0x2f: {  	_ =	swait.ge [sflag:s17], $0x800  }
0x30: {  	[sflag:s17] =	ssyncset.done $0x0  }
0x31: {  	s21 =	simm.s32 $0x0;
	[sflag:s17] =	ssyncadd.s32 $0xFFFFF800  }
0x32: {  	[tilespmem:s21], [sflag:$0x2] =	stream.linear.gather [hbm4b:s9+s21], $0x2710, $0x38;
	[tilespmem:$0x5C10] =	vst v63  }
0x33: {  	_ =	swait.ge [sflag:s17], $0x2710  }
0x34: {  	[sflag:s17] =	ssyncset.done $0x0  }
0x35: {  	p0 =	por $0x1, $0x1;
	[sflag:s17] =	ssyncadd.s32 $0xFFFFD8F0  }
0x36: {  	s23 =	simm.s32 @!p0 $0x1;
	[bflag:$0x0] =	sbarrier.arrive $0xFFFF  }
0x37: {  	[spmem:s2] =	stream.indirect.scatter.add.f32 [tilespmem:s19], [sflag:$0x1], $0x10, s21, s18, $0xb8;
	[tilespmem:$0x5C10] =	vst v63  }
0x38: {  	_ =	swait.ge @!p0 [sflag:s23], $0x500  }
0x39: {  	s22 =	simm.s32 $0x1;
	[sflag:s23] =	ssyncset.done @!p0 $0x0  }
.LBB2_6:
0x3a: {  	[sflag:s23] =	ssyncadd.s32 @!p0 $0xFFFFFB00  }
0x3b: {  	s21 =	sadd.s32 $0x50, s21;
	s23 =	smov.u32 s22;
	s22 =	sadd.s32 $0x1, s22  }
0x3c: {  	p1 =	sne.s32 s22, $0x7D  }
0x3d: {  	[spmem:s2] =	stream.indirect.scatter.add.f32 [tilespmem:s19], [sflag:$0x1], $0x10, s21, s18, $0xb8;
	[tilespmem:$0x5C10] =	vst v63  }
.Ltmp2:
0x3e: {  	_ = 	snop;
	(pc) =	sbr.rel @p1 .LBB2_6-.Ltmp2, $4  }
0x3f: {  	p0 =	slt.u32 s23, $0x10  }
0x40: {  	s23 =	simm.s32 @!p0 $0x1  }
0x41: {  	_ =	swait.ge @!p0 [sflag:s23], $0x500  }
0x42: {  	[sflag:s23] =	ssyncset.done @!p0 $0x0  }
0x43: {  	[sflag:s23] =	ssyncadd.s32 @!p0 $0xFFFFFB00  }
0x44: {  	_ =	swait.ge [sflag:s20], $0x500  }
0x45: {  	[sflag:s20] =	ssyncset.done $0x0  }
0x46: {  	[sflag:s20] =	ssyncadd.s32 $0xFFFFFB00  }
0x47: {  	_ =	swait.ge [sflag:s20], $0x500  }
0x48: {  	[sflag:s20] =	ssyncset.done $0x0  }
0x49: {  	[sflag:s20] =	ssyncadd.s32 $0xFFFFFB00  }
0x4a: {  	_ =	swait.ge [sflag:s20], $0x500  }
0x4b: {  	[sflag:s20] =	ssyncset.done $0x0  }
0x4c: {  	[sflag:s20] =	ssyncadd.s32 $0xFFFFFB00  }
0x4d: {  	_ =	swait.ge [sflag:s20], $0x500  }
0x4e: {  	[sflag:s20] =	ssyncset.done $0x0  }
0x4f: {  	[sflag:s20] =	ssyncadd.s32 $0xFFFFFB00  }
0x50: {  	_ =	swait.ge [sflag:s20], $0x500  }
0x51: {  	[sflag:s20] =	ssyncset.done $0x0  }
0x52: {  	[sflag:s20] =	ssyncadd.s32 $0xFFFFFB00  }
0x53: {  	_ =	swait.ge [sflag:s20], $0x500  }
0x54: {  	[sflag:s20] =	ssyncset.done $0x0  }
0x55: {  	[sflag:s20] =	ssyncadd.s32 $0xFFFFFB00  }
0x56: {  	_ =	swait.ge [sflag:s20], $0x500  }
0x57: {  	[sflag:s20] =	ssyncset.done $0x0  }
0x58: {  	[sflag:s20] =	ssyncadd.s32 $0xFFFFFB00  }
0x59: {  	_ =	swait.ge [sflag:s20], $0x500  }
0x5a: {  	[sflag:s20] =	ssyncset.done $0x0  }
0x5b: {  	[sflag:s20] =	ssyncadd.s32 $0xFFFFFB00  }
0x5c: {  	_ =	swait.ge [sflag:s20], $0x500  }
0x5d: {  	[sflag:s20] =	ssyncset.done $0x0  }
0x5e: {  	[sflag:s20] =	ssyncadd.s32 $0xFFFFFB00  }
0x5f: {  	_ =	swait.ge [sflag:s20], $0x500  }
0x60: {  	[sflag:s20] =	ssyncset.done $0x0  }
0x61: {  	[sflag:s20] =	ssyncadd.s32 $0xFFFFFB00  }
0x62: {  	_ =	swait.ge [sflag:s20], $0x500  }
0x63: {  	[sflag:s20] =	ssyncset.done $0x0  }
0x64: {  	[sflag:s20] =	ssyncadd.s32 $0xFFFFFB00  }
0x65: {  	_ =	swait.ge [sflag:s20], $0x500  }
0x66: {  	[sflag:s20] =	ssyncset.done $0x0  }
0x67: {  	[sflag:s20] =	ssyncadd.s32 $0xFFFFFB00  }
0x68: {  	_ =	swait.ge [sflag:s20], $0x500  }
0x69: {  	[sflag:s20] =	ssyncset.done $0x0  }
0x6a: {  	[sflag:s20] =	ssyncadd.s32 $0xFFFFFB00  }
0x6b: {  	_ =	swait.ge [sflag:s20], $0x500  }
0x6c: {  	[sflag:s20] =	ssyncset.done $0x0  }
0x6d: {  	[sflag:s20] =	ssyncadd.s32 $0xFFFFFB00  }
0x6e: {  	_ =	swait.ge [sflag:s20], $0x500  }
0x6f: {  	[sflag:s20] =	ssyncset.done $0x0  }
0x70: {  	[sflag:s20] =	ssyncadd.s32 $0xFFFFFB00  }
0x71: {  	_ =	swait.ge [sflag:s20], $0x500  }
0x72: {  	[sflag:s20] =	ssyncset.done $0x0  }
0x73: {  	s21 =	sshll.u32 s1, $0x6;
	[sflag:s20] =	ssyncadd.s32 $0xFFFFFB00  }
0x74: {  	s22 =	sshrl.u32 s4, $0x3;
	s21 =	sor.u32 $0x1C02, s21;
	[bflag:$0x0] =	sbarrier.arrive $0xFFFF  }
0x75: {  	[hbm:s10], [sflag:s21] =	dma.local [spmem:s22], $0x100  }
0x76: {  	_ =	swait.ge [sflag:s17], $0x100  }
0x77: {  	[sflag:s17] =	ssyncset.done $0x0  }
0x78: {  	s28 =	sshrl.u32 s5, $0x3;
	[sflag:s17] =	ssyncadd.s32 $0xFFFFFF00  }
0x79: {  	[hbm:s11], [sflag:s21] =	dma.local [spmem:s28], $0x100  }
0x7a: {  	_ =	swait.ge [sflag:s17], $0x100  }
0x7b: {  	[sflag:s17] =	ssyncset.done $0x0  }
0x7c: {  	s29 =	sshrl.u32 s6, $0x3;
	[sflag:s17] =	ssyncadd.s32 $0xFFFFFF00  }
0x7d: {  	[hbm:s12], [sflag:s21] =	dma.local [spmem:s29], $0x100  }
0x7e: {  	_ =	swait.ge [sflag:s17], $0x100  }
0x7f: {  	[sflag:s17] =	ssyncset.done $0x0  }
0x80: {  	s30 =	sshrl.u32 s7, $0x3;
	[sflag:s17] =	ssyncadd.s32 $0xFFFFFF00  }
0x81: {  	[hbm:s13], [sflag:s21] =	dma.local [spmem:s30], $0x100  }
0x82: {  	s3 =	sadd.s32 $0x1, s3;
	_ =	swait.ge [sflag:s17], $0x100  }
0x83: {  	p0 =	sne.s32 s3, s15;
	[sflag:s17] =	ssyncset.done $0x0  }
.Ltmp3:
0x84: {  	s31 =	sshrl.u32 s8, $0x3;
	[sflag:s17] =	ssyncadd.s32 $0xFFFFFF00;
	(pc) =	sbr.rel @p0 .LBB2_1-.Ltmp3, $4  }
0x85: {  	[hbm:s14], [sflag:s21] =	dma.local [spmem:s31], $0x100  }
0x86: {  	_ =	swait.ge [sflag:s17], $0x100  }
0x87: {  	[sflag:s17] =	ssyncset.done $0x0  }
0x88: {  	[sflag:s17] =	ssyncadd.s32 $0xFFFFFF00  }
0x89: {  	_ =	sfence.sel $0x180000  }
0x8a: {  	[bflag:$0x0] =	sbarrier.arrive $0xFFFF  }
0x8b: {  	p0 =	sne.s32 s1, $0x0;
	_ =	strace $0x90000047  }
0x8c: {  	s0 =	sadd.s32 @!p0 $0x100000, s0;
	[bflag:$0x2] =	sbarrier.arrive $0xFFFF  }
0x8d: {  	[sflag:s0] =	ssyncadd.tile.s32 @!p0 $0x1;
	_ =	shalt  }
.Lfunc_end2:
_tile_overlayer_lowered:
.L_overlay_start_2:
0x8e: {  	(tag) =	ssettag $0x2  }
0x8f: {  	s0 =	rddreg [dreg:$0x0];
	s2 =	stileid.u32  }
0x90: {  	s1 =	rddreg [dreg:$0x1];
	p0 =	sne.s32 s2, $0x0  }
0x91: {  	s3 =	rddreg [dreg:$0x2];
	[bflag:$0x3] =	sbarrier.arrive $0xFFFF;
	s2 =	simm.s32 @!p0 $0x1C02  }
0x92: {  	[timem:s3], [sflag:s2] =	dma.local @!p0 [hbm:s0], s1  }
0x93: {  	s0 =	simm.s32 @!p0 $0x2  }
0x94: {  	_ =	swait.ge @!p0 [sflag:s0], s1  }
0x95: {  	s1 =	ssub.s32 @!p0 $0x0, s1;
	[sflag:s0] =	ssyncset.done @!p0 $0x0  }
0x96: {  	[sflag:s0] =	ssyncadd.s32 @!p0 s1  }
0x97: {  	[bflag:$0x3] =	sbarrier.arrive $0xFFFF  }
0x98: {  	_ =	shalt  }

// kernel: kernel.14.cloned.1.call-start
scs
__scs_entry_jumppad:
0x0: {  	(pc) =	sbr.rel $0x88, $3  }
0x1: {  	(tag) =	ssettag $0x0;
	lr =	simm.s32 $0x1  }
0x2: {  	[smem:$0x3F97] =	sst lr;
	_ =	strace $0xD0000000  }
0x3: {  	_ = 	snop  }
0x4: {  	_ = 	snop  }
0x5: {  	_ = 	snop  }
0x6: {  	_ = 	snop  }
0x7: {  	_ = 	snop  }
__scs_overlays_trampoline_lowered:
0x8: {  	[smem:$0x3FA6] =	sst s0  }
0x9: {  	[smem:$0x3FA7] =	sst s1  }
0xa: {  	[smem:$0x3FA8] =	sst s2  }
0xb: {  	[smem:$0x3FA9] =	sst s3  }
0xc: {  	[smem:$0x3FAA] =	sst s4  }
0xd: {  	[smem:$0x3FAB] =	sst s5  }
0xe: {  	[smem:$0x3FAC] =	sst s6  }
0xf: {  	[smem:$0x3FAD] =	sst s7  }
0x10: {  	[smem:$0x3FAE] =	sst s8  }
0x11: {  	[smem:$0x3FAF] =	sst s9;
	s0 =	simm.s32 @!p0 $0x0  }
0x12: {  	s1 =	sld [smem:$0x3F95];
	s0 =	simm.s32 @p0 $0x1  }
0x13: {  	[smem:$0x3FB0] =	sst s0;
	s0 =	simm.s32 @!p1 $0x0  }
0x14: {  	s2 =	sld [smem:$0x3F94];
	s0 =	simm.s32 @p1 $0x1  }
0x15: {  	[smem:$0x3FB1] =	sst s0;
	s0 =	simm.s32 @!p2 $0x0  }
0x16: {  	s3 =	sld [smem:$0x3FDB];
	s0 =	simm.s32 @p2 $0x1  }
0x17: {  	s4 =	simm.s32 $0x1BF5;
	[smem:$0x3FB3] =	sst s0  }
0x18: {  	s0 =	sld [smem:$0x3F96];
	_ =	swait.ge [sflag:s4], $0x0  }
0x19: {  	s7 =	sld [smem:$0x3F97]  }
0x1a: {  	s8 =	sadd.s32 $0xFFFFE003, lr  }
0x1b: {  	s9 =	sadd.s32 $0xFFFFFEF7, lr;
	s5 =	simm.s32 $0xFFFFFFFF;
	p2 =	slt.u32 s8, $0xFFFFF086  }
0x1c: {  	p1 =	slt.u32 s9, $0xF7A;
	s5 =	simm.s32 @!p2 $0x0  }
0x1d: {  	s5 =	simm.s32 @p1 $0x1;
	p0 =	seq.s32 s7, s2  }
0x1e: {  	s7 =	smul.u32 @!p0 $0xF7A, s2;
	p2 =	seq.s32 @!p0 s5, $0x0  }
0x1f: {  	s9 =	smul.u32 $0xF7A, s1;
	s8 =	simm.s32 @!p0 $0x1BF5;
	p2 =	por !p2, p0  }
0x20: {  	[sflag:s8] =	ssyncset.s32 @!p0 $0xFFFFF086;
	s6 =	sadd.s32 @!p0 s3, s7;
	s7 =	simm.s32 @!p0 $0x108  }
0x21: {  	s3 =	sadd.s32 s3, s9;
	s6 =	sadd.s32 @!p0 $0x88, s6;
	s7 =	simm.s32 @p2 $0x1082  }
0x22: {  	[simem:s7], [sflag:s8] =	dma.local @!p0 [hbm:s6], $0xF7A  }
0x23: {  	s9 =	sor.u32 $0xD0000000, s2;
	s6 =	simm.s32 $0x108;
	_ =	swait.ge @!p0 [sflag:s8], $0x0  }
0x24: {  	s3 =	sadd.s32 $0x88, s3;
	s6 =	simm.s32 @!p1 $0x1082;
	[sflag:s4] =	ssyncset.s32 $0xFFFFF086  }
0x25: {  	[simem:s6], [sflag:s4] =	dma.local [hbm:s3], $0xF7A  }
0x26: {  	[smem:$0x3F97] =	sst s1;
	(tag) =	ssettag s2;
	_ =	strace s9  }
0x27: {  	s1 =	sld [smem:$0x3FA7]  }
0x28: {  	s2 =	sld [smem:$0x3FA8]  }
0x29: {  	s4 =	sld [smem:$0x3FAA]  }
0x2a: {  	p0 =	seq.s32 s5, $0x0;
	s5 =	sld [smem:$0x3FAB]  }
0x2b: {  	s6 =	sld [smem:$0x3FAC]  }
0x2c: {  	s7 =	sld [smem:$0x3FAD]  }
0x2d: {  	s3 =	simm.s32 $0x108;
	s8 =	sld [smem:$0x3FAE]  }
0x2e: {  	s3 =	simm.s32 @!p0 $0x1082;
	s9 =	sld [smem:$0x3FAF]  }
0x2f: {  	lr =	sadd.s32 s0, s3;
	s0 =	sld [smem:$0x3FA6]  }
0x30: {  	s3 =	sld [smem:$0x3FA9]  }
0x31: {  	[smem:$0x3FB2] =	sst s10  }
0x32: {  	s10 =	sld [smem:$0x3FB0];
	_ =	sdelay $0x3  }
0x33: {  	p0 =	seq.s32 s10, $0x1;
	s10 =	sld [smem:$0x3FB2];
	_ =	sdelay $0x3  }
0x34: {  	[smem:$0x3FB2] =	sst s10  }
0x35: {  	s10 =	sld [smem:$0x3FB1];
	_ =	sdelay $0x3  }
0x36: {  	p1 =	seq.s32 s10, $0x1;
	s10 =	sld [smem:$0x3FB2];
	_ =	sdelay $0x3  }
0x37: {  	[smem:$0x3FB2] =	sst s10  }
0x38: {  	s10 =	sld [smem:$0x3FB3]  }
0x39: {  	_ = 	snop;
	(pc) =	sbr.ind lr, $3  }
0x3a: {  	_ = 	snop  }
0x3b: {  	_ = 	snop  }
0x3c: {  	p2 =	seq.s32 s10, $0x1;
	s10 =	sld [smem:$0x3FB2]  }
0x3d: {  	_ =	shalt  }
0x3e: {  	_ =	shalt  }
0x3f: {  	_ =	shalt  }
0x40: {  	_ =	shalt  }
0x41: {  	_ =	shalt  }
0x42: {  	_ =	shalt  }
0x43: {  	_ =	shalt  }
0x44: {  	_ =	shalt  }
0x45: {  	_ =	shalt  }
0x46: {  	_ =	shalt  }
0x47: {  	_ =	shalt  }
0x48: {  	_ =	shalt  }
0x49: {  	_ =	shalt  }
0x4a: {  	_ =	shalt  }
0x4b: {  	_ =	shalt  }
0x4c: {  	_ =	shalt  }
0x4d: {  	_ =	shalt  }
0x4e: {  	_ =	shalt  }
0x4f: {  	_ =	shalt  }
0x50: {  	_ =	shalt  }
0x51: {  	_ =	shalt  }
0x52: {  	_ =	shalt  }
0x53: {  	_ =	shalt  }
0x54: {  	_ =	shalt  }
0x55: {  	_ =	shalt  }
0x56: {  	_ =	shalt  }
0x57: {  	_ =	shalt  }
0x58: {  	_ =	shalt  }
0x59: {  	_ =	shalt  }
0x5a: {  	_ =	shalt  }
0x5b: {  	_ =	shalt  }
0x5c: {  	_ =	shalt  }
0x5d: {  	_ =	shalt  }
0x5e: {  	_ =	shalt  }
0x5f: {  	_ =	shalt  }
0x60: {  	_ =	shalt  }
0x61: {  	_ =	shalt  }
0x62: {  	_ =	shalt  }
0x63: {  	_ =	shalt  }
0x64: {  	_ =	shalt  }
0x65: {  	_ =	shalt  }
0x66: {  	_ =	shalt  }
0x67: {  	_ =	shalt  }
0x68: {  	_ =	shalt  }
0x69: {  	_ =	shalt  }
0x6a: {  	_ =	shalt  }
0x6b: {  	_ =	shalt  }
0x6c: {  	_ =	shalt  }
0x6d: {  	_ =	shalt  }
0x6e: {  	_ =	shalt  }
0x6f: {  	_ =	shalt  }
0x70: {  	_ =	shalt  }
0x71: {  	_ =	shalt  }
0x72: {  	_ =	shalt  }
0x73: {  	_ =	shalt  }
0x74: {  	_ =	shalt  }
0x75: {  	_ =	shalt  }
0x76: {  	_ =	shalt  }
0x77: {  	_ =	shalt  }
0x78: {  	_ =	shalt  }
0x79: {  	_ =	shalt  }
0x7a: {  	_ =	shalt  }
0x7b: {  	_ =	shalt  }
0x7c: {  	_ =	shalt  }
0x7d: {  	_ =	shalt  }
0x7e: {  	_ =	shalt  }
0x7f: {  	_ =	shalt  }
0x80: {  	_ =	shalt  }
0x81: {  	_ =	shalt  }
0x82: {  	_ =	shalt  }
0x83: {  	_ =	shalt  }
0x84: {  	_ =	shalt  }
0x85: {  	_ =	shalt  }
0x86: {  	_ =	shalt  }
0x87: {  	_ =	shalt  }
.Lfunc_end0:
.L_simem_size_0:
called_computation.1_lowered:
.L_overlay_start_0:
0x88: {  	s2 =	sld [smem:$0x3FD9]  }
0x89: {  	s3 =	sld [smem:$0x3FFE];
	_ =	sdelay $0x1  }
0x8a: {  	s1 =	srdreg.scid  }
0x8b: {  	s0 =	sand.u32 $0x1, s1  }
0x8c: {  	s16 =	sshll.u32 s0, $0xA;
	s2 =	sadd.s32 s3, s2  }
0x8d: {  	s2 =	sadd.s32 s2, s16  }
0x8e: {  	[smem:$0x3FBE] =	sst s2  }
0x8f: {  	_ = 	snop  }
0x90: {  	(tm) =	ssettm $0x1  }
0x91: {  	s17 =	sld [smem:$0x3FFB];
	_ =	sdelay $0x3  }
0x92: {  	_ =	strace s17  }
0x93: {  	s2 =	sld [smem:$0x3FFC];
	_ =	sdelay $0x3  }
0x94: {  	_ =	strace s2  }
0x95: {  	s2 =	sld [smem:$0x3FFD];
	_ =	sdelay $0x3  }
0x96: {  	_ =	strace s2  }
0x97: {  	_ =	strace $0x8FFFFFFF  }
0x98: {  	s18 =	sld [smem:$0x3FDB];
	_ =	sdelay $0x1  }
0x99: {  	s19 =	simm.s32 $_scs_section_size  }
0x9a: {  	s4 =	simm.s32 $_size__tile_overlayer_lowered;
	s5 =	simm.s32 $_tile_overlayer_lowered  }
0x9b: {  	s22 =	simm.s32 $0x1BFF;
	s21 =	sshll.u32 s5, $0x1;
	s2 =	sadd.s32 s19, s18  }
0x9c: {  	s6 =	simm.s32 $0x0;
	s20 =	sshll.u32 s4, $0x1;
	s4 =	sadd.s32 s21, s2  }
0x9d: {  	[timem:s6], [sflag:s22] =	dma.local [hbm:s4], s20  }
0x9e: {  	_ =	swait.ge [sflag:s22], s20  }
0x9f: {  	s3 =	ssub.s32 $0x0, s20;
	[sflag:s22] =	ssyncset.done $0x0  }
0xa0: {  	[sflag:s22] =	ssyncadd.s32 s3;
	_ =	sdelay $0x1  }
0xa1: {  	s23 =	simm.s32 $0x1B8B  }
0xa2: {  	_ =	swait.ge [sflag:s23], $0x1  }
0xa3: {  	[sflag:s23] =	ssyncset.done $0x0  }
0xa4: {  	s25 =	simm.s32 $0x1B8E;
	s24 =	sld [smem:$0x3FFE];
	[sflag:s23] =	ssyncadd.s32 $0xFFFFFFFF  }
0xa5: {  	s26 =	simm.s32 $execute0_lowered;
	[smem:$0x3FD2] =	sst s25  }
0xa6: {  	s4 =	sshll.u32 s26, $0x1;
	_ =	strace $0x80000049;
	[dreg:$0x1] =	wrdreg $0xFFFFFFFF  }
0xa7: {  	s28 =	simm.s32 $_size_execute0_lowered;
	s2 =	sadd.s32 s2, s4;
	[dreg:$0x0] =	wrdreg $0x0  }
0xa8: {  	s4 =	sshll.u32 s28, $0x1;
	[dreg:$0x2] =	wrdreg s2  }
0xa9: {  	[dreg:$0x3] =	wrdreg s4  }
0xaa: {  	[dreg:$0x4] =	wrdreg $0xC0  }
0xab: {  	_ =	task [dreg:s6], $0x5FFFF  }
0xac: {  	[dreg:$0x1] =	wrdreg $0xFFFFFFFF  }
0xad: {  	[dreg:$0x0] =	wrdreg $0x60  }
0xae: {  	[dreg:$0x2] =	wrdreg s24  }
0xaf: {  	[dreg:$0x3] =	wrdreg $0x126500  }
0xb0: {  	[dreg:$0x4] =	wrdreg $0xB1200  }
0xb1: {  	[dreg:$0x5] =	wrdreg $0x9  }
0xb2: {  	_ =	task.clear_ibuf [dreg:s6], $0x6FFFF;
	_ =	strace $0x90000049  }
0xb3: {  	s29 =	simm.s32 $0x9;
	_ =	strace $0x8000004B  }
0xb4: {  	_ =	swait.ge [sflag:s29], $0x1  }
0xb5: {  	[sflag:s29] =	ssyncadd.s32 $0xFFFFFFFF  }
0xb6: {  	_ =	strace $0x9000004B  }
0xb7: {  	_ =	sfence  }
0xb8: {  	s30 =	sld [smem:$0x0];
	_ =	sdelay $0x2  }
0xb9: {  	s31 =	sshll.u32 s1, $0xD;
	s1 =	sshrl.u32 s1, $0x2  }
0xba: {  	s3 =	sand.u32 $0x4000, s31;
	s1 =	sadd.s32 s1, s30  }
0xbb: {  	s0 =	sor.u32 s3, s0;
	s1 =	sshll.u32 s1, $0x11  }
0xbc: {  	s0 =	sor.u32 s1, s0  }
0xbd: {  	s0 =	sadd.s32 $0x8F2B, s0  }
0xbe: {  	[sflag:s0] =	ssyncadd.remote.s32 $0x1  }
0xbf: {  	_ =	sfence.sel $0xFFFF  }
0xc0: {  	[dreg:$0x0] =	wrdreg $0xFFFFFFFF;
	(pc) =	sbr.abs _section_cstart, $3  }
0xc1: {  	[dreg:$0x1] =	wrdreg $0xFFFFFFFF  }
0xc2: {  	_ =	task.clear_ibuf [dreg:s6], $0x2FFFF;
	_ =	strace $0x9FFFFFFF  }
0xc3: {  	(tm) =	ssettm $0x7FFFFFFF  }
tec
execute0_lowered:
.L_overlay_start_1:
0x0: {  	(tag) =	ssettag $0x1  }
0x1: {  	s0 =	rddreg [dreg:$0x0]  }
0x2: {  	s1 =	rddreg [dreg:$0x1]  }
0x3: {  	s3 =	rddreg [dreg:$0x2];
	s2 =	srdreg.scid  }
0x4: {  	s4 =	simm.s32 $0x0;
	s8 =	stileid.u32;
	s29 =	simm.s32 $0x6C20  }
0x5: {  	s30 =	simm.s32 $0x2;
	s28 =	simm.s32 $0x3;
	s31 =	simm.s32 $0x8A20  }
0x6: {  	s2 =	sand.u32 $0x1, s2;
	[smem:$0x7FF] =	sst s4;
	s10 =	smul.u32 $0x7530, s8  }
0x7: {  	s12 =	smul.u32 $0x7800, s8;
	s5 =	sshll.u32 s2, $0x4;
	_ =	strace $0x8000004A  }
0x8: {  	s7 =	ssub.s32 $0x2, s2;
	s2 =	smul.u32 $0x78000, s2;
	s5 =	sor.u32 s8, s5  }
0x9: {  	s6 =	sshrl.u32 s10, $0x3;
	s18 =	sshrl.u32 s7, $0x1;
	s15 =	sadd.s32 $0x1800, s12  }
0xa: {  	s16 =	sadd.s32 $0x3000, s12;
	s17 =	sadd.s32 $0x4800, s12;
	s10 =	sadd.s32 s10, s3  }
0xb: {  	s5 =	smul.u32 $0x4E2, s5;
	s11 =	sadd.s32 s6, s0;
	s14 =	ssub.s32 s7, s18  }
0xc: {  	s6 =	sadd.s32 s15, s1;
	s7 =	sadd.s32 s16, s1;
	s8 =	sadd.s32 s17, s1  }
0xd: {  	s18 =	sadd.s32 $0x6000, s12;
	s20 =	sadd.s32 s12, s2;
	s21 =	sadd.s32 s2, s15  }
0xe: {  	s23 =	sadd.s32 s2, s16;
	s24 =	sadd.s32 s2, s17;
	s15 =	simm.s32 $0xA  }
0xf: {  	s9 =	sadd.s32 s18, s1;
	s11 =	sadd.s32 $0x15E00, s11;
	s2 =	sadd.s32 s2, s18  }
0x10: {  	s25 =	sshrl.u32 s24, $0x3;
	s26 =	smax.u32 s14, $0x1;
	s24 =	simm.s32 $0x50  }
0x11: {  	s14 =	simm.s32 $0x9;
	s13 =	sadd.s32 s5, s0;
	s0 =	sadd.s32 $0x24A00, s0  }
0x12: {  	s5 =	sadd.s32 s12, s1;
	[dreg:$0x4] =	wrdreg s11;
	s11 =	sshrl.u32 s20, $0x3  }
0x13: {  	s12 =	sshrl.u32 s21, $0x3;
	s2 =	sshrl.u32 s2, $0x3;
	[dreg:$0xc] =	wrdreg s26  }
0x14: {  	s20 =	simm.s32 $0xB;
	s21 =	sshrl.u32 s10, $0x3;
	s19 =	sadd.s32 $0x2200, s13  }
0x15: {  	s26 =	simm.s32 $0x5D20;
	s13 =	sadd.s32 $0xC000, s13;
	[dreg:$0x5] =	wrdreg s19  }
0x16: {  	s10 =	simm.s32 $0x6;
	s11 =	sadd.s32 s0, s11;
	[dreg:$0x6] =	wrdreg s13  }
0x17: {  	s22 =	sadd.s32 s0, s12;
	s12 =	simm.s32 $0x7;
	[dreg:$0x7] =	wrdreg s11  }
0x18: {  	[dreg:$0x8] =	wrdreg s22;
	s11 =	sshrl.u32 s23, $0x3;
	s19 =	simm.s32 $0x9920  }
0x19: {  	s23 =	simm.s32 $0x1;
	s13 =	simm.s32 $0x8;
	s11 =	sadd.s32 s0, s11  }
0x1a: {  	[dreg:$0x9] =	wrdreg s11;
	s11 =	sadd.s32 s0, s25;
	s0 =	sadd.s32 s0, s2  }
0x1b: {  	s25 =	simm.s32 $0x4E20;
	s2 =	simm.s32 $0x7B20;
	[dreg:$0xa] =	wrdreg s11  }
0x1c: {  	v0 =	vimm.f32 $0.0e+00;
	[dreg:$0xb] =	wrdreg s0;
	s0 =	simm.s32 $0x4;
	s11 =	simm.s32 $0x5  }
.LBB2_1:
0x1d: {  	s16 =	simm.s32 $0xC0;
	s17 =	simm.s32 $0x0  }
.LBB2_2:
0x1e: {  	p0 =	sne.s32 s16, $0x5F40;
	[tilespmem:s17+$0x9940] =	vst v0;
	s22 =	smov.u32 s16;
	s16 =	sadd.s32 $0xC0, s16  }
.Ltmp0:
0x1f: {  	[tilespmem:s17+$0x9920] =	vst v0;
	(pc) =	sbr.rel @p0 .LBB2_2-.Ltmp0, $2  }
0x20: {  	[tilespmem:s17+$0x9930] =	vst v0;
	_ =	sdelay $0x2  }
0x21: {  	s17 =	sshra.s32 s22, $0x2  }
0x22: {  	[tilespmem:s17+$0x9940] =	vst v0  }
0x23: {  	[tilespmem:s17+$0x9920] =	vst v0  }
0x24: {  	[tilespmem:s17+$0x9930] =	vst v0  }
0x25: {  	[spmem:s5] =	stream.linear.scatter [tilespmem:s19], [sflag:$0xB], $0x1800, $0x38;
	[tilespmem:$0x19E50] =	vst v63  }
0x26: {  	_ =	swait.ge [sflag:s20], $0x1800  }
0x27: {  	[sflag:s20] =	ssyncset.done $0x0  }
0x28: {  	[sflag:s20] =	ssyncadd.s32 $0xFFFFE800  }
0x29: {  	[spmem:s6] =	stream.linear.scatter [tilespmem:s19], [sflag:$0xB], $0x1800, $0x38;
	[tilespmem:$0x19E50] =	vst v63  }
0x2a: {  	_ =	swait.ge [sflag:s20], $0x1800  }
0x2b: {  	[sflag:s20] =	ssyncset.done $0x0  }
0x2c: {  	[sflag:s20] =	ssyncadd.s32 $0xFFFFE800  }
0x2d: {  	[spmem:s7] =	stream.linear.scatter [tilespmem:s19], [sflag:$0xB], $0x1800, $0x38;
	[tilespmem:$0x19E50] =	vst v63  }
0x2e: {  	_ =	swait.ge [sflag:s20], $0x1800  }
0x2f: {  	[sflag:s20] =	ssyncset.done $0x0  }
0x30: {  	[sflag:s20] =	ssyncadd.s32 $0xFFFFE800  }
0x31: {  	[spmem:s8] =	stream.linear.scatter [tilespmem:s19], [sflag:$0xB], $0x1800, $0x38;
	[tilespmem:$0x19E50] =	vst v63  }
0x32: {  	_ =	swait.ge [sflag:s20], $0x1800  }
0x33: {  	[sflag:s20] =	ssyncset.done $0x0  }
0x34: {  	[sflag:s20] =	ssyncadd.s32 $0xFFFFE800  }
0x35: {  	[spmem:s9] =	stream.linear.scatter [tilespmem:s19], [sflag:$0xB], $0x1800, $0x38;
	[tilespmem:$0x19E50] =	vst v63  }
0x36: {  	s16 =	stileid.u32;
	_ =	swait.ge [sflag:s20], $0x1800  }
0x37: {  	s16 =	sshll.u32 s16, $0x6;
	[sflag:s20] =	ssyncset.done $0x0  }
0x38: {  	s22 =	sor.u32 $0x1C01, s16;
	s18 =	rddreg [dreg:$0x4];
	[sflag:s20] =	ssyncadd.s32 $0xFFFFE800  }
0x39: {  	[spmem:s21], [sflag:s22] =	dma.local [hbm:s18], $0xEA6  }
0x3a: {  	s17 =	simm.s32 $0x0;
	s18 =	rddreg [dreg:$0x5]  }
0x3b: {  	[tilespmem:s17], [sflag:$0xB] =	stream.linear.gather [hbm4b:s18+s17], $0x2710, $0x38;
	[tilespmem:$0x19E50] =	vst v63  }
0x3c: {  	_ =	swait.ge [sflag:s20], $0x2710  }
0x3d: {  	[sflag:s20] =	ssyncset.done $0x0  }
0x3e: {  	s22 =	simm.s32 $0x2710;
	s18 =	rddreg [dreg:$0x6];
	[sflag:s20] =	ssyncadd.s32 $0xFFFFD8F0  }
0x3f: {  	[tilespmem:s22], [sflag:$0xB] =	stream.linear.gather [hbm4b:s18+s17], $0x2710, $0x38;
	[tilespmem:$0x19E50] =	vst v63  }
0x40: {  	_ =	swait.ge [sflag:s20], $0x2710  }
0x41: {  	[sflag:s20] =	ssyncset.done $0x0  }
0x42: {  	[sflag:s20] =	ssyncadd.s32 $0xFFFFD8F0  }
0x43: {  	_ =	swait.ge [sflag:s23], $0xEA6  }
0x44: {  	[sflag:s23] =	ssyncset.done $0x0  }
0x45: {  	[sflag:s23] =	ssyncadd.s32 $0xFFFFF15A  }
0x46: {  	[bflag:$0x0] =	sbarrier.arrive $0xFFFF  }
0x47: {  	[tilespmem:s25], [sflag:$0x1] =	stream.indirect.gather [spmem:s3], $0x30, s17, s24, $0xb8;
	[tilespmem:$0x19E50] =	vst v63  }
0x48: {  	_ = 	snop  }
0x49: {  	[tilespmem:s26], [sflag:$0x2] =	stream.indirect.gather [spmem:s3], $0x30, s24, s24, $0xb8;
	[tilespmem:$0x19E50] =	vst v63  }
0x4a: {  	_ =	swait.ge [sflag:s23], $0xF00  }
0x4b: {  	[sflag:s23] =	ssyncset.done $0x0  }
0x4c: {  	[sflag:s23] =	ssyncadd.s32 $0xFFFFF100  }
0x4d: {  	[spmem:s1] =	stream.indirect.scatter.add.f32 [tilespmem:s25], [sflag:$0x6], $0x30, s22, s24, $0xb8;
	[tilespmem:$0x19E50] =	vst v63  }
0x4e: {  	s22 =	simm.s32 $0xA0  }
0x4f: {  	[tilespmem:s29], [sflag:$0x3] =	stream.indirect.gather [spmem:s3], $0x30, s22, s24, $0xb8;
	[tilespmem:$0x19E50] =	vst v63  }
0x50: {  	_ =	swait.ge [sflag:s30], $0xF00  }
0x51: {  	[sflag:s30] =	ssyncset.done $0x0  }
0x52: {  	s18 =	simm.s32 $0x2760;
	[sflag:s30] =	ssyncadd.s32 $0xFFFFF100  }
0x53: {  	[spmem:s1] =	stream.indirect.scatter.add.f32 [tilespmem:s26], [sflag:$0x7], $0x30, s18, s24, $0xb8;
	[tilespmem:$0x19E50] =	vst v63  }
0x54: {  	s22 =	simm.s32 $0xF0  }
0x55: {  	[tilespmem:s2], [sflag:$0x4] =	stream.indirect.gather [spmem:s3], $0x30, s22, s24, $0xb8;
	[tilespmem:$0x19E50] =	vst v63  }
0x56: {  	_ =	swait.ge [sflag:s28], $0xF00  }
0x57: {  	[sflag:s28] =	ssyncset.done $0x0  }
0x58: {  	s18 =	simm.s32 $0x27B0;
	[sflag:s28] =	ssyncadd.s32 $0xFFFFF100  }
0x59: {  	[spmem:s1] =	stream.indirect.scatter.add.f32 [tilespmem:s29], [sflag:$0x8], $0x30, s18, s24, $0xb8;
	[tilespmem:$0x19E50] =	vst v63  }
0x5a: {  	s22 =	simm.s32 $0x140  }
0x5b: {  	[tilespmem:s31], [sflag:$0x5] =	stream.indirect.gather [spmem:s3], $0x30, s22, s24, $0xb8;
	[tilespmem:$0x19E50] =	vst v63  }
0x5c: {  	_ =	swait.ge [sflag:s0], $0xF00  }
0x5d: {  	[sflag:s0] =	ssyncset.done $0x0  }
0x5e: {  	s18 =	simm.s32 $0x2800;
	[sflag:s0] =	ssyncadd.s32 $0xFFFFF100  }
0x5f: {  	[spmem:s1] =	stream.indirect.scatter.add.f32 [tilespmem:s2], [sflag:$0x9], $0x30, s18, s24, $0xb8;
	[tilespmem:$0x19E50] =	vst v63  }
0x60: {  	_ =	swait.ge [sflag:s10], $0xF00  }
0x61: {  	[sflag:s10] =	ssyncset.done $0x0  }
0x62: {  	s22 =	simm.s32 $0x190;
	[sflag:s10] =	ssyncadd.s32 $0xFFFFF100  }
0x63: {  	[tilespmem:s25], [sflag:$0x1] =	stream.indirect.gather [spmem:s3], $0x30, s22, s24, $0xb8;
	[tilespmem:$0x19E50] =	vst v63  }
0x64: {  	_ =	swait.ge [sflag:s11], $0xF00  }
0x65: {  	[sflag:s11] =	ssyncset.done $0x0  }
0x66: {  	s18 =	simm.s32 $0x2850;
	[sflag:s11] =	ssyncadd.s32 $0xFFFFF100  }
0x67: {  	[spmem:s1] =	stream.indirect.scatter.add.f32 [tilespmem:s31], [sflag:$0xA], $0x30, s18, s24, $0xb8;
	[tilespmem:$0x19E50] =	vst v63  }
0x68: {  	_ =	swait.ge [sflag:s12], $0xF00  }
0x69: {  	[sflag:s12] =	ssyncset.done $0x0  }
0x6a: {  	s22 =	simm.s32 $0x1E0;
	[sflag:s12] =	ssyncadd.s32 $0xFFFFF100  }
0x6b: {  	[tilespmem:s26], [sflag:$0x2] =	stream.indirect.gather [spmem:s3], $0x30, s22, s24, $0xb8;
	[tilespmem:$0x19E50] =	vst v63  }
0x6c: {  	_ =	swait.ge [sflag:s23], $0xF00  }
0x6d: {  	[sflag:s23] =	ssyncset.done $0x0  }
0x6e: {  	s18 =	simm.s32 $0x28A0;
	[sflag:s23] =	ssyncadd.s32 $0xFFFFF100  }
0x6f: {  	[spmem:s1] =	stream.indirect.scatter.add.f32 [tilespmem:s25], [sflag:$0x6], $0x30, s18, s24, $0xb8;
	[tilespmem:$0x19E50] =	vst v63  }
0x70: {  	_ =	swait.ge [sflag:s13], $0xF00  }
0x71: {  	[sflag:s13] =	ssyncset.done $0x0  }
0x72: {  	s22 =	simm.s32 $0x230;
	[sflag:s13] =	ssyncadd.s32 $0xFFFFF100  }
0x73: {  	[tilespmem:s29], [sflag:$0x3] =	stream.indirect.gather [spmem:s3], $0x30, s22, s24, $0xb8;
	[tilespmem:$0x19E50] =	vst v63  }
0x74: {  	_ =	swait.ge [sflag:s30], $0xF00  }
0x75: {  	[sflag:s30] =	ssyncset.done $0x0  }
0x76: {  	s18 =	simm.s32 $0x28F0;
	[sflag:s30] =	ssyncadd.s32 $0xFFFFF100  }
0x77: {  	[spmem:s1] =	stream.indirect.scatter.add.f32 [tilespmem:s26], [sflag:$0x7], $0x30, s18, s24, $0xb8;
	[tilespmem:$0x19E50] =	vst v63  }
0x78: {  	_ =	swait.ge [sflag:s14], $0xF00  }
0x79: {  	[sflag:s14] =	ssyncset.done $0x0  }
0x7a: {  	s22 =	simm.s32 $0x280;
	[sflag:s14] =	ssyncadd.s32 $0xFFFFF100  }
0x7b: {  	[tilespmem:s2], [sflag:$0x4] =	stream.indirect.gather [spmem:s3], $0x30, s22, s24, $0xb8;
	[tilespmem:$0x19E50] =	vst v63  }
0x7c: {  	_ =	swait.ge [sflag:s28], $0xF00  }
0x7d: {  	[sflag:s28] =	ssyncset.done $0x0  }
0x7e: {  	s18 =	simm.s32 $0x2940;
	[sflag:s28] =	ssyncadd.s32 $0xFFFFF100  }
0x7f: {  	[spmem:s1] =	stream.indirect.scatter.add.f32 [tilespmem:s29], [sflag:$0x8], $0x30, s18, s24, $0xb8;
	[tilespmem:$0x19E50] =	vst v63  }
0x80: {  	_ =	swait.ge [sflag:s15], $0xF00  }
0x81: {  	[sflag:s15] =	ssyncset.done $0x0  }
0x82: {  	s22 =	simm.s32 $0x2D0;
	[sflag:s15] =	ssyncadd.s32 $0xFFFFF100  }
0x83: {  	[tilespmem:s31], [sflag:$0x5] =	stream.indirect.gather [spmem:s3], $0x30, s22, s24, $0xb8;
	[tilespmem:$0x19E50] =	vst v63  }
0x84: {  	_ =	swait.ge [sflag:s0], $0xF00  }
0x85: {  	[sflag:s0] =	ssyncset.done $0x0  }
0x86: {  	s18 =	simm.s32 $0x2990;
	[sflag:s0] =	ssyncadd.s32 $0xFFFFF100  }
0x87: {  	[spmem:s1] =	stream.indirect.scatter.add.f32 [tilespmem:s2], [sflag:$0x9], $0x30, s18, s24, $0xb8;
	[tilespmem:$0x19E50] =	vst v63  }
0x88: {  	_ =	swait.ge [sflag:s10], $0xF00  }
0x89: {  	[sflag:s10] =	ssyncset.done $0x0  }
0x8a: {  	s22 =	simm.s32 $0x320;
	[sflag:s10] =	ssyncadd.s32 $0xFFFFF100  }
0x8b: {  	[tilespmem:s25], [sflag:$0x1] =	stream.indirect.gather [spmem:s3], $0x30, s22, s24, $0xb8;
	[tilespmem:$0x19E50] =	vst v63  }
0x8c: {  	_ =	swait.ge [sflag:s11], $0xF00  }
0x8d: {  	[sflag:s11] =	ssyncset.done $0x0  }
0x8e: {  	s17 =	simm.s32 $0x29E0;
	s22 =	simm.s32 $0x640;
	[sflag:s11] =	ssyncadd.s32 $0xFFFFF100  }
.LBB2_4:
0x8f: {  	[spmem:s1] =	stream.indirect.scatter.add.f32 [tilespmem:s31], [sflag:$0xA], $0x30, s17, s24, $0xb8;
	[tilespmem:$0x19E50] =	vst v63  }
0x90: {  	s17 =	smov.u32 s22;
	s22 =	sadd.s32 $0x640, s22;
	_ =	swait.ge [sflag:s12], $0xF00  }
0x91: {  	s17 =	sshra.s32 s17, $0x2;
	p0 =	sne.s32 s22, $0x8FC0;
	[sflag:s12] =	ssyncset.done $0x0  }
0x92: {  	s18 =	sadd.s32 $0x1E0, s17;
	[sflag:s12] =	ssyncadd.s32 $0xFFFFF100  }
0x93: {  	[tilespmem:s26], [sflag:$0x2] =	stream.indirect.gather [spmem:s3], $0x30, s18, s24, $0xb8;
	[tilespmem:$0x19E50] =	vst v63  }
0x94: {  	_ =	swait.ge [sflag:s23], $0xF00  }
0x95: {  	[sflag:s23] =	ssyncset.done $0x0  }
0x96: {  	s18 =	sadd.s32 $0x28A0, s17;
	[sflag:s23] =	ssyncadd.s32 $0xFFFFF100  }
0x97: {  	[spmem:s1] =	stream.indirect.scatter.add.f32 [tilespmem:s25], [sflag:$0x6], $0x30, s18, s24, $0xb8;
	[tilespmem:$0x19E50] =	vst v63  }
0x98: {  	_ =	swait.ge [sflag:s13], $0xF00  }
0x99: {  	[sflag:s13] =	ssyncset.done $0x0  }
0x9a: {  	s18 =	sadd.s32 $0x230, s17;
	[sflag:s13] =	ssyncadd.s32 $0xFFFFF100  }
0x9b: {  	[tilespmem:s29], [sflag:$0x3] =	stream.indirect.gather [spmem:s3], $0x30, s18, s24, $0xb8;
	[tilespmem:$0x19E50] =	vst v63  }
0x9c: {  	_ =	swait.ge [sflag:s30], $0xF00  }
0x9d: {  	[sflag:s30] =	ssyncset.done $0x0  }
0x9e: {  	s18 =	sadd.s32 $0x28F0, s17;
	[sflag:s30] =	ssyncadd.s32 $0xFFFFF100  }
0x9f: {  	[spmem:s1] =	stream.indirect.scatter.add.f32 [tilespmem:s26], [sflag:$0x7], $0x30, s18, s24, $0xb8;
	[tilespmem:$0x19E50] =	vst v63  }
0xa0: {  	_ =	swait.ge [sflag:s14], $0xF00  }
0xa1: {  	[sflag:s14] =	ssyncset.done $0x0  }
0xa2: {  	s18 =	sadd.s32 $0x280, s17;
	[sflag:s14] =	ssyncadd.s32 $0xFFFFF100  }
0xa3: {  	[tilespmem:s2], [sflag:$0x4] =	stream.indirect.gather [spmem:s3], $0x30, s18, s24, $0xb8;
	[tilespmem:$0x19E50] =	vst v63  }
0xa4: {  	_ =	swait.ge [sflag:s28], $0xF00  }
0xa5: {  	[sflag:s28] =	ssyncset.done $0x0  }
0xa6: {  	s18 =	sadd.s32 $0x2940, s17;
	[sflag:s28] =	ssyncadd.s32 $0xFFFFF100  }
0xa7: {  	[spmem:s1] =	stream.indirect.scatter.add.f32 [tilespmem:s29], [sflag:$0x8], $0x30, s18, s24, $0xb8;
	[tilespmem:$0x19E50] =	vst v63  }
0xa8: {  	_ =	swait.ge [sflag:s15], $0xF00  }
0xa9: {  	[sflag:s15] =	ssyncset.done $0x0  }
0xaa: {  	s18 =	sadd.s32 $0x2D0, s17;
	[sflag:s15] =	ssyncadd.s32 $0xFFFFF100  }
0xab: {  	[tilespmem:s31], [sflag:$0x5] =	stream.indirect.gather [spmem:s3], $0x30, s18, s24, $0xb8;
	[tilespmem:$0x19E50] =	vst v63  }
0xac: {  	_ =	swait.ge [sflag:s0], $0xF00  }
0xad: {  	[sflag:s0] =	ssyncset.done $0x0  }
0xae: {  	s18 =	sadd.s32 $0x2990, s17;
	[sflag:s0] =	ssyncadd.s32 $0xFFFFF100  }
0xaf: {  	[spmem:s1] =	stream.indirect.scatter.add.f32 [tilespmem:s2], [sflag:$0x9], $0x30, s18, s24, $0xb8;
	[tilespmem:$0x19E50] =	vst v63  }
0xb0: {  	_ =	swait.ge [sflag:s10], $0xF00  }
0xb1: {  	[sflag:s10] =	ssyncset.done $0x0  }
.Ltmp1:
0xb2: {  	s18 =	sadd.s32 $0x320, s17;
	[sflag:s10] =	ssyncadd.s32 $0xFFFFF100;
	(pc) =	sbr.rel @p0 .LBB2_4-.Ltmp1, $4  }
0xb3: {  	[tilespmem:s25], [sflag:$0x1] =	stream.indirect.gather [spmem:s3], $0x30, s18, s24, $0xb8;
	[tilespmem:$0x19E50] =	vst v63  }
0xb4: {  	_ =	swait.ge [sflag:s11], $0xF00  }
0xb5: {  	[sflag:s11] =	ssyncset.done $0x0  }
0xb6: {  	s17 =	sadd.s32 $0x29E0, s17;
	[sflag:s11] =	ssyncadd.s32 $0xFFFFF100  }
0xb7: {  	[spmem:s1] =	stream.indirect.scatter.add.f32 [tilespmem:s31], [sflag:$0xA], $0x30, s17, s24, $0xb8;
	[tilespmem:$0x19E50] =	vst v63  }
0xb8: {  	_ =	swait.ge [sflag:s12], $0xF00  }
0xb9: {  	[sflag:s12] =	ssyncset.done $0x0  }
0xba: {  	s18 =	simm.s32 $0x25D0;
	[sflag:s12] =	ssyncadd.s32 $0xFFFFF100  }
0xbb: {  	[tilespmem:s26], [sflag:$0x2] =	stream.indirect.gather [spmem:s3], $0x30, s18, s24, $0xb8;
	[tilespmem:$0x19E50] =	vst v63  }
0xbc: {  	_ =	swait.ge [sflag:s23], $0xF00  }
0xbd: {  	s17 =	sshra.s32 s22, $0x2;
	[sflag:s23] =	ssyncset.done $0x0  }
0xbe: {  	s18 =	sadd.s32 $0x28A0, s17;
	[sflag:s23] =	ssyncadd.s32 $0xFFFFF100  }
0xbf: {  	[spmem:s1] =	stream.indirect.scatter.add.f32 [tilespmem:s25], [sflag:$0x6], $0x30, s18, s24, $0xb8;
	[tilespmem:$0x19E50] =	vst v63  }
0xc0: {  	_ =	swait.ge [sflag:s13], $0xF00  }
0xc1: {  	[sflag:s13] =	ssyncset.done $0x0  }
0xc2: {  	s22 =	sadd.s32 $0x230, s17;
	[sflag:s13] =	ssyncadd.s32 $0xFFFFF100  }
0xc3: {  	[tilespmem:s29], [sflag:$0x3] =	stream.indirect.gather [spmem:s3], $0x30, s22, s24, $0xb8;
	[tilespmem:$0x19E50] =	vst v63  }
0xc4: {  	_ =	swait.ge [sflag:s30], $0xF00  }
0xc5: {  	[sflag:s30] =	ssyncset.done $0x0  }
0xc6: {  	s22 =	simm.s32 $0x4CE0;
	[sflag:s30] =	ssyncadd.s32 $0xFFFFF100  }
0xc7: {  	[spmem:s1] =	stream.indirect.scatter.add.f32 [tilespmem:s26], [sflag:$0x7], $0x30, s22, s24, $0xb8;
	[tilespmem:$0x19E50] =	vst v63  }
0xc8: {  	_ =	swait.ge [sflag:s14], $0xF00  }
0xc9: {  	[sflag:s14] =	ssyncset.done $0x0  }
0xca: {  	s22 =	sadd.s32 $0x280, s17;
	[sflag:s14] =	ssyncadd.s32 $0xFFFFF100  }
0xcb: {  	[tilespmem:s2], [sflag:$0x4] =	stream.indirect.gather [spmem:s3], $0x30, s22, s24, $0xb8;
	[tilespmem:$0x19E50] =	vst v63  }
0xcc: {  	_ =	swait.ge [sflag:s28], $0xF00  }
0xcd: {  	[sflag:s28] =	ssyncset.done $0x0  }
0xce: {  	s22 =	sadd.s32 $0x2940, s17;
	[sflag:s28] =	ssyncadd.s32 $0xFFFFF100  }
0xcf: {  	[spmem:s1] =	stream.indirect.scatter.add.f32 [tilespmem:s29], [sflag:$0x8], $0x30, s22, s24, $0xb8;
	[tilespmem:$0x19E50] =	vst v63  }
0xd0: {  	_ =	swait.ge [sflag:s15], $0xF00  }
0xd1: {  	[sflag:s15] =	ssyncset.done $0x0  }
0xd2: {  	s22 =	sadd.s32 $0x2D0, s17;
	[sflag:s15] =	ssyncadd.s32 $0xFFFFF100  }
0xd3: {  	[tilespmem:s31], [sflag:$0x5] =	stream.indirect.gather [spmem:s3], $0x30, s22, s24, $0xb8;
	[tilespmem:$0x19E50] =	vst v63  }
0xd4: {  	_ =	swait.ge [sflag:s0], $0xF00  }
0xd5: {  	[sflag:s0] =	ssyncset.done $0x0  }
0xd6: {  	s22 =	sadd.s32 $0x2990, s17;
	[sflag:s0] =	ssyncadd.s32 $0xFFFFF100  }
0xd7: {  	[spmem:s1] =	stream.indirect.scatter.add.f32 [tilespmem:s2], [sflag:$0x9], $0x30, s22, s24, $0xb8;
	[tilespmem:$0x19E50] =	vst v63  }
0xd8: {  	_ =	swait.ge [sflag:s11], $0xF00  }
0xd9: {  	[sflag:s11] =	ssyncset.done $0x0  }
0xda: {  	s17 =	sadd.s32 $0x29E0, s17;
	[sflag:s11] =	ssyncadd.s32 $0xFFFFF100  }
0xdb: {  	[spmem:s1] =	stream.indirect.scatter.add.f32 [tilespmem:s31], [sflag:$0xA], $0x30, s17, s24, $0xb8;
	[tilespmem:$0x19E50] =	vst v63  }
0xdc: {  	_ =	swait.ge [sflag:s10], $0xF00  }
0xdd: {  	[sflag:s10] =	ssyncset.done $0x0  }
0xde: {  	[sflag:s10] =	ssyncadd.s32 $0xFFFFF100  }
0xdf: {  	_ =	swait.ge [sflag:s12], $0xF00  }
0xe0: {  	[sflag:s12] =	ssyncset.done $0x0  }
0xe1: {  	[sflag:s12] =	ssyncadd.s32 $0xFFFFF100  }
0xe2: {  	_ =	swait.ge [sflag:s13], $0xF00  }
0xe3: {  	[sflag:s13] =	ssyncset.done $0x0  }
0xe4: {  	[sflag:s13] =	ssyncadd.s32 $0xFFFFF100  }
0xe5: {  	_ =	swait.ge [sflag:s14], $0xF00  }
0xe6: {  	[sflag:s14] =	ssyncset.done $0x0  }
0xe7: {  	[sflag:s14] =	ssyncadd.s32 $0xFFFFF100  }
0xe8: {  	_ =	swait.ge [sflag:s15], $0xF00  }
0xe9: {  	[sflag:s15] =	ssyncset.done $0x0  }
0xea: {  	[sflag:s15] =	ssyncadd.s32 $0xFFFFF100  }
0xeb: {  	[bflag:$0x0] =	sbarrier.arrive $0xFFFF  }
0xec: {  	s16 =	sor.u32 $0x1C0B, s16;
	s18 =	sshrl.u32 s5, $0x3;
	s22 =	rddreg [dreg:$0x7]  }
0xed: {  	[hbm:s22], [sflag:s16] =	dma.local [spmem:s18], $0x300  }
0xee: {  	_ =	swait.ge [sflag:s20], $0x300  }
0xef: {  	[sflag:s20] =	ssyncset.done $0x0  }
0xf0: {  	s18 =	sshrl.u32 s6, $0x3;
	s22 =	rddreg [dreg:$0x8];
	[sflag:s20] =	ssyncadd.s32 $0xFFFFFD00  }
0xf1: {  	[hbm:s22], [sflag:s16] =	dma.local [spmem:s18], $0x300  }
0xf2: {  	_ =	swait.ge [sflag:s20], $0x300  }
0xf3: {  	[sflag:s20] =	ssyncset.done $0x0  }
0xf4: {  	s18 =	sshrl.u32 s7, $0x3;
	s22 =	rddreg [dreg:$0x9];
	[sflag:s20] =	ssyncadd.s32 $0xFFFFFD00  }
0xf5: {  	[hbm:s22], [sflag:s16] =	dma.local [spmem:s18], $0x300  }
0xf6: {  	_ =	swait.ge [sflag:s20], $0x300  }
0xf7: {  	[sflag:s20] =	ssyncset.done $0x0  }
0xf8: {  	s18 =	sshrl.u32 s8, $0x3;
	s22 =	rddreg [dreg:$0xa];
	[sflag:s20] =	ssyncadd.s32 $0xFFFFFD00  }
0xf9: {  	[hbm:s22], [sflag:s16] =	dma.local [spmem:s18], $0x300  }
0xfa: {  	_ =	swait.ge [sflag:s20], $0x300  }
0xfb: {  	[sflag:s20] =	ssyncset.done $0x0  }
0xfc: {  	s18 =	sshrl.u32 s9, $0x3;
	s22 =	rddreg [dreg:$0xb];
	[sflag:s20] =	ssyncadd.s32 $0xFFFFFD00  }
0xfd: {  	[hbm:s22], [sflag:s16] =	dma.local [spmem:s18], $0x300  }
0xfe: {  	_ =	swait.ge [sflag:s20], $0x300  }
0xff: {  	s4 =	sadd.s32 $0x1, s4;
	s22 =	rddreg [dreg:$0xc]  }
0x100: {  	p0 =	sne.s32 s4, s22  }
.Ltmp2:
0x101: {  	_ = 	snop;
	(pc) =	sbr.rel @p0 .LBB2_1-.Ltmp2, $3  }
0x102: {  	_ =	sdelay $0x1  }
0x103: {  	[sflag:s20] =	ssyncset.done $0x0  }
0x104: {  	[sflag:s20] =	ssyncadd.s32 $0xFFFFFD00  }
0x105: {  	_ =	sfence.sel $0x180000  }
0x106: {  	[bflag:$0x0] =	sbarrier.arrive $0xFFFF  }
0x107: {  	_ =	strace $0x9000004A  }
0x108: {  	s0 =	stileid.u32;
	[bflag:$0x2] =	sbarrier.arrive $0xFFFF  }
0x109: {  	p0 =	sne.s32 s0, $0x0;
	s0 =	rddreg [dreg:$0x3]  }
0x10a: {  	s0 =	sadd.s32 @!p0 $0x100000, s0  }
0x10b: {  	[sflag:s0] =	ssyncadd.tile.s32 @!p0 $0x1;
	_ =	shalt  }
.Lfunc_end2:
_tile_overlayer_lowered:
.L_overlay_start_2:
0x10c: {  	(tag) =	ssettag $0x2  }
0x10d: {  	s0 =	rddreg [dreg:$0x0];
	s2 =	stileid.u32  }
0x10e: {  	s1 =	rddreg [dreg:$0x1];
	p0 =	sne.s32 s2, $0x0  }
0x10f: {  	s3 =	rddreg [dreg:$0x2];
	[bflag:$0x3] =	sbarrier.arrive $0xFFFF;
	s2 =	simm.s32 @!p0 $0x1C0B  }
0x110: {  	[timem:s3], [sflag:s2] =	dma.local @!p0 [hbm:s0], s1  }
0x111: {  	s0 =	simm.s32 @!p0 $0xB  }
0x112: {  	_ =	swait.ge @!p0 [sflag:s0], s1  }
0x113: {  	s1 =	ssub.s32 @!p0 $0x0, s1;
	[sflag:s0] =	ssyncset.done @!p0 $0x0  }
0x114: {  	[sflag:s0] =	ssyncadd.s32 @!p0 s1  }
0x115: {  	[bflag:$0x3] =	sbarrier.arrive $0xFFFF  }
0x116: {  	_ =	shalt  }

// kernel: kernel.17.cloned.1.call-start
scs
__scs_entry_jumppad:
0x0: {  	(pc) =	sbr.rel $0x88, $3  }
0x1: {  	(tag) =	ssettag $0x0;
	lr =	simm.s32 $0x1  }
0x2: {  	[smem:$0x3F97] =	sst lr;
	_ =	strace $0xD0000000  }
0x3: {  	_ = 	snop  }
0x4: {  	_ = 	snop  }
0x5: {  	_ = 	snop  }
0x6: {  	_ = 	snop  }
0x7: {  	_ = 	snop  }
__scs_overlays_trampoline_lowered:
0x8: {  	[smem:$0x3FA6] =	sst s0  }
0x9: {  	[smem:$0x3FA7] =	sst s1  }
0xa: {  	[smem:$0x3FA8] =	sst s2  }
0xb: {  	[smem:$0x3FA9] =	sst s3  }
0xc: {  	[smem:$0x3FAA] =	sst s4  }
0xd: {  	[smem:$0x3FAB] =	sst s5  }
0xe: {  	[smem:$0x3FAC] =	sst s6  }
0xf: {  	[smem:$0x3FAD] =	sst s7  }
0x10: {  	[smem:$0x3FAE] =	sst s8  }
0x11: {  	[smem:$0x3FAF] =	sst s9;
	s0 =	simm.s32 @!p0 $0x0  }
0x12: {  	s1 =	sld [smem:$0x3F95];
	s0 =	simm.s32 @p0 $0x1  }
0x13: {  	[smem:$0x3FB0] =	sst s0;
	s0 =	simm.s32 @!p1 $0x0  }
0x14: {  	s2 =	sld [smem:$0x3F94];
	s0 =	simm.s32 @p1 $0x1  }
0x15: {  	[smem:$0x3FB1] =	sst s0;
	s0 =	simm.s32 @!p2 $0x0  }
0x16: {  	s3 =	sld [smem:$0x3FDB];
	s0 =	simm.s32 @p2 $0x1  }
0x17: {  	s4 =	simm.s32 $0x1BF5;
	[smem:$0x3FB3] =	sst s0  }
0x18: {  	s0 =	sld [smem:$0x3F96];
	_ =	swait.ge [sflag:s4], $0x0  }
0x19: {  	s7 =	sld [smem:$0x3F97]  }
0x1a: {  	s8 =	sadd.s32 $0xFFFFE003, lr  }
0x1b: {  	s9 =	sadd.s32 $0xFFFFFEF7, lr;
	s5 =	simm.s32 $0xFFFFFFFF;
	p2 =	slt.u32 s8, $0xFFFFF086  }
0x1c: {  	p1 =	slt.u32 s9, $0xF7A;
	s5 =	simm.s32 @!p2 $0x0  }
0x1d: {  	s5 =	simm.s32 @p1 $0x1;
	p0 =	seq.s32 s7, s2  }
0x1e: {  	s7 =	smul.u32 @!p0 $0xF7A, s2;
	p2 =	seq.s32 @!p0 s5, $0x0  }
0x1f: {  	s9 =	smul.u32 $0xF7A, s1;
	s8 =	simm.s32 @!p0 $0x1BF5;
	p2 =	por !p2, p0  }
0x20: {  	[sflag:s8] =	ssyncset.s32 @!p0 $0xFFFFF086;
	s6 =	sadd.s32 @!p0 s3, s7;
	s7 =	simm.s32 @!p0 $0x108  }
0x21: {  	s3 =	sadd.s32 s3, s9;
	s6 =	sadd.s32 @!p0 $0x88, s6;
	s7 =	simm.s32 @p2 $0x1082  }
0x22: {  	[simem:s7], [sflag:s8] =	dma.local @!p0 [hbm:s6], $0xF7A  }
0x23: {  	s9 =	sor.u32 $0xD0000000, s2;
	s6 =	simm.s32 $0x108;
	_ =	swait.ge @!p0 [sflag:s8], $0x0  }
0x24: {  	s3 =	sadd.s32 $0x88, s3;
	s6 =	simm.s32 @!p1 $0x1082;
	[sflag:s4] =	ssyncset.s32 $0xFFFFF086  }
0x25: {  	[simem:s6], [sflag:s4] =	dma.local [hbm:s3], $0xF7A  }
0x26: {  	[smem:$0x3F97] =	sst s1;
	(tag) =	ssettag s2;
	_ =	strace s9  }
0x27: {  	s1 =	sld [smem:$0x3FA7]  }
0x28: {  	s2 =	sld [smem:$0x3FA8]  }
0x29: {  	s4 =	sld [smem:$0x3FAA]  }
0x2a: {  	p0 =	seq.s32 s5, $0x0;
	s5 =	sld [smem:$0x3FAB]  }
0x2b: {  	s6 =	sld [smem:$0x3FAC]  }
0x2c: {  	s7 =	sld [smem:$0x3FAD]  }
0x2d: {  	s3 =	simm.s32 $0x108;
	s8 =	sld [smem:$0x3FAE]  }
0x2e: {  	s3 =	simm.s32 @!p0 $0x1082;
	s9 =	sld [smem:$0x3FAF]  }
0x2f: {  	lr =	sadd.s32 s0, s3;
	s0 =	sld [smem:$0x3FA6]  }
0x30: {  	s3 =	sld [smem:$0x3FA9]  }
0x31: {  	[smem:$0x3FB2] =	sst s10  }
0x32: {  	s10 =	sld [smem:$0x3FB0];
	_ =	sdelay $0x3  }
0x33: {  	p0 =	seq.s32 s10, $0x1;
	s10 =	sld [smem:$0x3FB2];
	_ =	sdelay $0x3  }
0x34: {  	[smem:$0x3FB2] =	sst s10  }
0x35: {  	s10 =	sld [smem:$0x3FB1];
	_ =	sdelay $0x3  }
0x36: {  	p1 =	seq.s32 s10, $0x1;
	s10 =	sld [smem:$0x3FB2];
	_ =	sdelay $0x3  }
0x37: {  	[smem:$0x3FB2] =	sst s10  }
0x38: {  	s10 =	sld [smem:$0x3FB3]  }
0x39: {  	_ = 	snop;
	(pc) =	sbr.ind lr, $3  }
0x3a: {  	_ = 	snop  }
0x3b: {  	_ = 	snop  }
0x3c: {  	p2 =	seq.s32 s10, $0x1;
	s10 =	sld [smem:$0x3FB2]  }
0x3d: {  	_ =	shalt  }
0x3e: {  	_ =	shalt  }
0x3f: {  	_ =	shalt  }
0x40: {  	_ =	shalt  }
0x41: {  	_ =	shalt  }
0x42: {  	_ =	shalt  }
0x43: {  	_ =	shalt  }
0x44: {  	_ =	shalt  }
0x45: {  	_ =	shalt  }
0x46: {  	_ =	shalt  }
0x47: {  	_ =	shalt  }
0x48: {  	_ =	shalt  }
0x49: {  	_ =	shalt  }
0x4a: {  	_ =	shalt  }
0x4b: {  	_ =	shalt  }
0x4c: {  	_ =	shalt  }
0x4d: {  	_ =	shalt  }
0x4e: {  	_ =	shalt  }
0x4f: {  	_ =	shalt  }
0x50: {  	_ =	shalt  }
0x51: {  	_ =	shalt  }
0x52: {  	_ =	shalt  }
0x53: {  	_ =	shalt  }
0x54: {  	_ =	shalt  }
0x55: {  	_ =	shalt  }
0x56: {  	_ =	shalt  }
0x57: {  	_ =	shalt  }
0x58: {  	_ =	shalt  }
0x59: {  	_ =	shalt  }
0x5a: {  	_ =	shalt  }
0x5b: {  	_ =	shalt  }
0x5c: {  	_ =	shalt  }
0x5d: {  	_ =	shalt  }
0x5e: {  	_ =	shalt  }
0x5f: {  	_ =	shalt  }
0x60: {  	_ =	shalt  }
0x61: {  	_ =	shalt  }
0x62: {  	_ =	shalt  }
0x63: {  	_ =	shalt  }
0x64: {  	_ =	shalt  }
0x65: {  	_ =	shalt  }
0x66: {  	_ =	shalt  }
0x67: {  	_ =	shalt  }
0x68: {  	_ =	shalt  }
0x69: {  	_ =	shalt  }
0x6a: {  	_ =	shalt  }
0x6b: {  	_ =	shalt  }
0x6c: {  	_ =	shalt  }
0x6d: {  	_ =	shalt  }
0x6e: {  	_ =	shalt  }
0x6f: {  	_ =	shalt  }
0x70: {  	_ =	shalt  }
0x71: {  	_ =	shalt  }
0x72: {  	_ =	shalt  }
0x73: {  	_ =	shalt  }
0x74: {  	_ =	shalt  }
0x75: {  	_ =	shalt  }
0x76: {  	_ =	shalt  }
0x77: {  	_ =	shalt  }
0x78: {  	_ =	shalt  }
0x79: {  	_ =	shalt  }
0x7a: {  	_ =	shalt  }
0x7b: {  	_ =	shalt  }
0x7c: {  	_ =	shalt  }
0x7d: {  	_ =	shalt  }
0x7e: {  	_ =	shalt  }
0x7f: {  	_ =	shalt  }
0x80: {  	_ =	shalt  }
0x81: {  	_ =	shalt  }
0x82: {  	_ =	shalt  }
0x83: {  	_ =	shalt  }
0x84: {  	_ =	shalt  }
0x85: {  	_ =	shalt  }
0x86: {  	_ =	shalt  }
0x87: {  	_ =	shalt  }
.Lfunc_end0:
.L_simem_size_0:
called_computation.2_lowered:
.L_overlay_start_0:
0x88: {  	s2 =	sld [smem:$0x3FD9]  }
0x89: {  	s3 =	sld [smem:$0x3FFE];
	_ =	sdelay $0x1  }
0x8a: {  	s1 =	srdreg.scid  }
0x8b: {  	s0 =	sand.u32 $0x1, s1  }
0x8c: {  	s16 =	sshll.u32 s0, $0xA;
	s2 =	sadd.s32 s3, s2  }
0x8d: {  	s2 =	sadd.s32 s2, s16  }
0x8e: {  	[smem:$0x3FBE] =	sst s2  }
0x8f: {  	_ = 	snop  }
0x90: {  	(tm) =	ssettm $0x1  }
0x91: {  	s17 =	sld [smem:$0x3FFB];
	_ =	sdelay $0x3  }
0x92: {  	_ =	strace s17  }
0x93: {  	s2 =	sld [smem:$0x3FFC];
	_ =	sdelay $0x3  }
0x94: {  	_ =	strace s2  }
0x95: {  	s2 =	sld [smem:$0x3FFD];
	_ =	sdelay $0x3  }
0x96: {  	_ =	strace s2  }
0x97: {  	_ =	strace $0x8FFFFFFF  }
0x98: {  	s18 =	sld [smem:$0x3FDB];
	_ =	sdelay $0x1  }
0x99: {  	s19 =	simm.s32 $_scs_section_size  }
0x9a: {  	s4 =	simm.s32 $_size__tile_overlayer_lowered;
	s5 =	simm.s32 $_tile_overlayer_lowered  }
0x9b: {  	s22 =	simm.s32 $0x1BFF;
	s21 =	sshll.u32 s5, $0x1;
	s2 =	sadd.s32 s19, s18  }
0x9c: {  	s6 =	simm.s32 $0x0;
	s20 =	sshll.u32 s4, $0x1;
	s4 =	sadd.s32 s21, s2  }
0x9d: {  	[timem:s6], [sflag:s22] =	dma.local [hbm:s4], s20  }
0x9e: {  	_ =	swait.ge [sflag:s22], s20  }
0x9f: {  	s3 =	ssub.s32 $0x0, s20;
	[sflag:s22] =	ssyncset.done $0x0  }
0xa0: {  	[sflag:s22] =	ssyncadd.s32 s3;
	_ =	sdelay $0x1  }
0xa1: {  	s23 =	simm.s32 $0x1B8B  }
0xa2: {  	_ =	swait.ge [sflag:s23], $0x1  }
0xa3: {  	[sflag:s23] =	ssyncset.done $0x0  }
0xa4: {  	s25 =	simm.s32 $0x1B8E;
	s24 =	sld [smem:$0x3FFE];
	[sflag:s23] =	ssyncadd.s32 $0xFFFFFFFF  }
0xa5: {  	s26 =	simm.s32 $execute0_lowered;
	[smem:$0x3FD2] =	sst s25  }
0xa6: {  	s4 =	sshll.u32 s26, $0x1;
	_ =	strace $0x8000004C;
	[dreg:$0x1] =	wrdreg $0xFFFFFFFF  }
0xa7: {  	s28 =	simm.s32 $_size_execute0_lowered;
	s2 =	sadd.s32 s2, s4;
	[dreg:$0x0] =	wrdreg $0x0  }
0xa8: {  	s4 =	sshll.u32 s28, $0x1;
	[dreg:$0x2] =	wrdreg s2  }
0xa9: {  	[dreg:$0x3] =	wrdreg s4  }
0xaa: {  	[dreg:$0x4] =	wrdreg $0xC0  }
0xab: {  	_ =	task [dreg:s6], $0x5FFFF  }
0xac: {  	[dreg:$0x1] =	wrdreg $0xFFFFFFFF  }
0xad: {  	[dreg:$0x0] =	wrdreg $0x60  }
0xae: {  	[dreg:$0x2] =	wrdreg s24  }
0xaf: {  	[dreg:$0x3] =	wrdreg $0xDE400  }
0xb0: {  	[dreg:$0x4] =	wrdreg $0x90200  }
0xb1: {  	[dreg:$0x5] =	wrdreg $0x9  }
0xb2: {  	_ =	task.clear_ibuf [dreg:s6], $0x6FFFF;
	_ =	strace $0x9000004C  }
0xb3: {  	s29 =	simm.s32 $0x9;
	_ =	strace $0x8000004E  }
0xb4: {  	_ =	swait.ge [sflag:s29], $0x1  }
0xb5: {  	[sflag:s29] =	ssyncadd.s32 $0xFFFFFFFF  }
0xb6: {  	_ =	strace $0x9000004E  }
0xb7: {  	_ =	sfence  }
0xb8: {  	s30 =	sld [smem:$0x0];
	_ =	sdelay $0x2  }
0xb9: {  	s31 =	sshll.u32 s1, $0xD;
	s1 =	sshrl.u32 s1, $0x2  }
0xba: {  	s3 =	sand.u32 $0x4000, s31;
	s1 =	sadd.s32 s1, s30  }
0xbb: {  	s0 =	sor.u32 s3, s0;
	s1 =	sshll.u32 s1, $0x11  }
0xbc: {  	s0 =	sor.u32 s1, s0  }
0xbd: {  	s0 =	sadd.s32 $0x8F2B, s0  }
0xbe: {  	[sflag:s0] =	ssyncadd.remote.s32 $0x1  }
0xbf: {  	_ =	sfence.sel $0xFFFF  }
0xc0: {  	[dreg:$0x0] =	wrdreg $0xFFFFFFFF;
	(pc) =	sbr.abs _section_cstart, $3  }
0xc1: {  	[dreg:$0x1] =	wrdreg $0xFFFFFFFF  }
0xc2: {  	_ =	task.clear_ibuf [dreg:s6], $0x2FFFF;
	_ =	strace $0x9FFFFFFF  }
0xc3: {  	(tm) =	ssettm $0x7FFFFFFF  }
tec
execute0_lowered:
.L_overlay_start_1:
0x0: {  	(tag) =	ssettag $0x1  }
0x1: {  	s0 =	rddreg [dreg:$0x0]  }
0x2: {  	s1 =	rddreg [dreg:$0x1]  }
0x3: {  	s3 =	rddreg [dreg:$0x2];
	s2 =	srdreg.scid  }
0x4: {  	s4 =	simm.s32 $0x0;
	s8 =	stileid.u32;
	s29 =	simm.s32 $0x6220  }
0x5: {  	s30 =	simm.s32 $0x2;
	s28 =	simm.s32 $0x3;
	s31 =	simm.s32 $0x7620  }
0x6: {  	s2 =	sand.u32 $0x1, s2;
	[smem:$0x7FF] =	sst s4;
	s10 =	smul.u32 $0x4E20, s8  }
0x7: {  	s12 =	smul.u32 $0x5000, s8;
	s5 =	sshll.u32 s2, $0x4;
	_ =	strace $0x8000004D  }
0x8: {  	s7 =	ssub.s32 $0x2, s2;
	s2 =	smul.u32 $0x50000, s2;
	s5 =	sor.u32 s8, s5  }
0x9: {  	s6 =	sshrl.u32 s10, $0x3;
	s18 =	sshrl.u32 s7, $0x1;
	s15 =	sadd.s32 $0x1000, s12  }
0xa: {  	s16 =	sadd.s32 $0x2000, s12;
	s17 =	sadd.s32 $0x3000, s12;
	s10 =	sadd.s32 s10, s3  }
0xb: {  	s5 =	smul.u32 $0x4E2, s5;
	s11 =	sadd.s32 s6, s0;
	s14 =	ssub.s32 s7, s18  }
0xc: {  	s6 =	sadd.s32 s15, s1;
	s7 =	sadd.s32 s16, s1;
	s8 =	sadd.s32 s17, s1  }
0xd: {  	s18 =	sadd.s32 $0x4000, s12;
	s20 =	sadd.s32 s12, s2;
	s21 =	sadd.s32 s2, s15  }
0xe: {  	s23 =	sadd.s32 s2, s16;
	s24 =	sadd.s32 s2, s17;
	s15 =	simm.s32 $0xA  }
0xf: {  	s9 =	sadd.s32 s18, s1;
	s11 =	sadd.s32 $0x15E00, s11;
	s2 =	sadd.s32 s2, s18  }
0x10: {  	s25 =	sshrl.u32 s24, $0x3;
	s26 =	smax.u32 s14, $0x1;
	s24 =	simm.s32 $0x50  }
0x11: {  	s14 =	simm.s32 $0x9;
	s13 =	sadd.s32 s5, s0;
	s0 =	sadd.s32 $0x1FC00, s0  }
0x12: {  	s5 =	sadd.s32 s12, s1;
	[dreg:$0x4] =	wrdreg s11;
	s11 =	sshrl.u32 s20, $0x3  }
0x13: {  	s12 =	sshrl.u32 s21, $0x3;
	s2 =	sshrl.u32 s2, $0x3;
	[dreg:$0xc] =	wrdreg s26  }
0x14: {  	s20 =	simm.s32 $0xB;
	s21 =	sshrl.u32 s10, $0x3;
	s19 =	sadd.s32 $0x2200, s13  }
0x15: {  	s26 =	simm.s32 $0x5820;
	s13 =	sadd.s32 $0xC000, s13;
	[dreg:$0x5] =	wrdreg s19  }
0x16: {  	s10 =	simm.s32 $0x6;
	s11 =	sadd.s32 s0, s11;
	[dreg:$0x6] =	wrdreg s13  }
0x17: {  	s22 =	sadd.s32 s0, s12;
	s12 =	simm.s32 $0x7;
	[dreg:$0x7] =	wrdreg s11  }
0x18: {  	[dreg:$0x8] =	wrdreg s22;
	s11 =	sshrl.u32 s23, $0x3;
	s19 =	simm.s32 $0x8020  }
0x19: {  	s23 =	simm.s32 $0x1;
	s13 =	simm.s32 $0x8;
	s11 =	sadd.s32 s0, s11  }
0x1a: {  	[dreg:$0x9] =	wrdreg s11;
	s11 =	sadd.s32 s0, s25;
	s0 =	sadd.s32 s0, s2  }
0x1b: {  	s25 =	simm.s32 $0x4E20;
	s2 =	simm.s32 $0x6C20;
	[dreg:$0xa] =	wrdreg s11  }
0x1c: {  	v0 =	vimm.f32 $0.0e+00;
	[dreg:$0xb] =	wrdreg s0;
	s0 =	simm.s32 $0x4;
	s11 =	simm.s32 $0x5  }
.LBB2_1:
0x1d: {  	s16 =	simm.s32 $0x80;
	s17 =	simm.s32 $0x0  }
.LBB2_2:
0x1e: {  	p0 =	sne.s32 s16, $0x3F80;
	[tilespmem:s17+$0x8020] =	vst v0;
	s22 =	smov.u32 s16;
	s16 =	sadd.s32 $0x80, s16  }
.Ltmp0:
0x1f: {  	[tilespmem:s17+$0x8030] =	vst v0;
	(pc) =	sbr.rel @p0 .LBB2_2-.Ltmp0, $2  }
0x20: {  	_ =	sdelay $0x2  }
0x21: {  	s17 =	sshra.s32 s22, $0x2  }
0x22: {  	[tilespmem:s17+$0x8020] =	vst v0  }
0x23: {  	[tilespmem:s17+$0x8030] =	vst v0  }
0x24: {  	[spmem:s5] =	stream.linear.scatter [tilespmem:s19], [sflag:$0xB], $0x1000, $0x38;
	[tilespmem:$0x12E40] =	vst v63  }
0x25: {  	_ =	swait.ge [sflag:s20], $0x1000  }
0x26: {  	[sflag:s20] =	ssyncset.done $0x0  }
0x27: {  	[sflag:s20] =	ssyncadd.s32 $0xFFFFF000  }
0x28: {  	[spmem:s6] =	stream.linear.scatter [tilespmem:s19], [sflag:$0xB], $0x1000, $0x38;
	[tilespmem:$0x12E40] =	vst v63  }
0x29: {  	_ =	swait.ge [sflag:s20], $0x1000  }
0x2a: {  	[sflag:s20] =	ssyncset.done $0x0  }
0x2b: {  	[sflag:s20] =	ssyncadd.s32 $0xFFFFF000  }
0x2c: {  	[spmem:s7] =	stream.linear.scatter [tilespmem:s19], [sflag:$0xB], $0x1000, $0x38;
	[tilespmem:$0x12E40] =	vst v63  }
0x2d: {  	_ =	swait.ge [sflag:s20], $0x1000  }
0x2e: {  	[sflag:s20] =	ssyncset.done $0x0  }
0x2f: {  	[sflag:s20] =	ssyncadd.s32 $0xFFFFF000  }
0x30: {  	[spmem:s8] =	stream.linear.scatter [tilespmem:s19], [sflag:$0xB], $0x1000, $0x38;
	[tilespmem:$0x12E40] =	vst v63  }
0x31: {  	_ =	swait.ge [sflag:s20], $0x1000  }
0x32: {  	[sflag:s20] =	ssyncset.done $0x0  }
0x33: {  	[sflag:s20] =	ssyncadd.s32 $0xFFFFF000  }
0x34: {  	[spmem:s9] =	stream.linear.scatter [tilespmem:s19], [sflag:$0xB], $0x1000, $0x38;
	[tilespmem:$0x12E40] =	vst v63  }
0x35: {  	s16 =	stileid.u32;
	_ =	swait.ge [sflag:s20], $0x1000  }
0x36: {  	s16 =	sshll.u32 s16, $0x6;
	[sflag:s20] =	ssyncset.done $0x0  }
0x37: {  	s22 =	sor.u32 $0x1C01, s16;
	s18 =	rddreg [dreg:$0x4];
	[sflag:s20] =	ssyncadd.s32 $0xFFFFF000  }
0x38: {  	[spmem:s21], [sflag:s22] =	dma.local [hbm:s18], $0x9C4  }
0x39: {  	s17 =	simm.s32 $0x0;
	s18 =	rddreg [dreg:$0x5]  }
0x3a: {  	[tilespmem:s17], [sflag:$0xB] =	stream.linear.gather [hbm4b:s18+s17], $0x2710, $0x38;
	[tilespmem:$0x12E40] =	vst v63  }
0x3b: {  	_ =	swait.ge [sflag:s20], $0x2710  }
0x3c: {  	[sflag:s20] =	ssyncset.done $0x0  }
0x3d: {  	s22 =	simm.s32 $0x2710;
	s18 =	rddreg [dreg:$0x6];
	[sflag:s20] =	ssyncadd.s32 $0xFFFFD8F0  }
0x3e: {  	[tilespmem:s22], [sflag:$0xB] =	stream.linear.gather [hbm4b:s18+s17], $0x2710, $0x38;
	[tilespmem:$0x12E40] =	vst v63  }
0x3f: {  	_ =	swait.ge [sflag:s20], $0x2710  }
0x40: {  	[sflag:s20] =	ssyncset.done $0x0  }
0x41: {  	[sflag:s20] =	ssyncadd.s32 $0xFFFFD8F0  }
0x42: {  	_ =	swait.ge [sflag:s23], $0x9C4  }
0x43: {  	[sflag:s23] =	ssyncset.done $0x0  }
0x44: {  	[sflag:s23] =	ssyncadd.s32 $0xFFFFF63C  }
0x45: {  	[bflag:$0x0] =	sbarrier.arrive $0xFFFF  }
0x46: {  	[tilespmem:s25], [sflag:$0x1] =	stream.indirect.gather [spmem:s3], $0x20, s17, s24, $0xb8;
	[tilespmem:$0x12E40] =	vst v63  }
0x47: {  	_ = 	snop  }
0x48: {  	[tilespmem:s26], [sflag:$0x2] =	stream.indirect.gather [spmem:s3], $0x20, s24, s24, $0xb8;
	[tilespmem:$0x12E40] =	vst v63  }
0x49: {  	_ =	swait.ge [sflag:s23], $0xA00  }
0x4a: {  	[sflag:s23] =	ssyncset.done $0x0  }
0x4b: {  	[sflag:s23] =	ssyncadd.s32 $0xFFFFF600  }
0x4c: {  	[spmem:s1] =	stream.indirect.scatter.add.f32 [tilespmem:s25], [sflag:$0x6], $0x20, s22, s24, $0xb8;
	[tilespmem:$0x12E40] =	vst v63  }
0x4d: {  	s22 =	simm.s32 $0xA0  }
0x4e: {  	[tilespmem:s29], [sflag:$0x3] =	stream.indirect.gather [spmem:s3], $0x20, s22, s24, $0xb8;
	[tilespmem:$0x12E40] =	vst v63  }
0x4f: {  	_ =	swait.ge [sflag:s30], $0xA00  }
0x50: {  	[sflag:s30] =	ssyncset.done $0x0  }
0x51: {  	s18 =	simm.s32 $0x2760;
	[sflag:s30] =	ssyncadd.s32 $0xFFFFF600  }
0x52: {  	[spmem:s1] =	stream.indirect.scatter.add.f32 [tilespmem:s26], [sflag:$0x7], $0x20, s18, s24, $0xb8;
	[tilespmem:$0x12E40] =	vst v63  }
0x53: {  	s22 =	simm.s32 $0xF0  }
0x54: {  	[tilespmem:s2], [sflag:$0x4] =	stream.indirect.gather [spmem:s3], $0x20, s22, s24, $0xb8;
	[tilespmem:$0x12E40] =	vst v63  }
0x55: {  	_ =	swait.ge [sflag:s28], $0xA00  }
0x56: {  	[sflag:s28] =	ssyncset.done $0x0  }
0x57: {  	s18 =	simm.s32 $0x27B0;
	[sflag:s28] =	ssyncadd.s32 $0xFFFFF600  }
0x58: {  	[spmem:s1] =	stream.indirect.scatter.add.f32 [tilespmem:s29], [sflag:$0x8], $0x20, s18, s24, $0xb8;
	[tilespmem:$0x12E40] =	vst v63  }
0x59: {  	s22 =	simm.s32 $0x140  }
0x5a: {  	[tilespmem:s31], [sflag:$0x5] =	stream.indirect.gather [spmem:s3], $0x20, s22, s24, $0xb8;
	[tilespmem:$0x12E40] =	vst v63  }
0x5b: {  	_ =	swait.ge [sflag:s0], $0xA00  }
0x5c: {  	[sflag:s0] =	ssyncset.done $0x0  }
0x5d: {  	s18 =	simm.s32 $0x2800;
	[sflag:s0] =	ssyncadd.s32 $0xFFFFF600  }
0x5e: {  	[spmem:s1] =	stream.indirect.scatter.add.f32 [tilespmem:s2], [sflag:$0x9], $0x20, s18, s24, $0xb8;
	[tilespmem:$0x12E40] =	vst v63  }
0x5f: {  	_ =	swait.ge [sflag:s10], $0xA00  }
0x60: {  	[sflag:s10] =	ssyncset.done $0x0  }
0x61: {  	s22 =	simm.s32 $0x190;
	[sflag:s10] =	ssyncadd.s32 $0xFFFFF600  }
0x62: {  	[tilespmem:s25], [sflag:$0x1] =	stream.indirect.gather [spmem:s3], $0x20, s22, s24, $0xb8;
	[tilespmem:$0x12E40] =	vst v63  }
0x63: {  	_ =	swait.ge [sflag:s11], $0xA00  }
0x64: {  	[sflag:s11] =	ssyncset.done $0x0  }
0x65: {  	s18 =	simm.s32 $0x2850;
	[sflag:s11] =	ssyncadd.s32 $0xFFFFF600  }
0x66: {  	[spmem:s1] =	stream.indirect.scatter.add.f32 [tilespmem:s31], [sflag:$0xA], $0x20, s18, s24, $0xb8;
	[tilespmem:$0x12E40] =	vst v63  }
0x67: {  	_ =	swait.ge [sflag:s12], $0xA00  }
0x68: {  	[sflag:s12] =	ssyncset.done $0x0  }
0x69: {  	s22 =	simm.s32 $0x1E0;
	[sflag:s12] =	ssyncadd.s32 $0xFFFFF600  }
0x6a: {  	[tilespmem:s26], [sflag:$0x2] =	stream.indirect.gather [spmem:s3], $0x20, s22, s24, $0xb8;
	[tilespmem:$0x12E40] =	vst v63  }
0x6b: {  	_ =	swait.ge [sflag:s23], $0xA00  }
0x6c: {  	[sflag:s23] =	ssyncset.done $0x0  }
0x6d: {  	s18 =	simm.s32 $0x28A0;
	[sflag:s23] =	ssyncadd.s32 $0xFFFFF600  }
0x6e: {  	[spmem:s1] =	stream.indirect.scatter.add.f32 [tilespmem:s25], [sflag:$0x6], $0x20, s18, s24, $0xb8;
	[tilespmem:$0x12E40] =	vst v63  }
0x6f: {  	_ =	swait.ge [sflag:s13], $0xA00  }
0x70: {  	[sflag:s13] =	ssyncset.done $0x0  }
0x71: {  	s22 =	simm.s32 $0x230;
	[sflag:s13] =	ssyncadd.s32 $0xFFFFF600  }
0x72: {  	[tilespmem:s29], [sflag:$0x3] =	stream.indirect.gather [spmem:s3], $0x20, s22, s24, $0xb8;
	[tilespmem:$0x12E40] =	vst v63  }
0x73: {  	_ =	swait.ge [sflag:s30], $0xA00  }
0x74: {  	[sflag:s30] =	ssyncset.done $0x0  }
0x75: {  	s18 =	simm.s32 $0x28F0;
	[sflag:s30] =	ssyncadd.s32 $0xFFFFF600  }
0x76: {  	[spmem:s1] =	stream.indirect.scatter.add.f32 [tilespmem:s26], [sflag:$0x7], $0x20, s18, s24, $0xb8;
	[tilespmem:$0x12E40] =	vst v63  }
0x77: {  	_ =	swait.ge [sflag:s14], $0xA00  }
0x78: {  	[sflag:s14] =	ssyncset.done $0x0  }
0x79: {  	s22 =	simm.s32 $0x280;
	[sflag:s14] =	ssyncadd.s32 $0xFFFFF600  }
0x7a: {  	[tilespmem:s2], [sflag:$0x4] =	stream.indirect.gather [spmem:s3], $0x20, s22, s24, $0xb8;
	[tilespmem:$0x12E40] =	vst v63  }
0x7b: {  	_ =	swait.ge [sflag:s28], $0xA00  }
0x7c: {  	[sflag:s28] =	ssyncset.done $0x0  }
0x7d: {  	s18 =	simm.s32 $0x2940;
	[sflag:s28] =	ssyncadd.s32 $0xFFFFF600  }
0x7e: {  	[spmem:s1] =	stream.indirect.scatter.add.f32 [tilespmem:s29], [sflag:$0x8], $0x20, s18, s24, $0xb8;
	[tilespmem:$0x12E40] =	vst v63  }
0x7f: {  	_ =	swait.ge [sflag:s15], $0xA00  }
0x80: {  	[sflag:s15] =	ssyncset.done $0x0  }
0x81: {  	s22 =	simm.s32 $0x2D0;
	[sflag:s15] =	ssyncadd.s32 $0xFFFFF600  }
0x82: {  	[tilespmem:s31], [sflag:$0x5] =	stream.indirect.gather [spmem:s3], $0x20, s22, s24, $0xb8;
	[tilespmem:$0x12E40] =	vst v63  }
0x83: {  	_ =	swait.ge [sflag:s0], $0xA00  }
0x84: {  	[sflag:s0] =	ssyncset.done $0x0  }
0x85: {  	s18 =	simm.s32 $0x2990;
	[sflag:s0] =	ssyncadd.s32 $0xFFFFF600  }
0x86: {  	[spmem:s1] =	stream.indirect.scatter.add.f32 [tilespmem:s2], [sflag:$0x9], $0x20, s18, s24, $0xb8;
	[tilespmem:$0x12E40] =	vst v63  }
0x87: {  	_ =	swait.ge [sflag:s10], $0xA00  }
0x88: {  	[sflag:s10] =	ssyncset.done $0x0  }
0x89: {  	s22 =	simm.s32 $0x320;
	[sflag:s10] =	ssyncadd.s32 $0xFFFFF600  }
0x8a: {  	[tilespmem:s25], [sflag:$0x1] =	stream.indirect.gather [spmem:s3], $0x20, s22, s24, $0xb8;
	[tilespmem:$0x12E40] =	vst v63  }
0x8b: {  	_ =	swait.ge [sflag:s11], $0xA00  }
0x8c: {  	[sflag:s11] =	ssyncset.done $0x0  }
0x8d: {  	s17 =	simm.s32 $0x29E0;
	s22 =	simm.s32 $0x640;
	[sflag:s11] =	ssyncadd.s32 $0xFFFFF600  }
.LBB2_4:
0x8e: {  	[spmem:s1] =	stream.indirect.scatter.add.f32 [tilespmem:s31], [sflag:$0xA], $0x20, s17, s24, $0xb8;
	[tilespmem:$0x12E40] =	vst v63  }
0x8f: {  	s17 =	smov.u32 s22;
	s22 =	sadd.s32 $0x640, s22;
	_ =	swait.ge [sflag:s12], $0xA00  }
0x90: {  	s17 =	sshra.s32 s17, $0x2;
	p0 =	sne.s32 s22, $0x8FC0;
	[sflag:s12] =	ssyncset.done $0x0  }
0x91: {  	s18 =	sadd.s32 $0x1E0, s17;
	[sflag:s12] =	ssyncadd.s32 $0xFFFFF600  }
0x92: {  	[tilespmem:s26], [sflag:$0x2] =	stream.indirect.gather [spmem:s3], $0x20, s18, s24, $0xb8;
	[tilespmem:$0x12E40] =	vst v63  }
0x93: {  	_ =	swait.ge [sflag:s23], $0xA00  }
0x94: {  	[sflag:s23] =	ssyncset.done $0x0  }
0x95: {  	s18 =	sadd.s32 $0x28A0, s17;
	[sflag:s23] =	ssyncadd.s32 $0xFFFFF600  }
0x96: {  	[spmem:s1] =	stream.indirect.scatter.add.f32 [tilespmem:s25], [sflag:$0x6], $0x20, s18, s24, $0xb8;
	[tilespmem:$0x12E40] =	vst v63  }
0x97: {  	_ =	swait.ge [sflag:s13], $0xA00  }
0x98: {  	[sflag:s13] =	ssyncset.done $0x0  }
0x99: {  	s18 =	sadd.s32 $0x230, s17;
	[sflag:s13] =	ssyncadd.s32 $0xFFFFF600  }
0x9a: {  	[tilespmem:s29], [sflag:$0x3] =	stream.indirect.gather [spmem:s3], $0x20, s18, s24, $0xb8;
	[tilespmem:$0x12E40] =	vst v63  }
0x9b: {  	_ =	swait.ge [sflag:s30], $0xA00  }
0x9c: {  	[sflag:s30] =	ssyncset.done $0x0  }
0x9d: {  	s18 =	sadd.s32 $0x28F0, s17;
	[sflag:s30] =	ssyncadd.s32 $0xFFFFF600  }
0x9e: {  	[spmem:s1] =	stream.indirect.scatter.add.f32 [tilespmem:s26], [sflag:$0x7], $0x20, s18, s24, $0xb8;
	[tilespmem:$0x12E40] =	vst v63  }
0x9f: {  	_ =	swait.ge [sflag:s14], $0xA00  }
0xa0: {  	[sflag:s14] =	ssyncset.done $0x0  }
0xa1: {  	s18 =	sadd.s32 $0x280, s17;
	[sflag:s14] =	ssyncadd.s32 $0xFFFFF600  }
0xa2: {  	[tilespmem:s2], [sflag:$0x4] =	stream.indirect.gather [spmem:s3], $0x20, s18, s24, $0xb8;
	[tilespmem:$0x12E40] =	vst v63  }
0xa3: {  	_ =	swait.ge [sflag:s28], $0xA00  }
0xa4: {  	[sflag:s28] =	ssyncset.done $0x0  }
0xa5: {  	s18 =	sadd.s32 $0x2940, s17;
	[sflag:s28] =	ssyncadd.s32 $0xFFFFF600  }
0xa6: {  	[spmem:s1] =	stream.indirect.scatter.add.f32 [tilespmem:s29], [sflag:$0x8], $0x20, s18, s24, $0xb8;
	[tilespmem:$0x12E40] =	vst v63  }
0xa7: {  	_ =	swait.ge [sflag:s15], $0xA00  }
0xa8: {  	[sflag:s15] =	ssyncset.done $0x0  }
0xa9: {  	s18 =	sadd.s32 $0x2D0, s17;
	[sflag:s15] =	ssyncadd.s32 $0xFFFFF600  }
0xaa: {  	[tilespmem:s31], [sflag:$0x5] =	stream.indirect.gather [spmem:s3], $0x20, s18, s24, $0xb8;
	[tilespmem:$0x12E40] =	vst v63  }
0xab: {  	_ =	swait.ge [sflag:s0], $0xA00  }
0xac: {  	[sflag:s0] =	ssyncset.done $0x0  }
0xad: {  	s18 =	sadd.s32 $0x2990, s17;
	[sflag:s0] =	ssyncadd.s32 $0xFFFFF600  }
0xae: {  	[spmem:s1] =	stream.indirect.scatter.add.f32 [tilespmem:s2], [sflag:$0x9], $0x20, s18, s24, $0xb8;
	[tilespmem:$0x12E40] =	vst v63  }
0xaf: {  	_ =	swait.ge [sflag:s10], $0xA00  }
0xb0: {  	[sflag:s10] =	ssyncset.done $0x0  }
.Ltmp1:
0xb1: {  	s18 =	sadd.s32 $0x320, s17;
	[sflag:s10] =	ssyncadd.s32 $0xFFFFF600;
	(pc) =	sbr.rel @p0 .LBB2_4-.Ltmp1, $4  }
0xb2: {  	[tilespmem:s25], [sflag:$0x1] =	stream.indirect.gather [spmem:s3], $0x20, s18, s24, $0xb8;
	[tilespmem:$0x12E40] =	vst v63  }
0xb3: {  	_ =	swait.ge [sflag:s11], $0xA00  }
0xb4: {  	[sflag:s11] =	ssyncset.done $0x0  }
0xb5: {  	s17 =	sadd.s32 $0x29E0, s17;
	[sflag:s11] =	ssyncadd.s32 $0xFFFFF600  }
0xb6: {  	[spmem:s1] =	stream.indirect.scatter.add.f32 [tilespmem:s31], [sflag:$0xA], $0x20, s17, s24, $0xb8;
	[tilespmem:$0x12E40] =	vst v63  }
0xb7: {  	_ =	swait.ge [sflag:s12], $0xA00  }
0xb8: {  	[sflag:s12] =	ssyncset.done $0x0  }
0xb9: {  	s18 =	simm.s32 $0x25D0;
	[sflag:s12] =	ssyncadd.s32 $0xFFFFF600  }
0xba: {  	[tilespmem:s26], [sflag:$0x2] =	stream.indirect.gather [spmem:s3], $0x20, s18, s24, $0xb8;
	[tilespmem:$0x12E40] =	vst v63  }
0xbb: {  	_ =	swait.ge [sflag:s23], $0xA00  }
0xbc: {  	s17 =	sshra.s32 s22, $0x2;
	[sflag:s23] =	ssyncset.done $0x0  }
0xbd: {  	s18 =	sadd.s32 $0x28A0, s17;
	[sflag:s23] =	ssyncadd.s32 $0xFFFFF600  }
0xbe: {  	[spmem:s1] =	stream.indirect.scatter.add.f32 [tilespmem:s25], [sflag:$0x6], $0x20, s18, s24, $0xb8;
	[tilespmem:$0x12E40] =	vst v63  }
0xbf: {  	_ =	swait.ge [sflag:s13], $0xA00  }
0xc0: {  	[sflag:s13] =	ssyncset.done $0x0  }
0xc1: {  	s22 =	sadd.s32 $0x230, s17;
	[sflag:s13] =	ssyncadd.s32 $0xFFFFF600  }
0xc2: {  	[tilespmem:s29], [sflag:$0x3] =	stream.indirect.gather [spmem:s3], $0x20, s22, s24, $0xb8;
	[tilespmem:$0x12E40] =	vst v63  }
0xc3: {  	_ =	swait.ge [sflag:s30], $0xA00  }
0xc4: {  	[sflag:s30] =	ssyncset.done $0x0  }
0xc5: {  	s22 =	simm.s32 $0x4CE0;
	[sflag:s30] =	ssyncadd.s32 $0xFFFFF600  }
0xc6: {  	[spmem:s1] =	stream.indirect.scatter.add.f32 [tilespmem:s26], [sflag:$0x7], $0x20, s22, s24, $0xb8;
	[tilespmem:$0x12E40] =	vst v63  }
0xc7: {  	_ =	swait.ge [sflag:s14], $0xA00  }
0xc8: {  	[sflag:s14] =	ssyncset.done $0x0  }
0xc9: {  	s22 =	sadd.s32 $0x280, s17;
	[sflag:s14] =	ssyncadd.s32 $0xFFFFF600  }
0xca: {  	[tilespmem:s2], [sflag:$0x4] =	stream.indirect.gather [spmem:s3], $0x20, s22, s24, $0xb8;
	[tilespmem:$0x12E40] =	vst v63  }
0xcb: {  	_ =	swait.ge [sflag:s28], $0xA00  }
0xcc: {  	[sflag:s28] =	ssyncset.done $0x0  }
0xcd: {  	s22 =	sadd.s32 $0x2940, s17;
	[sflag:s28] =	ssyncadd.s32 $0xFFFFF600  }
0xce: {  	[spmem:s1] =	stream.indirect.scatter.add.f32 [tilespmem:s29], [sflag:$0x8], $0x20, s22, s24, $0xb8;
	[tilespmem:$0x12E40] =	vst v63  }
0xcf: {  	_ =	swait.ge [sflag:s15], $0xA00  }
0xd0: {  	[sflag:s15] =	ssyncset.done $0x0  }
0xd1: {  	s22 =	sadd.s32 $0x2D0, s17;
	[sflag:s15] =	ssyncadd.s32 $0xFFFFF600  }
0xd2: {  	[tilespmem:s31], [sflag:$0x5] =	stream.indirect.gather [spmem:s3], $0x20, s22, s24, $0xb8;
	[tilespmem:$0x12E40] =	vst v63  }
0xd3: {  	_ =	swait.ge [sflag:s0], $0xA00  }
0xd4: {  	[sflag:s0] =	ssyncset.done $0x0  }
0xd5: {  	s22 =	sadd.s32 $0x2990, s17;
	[sflag:s0] =	ssyncadd.s32 $0xFFFFF600  }
0xd6: {  	[spmem:s1] =	stream.indirect.scatter.add.f32 [tilespmem:s2], [sflag:$0x9], $0x20, s22, s24, $0xb8;
	[tilespmem:$0x12E40] =	vst v63  }
0xd7: {  	_ =	swait.ge [sflag:s11], $0xA00  }
0xd8: {  	[sflag:s11] =	ssyncset.done $0x0  }
0xd9: {  	s17 =	sadd.s32 $0x29E0, s17;
	[sflag:s11] =	ssyncadd.s32 $0xFFFFF600  }
0xda: {  	[spmem:s1] =	stream.indirect.scatter.add.f32 [tilespmem:s31], [sflag:$0xA], $0x20, s17, s24, $0xb8;
	[tilespmem:$0x12E40] =	vst v63  }
0xdb: {  	_ =	swait.ge [sflag:s10], $0xA00  }
0xdc: {  	[sflag:s10] =	ssyncset.done $0x0  }
0xdd: {  	[sflag:s10] =	ssyncadd.s32 $0xFFFFF600  }
0xde: {  	_ =	swait.ge [sflag:s12], $0xA00  }
0xdf: {  	[sflag:s12] =	ssyncset.done $0x0  }
0xe0: {  	[sflag:s12] =	ssyncadd.s32 $0xFFFFF600  }
0xe1: {  	_ =	swait.ge [sflag:s13], $0xA00  }
0xe2: {  	[sflag:s13] =	ssyncset.done $0x0  }
0xe3: {  	[sflag:s13] =	ssyncadd.s32 $0xFFFFF600  }
0xe4: {  	_ =	swait.ge [sflag:s14], $0xA00  }
0xe5: {  	[sflag:s14] =	ssyncset.done $0x0  }
0xe6: {  	[sflag:s14] =	ssyncadd.s32 $0xFFFFF600  }
0xe7: {  	_ =	swait.ge [sflag:s15], $0xA00  }
0xe8: {  	[sflag:s15] =	ssyncset.done $0x0  }
0xe9: {  	[sflag:s15] =	ssyncadd.s32 $0xFFFFF600  }
0xea: {  	[bflag:$0x0] =	sbarrier.arrive $0xFFFF  }
0xeb: {  	s16 =	sor.u32 $0x1C0B, s16;
	s18 =	sshrl.u32 s5, $0x3;
	s22 =	rddreg [dreg:$0x7]  }
0xec: {  	[hbm:s22], [sflag:s16] =	dma.local [spmem:s18], $0x200  }
0xed: {  	_ =	swait.ge [sflag:s20], $0x200  }
0xee: {  	[sflag:s20] =	ssyncset.done $0x0  }
0xef: {  	s18 =	sshrl.u32 s6, $0x3;
	s22 =	rddreg [dreg:$0x8];
	[sflag:s20] =	ssyncadd.s32 $0xFFFFFE00  }
0xf0: {  	[hbm:s22], [sflag:s16] =	dma.local [spmem:s18], $0x200  }
0xf1: {  	_ =	swait.ge [sflag:s20], $0x200  }
0xf2: {  	[sflag:s20] =	ssyncset.done $0x0  }
0xf3: {  	s18 =	sshrl.u32 s7, $0x3;
	s22 =	rddreg [dreg:$0x9];
	[sflag:s20] =	ssyncadd.s32 $0xFFFFFE00  }
0xf4: {  	[hbm:s22], [sflag:s16] =	dma.local [spmem:s18], $0x200  }
0xf5: {  	_ =	swait.ge [sflag:s20], $0x200  }
0xf6: {  	[sflag:s20] =	ssyncset.done $0x0  }
0xf7: {  	s18 =	sshrl.u32 s8, $0x3;
	s22 =	rddreg [dreg:$0xa];
	[sflag:s20] =	ssyncadd.s32 $0xFFFFFE00  }
0xf8: {  	[hbm:s22], [sflag:s16] =	dma.local [spmem:s18], $0x200  }
0xf9: {  	_ =	swait.ge [sflag:s20], $0x200  }
0xfa: {  	[sflag:s20] =	ssyncset.done $0x0  }
0xfb: {  	s18 =	sshrl.u32 s9, $0x3;
	s22 =	rddreg [dreg:$0xb];
	[sflag:s20] =	ssyncadd.s32 $0xFFFFFE00  }
0xfc: {  	[hbm:s22], [sflag:s16] =	dma.local [spmem:s18], $0x200  }
0xfd: {  	_ =	swait.ge [sflag:s20], $0x200  }
0xfe: {  	s4 =	sadd.s32 $0x1, s4;
	s22 =	rddreg [dreg:$0xc]  }
0xff: {  	p0 =	sne.s32 s4, s22  }
.Ltmp2:
0x100: {  	_ = 	snop;
	(pc) =	sbr.rel @p0 .LBB2_1-.Ltmp2, $3  }
0x101: {  	_ =	sdelay $0x1  }
0x102: {  	[sflag:s20] =	ssyncset.done $0x0  }
0x103: {  	[sflag:s20] =	ssyncadd.s32 $0xFFFFFE00  }
0x104: {  	_ =	sfence.sel $0x180000  }
0x105: {  	[bflag:$0x0] =	sbarrier.arrive $0xFFFF  }
0x106: {  	_ =	strace $0x9000004D  }
0x107: {  	s0 =	stileid.u32;
	[bflag:$0x2] =	sbarrier.arrive $0xFFFF  }
0x108: {  	p0 =	sne.s32 s0, $0x0;
	s0 =	rddreg [dreg:$0x3]  }
0x109: {  	s0 =	sadd.s32 @!p0 $0x100000, s0  }
0x10a: {  	[sflag:s0] =	ssyncadd.tile.s32 @!p0 $0x1;
	_ =	shalt  }
.Lfunc_end2:
_tile_overlayer_lowered:
.L_overlay_start_2:
0x10b: {  	(tag) =	ssettag $0x2  }
0x10c: {  	s0 =	rddreg [dreg:$0x0];
	s2 =	stileid.u32  }
0x10d: {  	s1 =	rddreg [dreg:$0x1];
	p0 =	sne.s32 s2, $0x0  }
0x10e: {  	s3 =	rddreg [dreg:$0x2];
	[bflag:$0x3] =	sbarrier.arrive $0xFFFF;
	s2 =	simm.s32 @!p0 $0x1C0B  }
0x10f: {  	[timem:s3], [sflag:s2] =	dma.local @!p0 [hbm:s0], s1  }
0x110: {  	s0 =	simm.s32 @!p0 $0xB  }
0x111: {  	_ =	swait.ge @!p0 [sflag:s0], s1  }
0x112: {  	s1 =	ssub.s32 @!p0 $0x0, s1;
	[sflag:s0] =	ssyncset.done @!p0 $0x0  }
0x113: {  	[sflag:s0] =	ssyncadd.s32 @!p0 s1  }
0x114: {  	[bflag:$0x3] =	sbarrier.arrive $0xFFFF  }
0x115: {  	_ =	shalt  }

// kernel: kernel.20.cloned.1.call-start
scs
__scs_entry_jumppad:
0x0: {  	(pc) =	sbr.rel $0x88, $3  }
0x1: {  	(tag) =	ssettag $0x0;
	lr =	simm.s32 $0x1  }
0x2: {  	[smem:$0x3F97] =	sst lr;
	_ =	strace $0xD0000000  }
0x3: {  	_ = 	snop  }
0x4: {  	_ = 	snop  }
0x5: {  	_ = 	snop  }
0x6: {  	_ = 	snop  }
0x7: {  	_ = 	snop  }
__scs_overlays_trampoline_lowered:
0x8: {  	[smem:$0x3FA6] =	sst s0  }
0x9: {  	[smem:$0x3FA7] =	sst s1  }
0xa: {  	[smem:$0x3FA8] =	sst s2  }
0xb: {  	[smem:$0x3FA9] =	sst s3  }
0xc: {  	[smem:$0x3FAA] =	sst s4  }
0xd: {  	[smem:$0x3FAB] =	sst s5  }
0xe: {  	[smem:$0x3FAC] =	sst s6  }
0xf: {  	[smem:$0x3FAD] =	sst s7  }
0x10: {  	[smem:$0x3FAE] =	sst s8  }
0x11: {  	[smem:$0x3FAF] =	sst s9;
	s0 =	simm.s32 @!p0 $0x0  }
0x12: {  	s1 =	sld [smem:$0x3F95];
	s0 =	simm.s32 @p0 $0x1  }
0x13: {  	[smem:$0x3FB0] =	sst s0;
	s0 =	simm.s32 @!p1 $0x0  }
0x14: {  	s2 =	sld [smem:$0x3F94];
	s0 =	simm.s32 @p1 $0x1  }
0x15: {  	[smem:$0x3FB1] =	sst s0;
	s0 =	simm.s32 @!p2 $0x0  }
0x16: {  	s3 =	sld [smem:$0x3FDB];
	s0 =	simm.s32 @p2 $0x1  }
0x17: {  	s4 =	simm.s32 $0x1BF5;
	[smem:$0x3FB3] =	sst s0  }
0x18: {  	s0 =	sld [smem:$0x3F96];
	_ =	swait.ge [sflag:s4], $0x0  }
0x19: {  	s7 =	sld [smem:$0x3F97]  }
0x1a: {  	s8 =	sadd.s32 $0xFFFFE003, lr  }
0x1b: {  	s9 =	sadd.s32 $0xFFFFFEF7, lr;
	s5 =	simm.s32 $0xFFFFFFFF;
	p2 =	slt.u32 s8, $0xFFFFF086  }
0x1c: {  	p1 =	slt.u32 s9, $0xF7A;
	s5 =	simm.s32 @!p2 $0x0  }
0x1d: {  	s5 =	simm.s32 @p1 $0x1;
	p0 =	seq.s32 s7, s2  }
0x1e: {  	s7 =	smul.u32 @!p0 $0xF7A, s2;
	p2 =	seq.s32 @!p0 s5, $0x0  }
0x1f: {  	s9 =	smul.u32 $0xF7A, s1;
	s8 =	simm.s32 @!p0 $0x1BF5;
	p2 =	por !p2, p0  }
0x20: {  	[sflag:s8] =	ssyncset.s32 @!p0 $0xFFFFF086;
	s6 =	sadd.s32 @!p0 s3, s7;
	s7 =	simm.s32 @!p0 $0x108  }
0x21: {  	s3 =	sadd.s32 s3, s9;
	s6 =	sadd.s32 @!p0 $0x88, s6;
	s7 =	simm.s32 @p2 $0x1082  }
0x22: {  	[simem:s7], [sflag:s8] =	dma.local @!p0 [hbm:s6], $0xF7A  }
0x23: {  	s9 =	sor.u32 $0xD0000000, s2;
	s6 =	simm.s32 $0x108;
	_ =	swait.ge @!p0 [sflag:s8], $0x0  }
0x24: {  	s3 =	sadd.s32 $0x88, s3;
	s6 =	simm.s32 @!p1 $0x1082;
	[sflag:s4] =	ssyncset.s32 $0xFFFFF086  }
0x25: {  	[simem:s6], [sflag:s4] =	dma.local [hbm:s3], $0xF7A  }
0x26: {  	[smem:$0x3F97] =	sst s1;
	(tag) =	ssettag s2;
	_ =	strace s9  }
0x27: {  	s1 =	sld [smem:$0x3FA7]  }
0x28: {  	s2 =	sld [smem:$0x3FA8]  }
0x29: {  	s4 =	sld [smem:$0x3FAA]  }
0x2a: {  	p0 =	seq.s32 s5, $0x0;
	s5 =	sld [smem:$0x3FAB]  }
0x2b: {  	s6 =	sld [smem:$0x3FAC]  }
0x2c: {  	s7 =	sld [smem:$0x3FAD]  }
0x2d: {  	s3 =	simm.s32 $0x108;
	s8 =	sld [smem:$0x3FAE]  }
0x2e: {  	s3 =	simm.s32 @!p0 $0x1082;
	s9 =	sld [smem:$0x3FAF]  }
0x2f: {  	lr =	sadd.s32 s0, s3;
	s0 =	sld [smem:$0x3FA6]  }
0x30: {  	s3 =	sld [smem:$0x3FA9]  }
0x31: {  	[smem:$0x3FB2] =	sst s10  }
0x32: {  	s10 =	sld [smem:$0x3FB0];
	_ =	sdelay $0x3  }
0x33: {  	p0 =	seq.s32 s10, $0x1;
	s10 =	sld [smem:$0x3FB2];
	_ =	sdelay $0x3  }
0x34: {  	[smem:$0x3FB2] =	sst s10  }
0x35: {  	s10 =	sld [smem:$0x3FB1];
	_ =	sdelay $0x3  }
0x36: {  	p1 =	seq.s32 s10, $0x1;
	s10 =	sld [smem:$0x3FB2];
	_ =	sdelay $0x3  }
0x37: {  	[smem:$0x3FB2] =	sst s10  }
0x38: {  	s10 =	sld [smem:$0x3FB3]  }
0x39: {  	_ = 	snop;
	(pc) =	sbr.ind lr, $3  }
0x3a: {  	_ = 	snop  }
0x3b: {  	_ = 	snop  }
0x3c: {  	p2 =	seq.s32 s10, $0x1;
	s10 =	sld [smem:$0x3FB2]  }
0x3d: {  	_ =	shalt  }
0x3e: {  	_ =	shalt  }
0x3f: {  	_ =	shalt  }
0x40: {  	_ =	shalt  }
0x41: {  	_ =	shalt  }
0x42: {  	_ =	shalt  }
0x43: {  	_ =	shalt  }
0x44: {  	_ =	shalt  }
0x45: {  	_ =	shalt  }
0x46: {  	_ =	shalt  }
0x47: {  	_ =	shalt  }
0x48: {  	_ =	shalt  }
0x49: {  	_ =	shalt  }
0x4a: {  	_ =	shalt  }
0x4b: {  	_ =	shalt  }
0x4c: {  	_ =	shalt  }
0x4d: {  	_ =	shalt  }
0x4e: {  	_ =	shalt  }
0x4f: {  	_ =	shalt  }
0x50: {  	_ =	shalt  }
0x51: {  	_ =	shalt  }
0x52: {  	_ =	shalt  }
0x53: {  	_ =	shalt  }
0x54: {  	_ =	shalt  }
0x55: {  	_ =	shalt  }
0x56: {  	_ =	shalt  }
0x57: {  	_ =	shalt  }
0x58: {  	_ =	shalt  }
0x59: {  	_ =	shalt  }
0x5a: {  	_ =	shalt  }
0x5b: {  	_ =	shalt  }
0x5c: {  	_ =	shalt  }
0x5d: {  	_ =	shalt  }
0x5e: {  	_ =	shalt  }
0x5f: {  	_ =	shalt  }
0x60: {  	_ =	shalt  }
0x61: {  	_ =	shalt  }
0x62: {  	_ =	shalt  }
0x63: {  	_ =	shalt  }
0x64: {  	_ =	shalt  }
0x65: {  	_ =	shalt  }
0x66: {  	_ =	shalt  }
0x67: {  	_ =	shalt  }
0x68: {  	_ =	shalt  }
0x69: {  	_ =	shalt  }
0x6a: {  	_ =	shalt  }
0x6b: {  	_ =	shalt  }
0x6c: {  	_ =	shalt  }
0x6d: {  	_ =	shalt  }
0x6e: {  	_ =	shalt  }
0x6f: {  	_ =	shalt  }
0x70: {  	_ =	shalt  }
0x71: {  	_ =	shalt  }
0x72: {  	_ =	shalt  }
0x73: {  	_ =	shalt  }
0x74: {  	_ =	shalt  }
0x75: {  	_ =	shalt  }
0x76: {  	_ =	shalt  }
0x77: {  	_ =	shalt  }
0x78: {  	_ =	shalt  }
0x79: {  	_ =	shalt  }
0x7a: {  	_ =	shalt  }
0x7b: {  	_ =	shalt  }
0x7c: {  	_ =	shalt  }
0x7d: {  	_ =	shalt  }
0x7e: {  	_ =	shalt  }
0x7f: {  	_ =	shalt  }
0x80: {  	_ =	shalt  }
0x81: {  	_ =	shalt  }
0x82: {  	_ =	shalt  }
0x83: {  	_ =	shalt  }
0x84: {  	_ =	shalt  }
0x85: {  	_ =	shalt  }
0x86: {  	_ =	shalt  }
0x87: {  	_ =	shalt  }
.Lfunc_end0:
.L_simem_size_0:
called_computation.3_lowered:
.L_overlay_start_0:
0x88: {  	s2 =	sld [smem:$0x3FD9]  }
0x89: {  	s3 =	sld [smem:$0x3FFE];
	_ =	sdelay $0x1  }
0x8a: {  	s1 =	srdreg.scid  }
0x8b: {  	s0 =	sand.u32 $0x1, s1  }
0x8c: {  	s16 =	sshll.u32 s0, $0xA;
	s2 =	sadd.s32 s3, s2  }
0x8d: {  	s2 =	sadd.s32 s2, s16  }
0x8e: {  	[smem:$0x3FBE] =	sst s2  }
0x8f: {  	_ = 	snop  }
0x90: {  	(tm) =	ssettm $0x1  }
0x91: {  	s17 =	sld [smem:$0x3FFB];
	_ =	sdelay $0x3  }
0x92: {  	_ =	strace s17  }
0x93: {  	s2 =	sld [smem:$0x3FFC];
	_ =	sdelay $0x3  }
0x94: {  	_ =	strace s2  }
0x95: {  	s2 =	sld [smem:$0x3FFD];
	_ =	sdelay $0x3  }
0x96: {  	_ =	strace s2  }
0x97: {  	_ =	strace $0x8FFFFFFF  }
0x98: {  	s18 =	sld [smem:$0x3FDB];
	_ =	sdelay $0x1  }
0x99: {  	s19 =	simm.s32 $_scs_section_size  }
0x9a: {  	s4 =	simm.s32 $_size__tile_overlayer_lowered;
	s5 =	simm.s32 $_tile_overlayer_lowered  }
0x9b: {  	s22 =	simm.s32 $0x1BFF;
	s21 =	sshll.u32 s5, $0x1;
	s2 =	sadd.s32 s19, s18  }
0x9c: {  	s6 =	simm.s32 $0x0;
	s20 =	sshll.u32 s4, $0x1;
	s4 =	sadd.s32 s21, s2  }
0x9d: {  	[timem:s6], [sflag:s22] =	dma.local [hbm:s4], s20  }
0x9e: {  	_ =	swait.ge [sflag:s22], s20  }
0x9f: {  	s3 =	ssub.s32 $0x0, s20;
	[sflag:s22] =	ssyncset.done $0x0  }
0xa0: {  	[sflag:s22] =	ssyncadd.s32 s3;
	_ =	sdelay $0x1  }
0xa1: {  	s23 =	simm.s32 $0x1B8B  }
0xa2: {  	_ =	swait.ge [sflag:s23], $0x1  }
0xa3: {  	[sflag:s23] =	ssyncset.done $0x0  }
0xa4: {  	s25 =	simm.s32 $0x1B8E;
	s24 =	sld [smem:$0x3FFE];
	[sflag:s23] =	ssyncadd.s32 $0xFFFFFFFF  }
0xa5: {  	s26 =	simm.s32 $execute0_lowered;
	[smem:$0x3FD2] =	sst s25  }
0xa6: {  	s4 =	sshll.u32 s26, $0x1;
	_ =	strace $0x8000004F;
	[dreg:$0x1] =	wrdreg $0xFFFFFFFF  }
0xa7: {  	s28 =	simm.s32 $_size_execute0_lowered;
	s2 =	sadd.s32 s2, s4;
	[dreg:$0x0] =	wrdreg $0x0  }
0xa8: {  	s4 =	sshll.u32 s28, $0x1;
	[dreg:$0x2] =	wrdreg s2  }
0xa9: {  	[dreg:$0x3] =	wrdreg s4  }
0xaa: {  	[dreg:$0x4] =	wrdreg $0xC0  }
0xab: {  	_ =	task [dreg:s6], $0x5FFFF  }
0xac: {  	[dreg:$0x1] =	wrdreg $0xFFFFFFFF  }
0xad: {  	[dreg:$0x0] =	wrdreg $0x60  }
0xae: {  	[dreg:$0x2] =	wrdreg s24  }
0xaf: {  	[dreg:$0x3] =	wrdreg $0xDE400  }
0xb0: {  	[dreg:$0x4] =	wrdreg $0x90200  }
0xb1: {  	[dreg:$0x5] =	wrdreg $0x9  }
0xb2: {  	_ =	task.clear_ibuf [dreg:s6], $0x6FFFF;
	_ =	strace $0x9000004F  }
0xb3: {  	s29 =	simm.s32 $0x9;
	_ =	strace $0x80000051  }
0xb4: {  	_ =	swait.ge [sflag:s29], $0x1  }
0xb5: {  	[sflag:s29] =	ssyncadd.s32 $0xFFFFFFFF  }
0xb6: {  	_ =	strace $0x90000051  }
0xb7: {  	_ =	sfence  }
0xb8: {  	s30 =	sld [smem:$0x0];
	_ =	sdelay $0x2  }
0xb9: {  	s31 =	sshll.u32 s1, $0xD;
	s1 =	sshrl.u32 s1, $0x2  }
0xba: {  	s3 =	sand.u32 $0x4000, s31;
	s1 =	sadd.s32 s1, s30  }
0xbb: {  	s0 =	sor.u32 s3, s0;
	s1 =	sshll.u32 s1, $0x11  }
0xbc: {  	s0 =	sor.u32 s1, s0  }
0xbd: {  	s0 =	sadd.s32 $0x8F2B, s0  }
0xbe: {  	[sflag:s0] =	ssyncadd.remote.s32 $0x1  }
0xbf: {  	_ =	sfence.sel $0xFFFF  }
0xc0: {  	[dreg:$0x0] =	wrdreg $0xFFFFFFFF;
	(pc) =	sbr.abs _section_cstart, $3  }
0xc1: {  	[dreg:$0x1] =	wrdreg $0xFFFFFFFF  }
0xc2: {  	_ =	task.clear_ibuf [dreg:s6], $0x2FFFF;
	_ =	strace $0x9FFFFFFF  }
0xc3: {  	(tm) =	ssettm $0x7FFFFFFF  }
tec
execute0_lowered:
.L_overlay_start_1:
0x0: {  	(tag) =	ssettag $0x1  }
0x1: {  	s0 =	rddreg [dreg:$0x0]  }
0x2: {  	s1 =	rddreg [dreg:$0x1]  }
0x3: {  	s3 =	rddreg [dreg:$0x2];
	s2 =	srdreg.scid  }
0x4: {  	s4 =	simm.s32 $0x0;
	s8 =	stileid.u32;
	s29 =	simm.s32 $0x6220  }
0x5: {  	s30 =	simm.s32 $0x2;
	s28 =	simm.s32 $0x3;
	s31 =	simm.s32 $0x7620  }
0x6: {  	s2 =	sand.u32 $0x1, s2;
	[smem:$0x7FF] =	sst s4;
	s10 =	smul.u32 $0x4E20, s8  }
0x7: {  	s12 =	smul.u32 $0x5000, s8;
	s5 =	sshll.u32 s2, $0x4;
	_ =	strace $0x80000050  }
0x8: {  	s7 =	ssub.s32 $0x2, s2;
	s2 =	smul.u32 $0x50000, s2;
	s5 =	sor.u32 s8, s5  }
0x9: {  	s6 =	sshrl.u32 s10, $0x3;
	s18 =	sshrl.u32 s7, $0x1;
	s15 =	sadd.s32 $0x1000, s12  }
0xa: {  	s16 =	sadd.s32 $0x2000, s12;
	s17 =	sadd.s32 $0x3000, s12;
	s10 =	sadd.s32 s10, s3  }
0xb: {  	s5 =	smul.u32 $0x4E2, s5;
	s11 =	sadd.s32 s6, s0;
	s14 =	ssub.s32 s7, s18  }
0xc: {  	s6 =	sadd.s32 s15, s1;
	s7 =	sadd.s32 s16, s1;
	s8 =	sadd.s32 s17, s1  }
0xd: {  	s18 =	sadd.s32 $0x4000, s12;
	s20 =	sadd.s32 s12, s2;
	s21 =	sadd.s32 s2, s15  }
0xe: {  	s23 =	sadd.s32 s2, s16;
	s24 =	sadd.s32 s2, s17;
	s15 =	simm.s32 $0xA  }
0xf: {  	s9 =	sadd.s32 s18, s1;
	s11 =	sadd.s32 $0x15E00, s11;
	s2 =	sadd.s32 s2, s18  }
0x10: {  	s25 =	sshrl.u32 s24, $0x3;
	s26 =	smax.u32 s14, $0x1;
	s24 =	simm.s32 $0x50  }
0x11: {  	s14 =	simm.s32 $0x9;
	s13 =	sadd.s32 s5, s0;
	s0 =	sadd.s32 $0x1FC00, s0  }
0x12: {  	s5 =	sadd.s32 s12, s1;
	[dreg:$0x4] =	wrdreg s11;
	s11 =	sshrl.u32 s20, $0x3  }
0x13: {  	s12 =	sshrl.u32 s21, $0x3;
	s2 =	sshrl.u32 s2, $0x3;
	[dreg:$0xc] =	wrdreg s26  }
0x14: {  	s20 =	simm.s32 $0xB;
	s21 =	sshrl.u32 s10, $0x3;
	s19 =	sadd.s32 $0x2200, s13  }
0x15: {  	s26 =	simm.s32 $0x5820;
	s13 =	sadd.s32 $0xC000, s13;
	[dreg:$0x5] =	wrdreg s19  }
0x16: {  	s10 =	simm.s32 $0x6;
	s11 =	sadd.s32 s0, s11;
	[dreg:$0x6] =	wrdreg s13  }
0x17: {  	s22 =	sadd.s32 s0, s12;
	s12 =	simm.s32 $0x7;
	[dreg:$0x7] =	wrdreg s11  }
0x18: {  	[dreg:$0x8] =	wrdreg s22;
	s11 =	sshrl.u32 s23, $0x3;
	s19 =	simm.s32 $0x8020  }
0x19: {  	s23 =	simm.s32 $0x1;
	s13 =	simm.s32 $0x8;
	s11 =	sadd.s32 s0, s11  }
0x1a: {  	[dreg:$0x9] =	wrdreg s11;
	s11 =	sadd.s32 s0, s25;
	s0 =	sadd.s32 s0, s2  }
0x1b: {  	s25 =	simm.s32 $0x4E20;
	s2 =	simm.s32 $0x6C20;
	[dreg:$0xa] =	wrdreg s11  }
0x1c: {  	v0 =	vimm.f32 $0.0e+00;
	[dreg:$0xb] =	wrdreg s0;
	s0 =	simm.s32 $0x4;
	s11 =	simm.s32 $0x5  }
.LBB2_1:
0x1d: {  	s16 =	simm.s32 $0x80;
	s17 =	simm.s32 $0x0  }
.LBB2_2:
0x1e: {  	p0 =	sne.s32 s16, $0x3F80;
	[tilespmem:s17+$0x8020] =	vst v0;
	s22 =	smov.u32 s16;
	s16 =	sadd.s32 $0x80, s16  }
.Ltmp0:
0x1f: {  	[tilespmem:s17+$0x8030] =	vst v0;
	(pc) =	sbr.rel @p0 .LBB2_2-.Ltmp0, $2  }
0x20: {  	_ =	sdelay $0x2  }
0x21: {  	s17 =	sshra.s32 s22, $0x2  }
0x22: {  	[tilespmem:s17+$0x8020] =	vst v0  }
0x23: {  	[tilespmem:s17+$0x8030] =	vst v0  }
0x24: {  	[spmem:s5] =	stream.linear.scatter [tilespmem:s19], [sflag:$0xB], $0x1000, $0x38;
	[tilespmem:$0x12E40] =	vst v63  }
0x25: {  	_ =	swait.ge [sflag:s20], $0x1000  }
0x26: {  	[sflag:s20] =	ssyncset.done $0x0  }
0x27: {  	[sflag:s20] =	ssyncadd.s32 $0xFFFFF000  }
0x28: {  	[spmem:s6] =	stream.linear.scatter [tilespmem:s19], [sflag:$0xB], $0x1000, $0x38;
	[tilespmem:$0x12E40] =	vst v63  }
0x29: {  	_ =	swait.ge [sflag:s20], $0x1000  }
0x2a: {  	[sflag:s20] =	ssyncset.done $0x0  }
0x2b: {  	[sflag:s20] =	ssyncadd.s32 $0xFFFFF000  }
0x2c: {  	[spmem:s7] =	stream.linear.scatter [tilespmem:s19], [sflag:$0xB], $0x1000, $0x38;
	[tilespmem:$0x12E40] =	vst v63  }
0x2d: {  	_ =	swait.ge [sflag:s20], $0x1000  }
0x2e: {  	[sflag:s20] =	ssyncset.done $0x0  }
0x2f: {  	[sflag:s20] =	ssyncadd.s32 $0xFFFFF000  }
0x30: {  	[spmem:s8] =	stream.linear.scatter [tilespmem:s19], [sflag:$0xB], $0x1000, $0x38;
	[tilespmem:$0x12E40] =	vst v63  }
0x31: {  	_ =	swait.ge [sflag:s20], $0x1000  }
0x32: {  	[sflag:s20] =	ssyncset.done $0x0  }
0x33: {  	[sflag:s20] =	ssyncadd.s32 $0xFFFFF000  }
0x34: {  	[spmem:s9] =	stream.linear.scatter [tilespmem:s19], [sflag:$0xB], $0x1000, $0x38;
	[tilespmem:$0x12E40] =	vst v63  }
0x35: {  	s16 =	stileid.u32;
	_ =	swait.ge [sflag:s20], $0x1000  }
0x36: {  	s16 =	sshll.u32 s16, $0x6;
	[sflag:s20] =	ssyncset.done $0x0  }
0x37: {  	s22 =	sor.u32 $0x1C01, s16;
	s18 =	rddreg [dreg:$0x4];
	[sflag:s20] =	ssyncadd.s32 $0xFFFFF000  }
0x38: {  	[spmem:s21], [sflag:s22] =	dma.local [hbm:s18], $0x9C4  }
0x39: {  	s17 =	simm.s32 $0x0;
	s18 =	rddreg [dreg:$0x5]  }
0x3a: {  	[tilespmem:s17], [sflag:$0xB] =	stream.linear.gather [hbm4b:s18+s17], $0x2710, $0x38;
	[tilespmem:$0x12E40] =	vst v63  }
0x3b: {  	_ =	swait.ge [sflag:s20], $0x2710  }
0x3c: {  	[sflag:s20] =	ssyncset.done $0x0  }
0x3d: {  	s22 =	simm.s32 $0x2710;
	s18 =	rddreg [dreg:$0x6];
	[sflag:s20] =	ssyncadd.s32 $0xFFFFD8F0  }
0x3e: {  	[tilespmem:s22], [sflag:$0xB] =	stream.linear.gather [hbm4b:s18+s17], $0x2710, $0x38;
	[tilespmem:$0x12E40] =	vst v63  }
0x3f: {  	_ =	swait.ge [sflag:s20], $0x2710  }
0x40: {  	[sflag:s20] =	ssyncset.done $0x0  }
0x41: {  	[sflag:s20] =	ssyncadd.s32 $0xFFFFD8F0  }
0x42: {  	_ =	swait.ge [sflag:s23], $0x9C4  }
0x43: {  	[sflag:s23] =	ssyncset.done $0x0  }
0x44: {  	[sflag:s23] =	ssyncadd.s32 $0xFFFFF63C  }
0x45: {  	[bflag:$0x0] =	sbarrier.arrive $0xFFFF  }
0x46: {  	[tilespmem:s25], [sflag:$0x1] =	stream.indirect.gather [spmem:s3], $0x20, s17, s24, $0xb8;
	[tilespmem:$0x12E40] =	vst v63  }
0x47: {  	_ = 	snop  }
0x48: {  	[tilespmem:s26], [sflag:$0x2] =	stream.indirect.gather [spmem:s3], $0x20, s24, s24, $0xb8;
	[tilespmem:$0x12E40] =	vst v63  }
0x49: {  	_ =	swait.ge [sflag:s23], $0xA00  }
0x4a: {  	[sflag:s23] =	ssyncset.done $0x0  }
0x4b: {  	[sflag:s23] =	ssyncadd.s32 $0xFFFFF600  }
0x4c: {  	[spmem:s1] =	stream.indirect.scatter.add.f32 [tilespmem:s25], [sflag:$0x6], $0x20, s22, s24, $0xb8;
	[tilespmem:$0x12E40] =	vst v63  }
0x4d: {  	s22 =	simm.s32 $0xA0  }
0x4e: {  	[tilespmem:s29], [sflag:$0x3] =	stream.indirect.gather [spmem:s3], $0x20, s22, s24, $0xb8;
	[tilespmem:$0x12E40] =	vst v63  }
0x4f: {  	_ =	swait.ge [sflag:s30], $0xA00  }
0x50: {  	[sflag:s30] =	ssyncset.done $0x0  }
0x51: {  	s18 =	simm.s32 $0x2760;
	[sflag:s30] =	ssyncadd.s32 $0xFFFFF600  }
0x52: {  	[spmem:s1] =	stream.indirect.scatter.add.f32 [tilespmem:s26], [sflag:$0x7], $0x20, s18, s24, $0xb8;
	[tilespmem:$0x12E40] =	vst v63  }
0x53: {  	s22 =	simm.s32 $0xF0  }
0x54: {  	[tilespmem:s2], [sflag:$0x4] =	stream.indirect.gather [spmem:s3], $0x20, s22, s24, $0xb8;
	[tilespmem:$0x12E40] =	vst v63  }
0x55: {  	_ =	swait.ge [sflag:s28], $0xA00  }
0x56: {  	[sflag:s28] =	ssyncset.done $0x0  }
0x57: {  	s18 =	simm.s32 $0x27B0;
	[sflag:s28] =	ssyncadd.s32 $0xFFFFF600  }
0x58: {  	[spmem:s1] =	stream.indirect.scatter.add.f32 [tilespmem:s29], [sflag:$0x8], $0x20, s18, s24, $0xb8;
	[tilespmem:$0x12E40] =	vst v63  }
0x59: {  	s22 =	simm.s32 $0x140  }
0x5a: {  	[tilespmem:s31], [sflag:$0x5] =	stream.indirect.gather [spmem:s3], $0x20, s22, s24, $0xb8;
	[tilespmem:$0x12E40] =	vst v63  }
0x5b: {  	_ =	swait.ge [sflag:s0], $0xA00  }
0x5c: {  	[sflag:s0] =	ssyncset.done $0x0  }
0x5d: {  	s18 =	simm.s32 $0x2800;
	[sflag:s0] =	ssyncadd.s32 $0xFFFFF600  }
0x5e: {  	[spmem:s1] =	stream.indirect.scatter.add.f32 [tilespmem:s2], [sflag:$0x9], $0x20, s18, s24, $0xb8;
	[tilespmem:$0x12E40] =	vst v63  }
0x5f: {  	_ =	swait.ge [sflag:s10], $0xA00  }
0x60: {  	[sflag:s10] =	ssyncset.done $0x0  }
0x61: {  	s22 =	simm.s32 $0x190;
	[sflag:s10] =	ssyncadd.s32 $0xFFFFF600  }
0x62: {  	[tilespmem:s25], [sflag:$0x1] =	stream.indirect.gather [spmem:s3], $0x20, s22, s24, $0xb8;
	[tilespmem:$0x12E40] =	vst v63  }
0x63: {  	_ =	swait.ge [sflag:s11], $0xA00  }
0x64: {  	[sflag:s11] =	ssyncset.done $0x0  }
0x65: {  	s18 =	simm.s32 $0x2850;
	[sflag:s11] =	ssyncadd.s32 $0xFFFFF600  }
0x66: {  	[spmem:s1] =	stream.indirect.scatter.add.f32 [tilespmem:s31], [sflag:$0xA], $0x20, s18, s24, $0xb8;
	[tilespmem:$0x12E40] =	vst v63  }
0x67: {  	_ =	swait.ge [sflag:s12], $0xA00  }
0x68: {  	[sflag:s12] =	ssyncset.done $0x0  }
0x69: {  	s22 =	simm.s32 $0x1E0;
	[sflag:s12] =	ssyncadd.s32 $0xFFFFF600  }
0x6a: {  	[tilespmem:s26], [sflag:$0x2] =	stream.indirect.gather [spmem:s3], $0x20, s22, s24, $0xb8;
	[tilespmem:$0x12E40] =	vst v63  }
0x6b: {  	_ =	swait.ge [sflag:s23], $0xA00  }
0x6c: {  	[sflag:s23] =	ssyncset.done $0x0  }
0x6d: {  	s18 =	simm.s32 $0x28A0;
	[sflag:s23] =	ssyncadd.s32 $0xFFFFF600  }
0x6e: {  	[spmem:s1] =	stream.indirect.scatter.add.f32 [tilespmem:s25], [sflag:$0x6], $0x20, s18, s24, $0xb8;
	[tilespmem:$0x12E40] =	vst v63  }
0x6f: {  	_ =	swait.ge [sflag:s13], $0xA00  }
0x70: {  	[sflag:s13] =	ssyncset.done $0x0  }
0x71: {  	s22 =	simm.s32 $0x230;
	[sflag:s13] =	ssyncadd.s32 $0xFFFFF600  }
0x72: {  	[tilespmem:s29], [sflag:$0x3] =	stream.indirect.gather [spmem:s3], $0x20, s22, s24, $0xb8;
	[tilespmem:$0x12E40] =	vst v63  }
0x73: {  	_ =	swait.ge [sflag:s30], $0xA00  }
0x74: {  	[sflag:s30] =	ssyncset.done $0x0  }
0x75: {  	s18 =	simm.s32 $0x28F0;
	[sflag:s30] =	ssyncadd.s32 $0xFFFFF600  }
0x76: {  	[spmem:s1] =	stream.indirect.scatter.add.f32 [tilespmem:s26], [sflag:$0x7], $0x20, s18, s24, $0xb8;
	[tilespmem:$0x12E40] =	vst v63  }
0x77: {  	_ =	swait.ge [sflag:s14], $0xA00  }
0x78: {  	[sflag:s14] =	ssyncset.done $0x0  }
0x79: {  	s22 =	simm.s32 $0x280;
	[sflag:s14] =	ssyncadd.s32 $0xFFFFF600  }
0x7a: {  	[tilespmem:s2], [sflag:$0x4] =	stream.indirect.gather [spmem:s3], $0x20, s22, s24, $0xb8;
	[tilespmem:$0x12E40] =	vst v63  }
0x7b: {  	_ =	swait.ge [sflag:s28], $0xA00  }
0x7c: {  	[sflag:s28] =	ssyncset.done $0x0  }
0x7d: {  	s18 =	simm.s32 $0x2940;
	[sflag:s28] =	ssyncadd.s32 $0xFFFFF600  }
0x7e: {  	[spmem:s1] =	stream.indirect.scatter.add.f32 [tilespmem:s29], [sflag:$0x8], $0x20, s18, s24, $0xb8;
	[tilespmem:$0x12E40] =	vst v63  }
0x7f: {  	_ =	swait.ge [sflag:s15], $0xA00  }
0x80: {  	[sflag:s15] =	ssyncset.done $0x0  }
0x81: {  	s22 =	simm.s32 $0x2D0;
	[sflag:s15] =	ssyncadd.s32 $0xFFFFF600  }
0x82: {  	[tilespmem:s31], [sflag:$0x5] =	stream.indirect.gather [spmem:s3], $0x20, s22, s24, $0xb8;
	[tilespmem:$0x12E40] =	vst v63  }
0x83: {  	_ =	swait.ge [sflag:s0], $0xA00  }
0x84: {  	[sflag:s0] =	ssyncset.done $0x0  }
0x85: {  	s18 =	simm.s32 $0x2990;
	[sflag:s0] =	ssyncadd.s32 $0xFFFFF600  }
0x86: {  	[spmem:s1] =	stream.indirect.scatter.add.f32 [tilespmem:s2], [sflag:$0x9], $0x20, s18, s24, $0xb8;
	[tilespmem:$0x12E40] =	vst v63  }
0x87: {  	_ =	swait.ge [sflag:s10], $0xA00  }
0x88: {  	[sflag:s10] =	ssyncset.done $0x0  }
0x89: {  	s22 =	simm.s32 $0x320;
	[sflag:s10] =	ssyncadd.s32 $0xFFFFF600  }
0x8a: {  	[tilespmem:s25], [sflag:$0x1] =	stream.indirect.gather [spmem:s3], $0x20, s22, s24, $0xb8;
	[tilespmem:$0x12E40] =	vst v63  }
0x8b: {  	_ =	swait.ge [sflag:s11], $0xA00  }
0x8c: {  	[sflag:s11] =	ssyncset.done $0x0  }
0x8d: {  	s17 =	simm.s32 $0x29E0;
	s22 =	simm.s32 $0x640;
	[sflag:s11] =	ssyncadd.s32 $0xFFFFF600  }
.LBB2_4:
0x8e: {  	[spmem:s1] =	stream.indirect.scatter.add.f32 [tilespmem:s31], [sflag:$0xA], $0x20, s17, s24, $0xb8;
	[tilespmem:$0x12E40] =	vst v63  }
0x8f: {  	s17 =	smov.u32 s22;
	s22 =	sadd.s32 $0x640, s22;
	_ =	swait.ge [sflag:s12], $0xA00  }
0x90: {  	s17 =	sshra.s32 s17, $0x2;
	p0 =	sne.s32 s22, $0x8FC0;
	[sflag:s12] =	ssyncset.done $0x0  }
0x91: {  	s18 =	sadd.s32 $0x1E0, s17;
	[sflag:s12] =	ssyncadd.s32 $0xFFFFF600  }
0x92: {  	[tilespmem:s26], [sflag:$0x2] =	stream.indirect.gather [spmem:s3], $0x20, s18, s24, $0xb8;
	[tilespmem:$0x12E40] =	vst v63  }
0x93: {  	_ =	swait.ge [sflag:s23], $0xA00  }
0x94: {  	[sflag:s23] =	ssyncset.done $0x0  }
0x95: {  	s18 =	sadd.s32 $0x28A0, s17;
	[sflag:s23] =	ssyncadd.s32 $0xFFFFF600  }
0x96: {  	[spmem:s1] =	stream.indirect.scatter.add.f32 [tilespmem:s25], [sflag:$0x6], $0x20, s18, s24, $0xb8;
	[tilespmem:$0x12E40] =	vst v63  }
0x97: {  	_ =	swait.ge [sflag:s13], $0xA00  }
0x98: {  	[sflag:s13] =	ssyncset.done $0x0  }
0x99: {  	s18 =	sadd.s32 $0x230, s17;
	[sflag:s13] =	ssyncadd.s32 $0xFFFFF600  }
0x9a: {  	[tilespmem:s29], [sflag:$0x3] =	stream.indirect.gather [spmem:s3], $0x20, s18, s24, $0xb8;
	[tilespmem:$0x12E40] =	vst v63  }
0x9b: {  	_ =	swait.ge [sflag:s30], $0xA00  }
0x9c: {  	[sflag:s30] =	ssyncset.done $0x0  }
0x9d: {  	s18 =	sadd.s32 $0x28F0, s17;
	[sflag:s30] =	ssyncadd.s32 $0xFFFFF600  }
0x9e: {  	[spmem:s1] =	stream.indirect.scatter.add.f32 [tilespmem:s26], [sflag:$0x7], $0x20, s18, s24, $0xb8;
	[tilespmem:$0x12E40] =	vst v63  }
0x9f: {  	_ =	swait.ge [sflag:s14], $0xA00  }
0xa0: {  	[sflag:s14] =	ssyncset.done $0x0  }
0xa1: {  	s18 =	sadd.s32 $0x280, s17;
	[sflag:s14] =	ssyncadd.s32 $0xFFFFF600  }
0xa2: {  	[tilespmem:s2], [sflag:$0x4] =	stream.indirect.gather [spmem:s3], $0x20, s18, s24, $0xb8;
	[tilespmem:$0x12E40] =	vst v63  }
0xa3: {  	_ =	swait.ge [sflag:s28], $0xA00  }
0xa4: {  	[sflag:s28] =	ssyncset.done $0x0  }
0xa5: {  	s18 =	sadd.s32 $0x2940, s17;
	[sflag:s28] =	ssyncadd.s32 $0xFFFFF600  }
0xa6: {  	[spmem:s1] =	stream.indirect.scatter.add.f32 [tilespmem:s29], [sflag:$0x8], $0x20, s18, s24, $0xb8;
	[tilespmem:$0x12E40] =	vst v63  }
0xa7: {  	_ =	swait.ge [sflag:s15], $0xA00  }
0xa8: {  	[sflag:s15] =	ssyncset.done $0x0  }
0xa9: {  	s18 =	sadd.s32 $0x2D0, s17;
	[sflag:s15] =	ssyncadd.s32 $0xFFFFF600  }
0xaa: {  	[tilespmem:s31], [sflag:$0x5] =	stream.indirect.gather [spmem:s3], $0x20, s18, s24, $0xb8;
	[tilespmem:$0x12E40] =	vst v63  }
0xab: {  	_ =	swait.ge [sflag:s0], $0xA00  }
0xac: {  	[sflag:s0] =	ssyncset.done $0x0  }
0xad: {  	s18 =	sadd.s32 $0x2990, s17;
	[sflag:s0] =	ssyncadd.s32 $0xFFFFF600  }
0xae: {  	[spmem:s1] =	stream.indirect.scatter.add.f32 [tilespmem:s2], [sflag:$0x9], $0x20, s18, s24, $0xb8;
	[tilespmem:$0x12E40] =	vst v63  }
0xaf: {  	_ =	swait.ge [sflag:s10], $0xA00  }
0xb0: {  	[sflag:s10] =	ssyncset.done $0x0  }
.Ltmp1:
0xb1: {  	s18 =	sadd.s32 $0x320, s17;
	[sflag:s10] =	ssyncadd.s32 $0xFFFFF600;
	(pc) =	sbr.rel @p0 .LBB2_4-.Ltmp1, $4  }
0xb2: {  	[tilespmem:s25], [sflag:$0x1] =	stream.indirect.gather [spmem:s3], $0x20, s18, s24, $0xb8;
	[tilespmem:$0x12E40] =	vst v63  }
0xb3: {  	_ =	swait.ge [sflag:s11], $0xA00  }
0xb4: {  	[sflag:s11] =	ssyncset.done $0x0  }
0xb5: {  	s17 =	sadd.s32 $0x29E0, s17;
	[sflag:s11] =	ssyncadd.s32 $0xFFFFF600  }
0xb6: {  	[spmem:s1] =	stream.indirect.scatter.add.f32 [tilespmem:s31], [sflag:$0xA], $0x20, s17, s24, $0xb8;
	[tilespmem:$0x12E40] =	vst v63  }
0xb7: {  	_ =	swait.ge [sflag:s12], $0xA00  }
0xb8: {  	[sflag:s12] =	ssyncset.done $0x0  }
0xb9: {  	s18 =	simm.s32 $0x25D0;
	[sflag:s12] =	ssyncadd.s32 $0xFFFFF600  }
0xba: {  	[tilespmem:s26], [sflag:$0x2] =	stream.indirect.gather [spmem:s3], $0x20, s18, s24, $0xb8;
	[tilespmem:$0x12E40] =	vst v63  }
0xbb: {  	_ =	swait.ge [sflag:s23], $0xA00  }
0xbc: {  	s17 =	sshra.s32 s22, $0x2;
	[sflag:s23] =	ssyncset.done $0x0  }
0xbd: {  	s18 =	sadd.s32 $0x28A0, s17;
	[sflag:s23] =	ssyncadd.s32 $0xFFFFF600  }
0xbe: {  	[spmem:s1] =	stream.indirect.scatter.add.f32 [tilespmem:s25], [sflag:$0x6], $0x20, s18, s24, $0xb8;
	[tilespmem:$0x12E40] =	vst v63  }
0xbf: {  	_ =	swait.ge [sflag:s13], $0xA00  }
0xc0: {  	[sflag:s13] =	ssyncset.done $0x0  }
0xc1: {  	s22 =	sadd.s32 $0x230, s17;
	[sflag:s13] =	ssyncadd.s32 $0xFFFFF600  }
0xc2: {  	[tilespmem:s29], [sflag:$0x3] =	stream.indirect.gather [spmem:s3], $0x20, s22, s24, $0xb8;
	[tilespmem:$0x12E40] =	vst v63  }
0xc3: {  	_ =	swait.ge [sflag:s30], $0xA00  }
0xc4: {  	[sflag:s30] =	ssyncset.done $0x0  }
0xc5: {  	s22 =	simm.s32 $0x4CE0;
	[sflag:s30] =	ssyncadd.s32 $0xFFFFF600  }
0xc6: {  	[spmem:s1] =	stream.indirect.scatter.add.f32 [tilespmem:s26], [sflag:$0x7], $0x20, s22, s24, $0xb8;
	[tilespmem:$0x12E40] =	vst v63  }
0xc7: {  	_ =	swait.ge [sflag:s14], $0xA00  }
0xc8: {  	[sflag:s14] =	ssyncset.done $0x0  }
0xc9: {  	s22 =	sadd.s32 $0x280, s17;
	[sflag:s14] =	ssyncadd.s32 $0xFFFFF600  }
0xca: {  	[tilespmem:s2], [sflag:$0x4] =	stream.indirect.gather [spmem:s3], $0x20, s22, s24, $0xb8;
	[tilespmem:$0x12E40] =	vst v63  }
0xcb: {  	_ =	swait.ge [sflag:s28], $0xA00  }
0xcc: {  	[sflag:s28] =	ssyncset.done $0x0  }
0xcd: {  	s22 =	sadd.s32 $0x2940, s17;
	[sflag:s28] =	ssyncadd.s32 $0xFFFFF600  }
0xce: {  	[spmem:s1] =	stream.indirect.scatter.add.f32 [tilespmem:s29], [sflag:$0x8], $0x20, s22, s24, $0xb8;
	[tilespmem:$0x12E40] =	vst v63  }
0xcf: {  	_ =	swait.ge [sflag:s15], $0xA00  }
0xd0: {  	[sflag:s15] =	ssyncset.done $0x0  }
0xd1: {  	s22 =	sadd.s32 $0x2D0, s17;
	[sflag:s15] =	ssyncadd.s32 $0xFFFFF600  }
0xd2: {  	[tilespmem:s31], [sflag:$0x5] =	stream.indirect.gather [spmem:s3], $0x20, s22, s24, $0xb8;
	[tilespmem:$0x12E40] =	vst v63  }
0xd3: {  	_ =	swait.ge [sflag:s0], $0xA00  }
0xd4: {  	[sflag:s0] =	ssyncset.done $0x0  }
0xd5: {  	s22 =	sadd.s32 $0x2990, s17;
	[sflag:s0] =	ssyncadd.s32 $0xFFFFF600  }
0xd6: {  	[spmem:s1] =	stream.indirect.scatter.add.f32 [tilespmem:s2], [sflag:$0x9], $0x20, s22, s24, $0xb8;
	[tilespmem:$0x12E40] =	vst v63  }
0xd7: {  	_ =	swait.ge [sflag:s11], $0xA00  }
0xd8: {  	[sflag:s11] =	ssyncset.done $0x0  }
0xd9: {  	s17 =	sadd.s32 $0x29E0, s17;
	[sflag:s11] =	ssyncadd.s32 $0xFFFFF600  }
0xda: {  	[spmem:s1] =	stream.indirect.scatter.add.f32 [tilespmem:s31], [sflag:$0xA], $0x20, s17, s24, $0xb8;
	[tilespmem:$0x12E40] =	vst v63  }
0xdb: {  	_ =	swait.ge [sflag:s10], $0xA00  }
0xdc: {  	[sflag:s10] =	ssyncset.done $0x0  }
0xdd: {  	[sflag:s10] =	ssyncadd.s32 $0xFFFFF600  }
0xde: {  	_ =	swait.ge [sflag:s12], $0xA00  }
0xdf: {  	[sflag:s12] =	ssyncset.done $0x0  }
0xe0: {  	[sflag:s12] =	ssyncadd.s32 $0xFFFFF600  }
0xe1: {  	_ =	swait.ge [sflag:s13], $0xA00  }
0xe2: {  	[sflag:s13] =	ssyncset.done $0x0  }
0xe3: {  	[sflag:s13] =	ssyncadd.s32 $0xFFFFF600  }
0xe4: {  	_ =	swait.ge [sflag:s14], $0xA00  }
0xe5: {  	[sflag:s14] =	ssyncset.done $0x0  }
0xe6: {  	[sflag:s14] =	ssyncadd.s32 $0xFFFFF600  }
0xe7: {  	_ =	swait.ge [sflag:s15], $0xA00  }
0xe8: {  	[sflag:s15] =	ssyncset.done $0x0  }
0xe9: {  	[sflag:s15] =	ssyncadd.s32 $0xFFFFF600  }
0xea: {  	[bflag:$0x0] =	sbarrier.arrive $0xFFFF  }
0xeb: {  	s16 =	sor.u32 $0x1C0B, s16;
	s18 =	sshrl.u32 s5, $0x3;
	s22 =	rddreg [dreg:$0x7]  }
0xec: {  	[hbm:s22], [sflag:s16] =	dma.local [spmem:s18], $0x200  }
0xed: {  	_ =	swait.ge [sflag:s20], $0x200  }
0xee: {  	[sflag:s20] =	ssyncset.done $0x0  }
0xef: {  	s18 =	sshrl.u32 s6, $0x3;
	s22 =	rddreg [dreg:$0x8];
	[sflag:s20] =	ssyncadd.s32 $0xFFFFFE00  }
0xf0: {  	[hbm:s22], [sflag:s16] =	dma.local [spmem:s18], $0x200  }
0xf1: {  	_ =	swait.ge [sflag:s20], $0x200  }
0xf2: {  	[sflag:s20] =	ssyncset.done $0x0  }
0xf3: {  	s18 =	sshrl.u32 s7, $0x3;
	s22 =	rddreg [dreg:$0x9];
	[sflag:s20] =	ssyncadd.s32 $0xFFFFFE00  }
0xf4: {  	[hbm:s22], [sflag:s16] =	dma.local [spmem:s18], $0x200  }
0xf5: {  	_ =	swait.ge [sflag:s20], $0x200  }
0xf6: {  	[sflag:s20] =	ssyncset.done $0x0  }
0xf7: {  	s18 =	sshrl.u32 s8, $0x3;
	s22 =	rddreg [dreg:$0xa];
	[sflag:s20] =	ssyncadd.s32 $0xFFFFFE00  }
0xf8: {  	[hbm:s22], [sflag:s16] =	dma.local [spmem:s18], $0x200  }
0xf9: {  	_ =	swait.ge [sflag:s20], $0x200  }
0xfa: {  	[sflag:s20] =	ssyncset.done $0x0  }
0xfb: {  	s18 =	sshrl.u32 s9, $0x3;
	s22 =	rddreg [dreg:$0xb];
	[sflag:s20] =	ssyncadd.s32 $0xFFFFFE00  }
0xfc: {  	[hbm:s22], [sflag:s16] =	dma.local [spmem:s18], $0x200  }
0xfd: {  	_ =	swait.ge [sflag:s20], $0x200  }
0xfe: {  	s4 =	sadd.s32 $0x1, s4;
	s22 =	rddreg [dreg:$0xc]  }
0xff: {  	p0 =	sne.s32 s4, s22  }
.Ltmp2:
0x100: {  	_ = 	snop;
	(pc) =	sbr.rel @p0 .LBB2_1-.Ltmp2, $3  }
0x101: {  	_ =	sdelay $0x1  }
0x102: {  	[sflag:s20] =	ssyncset.done $0x0  }
0x103: {  	[sflag:s20] =	ssyncadd.s32 $0xFFFFFE00  }
0x104: {  	_ =	sfence.sel $0x180000  }
0x105: {  	[bflag:$0x0] =	sbarrier.arrive $0xFFFF  }
0x106: {  	_ =	strace $0x90000050  }
0x107: {  	s0 =	stileid.u32;
	[bflag:$0x2] =	sbarrier.arrive $0xFFFF  }
0x108: {  	p0 =	sne.s32 s0, $0x0;
	s0 =	rddreg [dreg:$0x3]  }
0x109: {  	s0 =	sadd.s32 @!p0 $0x100000, s0  }
0x10a: {  	[sflag:s0] =	ssyncadd.tile.s32 @!p0 $0x1;
	_ =	shalt  }
.Lfunc_end2:
_tile_overlayer_lowered:
.L_overlay_start_2:
0x10b: {  	(tag) =	ssettag $0x2  }
0x10c: {  	s0 =	rddreg [dreg:$0x0];
	s2 =	stileid.u32  }
0x10d: {  	s1 =	rddreg [dreg:$0x1];
	p0 =	sne.s32 s2, $0x0  }
0x10e: {  	s3 =	rddreg [dreg:$0x2];
	[bflag:$0x3] =	sbarrier.arrive $0xFFFF;
	s2 =	simm.s32 @!p0 $0x1C0B  }
0x10f: {  	[timem:s3], [sflag:s2] =	dma.local @!p0 [hbm:s0], s1  }
0x110: {  	s0 =	simm.s32 @!p0 $0xB  }
0x111: {  	_ =	swait.ge @!p0 [sflag:s0], s1  }
0x112: {  	s1 =	ssub.s32 @!p0 $0x0, s1;
	[sflag:s0] =	ssyncset.done @!p0 $0x0  }
0x113: {  	[sflag:s0] =	ssyncadd.s32 @!p0 s1  }
0x114: {  	[bflag:$0x3] =	sbarrier.arrive $0xFFFF  }
0x115: {  	_ =	shalt  }

</sc_bundles>
